<compile_context>
chip_gen: v7x
topology: tpu7x:2x2x1
jax: 0.10.2.dev20260603
libtpu: 0.0.44.dev20260713+nightly
codegen_flags: <defaults>
</compile_context>

<pallas_src>
import functools

import jax
import jax.numpy as jnp
from jax import lax
from jax.experimental import pallas as pl
from jax.experimental.pallas import tpu as pltpu
from jax.experimental.pallas import tpu_sc as plsc

_BATCH = 4096
_HIST = 200
_D = 64
_NC = 2
_NS = 16
_NW = _NC * _NS
_BB = _BATCH // _NW
_L = 16
_NSLOT = 4

_mesh = plsc.VectorSubcoreMesh(core_axis_name="c", subcore_axis_name="s")


@functools.partial(
    pl.kernel,
    mesh=_mesh,
    out_type=jax.ShapeDtypeStruct((_HIST, 8, _NW, 8, _BB), jnp.float32),
    scratch_types=[
        pltpu.VMEM((_HIST, _BB), jnp.int32),
        pltpu.VMEM((_BB, _D), jnp.float32),
        pltpu.VMEM((_BB, _D), jnp.float32),
        pltpu.VMEM((_BB, _D), jnp.float32),
        pltpu.VMEM((_BB, _D), jnp.float32),
        pltpu.VMEM((_D, _BB + 1), jnp.float32),
        pltpu.VMEM((_D, _BB + 1), jnp.float32),
        pltpu.SemaphoreType.DMA,
        pltpu.SemaphoreType.DMA,
        pltpu.SemaphoreType.DMA,
        pltpu.SemaphoreType.DMA,
        pltpu.SemaphoreType.DMA,
        pltpu.SemaphoreType.DMA,
    ],
    compiler_params=pltpu.CompilerParams(
        use_tc_tiling_on_sc=False, needs_layout_passes=False
    ),
)
def _emb_kernel(table_hbm, idx_hbm, out_hbm, idx_v, r0, r1, r2, r3, t0, t1,
                g0, g1, g2, g3, s0, s1):
    wid = lax.axis_index("s") * _NC + lax.axis_index("c")
    rows = (r0, r1, r2, r3)
    tbuf = (t0, t1)
    sem_g = (g0, g1, g2, g3)
    sem_s = (s0, s1)

    pltpu.sync_copy(idx_hbm.at[wid], idx_v)

    iota = lax.iota(jnp.int32, _L)
    dids = [iota + c * _L for c in range(_D // _L)]

    def fire_gather(i, slot):
        pltpu.async_copy(table_hbm.at[idx_v.at[i]], rows[slot], sem_g[slot])

    def drain_gather(slot):
        pltpu.make_async_copy(
            table_hbm.at[pl.ds(0, _BB)], rows[slot], sem_g[slot]
        ).wait()

    def drain_stores(b):
        for dt in range(8):
            pltpu.make_async_copy(
                out_hbm.at[0, 0, 0],
                tbuf[b].at[pl.ds(8 * dt, 8), pl.ds(0, _BB)],
                sem_s[b],
            ).wait()

    def transpose(slot, b):
        src = rows[slot]
        dst = tbuf[b]

        def bm_body(g, carry):
            for j in range(8):
                bm = 8 * g + j
                bm_vec = jnp.full((_L,), 0, jnp.int32) + bm
                for c in range(_D // _L):
                    v = src[bm, pl.ds(c * _L, _L)]
                    plsc.store_scatter(dst, [dids[c], bm_vec], v)
            return carry

        lax.fori_loop(0, _BB // 8, bm_body, 0)

    def fire_stores(i, b):
        for dt in range(8):
            pltpu.async_copy(
                tbuf[b].at[pl.ds(8 * dt, 8), pl.ds(0, _BB)],
                out_hbm.at[i, dt, wid],
                sem_s[b],
            )

    for k in range(_NSLOT):
        fire_gather(k, k)

    def body(u, carry):
        for k in range(_NSLOT):
            i = _NSLOT * u + k
            b = k % 2
            drain_gather(k)

            @pl.when(i >= 2)
            def _():
                drain_stores(b)

            transpose(k, b)
            fire_stores(i, b)

            @pl.when(i + _NSLOT < _HIST)
            def _():
                fire_gather(i + _NSLOT, k)
        return carry

    lax.fori_loop(0, _HIST // _NSLOT, body, 0)
    drain_stores(0)
    drain_stores(1)


def kernel(item_seq, ID_embeddings):
    idx = (
        item_seq.astype(jnp.int32)
        .reshape(_NW, _BB, _HIST)
        .transpose(0, 2, 1)
    )
    five = _emb_kernel(ID_embeddings, idx)
    return five.transpose(2, 4, 0, 1, 3).reshape(_BATCH, _HIST, _D)

# --- scband reference (transcript-rebuilt; emitter-appended) ---
"""Pipeline reference for scband-item-embedding-36215164240135 (READ-ONLY COPY).

The authoritative reference and input builder live on the scoring server;
editing this copy changes nothing except your own understanding.
"""

import jax, jax.numpy as jnp
import numpy as np

ITEM_NUM = 1000000
HIDDEN_DIM = 64
BATCH = 4096
HIST_LEN = 200

def setup_inputs(seed: int = 0) -> dict:
    key = jax.random.key(seed)
    k_idx, k_tab = jax.random.split(key)
    # item sequence indices, values in [0, ITEM_NUM); ITEM_NUM is the padding idx
    item_seq = jax.random.randint(k_idx, (BATCH, HIST_LEN), 0, ITEM_NUM, dtype=jnp.int64 if jax.config.jax_enable_x64 else jnp.int32)
    # ID embedding table with 'normal' init (N(0,1)), item_num + 1 rows (last row = padding)
    ID_embeddings = jax.random.normal(k_tab, (ITEM_NUM + 1, HIDDEN_DIM), dtype=jnp.float32)
    return {"item_seq": item_seq, "ID_embeddings": ID_embeddings}

def reference(item_seq, ID_embeddings):
    # Item_Embedding forward with emb_pipline='ID': plain ID embedding lookup
    # equivalent to self.ID_embeddings(item_seq)
    out = jnp.take(ID_embeddings, item_seq, axis=0)
    return out

if __name__ == "__main__":
    import jax
    _d = setup_inputs()
    print(jax.jit(kernel)(*tuple(_d.values())))

</pallas_src>

<mosaic_0001>
#map = affine_map<(d0, d1) -> (0, 0)>
#map1 = affine_map<(d0, d1) -> (0, 0, 0)>
#map2 = affine_map<(d0, d1) -> (0, 0, 0, 0, 0)>
module attributes {stable_mosaic.version = 14 : i64} {
  func.func @_emb_kernel(%arg0: i32, %arg1: i32, %arg2: memref<1000001x64xf32, #tpu.memory_space<hbm>>, %arg3: memref<32x200x128xi32, #tpu.memory_space<hbm>>, %arg4: memref<200x8x32x8x128xf32, #tpu.memory_space<hbm>>, %arg5: memref<200x128xi32, #tpu.memory_space<vmem>>, %arg6: memref<128x64xf32, #tpu.memory_space<vmem>>, %arg7: memref<128x64xf32, #tpu.memory_space<vmem>>, %arg8: memref<128x64xf32, #tpu.memory_space<vmem>>, %arg9: memref<128x64xf32, #tpu.memory_space<vmem>>, %arg10: memref<64x129xf32, #tpu.memory_space<vmem>>, %arg11: memref<64x129xf32, #tpu.memory_space<vmem>>, %arg12: memref<!tpu.dma_semaphore, #tpu.memory_space<semaphore_mem>>, %arg13: memref<!tpu.dma_semaphore, #tpu.memory_space<semaphore_mem>>, %arg14: memref<!tpu.dma_semaphore, #tpu.memory_space<semaphore_mem>>, %arg15: memref<!tpu.dma_semaphore, #tpu.memory_space<semaphore_mem>>, %arg16: memref<!tpu.dma_semaphore, #tpu.memory_space<semaphore_mem>>, %arg17: memref<!tpu.dma_semaphore, #tpu.memory_space<semaphore_mem>>) attributes {dimension_semantics = [#tpu.dimension_semantics<core_parallel>, #tpu.dimension_semantics<subcore_parallel>], iteration_bounds = array<i64: 2, 16>, scalar_prefetch = 0 : i64, scratch_operands = 13 : i64, tpu.core_type = #tpu.core_type<sc_vector_subcore>, window_params = [{transform_indices = #map}, {transform_indices = #map1}, {transform_indices = #map2}]} {
    %mul3A = arith.constant 2 : i32
    %mul3A_0 = arith.muli %arg1, %mul3A : i32
    %add3A = arith.addi %mul3A_0, %arg0 : i32
    "tpu.region"() ({
      %run_scoped3A = tpu.sem_alloc : memref<!tpu.dma_semaphore, #tpu.memory_space<semaphore_mem>>
      %dma_start3A_316 = arith.constant 0 : i32
      %dma_start3A_317 = arith.constant 0 : i32
      %dma_start3A_318 = tpu.memref_slice %arg3[%add3A, %dma_start3A_316, %dma_start3A_317] : memref<32x200x128xi32, #tpu.memory_space<hbm>> -> memref<1x200x128xi32, #tpu.memory_space<hbm>>
      %dma_start3A_319 = tpu.memref_squeeze %dma_start3A_318 : memref<1x200x128xi32, #tpu.memory_space<hbm>> -> memref<200x128xi32, #tpu.memory_space<hbm>>
      %dma_start3A_320 = arith.constant 0 : i32
      %dma_start3A_321 = arith.constant 0 : i32
      %dma_start3A_322 = tpu.memref_slice %arg3[%add3A, %dma_start3A_320, %dma_start3A_321] : memref<32x200x128xi32, #tpu.memory_space<hbm>> -> memref<1x200x128xi32, #tpu.memory_space<hbm>>
      %dma_start3A_323 = tpu.memref_squeeze %dma_start3A_322 : memref<1x200x128xi32, #tpu.memory_space<hbm>> -> memref<200x128xi32, #tpu.memory_space<hbm>>
      tpu.enqueue_dma source(%dma_start3A_323 : memref<200x128xi32, #tpu.memory_space<hbm>>) target(%arg5 : memref<200x128xi32, #tpu.memory_space<vmem>>) target_semaphore(%run_scoped3A : memref<!tpu.dma_semaphore, #tpu.memory_space<semaphore_mem>>)
      %dma_wait3A_324 = arith.constant 0 : i32
      %dma_wait3A_325 = arith.constant 0 : i32
      %dma_wait3A_326 = tpu.memref_slice %arg3[%add3A, %dma_wait3A_324, %dma_wait3A_325] : memref<32x200x128xi32, #tpu.memory_space<hbm>> -> memref<1x200x128xi32, #tpu.memory_space<hbm>>
      %dma_wait3A_327 = tpu.memref_squeeze %dma_wait3A_326 : memref<1x200x128xi32, #tpu.memory_space<hbm>> -> memref<200x128xi32, #tpu.memory_space<hbm>>
      %dma_wait3A_328 = arith.constant 0 : i32
      %dma_wait3A_329 = arith.constant 0 : i32
      %dma_wait3A_330 = tpu.memref_slice %arg3[%add3A, %dma_wait3A_328, %dma_wait3A_329] : memref<32x200x128xi32, #tpu.memory_space<hbm>> -> memref<1x200x128xi32, #tpu.memory_space<hbm>>
      %dma_wait3A_331 = tpu.memref_squeeze %dma_wait3A_330 : memref<1x200x128xi32, #tpu.memory_space<hbm>> -> memref<200x128xi32, #tpu.memory_space<hbm>>
      tpu.wait_dma2 semaphore(%run_scoped3A : memref<!tpu.dma_semaphore, #tpu.memory_space<semaphore_mem>>) src(%dma_wait3A_331 : memref<200x128xi32, #tpu.memory_space<hbm>>) dst(%arg5 : memref<200x128xi32, #tpu.memory_space<vmem>>)
      tpu.yield
    }) : () -> ()
    %iota3A = tpu.iota {dimensions = array<i32: 0>} : vector<16xi32>
    %add3A_1 = arith.constant 0 : i32
    %add3A_2 = vector.broadcast %add3A_1 : i32 to vector<16xi32>
    %add3A_3 = arith.addi %iota3A, %add3A_2 : vector<16xi32>
    %add3A_4 = arith.constant 16 : i32
    %add3A_5 = vector.broadcast %add3A_4 : i32 to vector<16xi32>
    %add3A_6 = arith.addi %iota3A, %add3A_5 : vector<16xi32>
    %add3A_7 = arith.constant 32 : i32
    %add3A_8 = vector.broadcast %add3A_7 : i32 to vector<16xi32>
    %add3A_9 = arith.addi %iota3A, %add3A_8 : vector<16xi32>
    %add3A_10 = arith.constant 48 : i32
    %add3A_11 = vector.broadcast %add3A_10 : i32 to vector<16xi32>
    %add3A_12 = arith.addi %iota3A, %add3A_11 : vector<16xi32>
    %dma_start3A = arith.constant 0 : i32
    %dma_start3A_13 = arith.constant 0 : i32
    %dma_start3A_14 = tpu.memref_slice %arg5[%dma_start3A, %dma_start3A_13] : memref<200x128xi32, #tpu.memory_space<vmem>> -> memref<1x128xi32, #tpu.memory_space<vmem>>
    %dma_start3A_15 = tpu.memref_squeeze %dma_start3A_14 : memref<1x128xi32, #tpu.memory_space<vmem>> -> memref<128xi32, #tpu.memory_space<vmem>>
    %dma_start3A_16 = arith.constant 0 : i32
    %dma_start3A_17 = arith.constant 0 : i32
    %dma_start3A_18 = tpu.memref_slice %arg2[%dma_start3A_16, %dma_start3A_17] : memref<1000001x64xf32, #tpu.memory_space<hbm>> -> memref<1000001x64xf32, #tpu.memory_space<hbm>>
    tpu.enqueue_indirect_dma source(%dma_start3A_18 : memref<1000001x64xf32, #tpu.memory_space<hbm>>) target(%arg6 : memref<128x64xf32, #tpu.memory_space<vmem>>) offsets(%dma_start3A_15 : memref<128xi32, #tpu.memory_space<vmem>>) semaphore(%arg12 : memref<!tpu.dma_semaphore, #tpu.memory_space<semaphore_mem>>)
    %dma_start3A_19 = arith.constant 1 : i32
    %dma_start3A_20 = arith.constant 0 : i32
    %dma_start3A_21 = tpu.memref_slice %arg5[%dma_start3A_19, %dma_start3A_20] : memref<200x128xi32, #tpu.memory_space<vmem>> -> memref<1x128xi32, #tpu.memory_space<vmem>>
    %dma_start3A_22 = tpu.memref_squeeze %dma_start3A_21 : memref<1x128xi32, #tpu.memory_space<vmem>> -> memref<128xi32, #tpu.memory_space<vmem>>
    %dma_start3A_23 = arith.constant 0 : i32
    %dma_start3A_24 = arith.constant 0 : i32
    %dma_start3A_25 = tpu.memref_slice %arg2[%dma_start3A_23, %dma_start3A_24] : memref<1000001x64xf32, #tpu.memory_space<hbm>> -> memref<1000001x64xf32, #tpu.memory_space<hbm>>
    tpu.enqueue_indirect_dma source(%dma_start3A_25 : memref<1000001x64xf32, #tpu.memory_space<hbm>>) target(%arg7 : memref<128x64xf32, #tpu.memory_space<vmem>>) offsets(%dma_start3A_22 : memref<128xi32, #tpu.memory_space<vmem>>) semaphore(%arg13 : memref<!tpu.dma_semaphore, #tpu.memory_space<semaphore_mem>>)
    %dma_start3A_26 = arith.constant 2 : i32
    %dma_start3A_27 = arith.constant 0 : i32
    %dma_start3A_28 = tpu.memref_slice %arg5[%dma_start3A_26, %dma_start3A_27] : memref<200x128xi32, #tpu.memory_space<vmem>> -> memref<1x128xi32, #tpu.memory_space<vmem>>
    %dma_start3A_29 = tpu.memref_squeeze %dma_start3A_28 : memref<1x128xi32, #tpu.memory_space<vmem>> -> memref<128xi32, #tpu.memory_space<vmem>>
    %dma_start3A_30 = arith.constant 0 : i32
    %dma_start3A_31 = arith.constant 0 : i32
    %dma_start3A_32 = tpu.memref_slice %arg2[%dma_start3A_30, %dma_start3A_31] : memref<1000001x64xf32, #tpu.memory_space<hbm>> -> memref<1000001x64xf32, #tpu.memory_space<hbm>>
    tpu.enqueue_indirect_dma source(%dma_start3A_32 : memref<1000001x64xf32, #tpu.memory_space<hbm>>) target(%arg8 : memref<128x64xf32, #tpu.memory_space<vmem>>) offsets(%dma_start3A_29 : memref<128xi32, #tpu.memory_space<vmem>>) semaphore(%arg14 : memref<!tpu.dma_semaphore, #tpu.memory_space<semaphore_mem>>)
    %dma_start3A_33 = arith.constant 3 : i32
    %dma_start3A_34 = arith.constant 0 : i32
    %dma_start3A_35 = tpu.memref_slice %arg5[%dma_start3A_33, %dma_start3A_34] : memref<200x128xi32, #tpu.memory_space<vmem>> -> memref<1x128xi32, #tpu.memory_space<vmem>>
    %dma_start3A_36 = tpu.memref_squeeze %dma_start3A_35 : memref<1x128xi32, #tpu.memory_space<vmem>> -> memref<128xi32, #tpu.memory_space<vmem>>
    %dma_start3A_37 = arith.constant 0 : i32
    %dma_start3A_38 = arith.constant 0 : i32
    %dma_start3A_39 = tpu.memref_slice %arg2[%dma_start3A_37, %dma_start3A_38] : memref<1000001x64xf32, #tpu.memory_space<hbm>> -> memref<1000001x64xf32, #tpu.memory_space<hbm>>
    tpu.enqueue_indirect_dma source(%dma_start3A_39 : memref<1000001x64xf32, #tpu.memory_space<hbm>>) target(%arg9 : memref<128x64xf32, #tpu.memory_space<vmem>>) offsets(%dma_start3A_36 : memref<128xi32, #tpu.memory_space<vmem>>) semaphore(%arg15 : memref<!tpu.dma_semaphore, #tpu.memory_space<semaphore_mem>>)
    %scan3A = arith.constant 0 : i32
    %scan3A_40 = arith.constant 0 : i32
    %scan3A_41 = arith.constant 50 : i32
    %scan3A_42 = arith.addi %scan3A_40, %scan3A_41 : i32
    %scan3A_43 = arith.constant 1 : i32
    scf.for %scan3A_316 = %scan3A_40 to %scan3A_42 step %scan3A_43  : i32 {
      %mul3A_317 = arith.constant 4 : i32
      %mul3A_318 = arith.muli %mul3A_317, %scan3A_316 : i32
      %add3A_319 = arith.constant 0 : i32
      %add3A_320 = arith.addi %mul3A_318, %add3A_319 : i32
      %dma_wait3A_321 = arith.constant 0 : i32
      %dma_wait3A_322 = arith.constant 0 : i32
      %dma_wait3A_323 = tpu.memref_slice %arg2[%dma_wait3A_321, %dma_wait3A_322] : memref<1000001x64xf32, #tpu.memory_space<hbm>> -> memref<128x64xf32, #tpu.memory_space<hbm>>
      %dma_wait3A_324 = arith.constant 0 : i32
      %dma_wait3A_325 = arith.constant 0 : i32
      %dma_wait3A_326 = tpu.memref_slice %arg2[%dma_wait3A_324, %dma_wait3A_325] : memref<1000001x64xf32, #tpu.memory_space<hbm>> -> memref<128x64xf32, #tpu.memory_space<hbm>>
      tpu.wait_dma2 semaphore(%arg12 : memref<!tpu.dma_semaphore, #tpu.memory_space<semaphore_mem>>) src(%dma_wait3A_326 : memref<128x64xf32, #tpu.memory_space<hbm>>) dst(%arg6 : memref<128x64xf32, #tpu.memory_space<vmem>>)
      %ge3A = arith.constant 2 : i32
      %ge3A_327 = arith.cmpi sge, %add3A_320, %ge3A : i32
      %convert_element_type3A = arith.extui %ge3A_327 : i1 to i32
      %cond3A = arith.constant 0 : i32
      %cond3A_328 = arith.cmpi ne, %convert_element_type3A, %cond3A : i32
      scf.if %cond3A_328 {
        %dma_wait3A_905 = arith.constant 0 : i32
        %dma_wait3A_906 = arith.constant 0 : i32
        %dma_wait3A_907 = arith.constant 0 : i32
        %dma_wait3A_908 = arith.constant 0 : i32
        %dma_wait3A_909 = arith.constant 0 : i32
        %dma_wait3A_910 = tpu.memref_slice %arg10[%dma_wait3A_908, %dma_wait3A_909] : memref<64x129xf32, #tpu.memory_space<vmem>> -> memref<8x128xf32, #tpu.memory_space<vmem>>
        %dma_wait3A_911 = arith.constant 0 : i32
        %dma_wait3A_912 = arith.constant 0 : i32
        %dma_wait3A_913 = tpu.memref_slice %arg4[%dma_wait3A_905, %dma_wait3A_906, %dma_wait3A_907, %dma_wait3A_911, %dma_wait3A_912] : memref<200x8x32x8x128xf32, #tpu.memory_space<hbm>> -> memref<1x1x1x8x128xf32, #tpu.memory_space<hbm>>
        %dma_wait3A_914 = tpu.memref_squeeze %dma_wait3A_913 : memref<1x1x1x8x128xf32, #tpu.memory_space<hbm>> -> memref<8x128xf32, #tpu.memory_space<hbm>>
        %dma_wait3A_915 = arith.constant 0 : i32
        %dma_wait3A_916 = arith.constant 0 : i32
        %dma_wait3A_917 = tpu.memref_slice %arg10[%dma_wait3A_915, %dma_wait3A_916] : memref<64x129xf32, #tpu.memory_space<vmem>> -> memref<8x128xf32, #tpu.memory_space<vmem>>
        %dma_wait3A_918 = arith.constant 0 : i32
        %dma_wait3A_919 = arith.constant 0 : i32
        %dma_wait3A_920 = tpu.memref_slice %arg4[%dma_wait3A_905, %dma_wait3A_906, %dma_wait3A_907, %dma_wait3A_918, %dma_wait3A_919] : memref<200x8x32x8x128xf32, #tpu.memory_space<hbm>> -> memref<1x1x1x8x128xf32, #tpu.memory_space<hbm>>
        %dma_wait3A_921 = tpu.memref_squeeze %dma_wait3A_920 : memref<1x1x1x8x128xf32, #tpu.memory_space<hbm>> -> memref<8x128xf32, #tpu.memory_space<hbm>>
        tpu.wait_dma2 semaphore(%arg16 : memref<!tpu.dma_semaphore, #tpu.memory_space<semaphore_mem>>) src(%dma_wait3A_921 : memref<8x128xf32, #tpu.memory_space<hbm>>) dst(%dma_wait3A_917 : memref<8x128xf32, #tpu.memory_space<vmem>>)
        %dma_wait3A_922 = arith.constant 0 : i32
        %dma_wait3A_923 = arith.constant 0 : i32
        %dma_wait3A_924 = arith.constant 0 : i32
        %dma_wait3A_925 = arith.constant 8 : i32
        %dma_wait3A_926 = arith.constant 0 : i32
        %dma_wait3A_927 = tpu.memref_slice %arg10[%dma_wait3A_925, %dma_wait3A_926] : memref<64x129xf32, #tpu.memory_space<vmem>> -> memref<8x128xf32, #tpu.memory_space<vmem>>
        %dma_wait3A_928 = arith.constant 0 : i32
        %dma_wait3A_929 = arith.constant 0 : i32
        %dma_wait3A_930 = tpu.memref_slice %arg4[%dma_wait3A_922, %dma_wait3A_923, %dma_wait3A_924, %dma_wait3A_928, %dma_wait3A_929] : memref<200x8x32x8x128xf32, #tpu.memory_space<hbm>> -> memref<1x1x1x8x128xf32, #tpu.memory_space<hbm>>
        %dma_wait3A_931 = tpu.memref_squeeze %dma_wait3A_930 : memref<1x1x1x8x128xf32, #tpu.memory_space<hbm>> -> memref<8x128xf32, #tpu.memory_space<hbm>>
        %dma_wait3A_932 = arith.constant 8 : i32
        %dma_wait3A_933 = arith.constant 0 : i32
        %dma_wait3A_934 = tpu.memref_slice %arg10[%dma_wait3A_932, %dma_wait3A_933] : memref<64x129xf32, #tpu.memory_space<vmem>> -> memref<8x128xf32, #tpu.memory_space<vmem>>
        %dma_wait3A_935 = arith.constant 0 : i32
        %dma_wait3A_936 = arith.constant 0 : i32
        %dma_wait3A_937 = tpu.memref_slice %arg4[%dma_wait3A_922, %dma_wait3A_923, %dma_wait3A_924, %dma_wait3A_935, %dma_wait3A_936] : memref<200x8x32x8x128xf32, #tpu.memory_space<hbm>> -> memref<1x1x1x8x128xf32, #tpu.memory_space<hbm>>
        %dma_wait3A_938 = tpu.memref_squeeze %dma_wait3A_937 : memref<1x1x1x8x128xf32, #tpu.memory_space<hbm>> -> memref<8x128xf32, #tpu.memory_space<hbm>>
        tpu.wait_dma2 semaphore(%arg16 : memref<!tpu.dma_semaphore, #tpu.memory_space<semaphore_mem>>) src(%dma_wait3A_938 : memref<8x128xf32, #tpu.memory_space<hbm>>) dst(%dma_wait3A_934 : memref<8x128xf32, #tpu.memory_space<vmem>>)
        %dma_wait3A_939 = arith.constant 0 : i32
        %dma_wait3A_940 = arith.constant 0 : i32
        %dma_wait3A_941 = arith.constant 0 : i32
        %dma_wait3A_942 = arith.constant 16 : i32
        %dma_wait3A_943 = arith.constant 0 : i32
        %dma_wait3A_944 = tpu.memref_slice %arg10[%dma_wait3A_942, %dma_wait3A_943] : memref<64x129xf32, #tpu.memory_space<vmem>> -> memref<8x128xf32, #tpu.memory_space<vmem>>
        %dma_wait3A_945 = arith.constant 0 : i32
        %dma_wait3A_946 = arith.constant 0 : i32
        %dma_wait3A_947 = tpu.memref_slice %arg4[%dma_wait3A_939, %dma_wait3A_940, %dma_wait3A_941, %dma_wait3A_945, %dma_wait3A_946] : memref<200x8x32x8x128xf32, #tpu.memory_space<hbm>> -> memref<1x1x1x8x128xf32, #tpu.memory_space<hbm>>
        %dma_wait3A_948 = tpu.memref_squeeze %dma_wait3A_947 : memref<1x1x1x8x128xf32, #tpu.memory_space<hbm>> -> memref<8x128xf32, #tpu.memory_space<hbm>>
        %dma_wait3A_949 = arith.constant 16 : i32
        %dma_wait3A_950 = arith.constant 0 : i32
        %dma_wait3A_951 = tpu.memref_slice %arg10[%dma_wait3A_949, %dma_wait3A_950] : memref<64x129xf32, #tpu.memory_space<vmem>> -> memref<8x128xf32, #tpu.memory_space<vmem>>
        %dma_wait3A_952 = arith.constant 0 : i32
        %dma_wait3A_953 = arith.constant 0 : i32
        %dma_wait3A_954 = tpu.memref_slice %arg4[%dma_wait3A_939, %dma_wait3A_940, %dma_wait3A_941, %dma_wait3A_952, %dma_wait3A_953] : memref<200x8x32x8x128xf32, #tpu.memory_space<hbm>> -> memref<1x1x1x8x128xf32, #tpu.memory_space<hbm>>
        %dma_wait3A_955 = tpu.memref_squeeze %dma_wait3A_954 : memref<1x1x1x8x128xf32, #tpu.memory_space<hbm>> -> memref<8x128xf32, #tpu.memory_space<hbm>>
        tpu.wait_dma2 semaphore(%arg16 : memref<!tpu.dma_semaphore, #tpu.memory_space<semaphore_mem>>) src(%dma_wait3A_955 : memref<8x128xf32, #tpu.memory_space<hbm>>) dst(%dma_wait3A_951 : memref<8x128xf32, #tpu.memory_space<vmem>>)
        %dma_wait3A_956 = arith.constant 0 : i32
        %dma_wait3A_957 = arith.constant 0 : i32
        %dma_wait3A_958 = arith.constant 0 : i32
        %dma_wait3A_959 = arith.constant 24 : i32
        %dma_wait3A_960 = arith.constant 0 : i32
        %dma_wait3A_961 = tpu.memref_slice %arg10[%dma_wait3A_959, %dma_wait3A_960] : memref<64x129xf32, #tpu.memory_space<vmem>> -> memref<8x128xf32, #tpu.memory_space<vmem>>
        %dma_wait3A_962 = arith.constant 0 : i32
        %dma_wait3A_963 = arith.constant 0 : i32
        %dma_wait3A_964 = tpu.memref_slice %arg4[%dma_wait3A_956, %dma_wait3A_957, %dma_wait3A_958, %dma_wait3A_962, %dma_wait3A_963] : memref<200x8x32x8x128xf32, #tpu.memory_space<hbm>> -> memref<1x1x1x8x128xf32, #tpu.memory_space<hbm>>
        %dma_wait3A_965 = tpu.memref_squeeze %dma_wait3A_964 : memref<1x1x1x8x128xf32, #tpu.memory_space<hbm>> -> memref<8x128xf32, #tpu.memory_space<hbm>>
        %dma_wait3A_966 = arith.constant 24 : i32
        %dma_wait3A_967 = arith.constant 0 : i32
        %dma_wait3A_968 = tpu.memref_slice %arg10[%dma_wait3A_966, %dma_wait3A_967] : memref<64x129xf32, #tpu.memory_space<vmem>> -> memref<8x128xf32, #tpu.memory_space<vmem>>
        %dma_wait3A_969 = arith.constant 0 : i32
        %dma_wait3A_970 = arith.constant 0 : i32
        %dma_wait3A_971 = tpu.memref_slice %arg4[%dma_wait3A_956, %dma_wait3A_957, %dma_wait3A_958, %dma_wait3A_969, %dma_wait3A_970] : memref<200x8x32x8x128xf32, #tpu.memory_space<hbm>> -> memref<1x1x1x8x128xf32, #tpu.memory_space<hbm>>
        %dma_wait3A_972 = tpu.memref_squeeze %dma_wait3A_971 : memref<1x1x1x8x128xf32, #tpu.memory_space<hbm>> -> memref<8x128xf32, #tpu.memory_space<hbm>>
        tpu.wait_dma2 semaphore(%arg16 : memref<!tpu.dma_semaphore, #tpu.memory_space<semaphore_mem>>) src(%dma_wait3A_972 : memref<8x128xf32, #tpu.memory_space<hbm>>) dst(%dma_wait3A_968 : memref<8x128xf32, #tpu.memory_space<vmem>>)
        %dma_wait3A_973 = arith.constant 0 : i32
        %dma_wait3A_974 = arith.constant 0 : i32
        %dma_wait3A_975 = arith.constant 0 : i32
        %dma_wait3A_976 = arith.constant 32 : i32
        %dma_wait3A_977 = arith.constant 0 : i32
        %dma_wait3A_978 = tpu.memref_slice %arg10[%dma_wait3A_976, %dma_wait3A_977] : memref<64x129xf32, #tpu.memory_space<vmem>> -> memref<8x128xf32, #tpu.memory_space<vmem>>
        %dma_wait3A_979 = arith.constant 0 : i32
        %dma_wait3A_980 = arith.constant 0 : i32
        %dma_wait3A_981 = tpu.memref_slice %arg4[%dma_wait3A_973, %dma_wait3A_974, %dma_wait3A_975, %dma_wait3A_979, %dma_wait3A_980] : memref<200x8x32x8x128xf32, #tpu.memory_space<hbm>> -> memref<1x1x1x8x128xf32, #tpu.memory_space<hbm>>
        %dma_wait3A_982 = tpu.memref_squeeze %dma_wait3A_981 : memref<1x1x1x8x128xf32, #tpu.memory_space<hbm>> -> memref<8x128xf32, #tpu.memory_space<hbm>>
        %dma_wait3A_983 = arith.constant 32 : i32
        %dma_wait3A_984 = arith.constant 0 : i32
        %dma_wait3A_985 = tpu.memref_slice %arg10[%dma_wait3A_983, %dma_wait3A_984] : memref<64x129xf32, #tpu.memory_space<vmem>> -> memref<8x128xf32, #tpu.memory_space<vmem>>
        %dma_wait3A_986 = arith.constant 0 : i32
        %dma_wait3A_987 = arith.constant 0 : i32
        %dma_wait3A_988 = tpu.memref_slice %arg4[%dma_wait3A_973, %dma_wait3A_974, %dma_wait3A_975, %dma_wait3A_986, %dma_wait3A_987] : memref<200x8x32x8x128xf32, #tpu.memory_space<hbm>> -> memref<1x1x1x8x128xf32, #tpu.memory_space<hbm>>
        %dma_wait3A_989 = tpu.memref_squeeze %dma_wait3A_988 : memref<1x1x1x8x128xf32, #tpu.memory_space<hbm>> -> memref<8x128xf32, #tpu.memory_space<hbm>>
        tpu.wait_dma2 semaphore(%arg16 : memref<!tpu.dma_semaphore, #tpu.memory_space<semaphore_mem>>) src(%dma_wait3A_989 : memref<8x128xf32, #tpu.memory_space<hbm>>) dst(%dma_wait3A_985 : memref<8x128xf32, #tpu.memory_space<vmem>>)
        %dma_wait3A_990 = arith.constant 0 : i32
        %dma_wait3A_991 = arith.constant 0 : i32
        %dma_wait3A_992 = arith.constant 0 : i32
        %dma_wait3A_993 = arith.constant 40 : i32
        %dma_wait3A_994 = arith.constant 0 : i32
        %dma_wait3A_995 = tpu.memref_slice %arg10[%dma_wait3A_993, %dma_wait3A_994] : memref<64x129xf32, #tpu.memory_space<vmem>> -> memref<8x128xf32, #tpu.memory_space<vmem>>
        %dma_wait3A_996 = arith.constant 0 : i32
        %dma_wait3A_997 = arith.constant 0 : i32
        %dma_wait3A_998 = tpu.memref_slice %arg4[%dma_wait3A_990, %dma_wait3A_991, %dma_wait3A_992, %dma_wait3A_996, %dma_wait3A_997] : memref<200x8x32x8x128xf32, #tpu.memory_space<hbm>> -> memref<1x1x1x8x128xf32, #tpu.memory_space<hbm>>
        %dma_wait3A_999 = tpu.memref_squeeze %dma_wait3A_998 : memref<1x1x1x8x128xf32, #tpu.memory_space<hbm>> -> memref<8x128xf32, #tpu.memory_space<hbm>>
        %dma_wait3A_1000 = arith.constant 40 : i32
        %dma_wait3A_1001 = arith.constant 0 : i32
        %dma_wait3A_1002 = tpu.memref_slice %arg10[%dma_wait3A_1000, %dma_wait3A_1001] : memref<64x129xf32, #tpu.memory_space<vmem>> -> memref<8x128xf32, #tpu.memory_space<vmem>>
        %dma_wait3A_1003 = arith.constant 0 : i32
        %dma_wait3A_1004 = arith.constant 0 : i32
        %dma_wait3A_1005 = tpu.memref_slice %arg4[%dma_wait3A_990, %dma_wait3A_991, %dma_wait3A_992, %dma_wait3A_1003, %dma_wait3A_1004] : memref<200x8x32x8x128xf32, #tpu.memory_space<hbm>> -> memref<1x1x1x8x128xf32, #tpu.memory_space<hbm>>
        %dma_wait3A_1006 = tpu.memref_squeeze %dma_wait3A_1005 : memref<1x1x1x8x128xf32, #tpu.memory_space<hbm>> -> memref<8x128xf32, #tpu.memory_space<hbm>>
        tpu.wait_dma2 semaphore(%arg16 : memref<!tpu.dma_semaphore, #tpu.memory_space<semaphore_mem>>) src(%dma_wait3A_1006 : memref<8x128xf32, #tpu.memory_space<hbm>>) dst(%dma_wait3A_1002 : memref<8x128xf32, #tpu.memory_space<vmem>>)
        %dma_wait3A_1007 = arith.constant 0 : i32
        %dma_wait3A_1008 = arith.constant 0 : i32
        %dma_wait3A_1009 = arith.constant 0 : i32
        %dma_wait3A_1010 = arith.constant 48 : i32
        %dma_wait3A_1011 = arith.constant 0 : i32
        %dma_wait3A_1012 = tpu.memref_slice %arg10[%dma_wait3A_1010, %dma_wait3A_1011] : memref<64x129xf32, #tpu.memory_space<vmem>> -> memref<8x128xf32, #tpu.memory_space<vmem>>
        %dma_wait3A_1013 = arith.constant 0 : i32
        %dma_wait3A_1014 = arith.constant 0 : i32
        %dma_wait3A_1015 = tpu.memref_slice %arg4[%dma_wait3A_1007, %dma_wait3A_1008, %dma_wait3A_1009, %dma_wait3A_1013, %dma_wait3A_1014] : memref<200x8x32x8x128xf32, #tpu.memory_space<hbm>> -> memref<1x1x1x8x128xf32, #tpu.memory_space<hbm>>
        %dma_wait3A_1016 = tpu.memref_squeeze %dma_wait3A_1015 : memref<1x1x1x8x128xf32, #tpu.memory_space<hbm>> -> memref<8x128xf32, #tpu.memory_space<hbm>>
        %dma_wait3A_1017 = arith.constant 48 : i32
        %dma_wait3A_1018 = arith.constant 0 : i32
        %dma_wait3A_1019 = tpu.memref_slice %arg10[%dma_wait3A_1017, %dma_wait3A_1018] : memref<64x129xf32, #tpu.memory_space<vmem>> -> memref<8x128xf32, #tpu.memory_space<vmem>>
        %dma_wait3A_1020 = arith.constant 0 : i32
        %dma_wait3A_1021 = arith.constant 0 : i32
        %dma_wait3A_1022 = tpu.memref_slice %arg4[%dma_wait3A_1007, %dma_wait3A_1008, %dma_wait3A_1009, %dma_wait3A_1020, %dma_wait3A_1021] : memref<200x8x32x8x128xf32, #tpu.memory_space<hbm>> -> memref<1x1x1x8x128xf32, #tpu.memory_space<hbm>>
        %dma_wait3A_1023 = tpu.memref_squeeze %dma_wait3A_1022 : memref<1x1x1x8x128xf32, #tpu.memory_space<hbm>> -> memref<8x128xf32, #tpu.memory_space<hbm>>
        tpu.wait_dma2 semaphore(%arg16 : memref<!tpu.dma_semaphore, #tpu.memory_space<semaphore_mem>>) src(%dma_wait3A_1023 : memref<8x128xf32, #tpu.memory_space<hbm>>) dst(%dma_wait3A_1019 : memref<8x128xf32, #tpu.memory_space<vmem>>)
        %dma_wait3A_1024 = arith.constant 0 : i32
        %dma_wait3A_1025 = arith.constant 0 : i32
        %dma_wait3A_1026 = arith.constant 0 : i32
        %dma_wait3A_1027 = arith.constant 56 : i32
        %dma_wait3A_1028 = arith.constant 0 : i32
        %dma_wait3A_1029 = tpu.memref_slice %arg10[%dma_wait3A_1027, %dma_wait3A_1028] : memref<64x129xf32, #tpu.memory_space<vmem>> -> memref<8x128xf32, #tpu.memory_space<vmem>>
        %dma_wait3A_1030 = arith.constant 0 : i32
        %dma_wait3A_1031 = arith.constant 0 : i32
        %dma_wait3A_1032 = tpu.memref_slice %arg4[%dma_wait3A_1024, %dma_wait3A_1025, %dma_wait3A_1026, %dma_wait3A_1030, %dma_wait3A_1031] : memref<200x8x32x8x128xf32, #tpu.memory_space<hbm>> -> memref<1x1x1x8x128xf32, #tpu.memory_space<hbm>>
        %dma_wait3A_1033 = tpu.memref_squeeze %dma_wait3A_1032 : memref<1x1x1x8x128xf32, #tpu.memory_space<hbm>> -> memref<8x128xf32, #tpu.memory_space<hbm>>
        %dma_wait3A_1034 = arith.constant 56 : i32
        %dma_wait3A_1035 = arith.constant 0 : i32
        %dma_wait3A_1036 = tpu.memref_slice %arg10[%dma_wait3A_1034, %dma_wait3A_1035] : memref<64x129xf32, #tpu.memory_space<vmem>> -> memref<8x128xf32, #tpu.memory_space<vmem>>
        %dma_wait3A_1037 = arith.constant 0 : i32
        %dma_wait3A_1038 = arith.constant 0 : i32
        %dma_wait3A_1039 = tpu.memref_slice %arg4[%dma_wait3A_1024, %dma_wait3A_1025, %dma_wait3A_1026, %dma_wait3A_1037, %dma_wait3A_1038] : memref<200x8x32x8x128xf32, #tpu.memory_space<hbm>> -> memref<1x1x1x8x128xf32, #tpu.memory_space<hbm>>
        %dma_wait3A_1040 = tpu.memref_squeeze %dma_wait3A_1039 : memref<1x1x1x8x128xf32, #tpu.memory_space<hbm>> -> memref<8x128xf32, #tpu.memory_space<hbm>>
        tpu.wait_dma2 semaphore(%arg16 : memref<!tpu.dma_semaphore, #tpu.memory_space<semaphore_mem>>) src(%dma_wait3A_1040 : memref<8x128xf32, #tpu.memory_space<hbm>>) dst(%dma_wait3A_1036 : memref<8x128xf32, #tpu.memory_space<vmem>>)
      } else {
      }
      %scan3A_329 = arith.constant 0 : i32
      %scan3A_330 = arith.constant 0 : i32
      %scan3A_331 = arith.constant 16 : i32
      %scan3A_332 = arith.addi %scan3A_330, %scan3A_331 : i32
      %scan3A_333 = arith.constant 1 : i32
      scf.for %scan3A_905 = %scan3A_330 to %scan3A_332 step %scan3A_333  : i32 {
        %mul3A_906 = arith.constant 8 : i32
        %mul3A_907 = arith.muli %mul3A_906, %scan3A_905 : i32
        %add3A_908 = arith.constant 0 : i32
        %add3A_909 = arith.addi %mul3A_907, %add3A_908 : i32
        %broadcast_in_dim3A = arith.constant 0 : i32
        %broadcast_in_dim3A_910 = vector.broadcast %broadcast_in_dim3A : i32 to vector<16xi32>
        %add3A_911 = vector.broadcast %add3A_909 : i32 to vector<16xi32>
        %add3A_912 = arith.addi %broadcast_in_dim3A_910, %add3A_911 : vector<16xi32>
        %get3A = arith.index_cast %add3A_909 : i32 to index
        %get3A_913 = arith.constant 0 : index
        %get3A_914 = tpu.vector_load %arg6[%get3A, %get3A_913] {strides = array<i32>} : memref<128x64xf32, #tpu.memory_space<vmem>>, vector<16xf32>,
        tpu.vector_store_idx %arg10[%add3A_3, %add3A_912], %get3A_914 : memref<64x129xf32, #tpu.memory_space<vmem>>[vector<16xi32>, vector<16xi32>], vector<16xf32>,
        %get3A_915 = arith.index_cast %add3A_909 : i32 to index
        %get3A_916 = arith.constant 16 : index
        %get3A_917 = tpu.vector_load %arg6[%get3A_915, %get3A_916] {strides = array<i32>} : memref<128x64xf32, #tpu.memory_space<vmem>>, vector<16xf32>,
        tpu.vector_store_idx %arg10[%add3A_6, %add3A_912], %get3A_917 : memref<64x129xf32, #tpu.memory_space<vmem>>[vector<16xi32>, vector<16xi32>], vector<16xf32>,
        %get3A_918 = arith.index_cast %add3A_909 : i32 to index
        %get3A_919 = arith.constant 32 : index
        %get3A_920 = tpu.vector_load %arg6[%get3A_918, %get3A_919] {strides = array<i32>} : memref<128x64xf32, #tpu.memory_space<vmem>>, vector<16xf32>,
        tpu.vector_store_idx %arg10[%add3A_9, %add3A_912], %get3A_920 : memref<64x129xf32, #tpu.memory_space<vmem>>[vector<16xi32>, vector<16xi32>], vector<16xf32>,
        %get3A_921 = arith.index_cast %add3A_909 : i32 to index
        %get3A_922 = arith.constant 48 : index
        %get3A_923 = tpu.vector_load %arg6[%get3A_921, %get3A_922] {strides = array<i32>} : memref<128x64xf32, #tpu.memory_space<vmem>>, vector<16xf32>,
        tpu.vector_store_idx %arg10[%add3A_12, %add3A_912], %get3A_923 : memref<64x129xf32, #tpu.memory_space<vmem>>[vector<16xi32>, vector<16xi32>], vector<16xf32>,
        %mul3A_924 = arith.constant 8 : i32
        %mul3A_925 = arith.muli %mul3A_924, %scan3A_905 : i32
        %add3A_926 = arith.constant 1 : i32
        %add3A_927 = arith.addi %mul3A_925, %add3A_926 : i32
        %broadcast_in_dim3A_928 = arith.constant 0 : i32
        %broadcast_in_dim3A_929 = vector.broadcast %broadcast_in_dim3A_928 : i32 to vector<16xi32>
        %add3A_930 = vector.broadcast %add3A_927 : i32 to vector<16xi32>
        %add3A_931 = arith.addi %broadcast_in_dim3A_929, %add3A_930 : vector<16xi32>
        %get3A_932 = arith.index_cast %add3A_927 : i32 to index
        %get3A_933 = arith.constant 0 : index
        %get3A_934 = tpu.vector_load %arg6[%get3A_932, %get3A_933] {strides = array<i32>} : memref<128x64xf32, #tpu.memory_space<vmem>>, vector<16xf32>,
        tpu.vector_store_idx %arg10[%add3A_3, %add3A_931], %get3A_934 : memref<64x129xf32, #tpu.memory_space<vmem>>[vector<16xi32>, vector<16xi32>], vector<16xf32>,
        %get3A_935 = arith.index_cast %add3A_927 : i32 to index
        %get3A_936 = arith.constant 16 : index
        %get3A_937 = tpu.vector_load %arg6[%get3A_935, %get3A_936] {strides = array<i32>} : memref<128x64xf32, #tpu.memory_space<vmem>>, vector<16xf32>,
        tpu.vector_store_idx %arg10[%add3A_6, %add3A_931], %get3A_937 : memref<64x129xf32, #tpu.memory_space<vmem>>[vector<16xi32>, vector<16xi32>], vector<16xf32>,
        %get3A_938 = arith.index_cast %add3A_927 : i32 to index
        %get3A_939 = arith.constant 32 : index
        %get3A_940 = tpu.vector_load %arg6[%get3A_938, %get3A_939] {strides = array<i32>} : memref<128x64xf32, #tpu.memory_space<vmem>>, vector<16xf32>,
        tpu.vector_store_idx %arg10[%add3A_9, %add3A_931], %get3A_940 : memref<64x129xf32, #tpu.memory_space<vmem>>[vector<16xi32>, vector<16xi32>], vector<16xf32>,
        %get3A_941 = arith.index_cast %add3A_927 : i32 to index
        %get3A_942 = arith.constant 48 : index
        %get3A_943 = tpu.vector_load %arg6[%get3A_941, %get3A_942] {strides = array<i32>} : memref<128x64xf32, #tpu.memory_space<vmem>>, vector<16xf32>,
        tpu.vector_store_idx %arg10[%add3A_12, %add3A_931], %get3A_943 : memref<64x129xf32, #tpu.memory_space<vmem>>[vector<16xi32>, vector<16xi32>], vector<16xf32>,
        %mul3A_944 = arith.constant 8 : i32
        %mul3A_945 = arith.muli %mul3A_944, %scan3A_905 : i32
        %add3A_946 = arith.constant 2 : i32
        %add3A_947 = arith.addi %mul3A_945, %add3A_946 : i32
        %broadcast_in_dim3A_948 = arith.constant 0 : i32
        %broadcast_in_dim3A_949 = vector.broadcast %broadcast_in_dim3A_948 : i32 to vector<16xi32>
        %add3A_950 = vector.broadcast %add3A_947 : i32 to vector<16xi32>
        %add3A_951 = arith.addi %broadcast_in_dim3A_949, %add3A_950 : vector<16xi32>
        %get3A_952 = arith.index_cast %add3A_947 : i32 to index
        %get3A_953 = arith.constant 0 : index
        %get3A_954 = tpu.vector_load %arg6[%get3A_952, %get3A_953] {strides = array<i32>} : memref<128x64xf32, #tpu.memory_space<vmem>>, vector<16xf32>,
        tpu.vector_store_idx %arg10[%add3A_3, %add3A_951], %get3A_954 : memref<64x129xf32, #tpu.memory_space<vmem>>[vector<16xi32>, vector<16xi32>], vector<16xf32>,
        %get3A_955 = arith.index_cast %add3A_947 : i32 to index
        %get3A_956 = arith.constant 16 : index
        %get3A_957 = tpu.vector_load %arg6[%get3A_955, %get3A_956] {strides = array<i32>} : memref<128x64xf32, #tpu.memory_space<vmem>>, vector<16xf32>,
        tpu.vector_store_idx %arg10[%add3A_6, %add3A_951], %get3A_957 : memref<64x129xf32, #tpu.memory_space<vmem>>[vector<16xi32>, vector<16xi32>], vector<16xf32>,
        %get3A_958 = arith.index_cast %add3A_947 : i32 to index
        %get3A_959 = arith.constant 32 : index
        %get3A_960 = tpu.vector_load %arg6[%get3A_958, %get3A_959] {strides = array<i32>} : memref<128x64xf32, #tpu.memory_space<vmem>>, vector<16xf32>,
        tpu.vector_store_idx %arg10[%add3A_9, %add3A_951], %get3A_960 : memref<64x129xf32, #tpu.memory_space<vmem>>[vector<16xi32>, vector<16xi32>], vector<16xf32>,
        %get3A_961 = arith.index_cast %add3A_947 : i32 to index
        %get3A_962 = arith.constant 48 : index
        %get3A_963 = tpu.vector_load %arg6[%get3A_961, %get3A_962] {strides = array<i32>} : memref<128x64xf32, #tpu.memory_space<vmem>>, vector<16xf32>,
        tpu.vector_store_idx %arg10[%add3A_12, %add3A_951], %get3A_963 : memref<64x129xf32, #tpu.memory_space<vmem>>[vector<16xi32>, vector<16xi32>], vector<16xf32>,
        %mul3A_964 = arith.constant 8 : i32
        %mul3A_965 = arith.muli %mul3A_964, %scan3A_905 : i32
        %add3A_966 = arith.constant 3 : i32
        %add3A_967 = arith.addi %mul3A_965, %add3A_966 : i32
        %broadcast_in_dim3A_968 = arith.constant 0 : i32
        %broadcast_in_dim3A_969 = vector.broadcast %broadcast_in_dim3A_968 : i32 to vector<16xi32>
        %add3A_970 = vector.broadcast %add3A_967 : i32 to vector<16xi32>
        %add3A_971 = arith.addi %broadcast_in_dim3A_969, %add3A_970 : vector<16xi32>
        %get3A_972 = arith.index_cast %add3A_967 : i32 to index
        %get3A_973 = arith.constant 0 : index
        %get3A_974 = tpu.vector_load %arg6[%get3A_972, %get3A_973] {strides = array<i32>} : memref<128x64xf32, #tpu.memory_space<vmem>>, vector<16xf32>,
        tpu.vector_store_idx %arg10[%add3A_3, %add3A_971], %get3A_974 : memref<64x129xf32, #tpu.memory_space<vmem>>[vector<16xi32>, vector<16xi32>], vector<16xf32>,
        %get3A_975 = arith.index_cast %add3A_967 : i32 to index
        %get3A_976 = arith.constant 16 : index
        %get3A_977 = tpu.vector_load %arg6[%get3A_975, %get3A_976] {strides = array<i32>} : memref<128x64xf32, #tpu.memory_space<vmem>>, vector<16xf32>,
        tpu.vector_store_idx %arg10[%add3A_6, %add3A_971], %get3A_977 : memref<64x129xf32, #tpu.memory_space<vmem>>[vector<16xi32>, vector<16xi32>], vector<16xf32>,
        %get3A_978 = arith.index_cast %add3A_967 : i32 to index
        %get3A_979 = arith.constant 32 : index
        %get3A_980 = tpu.vector_load %arg6[%get3A_978, %get3A_979] {strides = array<i32>} : memref<128x64xf32, #tpu.memory_space<vmem>>, vector<16xf32>,
        tpu.vector_store_idx %arg10[%add3A_9, %add3A_971], %get3A_980 : memref<64x129xf32, #tpu.memory_space<vmem>>[vector<16xi32>, vector<16xi32>], vector<16xf32>,
        %get3A_981 = arith.index_cast %add3A_967 : i32 to index
        %get3A_982 = arith.constant 48 : index
        %get3A_983 = tpu.vector_load %arg6[%get3A_981, %get3A_982] {strides = array<i32>} : memref<128x64xf32, #tpu.memory_space<vmem>>, vector<16xf32>,
        tpu.vector_store_idx %arg10[%add3A_12, %add3A_971], %get3A_983 : memref<64x129xf32, #tpu.memory_space<vmem>>[vector<16xi32>, vector<16xi32>], vector<16xf32>,
        %mul3A_984 = arith.constant 8 : i32
        %mul3A_985 = arith.muli %mul3A_984, %scan3A_905 : i32
        %add3A_986 = arith.constant 4 : i32
        %add3A_987 = arith.addi %mul3A_985, %add3A_986 : i32
        %broadcast_in_dim3A_988 = arith.constant 0 : i32
        %broadcast_in_dim3A_989 = vector.broadcast %broadcast_in_dim3A_988 : i32 to vector<16xi32>
        %add3A_990 = vector.broadcast %add3A_987 : i32 to vector<16xi32>
        %add3A_991 = arith.addi %broadcast_in_dim3A_989, %add3A_990 : vector<16xi32>
        %get3A_992 = arith.index_cast %add3A_987 : i32 to index
        %get3A_993 = arith.constant 0 : index
        %get3A_994 = tpu.vector_load %arg6[%get3A_992, %get3A_993] {strides = array<i32>} : memref<128x64xf32, #tpu.memory_space<vmem>>, vector<16xf32>,
        tpu.vector_store_idx %arg10[%add3A_3, %add3A_991], %get3A_994 : memref<64x129xf32, #tpu.memory_space<vmem>>[vector<16xi32>, vector<16xi32>], vector<16xf32>,
        %get3A_995 = arith.index_cast %add3A_987 : i32 to index
        %get3A_996 = arith.constant 16 : index
        %get3A_997 = tpu.vector_load %arg6[%get3A_995, %get3A_996] {strides = array<i32>} : memref<128x64xf32, #tpu.memory_space<vmem>>, vector<16xf32>,
        tpu.vector_store_idx %arg10[%add3A_6, %add3A_991], %get3A_997 : memref<64x129xf32, #tpu.memory_space<vmem>>[vector<16xi32>, vector<16xi32>], vector<16xf32>,
        %get3A_998 = arith.index_cast %add3A_987 : i32 to index
        %get3A_999 = arith.constant 32 : index
        %get3A_1000 = tpu.vector_load %arg6[%get3A_998, %get3A_999] {strides = array<i32>} : memref<128x64xf32, #tpu.memory_space<vmem>>, vector<16xf32>,
        tpu.vector_store_idx %arg10[%add3A_9, %add3A_991], %get3A_1000 : memref<64x129xf32, #tpu.memory_space<vmem>>[vector<16xi32>, vector<16xi32>], vector<16xf32>,
        %get3A_1001 = arith.index_cast %add3A_987 : i32 to index
        %get3A_1002 = arith.constant 48 : index
        %get3A_1003 = tpu.vector_load %arg6[%get3A_1001, %get3A_1002] {strides = array<i32>} : memref<128x64xf32, #tpu.memory_space<vmem>>, vector<16xf32>,
        tpu.vector_store_idx %arg10[%add3A_12, %add3A_991], %get3A_1003 : memref<64x129xf32, #tpu.memory_space<vmem>>[vector<16xi32>, vector<16xi32>], vector<16xf32>,
        %mul3A_1004 = arith.constant 8 : i32
        %mul3A_1005 = arith.muli %mul3A_1004, %scan3A_905 : i32
        %add3A_1006 = arith.constant 5 : i32
        %add3A_1007 = arith.addi %mul3A_1005, %add3A_1006 : i32
        %broadcast_in_dim3A_1008 = arith.constant 0 : i32
        %broadcast_in_dim3A_1009 = vector.broadcast %broadcast_in_dim3A_1008 : i32 to vector<16xi32>
        %add3A_1010 = vector.broadcast %add3A_1007 : i32 to vector<16xi32>
        %add3A_1011 = arith.addi %broadcast_in_dim3A_1009, %add3A_1010 : vector<16xi32>
        %get3A_1012 = arith.index_cast %add3A_1007 : i32 to index
        %get3A_1013 = arith.constant 0 : index
        %get3A_1014 = tpu.vector_load %arg6[%get3A_1012, %get3A_1013] {strides = array<i32>} : memref<128x64xf32, #tpu.memory_space<vmem>>, vector<16xf32>,
        tpu.vector_store_idx %arg10[%add3A_3, %add3A_1011], %get3A_1014 : memref<64x129xf32, #tpu.memory_space<vmem>>[vector<16xi32>, vector<16xi32>], vector<16xf32>,
        %get3A_1015 = arith.index_cast %add3A_1007 : i32 to index
        %get3A_1016 = arith.constant 16 : index
        %get3A_1017 = tpu.vector_load %arg6[%get3A_1015, %get3A_1016] {strides = array<i32>} : memref<128x64xf32, #tpu.memory_space<vmem>>, vector<16xf32>,
        tpu.vector_store_idx %arg10[%add3A_6, %add3A_1011], %get3A_1017 : memref<64x129xf32, #tpu.memory_space<vmem>>[vector<16xi32>, vector<16xi32>], vector<16xf32>,
        %get3A_1018 = arith.index_cast %add3A_1007 : i32 to index
        %get3A_1019 = arith.constant 32 : index
        %get3A_1020 = tpu.vector_load %arg6[%get3A_1018, %get3A_1019] {strides = array<i32>} : memref<128x64xf32, #tpu.memory_space<vmem>>, vector<16xf32>,
        tpu.vector_store_idx %arg10[%add3A_9, %add3A_1011], %get3A_1020 : memref<64x129xf32, #tpu.memory_space<vmem>>[vector<16xi32>, vector<16xi32>], vector<16xf32>,
        %get3A_1021 = arith.index_cast %add3A_1007 : i32 to index
        %get3A_1022 = arith.constant 48 : index
        %get3A_1023 = tpu.vector_load %arg6[%get3A_1021, %get3A_1022] {strides = array<i32>} : memref<128x64xf32, #tpu.memory_space<vmem>>, vector<16xf32>,
        tpu.vector_store_idx %arg10[%add3A_12, %add3A_1011], %get3A_1023 : memref<64x129xf32, #tpu.memory_space<vmem>>[vector<16xi32>, vector<16xi32>], vector<16xf32>,
        %mul3A_1024 = arith.constant 8 : i32
        %mul3A_1025 = arith.muli %mul3A_1024, %scan3A_905 : i32
        %add3A_1026 = arith.constant 6 : i32
        %add3A_1027 = arith.addi %mul3A_1025, %add3A_1026 : i32
        %broadcast_in_dim3A_1028 = arith.constant 0 : i32
        %broadcast_in_dim3A_1029 = vector.broadcast %broadcast_in_dim3A_1028 : i32 to vector<16xi32>
        %add3A_1030 = vector.broadcast %add3A_1027 : i32 to vector<16xi32>
        %add3A_1031 = arith.addi %broadcast_in_dim3A_1029, %add3A_1030 : vector<16xi32>
        %get3A_1032 = arith.index_cast %add3A_1027 : i32 to index
        %get3A_1033 = arith.constant 0 : index
        %get3A_1034 = tpu.vector_load %arg6[%get3A_1032, %get3A_1033] {strides = array<i32>} : memref<128x64xf32, #tpu.memory_space<vmem>>, vector<16xf32>,
        tpu.vector_store_idx %arg10[%add3A_3, %add3A_1031], %get3A_1034 : memref<64x129xf32, #tpu.memory_space<vmem>>[vector<16xi32>, vector<16xi32>], vector<16xf32>,
        %get3A_1035 = arith.index_cast %add3A_1027 : i32 to index
        %get3A_1036 = arith.constant 16 : index
        %get3A_1037 = tpu.vector_load %arg6[%get3A_1035, %get3A_1036] {strides = array<i32>} : memref<128x64xf32, #tpu.memory_space<vmem>>, vector<16xf32>,
        tpu.vector_store_idx %arg10[%add3A_6, %add3A_1031], %get3A_1037 : memref<64x129xf32, #tpu.memory_space<vmem>>[vector<16xi32>, vector<16xi32>], vector<16xf32>,
        %get3A_1038 = arith.index_cast %add3A_1027 : i32 to index
        %get3A_1039 = arith.constant 32 : index
        %get3A_1040 = tpu.vector_load %arg6[%get3A_1038, %get3A_1039] {strides = array<i32>} : memref<128x64xf32, #tpu.memory_space<vmem>>, vector<16xf32>,
        tpu.vector_store_idx %arg10[%add3A_9, %add3A_1031], %get3A_1040 : memref<64x129xf32, #tpu.memory_space<vmem>>[vector<16xi32>, vector<16xi32>], vector<16xf32>,
        %get3A_1041 = arith.index_cast %add3A_1027 : i32 to index
        %get3A_1042 = arith.constant 48 : index
        %get3A_1043 = tpu.vector_load %arg6[%get3A_1041, %get3A_1042] {strides = array<i32>} : memref<128x64xf32, #tpu.memory_space<vmem>>, vector<16xf32>,
        tpu.vector_store_idx %arg10[%add3A_12, %add3A_1031], %get3A_1043 : memref<64x129xf32, #tpu.memory_space<vmem>>[vector<16xi32>, vector<16xi32>], vector<16xf32>,
        %mul3A_1044 = arith.constant 8 : i32
        %mul3A_1045 = arith.muli %mul3A_1044, %scan3A_905 : i32
        %add3A_1046 = arith.constant 7 : i32
        %add3A_1047 = arith.addi %mul3A_1045, %add3A_1046 : i32
        %broadcast_in_dim3A_1048 = arith.constant 0 : i32
        %broadcast_in_dim3A_1049 = vector.broadcast %broadcast_in_dim3A_1048 : i32 to vector<16xi32>
        %add3A_1050 = vector.broadcast %add3A_1047 : i32 to vector<16xi32>
        %add3A_1051 = arith.addi %broadcast_in_dim3A_1049, %add3A_1050 : vector<16xi32>
        %get3A_1052 = arith.index_cast %add3A_1047 : i32 to index
        %get3A_1053 = arith.constant 0 : index
        %get3A_1054 = tpu.vector_load %arg6[%get3A_1052, %get3A_1053] {strides = array<i32>} : memref<128x64xf32, #tpu.memory_space<vmem>>, vector<16xf32>,
        tpu.vector_store_idx %arg10[%add3A_3, %add3A_1051], %get3A_1054 : memref<64x129xf32, #tpu.memory_space<vmem>>[vector<16xi32>, vector<16xi32>], vector<16xf32>,
        %get3A_1055 = arith.index_cast %add3A_1047 : i32 to index
        %get3A_1056 = arith.constant 16 : index
        %get3A_1057 = tpu.vector_load %arg6[%get3A_1055, %get3A_1056] {strides = array<i32>} : memref<128x64xf32, #tpu.memory_space<vmem>>, vector<16xf32>,
        tpu.vector_store_idx %arg10[%add3A_6, %add3A_1051], %get3A_1057 : memref<64x129xf32, #tpu.memory_space<vmem>>[vector<16xi32>, vector<16xi32>], vector<16xf32>,
        %get3A_1058 = arith.index_cast %add3A_1047 : i32 to index
        %get3A_1059 = arith.constant 32 : index
        %get3A_1060 = tpu.vector_load %arg6[%get3A_1058, %get3A_1059] {strides = array<i32>} : memref<128x64xf32, #tpu.memory_space<vmem>>, vector<16xf32>,
        tpu.vector_store_idx %arg10[%add3A_9, %add3A_1051], %get3A_1060 : memref<64x129xf32, #tpu.memory_space<vmem>>[vector<16xi32>, vector<16xi32>], vector<16xf32>,
        %get3A_1061 = arith.index_cast %add3A_1047 : i32 to index
        %get3A_1062 = arith.constant 48 : index
        %get3A_1063 = tpu.vector_load %arg6[%get3A_1061, %get3A_1062] {strides = array<i32>} : memref<128x64xf32, #tpu.memory_space<vmem>>, vector<16xf32>,
        tpu.vector_store_idx %arg10[%add3A_12, %add3A_1051], %get3A_1063 : memref<64x129xf32, #tpu.memory_space<vmem>>[vector<16xi32>, vector<16xi32>], vector<16xf32>,
      }
      %scan3A_334 = arith.constant 16 : i32
      %dma_start3A_335 = arith.constant 0 : i32
      %dma_start3A_336 = arith.constant 0 : i32
      %dma_start3A_337 = arith.constant 0 : i32
      %dma_start3A_338 = tpu.memref_slice %arg10[%dma_start3A_336, %dma_start3A_337] : memref<64x129xf32, #tpu.memory_space<vmem>> -> memref<8x128xf32, #tpu.memory_space<vmem>>
      %dma_start3A_339 = arith.constant 0 : i32
      %dma_start3A_340 = arith.constant 0 : i32
      %dma_start3A_341 = tpu.memref_slice %arg4[%add3A_320, %dma_start3A_335, %add3A, %dma_start3A_339, %dma_start3A_340] : memref<200x8x32x8x128xf32, #tpu.memory_space<hbm>> -> memref<1x1x1x8x128xf32, #tpu.memory_space<hbm>>
      %dma_start3A_342 = tpu.memref_squeeze %dma_start3A_341 : memref<1x1x1x8x128xf32, #tpu.memory_space<hbm>> -> memref<8x128xf32, #tpu.memory_space<hbm>>
      %dma_start3A_343 = arith.constant 0 : i32
      %dma_start3A_344 = arith.constant 0 : i32
      %dma_start3A_345 = tpu.memref_slice %arg4[%add3A_320, %dma_start3A_335, %add3A, %dma_start3A_343, %dma_start3A_344] : memref<200x8x32x8x128xf32, #tpu.memory_space<hbm>> -> memref<1x1x1x8x128xf32, #tpu.memory_space<hbm>>
      %dma_start3A_346 = tpu.memref_squeeze %dma_start3A_345 : memref<1x1x1x8x128xf32, #tpu.memory_space<hbm>> -> memref<8x128xf32, #tpu.memory_space<hbm>>
      %dma_start3A_347 = arith.constant 0 : i32
      %dma_start3A_348 = arith.constant 0 : i32
      %dma_start3A_349 = tpu.memref_slice %arg10[%dma_start3A_347, %dma_start3A_348] : memref<64x129xf32, #tpu.memory_space<vmem>> -> memref<8x128xf32, #tpu.memory_space<vmem>>
      tpu.enqueue_dma source(%dma_start3A_349 : memref<8x128xf32, #tpu.memory_space<vmem>>) target(%dma_start3A_346 : memref<8x128xf32, #tpu.memory_space<hbm>>) target_semaphore(%arg16 : memref<!tpu.dma_semaphore, #tpu.memory_space<semaphore_mem>>)
      %dma_start3A_350 = arith.constant 1 : i32
      %dma_start3A_351 = arith.constant 8 : i32
      %dma_start3A_352 = arith.constant 0 : i32
      %dma_start3A_353 = tpu.memref_slice %arg10[%dma_start3A_351, %dma_start3A_352] : memref<64x129xf32, #tpu.memory_space<vmem>> -> memref<8x128xf32, #tpu.memory_space<vmem>>
      %dma_start3A_354 = arith.constant 0 : i32
      %dma_start3A_355 = arith.constant 0 : i32
      %dma_start3A_356 = tpu.memref_slice %arg4[%add3A_320, %dma_start3A_350, %add3A, %dma_start3A_354, %dma_start3A_355] : memref<200x8x32x8x128xf32, #tpu.memory_space<hbm>> -> memref<1x1x1x8x128xf32, #tpu.memory_space<hbm>>
      %dma_start3A_357 = tpu.memref_squeeze %dma_start3A_356 : memref<1x1x1x8x128xf32, #tpu.memory_space<hbm>> -> memref<8x128xf32, #tpu.memory_space<hbm>>
      %dma_start3A_358 = arith.constant 0 : i32
      %dma_start3A_359 = arith.constant 0 : i32
      %dma_start3A_360 = tpu.memref_slice %arg4[%add3A_320, %dma_start3A_350, %add3A, %dma_start3A_358, %dma_start3A_359] : memref<200x8x32x8x128xf32, #tpu.memory_space<hbm>> -> memref<1x1x1x8x128xf32, #tpu.memory_space<hbm>>
      %dma_start3A_361 = tpu.memref_squeeze %dma_start3A_360 : memref<1x1x1x8x128xf32, #tpu.memory_space<hbm>> -> memref<8x128xf32, #tpu.memory_space<hbm>>
      %dma_start3A_362 = arith.constant 8 : i32
      %dma_start3A_363 = arith.constant 0 : i32
      %dma_start3A_364 = tpu.memref_slice %arg10[%dma_start3A_362, %dma_start3A_363] : memref<64x129xf32, #tpu.memory_space<vmem>> -> memref<8x128xf32, #tpu.memory_space<vmem>>
      tpu.enqueue_dma source(%dma_start3A_364 : memref<8x128xf32, #tpu.memory_space<vmem>>) target(%dma_start3A_361 : memref<8x128xf32, #tpu.memory_space<hbm>>) target_semaphore(%arg16 : memref<!tpu.dma_semaphore, #tpu.memory_space<semaphore_mem>>)
      %dma_start3A_365 = arith.constant 2 : i32
      %dma_start3A_366 = arith.constant 16 : i32
      %dma_start3A_367 = arith.constant 0 : i32
      %dma_start3A_368 = tpu.memref_slice %arg10[%dma_start3A_366, %dma_start3A_367] : memref<64x129xf32, #tpu.memory_space<vmem>> -> memref<8x128xf32, #tpu.memory_space<vmem>>
      %dma_start3A_369 = arith.constant 0 : i32
      %dma_start3A_370 = arith.constant 0 : i32
      %dma_start3A_371 = tpu.memref_slice %arg4[%add3A_320, %dma_start3A_365, %add3A, %dma_start3A_369, %dma_start3A_370] : memref<200x8x32x8x128xf32, #tpu.memory_space<hbm>> -> memref<1x1x1x8x128xf32, #tpu.memory_space<hbm>>
      %dma_start3A_372 = tpu.memref_squeeze %dma_start3A_371 : memref<1x1x1x8x128xf32, #tpu.memory_space<hbm>> -> memref<8x128xf32, #tpu.memory_space<hbm>>
      %dma_start3A_373 = arith.constant 0 : i32
      %dma_start3A_374 = arith.constant 0 : i32
      %dma_start3A_375 = tpu.memref_slice %arg4[%add3A_320, %dma_start3A_365, %add3A, %dma_start3A_373, %dma_start3A_374] : memref<200x8x32x8x128xf32, #tpu.memory_space<hbm>> -> memref<1x1x1x8x128xf32, #tpu.memory_space<hbm>>
      %dma_start3A_376 = tpu.memref_squeeze %dma_start3A_375 : memref<1x1x1x8x128xf32, #tpu.memory_space<hbm>> -> memref<8x128xf32, #tpu.memory_space<hbm>>
      %dma_start3A_377 = arith.constant 16 : i32
      %dma_start3A_378 = arith.constant 0 : i32
      %dma_start3A_379 = tpu.memref_slice %arg10[%dma_start3A_377, %dma_start3A_378] : memref<64x129xf32, #tpu.memory_space<vmem>> -> memref<8x128xf32, #tpu.memory_space<vmem>>
      tpu.enqueue_dma source(%dma_start3A_379 : memref<8x128xf32, #tpu.memory_space<vmem>>) target(%dma_start3A_376 : memref<8x128xf32, #tpu.memory_space<hbm>>) target_semaphore(%arg16 : memref<!tpu.dma_semaphore, #tpu.memory_space<semaphore_mem>>)
      %dma_start3A_380 = arith.constant 3 : i32
      %dma_start3A_381 = arith.constant 24 : i32
      %dma_start3A_382 = arith.constant 0 : i32
      %dma_start3A_383 = tpu.memref_slice %arg10[%dma_start3A_381, %dma_start3A_382] : memref<64x129xf32, #tpu.memory_space<vmem>> -> memref<8x128xf32, #tpu.memory_space<vmem>>
      %dma_start3A_384 = arith.constant 0 : i32
      %dma_start3A_385 = arith.constant 0 : i32
      %dma_start3A_386 = tpu.memref_slice %arg4[%add3A_320, %dma_start3A_380, %add3A, %dma_start3A_384, %dma_start3A_385] : memref<200x8x32x8x128xf32, #tpu.memory_space<hbm>> -> memref<1x1x1x8x128xf32, #tpu.memory_space<hbm>>
      %dma_start3A_387 = tpu.memref_squeeze %dma_start3A_386 : memref<1x1x1x8x128xf32, #tpu.memory_space<hbm>> -> memref<8x128xf32, #tpu.memory_space<hbm>>
      %dma_start3A_388 = arith.constant 0 : i32
      %dma_start3A_389 = arith.constant 0 : i32
      %dma_start3A_390 = tpu.memref_slice %arg4[%add3A_320, %dma_start3A_380, %add3A, %dma_start3A_388, %dma_start3A_389] : memref<200x8x32x8x128xf32, #tpu.memory_space<hbm>> -> memref<1x1x1x8x128xf32, #tpu.memory_space<hbm>>
      %dma_start3A_391 = tpu.memref_squeeze %dma_start3A_390 : memref<1x1x1x8x128xf32, #tpu.memory_space<hbm>> -> memref<8x128xf32, #tpu.memory_space<hbm>>
      %dma_start3A_392 = arith.constant 24 : i32
      %dma_start3A_393 = arith.constant 0 : i32
      %dma_start3A_394 = tpu.memref_slice %arg10[%dma_start3A_392, %dma_start3A_393] : memref<64x129xf32, #tpu.memory_space<vmem>> -> memref<8x128xf32, #tpu.memory_space<vmem>>
      tpu.enqueue_dma source(%dma_start3A_394 : memref<8x128xf32, #tpu.memory_space<vmem>>) target(%dma_start3A_391 : memref<8x128xf32, #tpu.memory_space<hbm>>) target_semaphore(%arg16 : memref<!tpu.dma_semaphore, #tpu.memory_space<semaphore_mem>>)
      %dma_start3A_395 = arith.constant 4 : i32
      %dma_start3A_396 = arith.constant 32 : i32
      %dma_start3A_397 = arith.constant 0 : i32
      %dma_start3A_398 = tpu.memref_slice %arg10[%dma_start3A_396, %dma_start3A_397] : memref<64x129xf32, #tpu.memory_space<vmem>> -> memref<8x128xf32, #tpu.memory_space<vmem>>
      %dma_start3A_399 = arith.constant 0 : i32
      %dma_start3A_400 = arith.constant 0 : i32
      %dma_start3A_401 = tpu.memref_slice %arg4[%add3A_320, %dma_start3A_395, %add3A, %dma_start3A_399, %dma_start3A_400] : memref<200x8x32x8x128xf32, #tpu.memory_space<hbm>> -> memref<1x1x1x8x128xf32, #tpu.memory_space<hbm>>
      %dma_start3A_402 = tpu.memref_squeeze %dma_start3A_401 : memref<1x1x1x8x128xf32, #tpu.memory_space<hbm>> -> memref<8x128xf32, #tpu.memory_space<hbm>>
      %dma_start3A_403 = arith.constant 0 : i32
      %dma_start3A_404 = arith.constant 0 : i32
      %dma_start3A_405 = tpu.memref_slice %arg4[%add3A_320, %dma_start3A_395, %add3A, %dma_start3A_403, %dma_start3A_404] : memref<200x8x32x8x128xf32, #tpu.memory_space<hbm>> -> memref<1x1x1x8x128xf32, #tpu.memory_space<hbm>>
      %dma_start3A_406 = tpu.memref_squeeze %dma_start3A_405 : memref<1x1x1x8x128xf32, #tpu.memory_space<hbm>> -> memref<8x128xf32, #tpu.memory_space<hbm>>
      %dma_start3A_407 = arith.constant 32 : i32
      %dma_start3A_408 = arith.constant 0 : i32
      %dma_start3A_409 = tpu.memref_slice %arg10[%dma_start3A_407, %dma_start3A_408] : memref<64x129xf32, #tpu.memory_space<vmem>> -> memref<8x128xf32, #tpu.memory_space<vmem>>
      tpu.enqueue_dma source(%dma_start3A_409 : memref<8x128xf32, #tpu.memory_space<vmem>>) target(%dma_start3A_406 : memref<8x128xf32, #tpu.memory_space<hbm>>) target_semaphore(%arg16 : memref<!tpu.dma_semaphore, #tpu.memory_space<semaphore_mem>>)
      %dma_start3A_410 = arith.constant 5 : i32
      %dma_start3A_411 = arith.constant 40 : i32
      %dma_start3A_412 = arith.constant 0 : i32
      %dma_start3A_413 = tpu.memref_slice %arg10[%dma_start3A_411, %dma_start3A_412] : memref<64x129xf32, #tpu.memory_space<vmem>> -> memref<8x128xf32, #tpu.memory_space<vmem>>
      %dma_start3A_414 = arith.constant 0 : i32
      %dma_start3A_415 = arith.constant 0 : i32
      %dma_start3A_416 = tpu.memref_slice %arg4[%add3A_320, %dma_start3A_410, %add3A, %dma_start3A_414, %dma_start3A_415] : memref<200x8x32x8x128xf32, #tpu.memory_space<hbm>> -> memref<1x1x1x8x128xf32, #tpu.memory_space<hbm>>
      %dma_start3A_417 = tpu.memref_squeeze %dma_start3A_416 : memref<1x1x1x8x128xf32, #tpu.memory_space<hbm>> -> memref<8x128xf32, #tpu.memory_space<hbm>>
      %dma_start3A_418 = arith.constant 0 : i32
      %dma_start3A_419 = arith.constant 0 : i32
      %dma_start3A_420 = tpu.memref_slice %arg4[%add3A_320, %dma_start3A_410, %add3A, %dma_start3A_418, %dma_start3A_419] : memref<200x8x32x8x128xf32, #tpu.memory_space<hbm>> -> memref<1x1x1x8x128xf32, #tpu.memory_space<hbm>>
      %dma_start3A_421 = tpu.memref_squeeze %dma_start3A_420 : memref<1x1x1x8x128xf32, #tpu.memory_space<hbm>> -> memref<8x128xf32, #tpu.memory_space<hbm>>
      %dma_start3A_422 = arith.constant 40 : i32
      %dma_start3A_423 = arith.constant 0 : i32
      %dma_start3A_424 = tpu.memref_slice %arg10[%dma_start3A_422, %dma_start3A_423] : memref<64x129xf32, #tpu.memory_space<vmem>> -> memref<8x128xf32, #tpu.memory_space<vmem>>
      tpu.enqueue_dma source(%dma_start3A_424 : memref<8x128xf32, #tpu.memory_space<vmem>>) target(%dma_start3A_421 : memref<8x128xf32, #tpu.memory_space<hbm>>) target_semaphore(%arg16 : memref<!tpu.dma_semaphore, #tpu.memory_space<semaphore_mem>>)
      %dma_start3A_425 = arith.constant 6 : i32
      %dma_start3A_426 = arith.constant 48 : i32
      %dma_start3A_427 = arith.constant 0 : i32
      %dma_start3A_428 = tpu.memref_slice %arg10[%dma_start3A_426, %dma_start3A_427] : memref<64x129xf32, #tpu.memory_space<vmem>> -> memref<8x128xf32, #tpu.memory_space<vmem>>
      %dma_start3A_429 = arith.constant 0 : i32
      %dma_start3A_430 = arith.constant 0 : i32
      %dma_start3A_431 = tpu.memref_slice %arg4[%add3A_320, %dma_start3A_425, %add3A, %dma_start3A_429, %dma_start3A_430] : memref<200x8x32x8x128xf32, #tpu.memory_space<hbm>> -> memref<1x1x1x8x128xf32, #tpu.memory_space<hbm>>
      %dma_start3A_432 = tpu.memref_squeeze %dma_start3A_431 : memref<1x1x1x8x128xf32, #tpu.memory_space<hbm>> -> memref<8x128xf32, #tpu.memory_space<hbm>>
      %dma_start3A_433 = arith.constant 0 : i32
      %dma_start3A_434 = arith.constant 0 : i32
      %dma_start3A_435 = tpu.memref_slice %arg4[%add3A_320, %dma_start3A_425, %add3A, %dma_start3A_433, %dma_start3A_434] : memref<200x8x32x8x128xf32, #tpu.memory_space<hbm>> -> memref<1x1x1x8x128xf32, #tpu.memory_space<hbm>>
      %dma_start3A_436 = tpu.memref_squeeze %dma_start3A_435 : memref<1x1x1x8x128xf32, #tpu.memory_space<hbm>> -> memref<8x128xf32, #tpu.memory_space<hbm>>
      %dma_start3A_437 = arith.constant 48 : i32
      %dma_start3A_438 = arith.constant 0 : i32
      %dma_start3A_439 = tpu.memref_slice %arg10[%dma_start3A_437, %dma_start3A_438] : memref<64x129xf32, #tpu.memory_space<vmem>> -> memref<8x128xf32, #tpu.memory_space<vmem>>
      tpu.enqueue_dma source(%dma_start3A_439 : memref<8x128xf32, #tpu.memory_space<vmem>>) target(%dma_start3A_436 : memref<8x128xf32, #tpu.memory_space<hbm>>) target_semaphore(%arg16 : memref<!tpu.dma_semaphore, #tpu.memory_space<semaphore_mem>>)
      %dma_start3A_440 = arith.constant 7 : i32
      %dma_start3A_441 = arith.constant 56 : i32
      %dma_start3A_442 = arith.constant 0 : i32
      %dma_start3A_443 = tpu.memref_slice %arg10[%dma_start3A_441, %dma_start3A_442] : memref<64x129xf32, #tpu.memory_space<vmem>> -> memref<8x128xf32, #tpu.memory_space<vmem>>
      %dma_start3A_444 = arith.constant 0 : i32
      %dma_start3A_445 = arith.constant 0 : i32
      %dma_start3A_446 = tpu.memref_slice %arg4[%add3A_320, %dma_start3A_440, %add3A, %dma_start3A_444, %dma_start3A_445] : memref<200x8x32x8x128xf32, #tpu.memory_space<hbm>> -> memref<1x1x1x8x128xf32, #tpu.memory_space<hbm>>
      %dma_start3A_447 = tpu.memref_squeeze %dma_start3A_446 : memref<1x1x1x8x128xf32, #tpu.memory_space<hbm>> -> memref<8x128xf32, #tpu.memory_space<hbm>>
      %dma_start3A_448 = arith.constant 0 : i32
      %dma_start3A_449 = arith.constant 0 : i32
      %dma_start3A_450 = tpu.memref_slice %arg4[%add3A_320, %dma_start3A_440, %add3A, %dma_start3A_448, %dma_start3A_449] : memref<200x8x32x8x128xf32, #tpu.memory_space<hbm>> -> memref<1x1x1x8x128xf32, #tpu.memory_space<hbm>>
      %dma_start3A_451 = tpu.memref_squeeze %dma_start3A_450 : memref<1x1x1x8x128xf32, #tpu.memory_space<hbm>> -> memref<8x128xf32, #tpu.memory_space<hbm>>
      %dma_start3A_452 = arith.constant 56 : i32
      %dma_start3A_453 = arith.constant 0 : i32
      %dma_start3A_454 = tpu.memref_slice %arg10[%dma_start3A_452, %dma_start3A_453] : memref<64x129xf32, #tpu.memory_space<vmem>> -> memref<8x128xf32, #tpu.memory_space<vmem>>
      tpu.enqueue_dma source(%dma_start3A_454 : memref<8x128xf32, #tpu.memory_space<vmem>>) target(%dma_start3A_451 : memref<8x128xf32, #tpu.memory_space<hbm>>) target_semaphore(%arg16 : memref<!tpu.dma_semaphore, #tpu.memory_space<semaphore_mem>>)
      %add3A_455 = arith.constant 4 : i32
      %add3A_456 = arith.addi %add3A_320, %add3A_455 : i32
      %lt3A = arith.constant 200 : i32
      %lt3A_457 = arith.cmpi slt, %add3A_456, %lt3A : i32
      %convert_element_type3A_458 = arith.extui %lt3A_457 : i1 to i32
      %cond3A_459 = arith.constant 0 : i32
      %cond3A_460 = arith.cmpi ne, %convert_element_type3A_458, %cond3A_459 : i32
      scf.if %cond3A_460 {
        %add3A_905 = arith.constant 4 : i32
        %add3A_906 = arith.addi %add3A_320, %add3A_905 : i32
        %dma_start3A_907 = arith.constant 0 : i32
        %dma_start3A_908 = tpu.memref_slice %arg5[%add3A_906, %dma_start3A_907] : memref<200x128xi32, #tpu.memory_space<vmem>> -> memref<1x128xi32, #tpu.memory_space<vmem>>
        %dma_start3A_909 = tpu.memref_squeeze %dma_start3A_908 : memref<1x128xi32, #tpu.memory_space<vmem>> -> memref<128xi32, #tpu.memory_space<vmem>>
        %dma_start3A_910 = arith.constant 0 : i32
        %dma_start3A_911 = arith.constant 0 : i32
        %dma_start3A_912 = tpu.memref_slice %arg2[%dma_start3A_910, %dma_start3A_911] : memref<1000001x64xf32, #tpu.memory_space<hbm>> -> memref<1000001x64xf32, #tpu.memory_space<hbm>>
        tpu.enqueue_indirect_dma source(%dma_start3A_912 : memref<1000001x64xf32, #tpu.memory_space<hbm>>) target(%arg6 : memref<128x64xf32, #tpu.memory_space<vmem>>) offsets(%dma_start3A_909 : memref<128xi32, #tpu.memory_space<vmem>>) semaphore(%arg12 : memref<!tpu.dma_semaphore, #tpu.memory_space<semaphore_mem>>)
      } else {
      }
      %mul3A_461 = arith.constant 4 : i32
      %mul3A_462 = arith.muli %mul3A_461, %scan3A_316 : i32
      %add3A_463 = arith.constant 1 : i32
      %add3A_464 = arith.addi %mul3A_462, %add3A_463 : i32
      %dma_wait3A_465 = arith.constant 0 : i32
      %dma_wait3A_466 = arith.constant 0 : i32
      %dma_wait3A_467 = tpu.memref_slice %arg2[%dma_wait3A_465, %dma_wait3A_466] : memref<1000001x64xf32, #tpu.memory_space<hbm>> -> memref<128x64xf32, #tpu.memory_space<hbm>>
      %dma_wait3A_468 = arith.constant 0 : i32
      %dma_wait3A_469 = arith.constant 0 : i32
      %dma_wait3A_470 = tpu.memref_slice %arg2[%dma_wait3A_468, %dma_wait3A_469] : memref<1000001x64xf32, #tpu.memory_space<hbm>> -> memref<128x64xf32, #tpu.memory_space<hbm>>
      tpu.wait_dma2 semaphore(%arg13 : memref<!tpu.dma_semaphore, #tpu.memory_space<semaphore_mem>>) src(%dma_wait3A_470 : memref<128x64xf32, #tpu.memory_space<hbm>>) dst(%arg7 : memref<128x64xf32, #tpu.memory_space<vmem>>)
      %ge3A_471 = arith.constant 2 : i32
      %ge3A_472 = arith.cmpi sge, %add3A_464, %ge3A_471 : i32
      %convert_element_type3A_473 = arith.extui %ge3A_472 : i1 to i32
      %cond3A_474 = arith.constant 0 : i32
      %cond3A_475 = arith.cmpi ne, %convert_element_type3A_473, %cond3A_474 : i32
      scf.if %cond3A_475 {
        %dma_wait3A_905 = arith.constant 0 : i32
        %dma_wait3A_906 = arith.constant 0 : i32
        %dma_wait3A_907 = arith.constant 0 : i32
        %dma_wait3A_908 = arith.constant 0 : i32
        %dma_wait3A_909 = arith.constant 0 : i32
        %dma_wait3A_910 = tpu.memref_slice %arg11[%dma_wait3A_908, %dma_wait3A_909] : memref<64x129xf32, #tpu.memory_space<vmem>> -> memref<8x128xf32, #tpu.memory_space<vmem>>
        %dma_wait3A_911 = arith.constant 0 : i32
        %dma_wait3A_912 = arith.constant 0 : i32
        %dma_wait3A_913 = tpu.memref_slice %arg4[%dma_wait3A_905, %dma_wait3A_906, %dma_wait3A_907, %dma_wait3A_911, %dma_wait3A_912] : memref<200x8x32x8x128xf32, #tpu.memory_space<hbm>> -> memref<1x1x1x8x128xf32, #tpu.memory_space<hbm>>
        %dma_wait3A_914 = tpu.memref_squeeze %dma_wait3A_913 : memref<1x1x1x8x128xf32, #tpu.memory_space<hbm>> -> memref<8x128xf32, #tpu.memory_space<hbm>>
        %dma_wait3A_915 = arith.constant 0 : i32
        %dma_wait3A_916 = arith.constant 0 : i32
        %dma_wait3A_917 = tpu.memref_slice %arg11[%dma_wait3A_915, %dma_wait3A_916] : memref<64x129xf32, #tpu.memory_space<vmem>> -> memref<8x128xf32, #tpu.memory_space<vmem>>
        %dma_wait3A_918 = arith.constant 0 : i32
        %dma_wait3A_919 = arith.constant 0 : i32
        %dma_wait3A_920 = tpu.memref_slice %arg4[%dma_wait3A_905, %dma_wait3A_906, %dma_wait3A_907, %dma_wait3A_918, %dma_wait3A_919] : memref<200x8x32x8x128xf32, #tpu.memory_space<hbm>> -> memref<1x1x1x8x128xf32, #tpu.memory_space<hbm>>
        %dma_wait3A_921 = tpu.memref_squeeze %dma_wait3A_920 : memref<1x1x1x8x128xf32, #tpu.memory_space<hbm>> -> memref<8x128xf32, #tpu.memory_space<hbm>>
        tpu.wait_dma2 semaphore(%arg17 : memref<!tpu.dma_semaphore, #tpu.memory_space<semaphore_mem>>) src(%dma_wait3A_921 : memref<8x128xf32, #tpu.memory_space<hbm>>) dst(%dma_wait3A_917 : memref<8x128xf32, #tpu.memory_space<vmem>>)
        %dma_wait3A_922 = arith.constant 0 : i32
        %dma_wait3A_923 = arith.constant 0 : i32
        %dma_wait3A_924 = arith.constant 0 : i32
        %dma_wait3A_925 = arith.constant 8 : i32
        %dma_wait3A_926 = arith.constant 0 : i32
        %dma_wait3A_927 = tpu.memref_slice %arg11[%dma_wait3A_925, %dma_wait3A_926] : memref<64x129xf32, #tpu.memory_space<vmem>> -> memref<8x128xf32, #tpu.memory_space<vmem>>
        %dma_wait3A_928 = arith.constant 0 : i32
        %dma_wait3A_929 = arith.constant 0 : i32
        %dma_wait3A_930 = tpu.memref_slice %arg4[%dma_wait3A_922, %dma_wait3A_923, %dma_wait3A_924, %dma_wait3A_928, %dma_wait3A_929] : memref<200x8x32x8x128xf32, #tpu.memory_space<hbm>> -> memref<1x1x1x8x128xf32, #tpu.memory_space<hbm>>
        %dma_wait3A_931 = tpu.memref_squeeze %dma_wait3A_930 : memref<1x1x1x8x128xf32, #tpu.memory_space<hbm>> -> memref<8x128xf32, #tpu.memory_space<hbm>>
        %dma_wait3A_932 = arith.constant 8 : i32
        %dma_wait3A_933 = arith.constant 0 : i32
        %dma_wait3A_934 = tpu.memref_slice %arg11[%dma_wait3A_932, %dma_wait3A_933] : memref<64x129xf32, #tpu.memory_space<vmem>> -> memref<8x128xf32, #tpu.memory_space<vmem>>
        %dma_wait3A_935 = arith.constant 0 : i32
        %dma_wait3A_936 = arith.constant 0 : i32
        %dma_wait3A_937 = tpu.memref_slice %arg4[%dma_wait3A_922, %dma_wait3A_923, %dma_wait3A_924, %dma_wait3A_935, %dma_wait3A_936] : memref<200x8x32x8x128xf32, #tpu.memory_space<hbm>> -> memref<1x1x1x8x128xf32, #tpu.memory_space<hbm>>
        %dma_wait3A_938 = tpu.memref_squeeze %dma_wait3A_937 : memref<1x1x1x8x128xf32, #tpu.memory_space<hbm>> -> memref<8x128xf32, #tpu.memory_space<hbm>>
        tpu.wait_dma2 semaphore(%arg17 : memref<!tpu.dma_semaphore, #tpu.memory_space<semaphore_mem>>) src(%dma_wait3A_938 : memref<8x128xf32, #tpu.memory_space<hbm>>) dst(%dma_wait3A_934 : memref<8x128xf32, #tpu.memory_space<vmem>>)
        %dma_wait3A_939 = arith.constant 0 : i32
        %dma_wait3A_940 = arith.constant 0 : i32
        %dma_wait3A_941 = arith.constant 0 : i32
        %dma_wait3A_942 = arith.constant 16 : i32
        %dma_wait3A_943 = arith.constant 0 : i32
        %dma_wait3A_944 = tpu.memref_slice %arg11[%dma_wait3A_942, %dma_wait3A_943] : memref<64x129xf32, #tpu.memory_space<vmem>> -> memref<8x128xf32, #tpu.memory_space<vmem>>
        %dma_wait3A_945 = arith.constant 0 : i32
        %dma_wait3A_946 = arith.constant 0 : i32
        %dma_wait3A_947 = tpu.memref_slice %arg4[%dma_wait3A_939, %dma_wait3A_940, %dma_wait3A_941, %dma_wait3A_945, %dma_wait3A_946] : memref<200x8x32x8x128xf32, #tpu.memory_space<hbm>> -> memref<1x1x1x8x128xf32, #tpu.memory_space<hbm>>
        %dma_wait3A_948 = tpu.memref_squeeze %dma_wait3A_947 : memref<1x1x1x8x128xf32, #tpu.memory_space<hbm>> -> memref<8x128xf32, #tpu.memory_space<hbm>>
        %dma_wait3A_949 = arith.constant 16 : i32
        %dma_wait3A_950 = arith.constant 0 : i32
        %dma_wait3A_951 = tpu.memref_slice %arg11[%dma_wait3A_949, %dma_wait3A_950] : memref<64x129xf32, #tpu.memory_space<vmem>> -> memref<8x128xf32, #tpu.memory_space<vmem>>
        %dma_wait3A_952 = arith.constant 0 : i32
        %dma_wait3A_953 = arith.constant 0 : i32
        %dma_wait3A_954 = tpu.memref_slice %arg4[%dma_wait3A_939, %dma_wait3A_940, %dma_wait3A_941, %dma_wait3A_952, %dma_wait3A_953] : memref<200x8x32x8x128xf32, #tpu.memory_space<hbm>> -> memref<1x1x1x8x128xf32, #tpu.memory_space<hbm>>
        %dma_wait3A_955 = tpu.memref_squeeze %dma_wait3A_954 : memref<1x1x1x8x128xf32, #tpu.memory_space<hbm>> -> memref<8x128xf32, #tpu.memory_space<hbm>>
        tpu.wait_dma2 semaphore(%arg17 : memref<!tpu.dma_semaphore, #tpu.memory_space<semaphore_mem>>) src(%dma_wait3A_955 : memref<8x128xf32, #tpu.memory_space<hbm>>) dst(%dma_wait3A_951 : memref<8x128xf32, #tpu.memory_space<vmem>>)
        %dma_wait3A_956 = arith.constant 0 : i32
        %dma_wait3A_957 = arith.constant 0 : i32
        %dma_wait3A_958 = arith.constant 0 : i32
        %dma_wait3A_959 = arith.constant 24 : i32
        %dma_wait3A_960 = arith.constant 0 : i32
        %dma_wait3A_961 = tpu.memref_slice %arg11[%dma_wait3A_959, %dma_wait3A_960] : memref<64x129xf32, #tpu.memory_space<vmem>> -> memref<8x128xf32, #tpu.memory_space<vmem>>
        %dma_wait3A_962 = arith.constant 0 : i32
        %dma_wait3A_963 = arith.constant 0 : i32
        %dma_wait3A_964 = tpu.memref_slice %arg4[%dma_wait3A_956, %dma_wait3A_957, %dma_wait3A_958, %dma_wait3A_962, %dma_wait3A_963] : memref<200x8x32x8x128xf32, #tpu.memory_space<hbm>> -> memref<1x1x1x8x128xf32, #tpu.memory_space<hbm>>
        %dma_wait3A_965 = tpu.memref_squeeze %dma_wait3A_964 : memref<1x1x1x8x128xf32, #tpu.memory_space<hbm>> -> memref<8x128xf32, #tpu.memory_space<hbm>>
        %dma_wait3A_966 = arith.constant 24 : i32
        %dma_wait3A_967 = arith.constant 0 : i32
        %dma_wait3A_968 = tpu.memref_slice %arg11[%dma_wait3A_966, %dma_wait3A_967] : memref<64x129xf32, #tpu.memory_space<vmem>> -> memref<8x128xf32, #tpu.memory_space<vmem>>
        %dma_wait3A_969 = arith.constant 0 : i32
        %dma_wait3A_970 = arith.constant 0 : i32
        %dma_wait3A_971 = tpu.memref_slice %arg4[%dma_wait3A_956, %dma_wait3A_957, %dma_wait3A_958, %dma_wait3A_969, %dma_wait3A_970] : memref<200x8x32x8x128xf32, #tpu.memory_space<hbm>> -> memref<1x1x1x8x128xf32, #tpu.memory_space<hbm>>
        %dma_wait3A_972 = tpu.memref_squeeze %dma_wait3A_971 : memref<1x1x1x8x128xf32, #tpu.memory_space<hbm>> -> memref<8x128xf32, #tpu.memory_space<hbm>>
        tpu.wait_dma2 semaphore(%arg17 : memref<!tpu.dma_semaphore, #tpu.memory_space<semaphore_mem>>) src(%dma_wait3A_972 : memref<8x128xf32, #tpu.memory_space<hbm>>) dst(%dma_wait3A_968 : memref<8x128xf32, #tpu.memory_space<vmem>>)
        %dma_wait3A_973 = arith.constant 0 : i32
        %dma_wait3A_974 = arith.constant 0 : i32
        %dma_wait3A_975 = arith.constant 0 : i32
        %dma_wait3A_976 = arith.constant 32 : i32
        %dma_wait3A_977 = arith.constant 0 : i32
        %dma_wait3A_978 = tpu.memref_slice %arg11[%dma_wait3A_976, %dma_wait3A_977] : memref<64x129xf32, #tpu.memory_space<vmem>> -> memref<8x128xf32, #tpu.memory_space<vmem>>
        %dma_wait3A_979 = arith.constant 0 : i32
        %dma_wait3A_980 = arith.constant 0 : i32
        %dma_wait3A_981 = tpu.memref_slice %arg4[%dma_wait3A_973, %dma_wait3A_974, %dma_wait3A_975, %dma_wait3A_979, %dma_wait3A_980] : memref<200x8x32x8x128xf32, #tpu.memory_space<hbm>> -> memref<1x1x1x8x128xf32, #tpu.memory_space<hbm>>
        %dma_wait3A_982 = tpu.memref_squeeze %dma_wait3A_981 : memref<1x1x1x8x128xf32, #tpu.memory_space<hbm>> -> memref<8x128xf32, #tpu.memory_space<hbm>>
        %dma_wait3A_983 = arith.constant 32 : i32
        %dma_wait3A_984 = arith.constant 0 : i32
        %dma_wait3A_985 = tpu.memref_slice %arg11[%dma_wait3A_983, %dma_wait3A_984] : memref<64x129xf32, #tpu.memory_space<vmem>> -> memref<8x128xf32, #tpu.memory_space<vmem>>
        %dma_wait3A_986 = arith.constant 0 : i32
        %dma_wait3A_987 = arith.constant 0 : i32
        %dma_wait3A_988 = tpu.memref_slice %arg4[%dma_wait3A_973, %dma_wait3A_974, %dma_wait3A_975, %dma_wait3A_986, %dma_wait3A_987] : memref<200x8x32x8x128xf32, #tpu.memory_space<hbm>> -> memref<1x1x1x8x128xf32, #tpu.memory_space<hbm>>
        %dma_wait3A_989 = tpu.memref_squeeze %dma_wait3A_988 : memref<1x1x1x8x128xf32, #tpu.memory_space<hbm>> -> memref<8x128xf32, #tpu.memory_space<hbm>>
        tpu.wait_dma2 semaphore(%arg17 : memref<!tpu.dma_semaphore, #tpu.memory_space<semaphore_mem>>) src(%dma_wait3A_989 : memref<8x128xf32, #tpu.memory_space<hbm>>) dst(%dma_wait3A_985 : memref<8x128xf32, #tpu.memory_space<vmem>>)
        %dma_wait3A_990 = arith.constant 0 : i32
        %dma_wait3A_991 = arith.constant 0 : i32
        %dma_wait3A_992 = arith.constant 0 : i32
        %dma_wait3A_993 = arith.constant 40 : i32
        %dma_wait3A_994 = arith.constant 0 : i32
        %dma_wait3A_995 = tpu.memref_slice %arg11[%dma_wait3A_993, %dma_wait3A_994] : memref<64x129xf32, #tpu.memory_space<vmem>> -> memref<8x128xf32, #tpu.memory_space<vmem>>
        %dma_wait3A_996 = arith.constant 0 : i32
        %dma_wait3A_997 = arith.constant 0 : i32
        %dma_wait3A_998 = tpu.memref_slice %arg4[%dma_wait3A_990, %dma_wait3A_991, %dma_wait3A_992, %dma_wait3A_996, %dma_wait3A_997] : memref<200x8x32x8x128xf32, #tpu.memory_space<hbm>> -> memref<1x1x1x8x128xf32, #tpu.memory_space<hbm>>
        %dma_wait3A_999 = tpu.memref_squeeze %dma_wait3A_998 : memref<1x1x1x8x128xf32, #tpu.memory_space<hbm>> -> memref<8x128xf32, #tpu.memory_space<hbm>>
        %dma_wait3A_1000 = arith.constant 40 : i32
        %dma_wait3A_1001 = arith.constant 0 : i32
        %dma_wait3A_1002 = tpu.memref_slice %arg11[%dma_wait3A_1000, %dma_wait3A_1001] : memref<64x129xf32, #tpu.memory_space<vmem>> -> memref<8x128xf32, #tpu.memory_space<vmem>>
        %dma_wait3A_1003 = arith.constant 0 : i32
        %dma_wait3A_1004 = arith.constant 0 : i32
        %dma_wait3A_1005 = tpu.memref_slice %arg4[%dma_wait3A_990, %dma_wait3A_991, %dma_wait3A_992, %dma_wait3A_1003, %dma_wait3A_1004] : memref<200x8x32x8x128xf32, #tpu.memory_space<hbm>> -> memref<1x1x1x8x128xf32, #tpu.memory_space<hbm>>
        %dma_wait3A_1006 = tpu.memref_squeeze %dma_wait3A_1005 : memref<1x1x1x8x128xf32, #tpu.memory_space<hbm>> -> memref<8x128xf32, #tpu.memory_space<hbm>>
        tpu.wait_dma2 semaphore(%arg17 : memref<!tpu.dma_semaphore, #tpu.memory_space<semaphore_mem>>) src(%dma_wait3A_1006 : memref<8x128xf32, #tpu.memory_space<hbm>>) dst(%dma_wait3A_1002 : memref<8x128xf32, #tpu.memory_space<vmem>>)
        %dma_wait3A_1007 = arith.constant 0 : i32
        %dma_wait3A_1008 = arith.constant 0 : i32
        %dma_wait3A_1009 = arith.constant 0 : i32
        %dma_wait3A_1010 = arith.constant 48 : i32
        %dma_wait3A_1011 = arith.constant 0 : i32
        %dma_wait3A_1012 = tpu.memref_slice %arg11[%dma_wait3A_1010, %dma_wait3A_1011] : memref<64x129xf32, #tpu.memory_space<vmem>> -> memref<8x128xf32, #tpu.memory_space<vmem>>
        %dma_wait3A_1013 = arith.constant 0 : i32
        %dma_wait3A_1014 = arith.constant 0 : i32
        %dma_wait3A_1015 = tpu.memref_slice %arg4[%dma_wait3A_1007, %dma_wait3A_1008, %dma_wait3A_1009, %dma_wait3A_1013, %dma_wait3A_1014] : memref<200x8x32x8x128xf32, #tpu.memory_space<hbm>> -> memref<1x1x1x8x128xf32, #tpu.memory_space<hbm>>
        %dma_wait3A_1016 = tpu.memref_squeeze %dma_wait3A_1015 : memref<1x1x1x8x128xf32, #tpu.memory_space<hbm>> -> memref<8x128xf32, #tpu.memory_space<hbm>>
        %dma_wait3A_1017 = arith.constant 48 : i32
        %dma_wait3A_1018 = arith.constant 0 : i32
        %dma_wait3A_1019 = tpu.memref_slice %arg11[%dma_wait3A_1017, %dma_wait3A_1018] : memref<64x129xf32, #tpu.memory_space<vmem>> -> memref<8x128xf32, #tpu.memory_space<vmem>>
        %dma_wait3A_1020 = arith.constant 0 : i32
        %dma_wait3A_1021 = arith.constant 0 : i32
        %dma_wait3A_1022 = tpu.memref_slice %arg4[%dma_wait3A_1007, %dma_wait3A_1008, %dma_wait3A_1009, %dma_wait3A_1020, %dma_wait3A_1021] : memref<200x8x32x8x128xf32, #tpu.memory_space<hbm>> -> memref<1x1x1x8x128xf32, #tpu.memory_space<hbm>>
        %dma_wait3A_1023 = tpu.memref_squeeze %dma_wait3A_1022 : memref<1x1x1x8x128xf32, #tpu.memory_space<hbm>> -> memref<8x128xf32, #tpu.memory_space<hbm>>
        tpu.wait_dma2 semaphore(%arg17 : memref<!tpu.dma_semaphore, #tpu.memory_space<semaphore_mem>>) src(%dma_wait3A_1023 : memref<8x128xf32, #tpu.memory_space<hbm>>) dst(%dma_wait3A_1019 : memref<8x128xf32, #tpu.memory_space<vmem>>)
        %dma_wait3A_1024 = arith.constant 0 : i32
        %dma_wait3A_1025 = arith.constant 0 : i32
        %dma_wait3A_1026 = arith.constant 0 : i32
        %dma_wait3A_1027 = arith.constant 56 : i32
        %dma_wait3A_1028 = arith.constant 0 : i32
        %dma_wait3A_1029 = tpu.memref_slice %arg11[%dma_wait3A_1027, %dma_wait3A_1028] : memref<64x129xf32, #tpu.memory_space<vmem>> -> memref<8x128xf32, #tpu.memory_space<vmem>>
        %dma_wait3A_1030 = arith.constant 0 : i32
        %dma_wait3A_1031 = arith.constant 0 : i32
        %dma_wait3A_1032 = tpu.memref_slice %arg4[%dma_wait3A_1024, %dma_wait3A_1025, %dma_wait3A_1026, %dma_wait3A_1030, %dma_wait3A_1031] : memref<200x8x32x8x128xf32, #tpu.memory_space<hbm>> -> memref<1x1x1x8x128xf32, #tpu.memory_space<hbm>>
        %dma_wait3A_1033 = tpu.memref_squeeze %dma_wait3A_1032 : memref<1x1x1x8x128xf32, #tpu.memory_space<hbm>> -> memref<8x128xf32, #tpu.memory_space<hbm>>
        %dma_wait3A_1034 = arith.constant 56 : i32
        %dma_wait3A_1035 = arith.constant 0 : i32
        %dma_wait3A_1036 = tpu.memref_slice %arg11[%dma_wait3A_1034, %dma_wait3A_1035] : memref<64x129xf32, #tpu.memory_space<vmem>> -> memref<8x128xf32, #tpu.memory_space<vmem>>
        %dma_wait3A_1037 = arith.constant 0 : i32
        %dma_wait3A_1038 = arith.constant 0 : i32
        %dma_wait3A_1039 = tpu.memref_slice %arg4[%dma_wait3A_1024, %dma_wait3A_1025, %dma_wait3A_1026, %dma_wait3A_1037, %dma_wait3A_1038] : memref<200x8x32x8x128xf32, #tpu.memory_space<hbm>> -> memref<1x1x1x8x128xf32, #tpu.memory_space<hbm>>
        %dma_wait3A_1040 = tpu.memref_squeeze %dma_wait3A_1039 : memref<1x1x1x8x128xf32, #tpu.memory_space<hbm>> -> memref<8x128xf32, #tpu.memory_space<hbm>>
        tpu.wait_dma2 semaphore(%arg17 : memref<!tpu.dma_semaphore, #tpu.memory_space<semaphore_mem>>) src(%dma_wait3A_1040 : memref<8x128xf32, #tpu.memory_space<hbm>>) dst(%dma_wait3A_1036 : memref<8x128xf32, #tpu.memory_space<vmem>>)
      } else {
      }
      %scan3A_476 = arith.constant 0 : i32
      %scan3A_477 = arith.constant 0 : i32
      %scan3A_478 = arith.constant 16 : i32
      %scan3A_479 = arith.addi %scan3A_477, %scan3A_478 : i32
      %scan3A_480 = arith.constant 1 : i32
      scf.for %scan3A_905 = %scan3A_477 to %scan3A_479 step %scan3A_480  : i32 {
        %mul3A_906 = arith.constant 8 : i32
        %mul3A_907 = arith.muli %mul3A_906, %scan3A_905 : i32
        %add3A_908 = arith.constant 0 : i32
        %add3A_909 = arith.addi %mul3A_907, %add3A_908 : i32
        %broadcast_in_dim3A = arith.constant 0 : i32
        %broadcast_in_dim3A_910 = vector.broadcast %broadcast_in_dim3A : i32 to vector<16xi32>
        %add3A_911 = vector.broadcast %add3A_909 : i32 to vector<16xi32>
        %add3A_912 = arith.addi %broadcast_in_dim3A_910, %add3A_911 : vector<16xi32>
        %get3A = arith.index_cast %add3A_909 : i32 to index
        %get3A_913 = arith.constant 0 : index
        %get3A_914 = tpu.vector_load %arg7[%get3A, %get3A_913] {strides = array<i32>} : memref<128x64xf32, #tpu.memory_space<vmem>>, vector<16xf32>,
        tpu.vector_store_idx %arg11[%add3A_3, %add3A_912], %get3A_914 : memref<64x129xf32, #tpu.memory_space<vmem>>[vector<16xi32>, vector<16xi32>], vector<16xf32>,
        %get3A_915 = arith.index_cast %add3A_909 : i32 to index
        %get3A_916 = arith.constant 16 : index
        %get3A_917 = tpu.vector_load %arg7[%get3A_915, %get3A_916] {strides = array<i32>} : memref<128x64xf32, #tpu.memory_space<vmem>>, vector<16xf32>,
        tpu.vector_store_idx %arg11[%add3A_6, %add3A_912], %get3A_917 : memref<64x129xf32, #tpu.memory_space<vmem>>[vector<16xi32>, vector<16xi32>], vector<16xf32>,
        %get3A_918 = arith.index_cast %add3A_909 : i32 to index
        %get3A_919 = arith.constant 32 : index
        %get3A_920 = tpu.vector_load %arg7[%get3A_918, %get3A_919] {strides = array<i32>} : memref<128x64xf32, #tpu.memory_space<vmem>>, vector<16xf32>,
        tpu.vector_store_idx %arg11[%add3A_9, %add3A_912], %get3A_920 : memref<64x129xf32, #tpu.memory_space<vmem>>[vector<16xi32>, vector<16xi32>], vector<16xf32>,
        %get3A_921 = arith.index_cast %add3A_909 : i32 to index
        %get3A_922 = arith.constant 48 : index
        %get3A_923 = tpu.vector_load %arg7[%get3A_921, %get3A_922] {strides = array<i32>} : memref<128x64xf32, #tpu.memory_space<vmem>>, vector<16xf32>,
        tpu.vector_store_idx %arg11[%add3A_12, %add3A_912], %get3A_923 : memref<64x129xf32, #tpu.memory_space<vmem>>[vector<16xi32>, vector<16xi32>], vector<16xf32>,
        %mul3A_924 = arith.constant 8 : i32
        %mul3A_925 = arith.muli %mul3A_924, %scan3A_905 : i32
        %add3A_926 = arith.constant 1 : i32
        %add3A_927 = arith.addi %mul3A_925, %add3A_926 : i32
        %broadcast_in_dim3A_928 = arith.constant 0 : i32
        %broadcast_in_dim3A_929 = vector.broadcast %broadcast_in_dim3A_928 : i32 to vector<16xi32>
        %add3A_930 = vector.broadcast %add3A_927 : i32 to vector<16xi32>
        %add3A_931 = arith.addi %broadcast_in_dim3A_929, %add3A_930 : vector<16xi32>
        %get3A_932 = arith.index_cast %add3A_927 : i32 to index
        %get3A_933 = arith.constant 0 : index
        %get3A_934 = tpu.vector_load %arg7[%get3A_932, %get3A_933] {strides = array<i32>} : memref<128x64xf32, #tpu.memory_space<vmem>>, vector<16xf32>,
        tpu.vector_store_idx %arg11[%add3A_3, %add3A_931], %get3A_934 : memref<64x129xf32, #tpu.memory_space<vmem>>[vector<16xi32>, vector<16xi32>], vector<16xf32>,
        %get3A_935 = arith.index_cast %add3A_927 : i32 to index
        %get3A_936 = arith.constant 16 : index
        %get3A_937 = tpu.vector_load %arg7[%get3A_935, %get3A_936] {strides = array<i32>} : memref<128x64xf32, #tpu.memory_space<vmem>>, vector<16xf32>,
        tpu.vector_store_idx %arg11[%add3A_6, %add3A_931], %get3A_937 : memref<64x129xf32, #tpu.memory_space<vmem>>[vector<16xi32>, vector<16xi32>], vector<16xf32>,
        %get3A_938 = arith.index_cast %add3A_927 : i32 to index
        %get3A_939 = arith.constant 32 : index
        %get3A_940 = tpu.vector_load %arg7[%get3A_938, %get3A_939] {strides = array<i32>} : memref<128x64xf32, #tpu.memory_space<vmem>>, vector<16xf32>,
        tpu.vector_store_idx %arg11[%add3A_9, %add3A_931], %get3A_940 : memref<64x129xf32, #tpu.memory_space<vmem>>[vector<16xi32>, vector<16xi32>], vector<16xf32>,
        %get3A_941 = arith.index_cast %add3A_927 : i32 to index
        %get3A_942 = arith.constant 48 : index
        %get3A_943 = tpu.vector_load %arg7[%get3A_941, %get3A_942] {strides = array<i32>} : memref<128x64xf32, #tpu.memory_space<vmem>>, vector<16xf32>,
        tpu.vector_store_idx %arg11[%add3A_12, %add3A_931], %get3A_943 : memref<64x129xf32, #tpu.memory_space<vmem>>[vector<16xi32>, vector<16xi32>], vector<16xf32>,
        %mul3A_944 = arith.constant 8 : i32
        %mul3A_945 = arith.muli %mul3A_944, %scan3A_905 : i32
        %add3A_946 = arith.constant 2 : i32
        %add3A_947 = arith.addi %mul3A_945, %add3A_946 : i32
        %broadcast_in_dim3A_948 = arith.constant 0 : i32
        %broadcast_in_dim3A_949 = vector.broadcast %broadcast_in_dim3A_948 : i32 to vector<16xi32>
        %add3A_950 = vector.broadcast %add3A_947 : i32 to vector<16xi32>
        %add3A_951 = arith.addi %broadcast_in_dim3A_949, %add3A_950 : vector<16xi32>
        %get3A_952 = arith.index_cast %add3A_947 : i32 to index
        %get3A_953 = arith.constant 0 : index
        %get3A_954 = tpu.vector_load %arg7[%get3A_952, %get3A_953] {strides = array<i32>} : memref<128x64xf32, #tpu.memory_space<vmem>>, vector<16xf32>,
        tpu.vector_store_idx %arg11[%add3A_3, %add3A_951], %get3A_954 : memref<64x129xf32, #tpu.memory_space<vmem>>[vector<16xi32>, vector<16xi32>], vector<16xf32>,
        %get3A_955 = arith.index_cast %add3A_947 : i32 to index
        %get3A_956 = arith.constant 16 : index
        %get3A_957 = tpu.vector_load %arg7[%get3A_955, %get3A_956] {strides = array<i32>} : memref<128x64xf32, #tpu.memory_space<vmem>>, vector<16xf32>,
        tpu.vector_store_idx %arg11[%add3A_6, %add3A_951], %get3A_957 : memref<64x129xf32, #tpu.memory_space<vmem>>[vector<16xi32>, vector<16xi32>], vector<16xf32>,
        %get3A_958 = arith.index_cast %add3A_947 : i32 to index
        %get3A_959 = arith.constant 32 : index
        %get3A_960 = tpu.vector_load %arg7[%get3A_958, %get3A_959] {strides = array<i32>} : memref<128x64xf32, #tpu.memory_space<vmem>>, vector<16xf32>,
        tpu.vector_store_idx %arg11[%add3A_9, %add3A_951], %get3A_960 : memref<64x129xf32, #tpu.memory_space<vmem>>[vector<16xi32>, vector<16xi32>], vector<16xf32>,
        %get3A_961 = arith.index_cast %add3A_947 : i32 to index
        %get3A_962 = arith.constant 48 : index
        %get3A_963 = tpu.vector_load %arg7[%get3A_961, %get3A_962] {strides = array<i32>} : memref<128x64xf32, #tpu.memory_space<vmem>>, vector<16xf32>,
        tpu.vector_store_idx %arg11[%add3A_12, %add3A_951], %get3A_963 : memref<64x129xf32, #tpu.memory_space<vmem>>[vector<16xi32>, vector<16xi32>], vector<16xf32>,
        %mul3A_964 = arith.constant 8 : i32
        %mul3A_965 = arith.muli %mul3A_964, %scan3A_905 : i32
        %add3A_966 = arith.constant 3 : i32
        %add3A_967 = arith.addi %mul3A_965, %add3A_966 : i32
        %broadcast_in_dim3A_968 = arith.constant 0 : i32
        %broadcast_in_dim3A_969 = vector.broadcast %broadcast_in_dim3A_968 : i32 to vector<16xi32>
        %add3A_970 = vector.broadcast %add3A_967 : i32 to vector<16xi32>
        %add3A_971 = arith.addi %broadcast_in_dim3A_969, %add3A_970 : vector<16xi32>
        %get3A_972 = arith.index_cast %add3A_967 : i32 to index
        %get3A_973 = arith.constant 0 : index
        %get3A_974 = tpu.vector_load %arg7[%get3A_972, %get3A_973] {strides = array<i32>} : memref<128x64xf32, #tpu.memory_space<vmem>>, vector<16xf32>,
        tpu.vector_store_idx %arg11[%add3A_3, %add3A_971], %get3A_974 : memref<64x129xf32, #tpu.memory_space<vmem>>[vector<16xi32>, vector<16xi32>], vector<16xf32>,
        %get3A_975 = arith.index_cast %add3A_967 : i32 to index
        %get3A_976 = arith.constant 16 : index
        %get3A_977 = tpu.vector_load %arg7[%get3A_975, %get3A_976] {strides = array<i32>} : memref<128x64xf32, #tpu.memory_space<vmem>>, vector<16xf32>,
        tpu.vector_store_idx %arg11[%add3A_6, %add3A_971], %get3A_977 : memref<64x129xf32, #tpu.memory_space<vmem>>[vector<16xi32>, vector<16xi32>], vector<16xf32>,
        %get3A_978 = arith.index_cast %add3A_967 : i32 to index
        %get3A_979 = arith.constant 32 : index
        %get3A_980 = tpu.vector_load %arg7[%get3A_978, %get3A_979] {strides = array<i32>} : memref<128x64xf32, #tpu.memory_space<vmem>>, vector<16xf32>,
        tpu.vector_store_idx %arg11[%add3A_9, %add3A_971], %get3A_980 : memref<64x129xf32, #tpu.memory_space<vmem>>[vector<16xi32>, vector<16xi32>], vector<16xf32>,
        %get3A_981 = arith.index_cast %add3A_967 : i32 to index
        %get3A_982 = arith.constant 48 : index
        %get3A_983 = tpu.vector_load %arg7[%get3A_981, %get3A_982] {strides = array<i32>} : memref<128x64xf32, #tpu.memory_space<vmem>>, vector<16xf32>,
        tpu.vector_store_idx %arg11[%add3A_12, %add3A_971], %get3A_983 : memref<64x129xf32, #tpu.memory_space<vmem>>[vector<16xi32>, vector<16xi32>], vector<16xf32>,
        %mul3A_984 = arith.constant 8 : i32
        %mul3A_985 = arith.muli %mul3A_984, %scan3A_905 : i32
        %add3A_986 = arith.constant 4 : i32
        %add3A_987 = arith.addi %mul3A_985, %add3A_986 : i32
        %broadcast_in_dim3A_988 = arith.constant 0 : i32
        %broadcast_in_dim3A_989 = vector.broadcast %broadcast_in_dim3A_988 : i32 to vector<16xi32>
        %add3A_990 = vector.broadcast %add3A_987 : i32 to vector<16xi32>
        %add3A_991 = arith.addi %broadcast_in_dim3A_989, %add3A_990 : vector<16xi32>
        %get3A_992 = arith.index_cast %add3A_987 : i32 to index
        %get3A_993 = arith.constant 0 : index
        %get3A_994 = tpu.vector_load %arg7[%get3A_992, %get3A_993] {strides = array<i32>} : memref<128x64xf32, #tpu.memory_space<vmem>>, vector<16xf32>,
        tpu.vector_store_idx %arg11[%add3A_3, %add3A_991], %get3A_994 : memref<64x129xf32, #tpu.memory_space<vmem>>[vector<16xi32>, vector<16xi32>], vector<16xf32>,
        %get3A_995 = arith.index_cast %add3A_987 : i32 to index
        %get3A_996 = arith.constant 16 : index
        %get3A_997 = tpu.vector_load %arg7[%get3A_995, %get3A_996] {strides = array<i32>} : memref<128x64xf32, #tpu.memory_space<vmem>>, vector<16xf32>,
        tpu.vector_store_idx %arg11[%add3A_6, %add3A_991], %get3A_997 : memref<64x129xf32, #tpu.memory_space<vmem>>[vector<16xi32>, vector<16xi32>], vector<16xf32>,
        %get3A_998 = arith.index_cast %add3A_987 : i32 to index
        %get3A_999 = arith.constant 32 : index
        %get3A_1000 = tpu.vector_load %arg7[%get3A_998, %get3A_999] {strides = array<i32>} : memref<128x64xf32, #tpu.memory_space<vmem>>, vector<16xf32>,
        tpu.vector_store_idx %arg11[%add3A_9, %add3A_991], %get3A_1000 : memref<64x129xf32, #tpu.memory_space<vmem>>[vector<16xi32>, vector<16xi32>], vector<16xf32>,
        %get3A_1001 = arith.index_cast %add3A_987 : i32 to index
        %get3A_1002 = arith.constant 48 : index
        %get3A_1003 = tpu.vector_load %arg7[%get3A_1001, %get3A_1002] {strides = array<i32>} : memref<128x64xf32, #tpu.memory_space<vmem>>, vector<16xf32>,
        tpu.vector_store_idx %arg11[%add3A_12, %add3A_991], %get3A_1003 : memref<64x129xf32, #tpu.memory_space<vmem>>[vector<16xi32>, vector<16xi32>], vector<16xf32>,
        %mul3A_1004 = arith.constant 8 : i32
        %mul3A_1005 = arith.muli %mul3A_1004, %scan3A_905 : i32
        %add3A_1006 = arith.constant 5 : i32
        %add3A_1007 = arith.addi %mul3A_1005, %add3A_1006 : i32
        %broadcast_in_dim3A_1008 = arith.constant 0 : i32
        %broadcast_in_dim3A_1009 = vector.broadcast %broadcast_in_dim3A_1008 : i32 to vector<16xi32>
        %add3A_1010 = vector.broadcast %add3A_1007 : i32 to vector<16xi32>
        %add3A_1011 = arith.addi %broadcast_in_dim3A_1009, %add3A_1010 : vector<16xi32>
        %get3A_1012 = arith.index_cast %add3A_1007 : i32 to index
        %get3A_1013 = arith.constant 0 : index
        %get3A_1014 = tpu.vector_load %arg7[%get3A_1012, %get3A_1013] {strides = array<i32>} : memref<128x64xf32, #tpu.memory_space<vmem>>, vector<16xf32>,
        tpu.vector_store_idx %arg11[%add3A_3, %add3A_1011], %get3A_1014 : memref<64x129xf32, #tpu.memory_space<vmem>>[vector<16xi32>, vector<16xi32>], vector<16xf32>,
        %get3A_1015 = arith.index_cast %add3A_1007 : i32 to index
        %get3A_1016 = arith.constant 16 : index
        %get3A_1017 = tpu.vector_load %arg7[%get3A_1015, %get3A_1016] {strides = array<i32>} : memref<128x64xf32, #tpu.memory_space<vmem>>, vector<16xf32>,
        tpu.vector_store_idx %arg11[%add3A_6, %add3A_1011], %get3A_1017 : memref<64x129xf32, #tpu.memory_space<vmem>>[vector<16xi32>, vector<16xi32>], vector<16xf32>,
        %get3A_1018 = arith.index_cast %add3A_1007 : i32 to index
        %get3A_1019 = arith.constant 32 : index
        %get3A_1020 = tpu.vector_load %arg7[%get3A_1018, %get3A_1019] {strides = array<i32>} : memref<128x64xf32, #tpu.memory_space<vmem>>, vector<16xf32>,
        tpu.vector_store_idx %arg11[%add3A_9, %add3A_1011], %get3A_1020 : memref<64x129xf32, #tpu.memory_space<vmem>>[vector<16xi32>, vector<16xi32>], vector<16xf32>,
        %get3A_1021 = arith.index_cast %add3A_1007 : i32 to index
        %get3A_1022 = arith.constant 48 : index
        %get3A_1023 = tpu.vector_load %arg7[%get3A_1021, %get3A_1022] {strides = array<i32>} : memref<128x64xf32, #tpu.memory_space<vmem>>, vector<16xf32>,
        tpu.vector_store_idx %arg11[%add3A_12, %add3A_1011], %get3A_1023 : memref<64x129xf32, #tpu.memory_space<vmem>>[vector<16xi32>, vector<16xi32>], vector<16xf32>,
        %mul3A_1024 = arith.constant 8 : i32
        %mul3A_1025 = arith.muli %mul3A_1024, %scan3A_905 : i32
        %add3A_1026 = arith.constant 6 : i32
        %add3A_1027 = arith.addi %mul3A_1025, %add3A_1026 : i32
        %broadcast_in_dim3A_1028 = arith.constant 0 : i32
        %broadcast_in_dim3A_1029 = vector.broadcast %broadcast_in_dim3A_1028 : i32 to vector<16xi32>
        %add3A_1030 = vector.broadcast %add3A_1027 : i32 to vector<16xi32>
        %add3A_1031 = arith.addi %broadcast_in_dim3A_1029, %add3A_1030 : vector<16xi32>
        %get3A_1032 = arith.index_cast %add3A_1027 : i32 to index
        %get3A_1033 = arith.constant 0 : index
        %get3A_1034 = tpu.vector_load %arg7[%get3A_1032, %get3A_1033] {strides = array<i32>} : memref<128x64xf32, #tpu.memory_space<vmem>>, vector<16xf32>,
        tpu.vector_store_idx %arg11[%add3A_3, %add3A_1031], %get3A_1034 : memref<64x129xf32, #tpu.memory_space<vmem>>[vector<16xi32>, vector<16xi32>], vector<16xf32>,
        %get3A_1035 = arith.index_cast %add3A_1027 : i32 to index
        %get3A_1036 = arith.constant 16 : index
        %get3A_1037 = tpu.vector_load %arg7[%get3A_1035, %get3A_1036] {strides = array<i32>} : memref<128x64xf32, #tpu.memory_space<vmem>>, vector<16xf32>,
        tpu.vector_store_idx %arg11[%add3A_6, %add3A_1031], %get3A_1037 : memref<64x129xf32, #tpu.memory_space<vmem>>[vector<16xi32>, vector<16xi32>], vector<16xf32>,
        %get3A_1038 = arith.index_cast %add3A_1027 : i32 to index
        %get3A_1039 = arith.constant 32 : index
        %get3A_1040 = tpu.vector_load %arg7[%get3A_1038, %get3A_1039] {strides = array<i32>} : memref<128x64xf32, #tpu.memory_space<vmem>>, vector<16xf32>,
        tpu.vector_store_idx %arg11[%add3A_9, %add3A_1031], %get3A_1040 : memref<64x129xf32, #tpu.memory_space<vmem>>[vector<16xi32>, vector<16xi32>], vector<16xf32>,
        %get3A_1041 = arith.index_cast %add3A_1027 : i32 to index
        %get3A_1042 = arith.constant 48 : index
        %get3A_1043 = tpu.vector_load %arg7[%get3A_1041, %get3A_1042] {strides = array<i32>} : memref<128x64xf32, #tpu.memory_space<vmem>>, vector<16xf32>,
        tpu.vector_store_idx %arg11[%add3A_12, %add3A_1031], %get3A_1043 : memref<64x129xf32, #tpu.memory_space<vmem>>[vector<16xi32>, vector<16xi32>], vector<16xf32>,
        %mul3A_1044 = arith.constant 8 : i32
        %mul3A_1045 = arith.muli %mul3A_1044, %scan3A_905 : i32
        %add3A_1046 = arith.constant 7 : i32
        %add3A_1047 = arith.addi %mul3A_1045, %add3A_1046 : i32
        %broadcast_in_dim3A_1048 = arith.constant 0 : i32
        %broadcast_in_dim3A_1049 = vector.broadcast %broadcast_in_dim3A_1048 : i32 to vector<16xi32>
        %add3A_1050 = vector.broadcast %add3A_1047 : i32 to vector<16xi32>
        %add3A_1051 = arith.addi %broadcast_in_dim3A_1049, %add3A_1050 : vector<16xi32>
        %get3A_1052 = arith.index_cast %add3A_1047 : i32 to index
        %get3A_1053 = arith.constant 0 : index
        %get3A_1054 = tpu.vector_load %arg7[%get3A_1052, %get3A_1053] {strides = array<i32>} : memref<128x64xf32, #tpu.memory_space<vmem>>, vector<16xf32>,
        tpu.vector_store_idx %arg11[%add3A_3, %add3A_1051], %get3A_1054 : memref<64x129xf32, #tpu.memory_space<vmem>>[vector<16xi32>, vector<16xi32>], vector<16xf32>,
        %get3A_1055 = arith.index_cast %add3A_1047 : i32 to index
        %get3A_1056 = arith.constant 16 : index
        %get3A_1057 = tpu.vector_load %arg7[%get3A_1055, %get3A_1056] {strides = array<i32>} : memref<128x64xf32, #tpu.memory_space<vmem>>, vector<16xf32>,
        tpu.vector_store_idx %arg11[%add3A_6, %add3A_1051], %get3A_1057 : memref<64x129xf32, #tpu.memory_space<vmem>>[vector<16xi32>, vector<16xi32>], vector<16xf32>,
        %get3A_1058 = arith.index_cast %add3A_1047 : i32 to index
        %get3A_1059 = arith.constant 32 : index
        %get3A_1060 = tpu.vector_load %arg7[%get3A_1058, %get3A_1059] {strides = array<i32>} : memref<128x64xf32, #tpu.memory_space<vmem>>, vector<16xf32>,
        tpu.vector_store_idx %arg11[%add3A_9, %add3A_1051], %get3A_1060 : memref<64x129xf32, #tpu.memory_space<vmem>>[vector<16xi32>, vector<16xi32>], vector<16xf32>,
        %get3A_1061 = arith.index_cast %add3A_1047 : i32 to index
        %get3A_1062 = arith.constant 48 : index
        %get3A_1063 = tpu.vector_load %arg7[%get3A_1061, %get3A_1062] {strides = array<i32>} : memref<128x64xf32, #tpu.memory_space<vmem>>, vector<16xf32>,
        tpu.vector_store_idx %arg11[%add3A_12, %add3A_1051], %get3A_1063 : memref<64x129xf32, #tpu.memory_space<vmem>>[vector<16xi32>, vector<16xi32>], vector<16xf32>,
      }
      %scan3A_481 = arith.constant 16 : i32
      %dma_start3A_482 = arith.constant 0 : i32
      %dma_start3A_483 = arith.constant 0 : i32
      %dma_start3A_484 = arith.constant 0 : i32
      %dma_start3A_485 = tpu.memref_slice %arg11[%dma_start3A_483, %dma_start3A_484] : memref<64x129xf32, #tpu.memory_space<vmem>> -> memref<8x128xf32, #tpu.memory_space<vmem>>
      %dma_start3A_486 = arith.constant 0 : i32
      %dma_start3A_487 = arith.constant 0 : i32
      %dma_start3A_488 = tpu.memref_slice %arg4[%add3A_464, %dma_start3A_482, %add3A, %dma_start3A_486, %dma_start3A_487] : memref<200x8x32x8x128xf32, #tpu.memory_space<hbm>> -> memref<1x1x1x8x128xf32, #tpu.memory_space<hbm>>
      %dma_start3A_489 = tpu.memref_squeeze %dma_start3A_488 : memref<1x1x1x8x128xf32, #tpu.memory_space<hbm>> -> memref<8x128xf32, #tpu.memory_space<hbm>>
      %dma_start3A_490 = arith.constant 0 : i32
      %dma_start3A_491 = arith.constant 0 : i32
      %dma_start3A_492 = tpu.memref_slice %arg4[%add3A_464, %dma_start3A_482, %add3A, %dma_start3A_490, %dma_start3A_491] : memref<200x8x32x8x128xf32, #tpu.memory_space<hbm>> -> memref<1x1x1x8x128xf32, #tpu.memory_space<hbm>>
      %dma_start3A_493 = tpu.memref_squeeze %dma_start3A_492 : memref<1x1x1x8x128xf32, #tpu.memory_space<hbm>> -> memref<8x128xf32, #tpu.memory_space<hbm>>
      %dma_start3A_494 = arith.constant 0 : i32
      %dma_start3A_495 = arith.constant 0 : i32
      %dma_start3A_496 = tpu.memref_slice %arg11[%dma_start3A_494, %dma_start3A_495] : memref<64x129xf32, #tpu.memory_space<vmem>> -> memref<8x128xf32, #tpu.memory_space<vmem>>
      tpu.enqueue_dma source(%dma_start3A_496 : memref<8x128xf32, #tpu.memory_space<vmem>>) target(%dma_start3A_493 : memref<8x128xf32, #tpu.memory_space<hbm>>) target_semaphore(%arg17 : memref<!tpu.dma_semaphore, #tpu.memory_space<semaphore_mem>>)
      %dma_start3A_497 = arith.constant 1 : i32
      %dma_start3A_498 = arith.constant 8 : i32
      %dma_start3A_499 = arith.constant 0 : i32
      %dma_start3A_500 = tpu.memref_slice %arg11[%dma_start3A_498, %dma_start3A_499] : memref<64x129xf32, #tpu.memory_space<vmem>> -> memref<8x128xf32, #tpu.memory_space<vmem>>
      %dma_start3A_501 = arith.constant 0 : i32
      %dma_start3A_502 = arith.constant 0 : i32
      %dma_start3A_503 = tpu.memref_slice %arg4[%add3A_464, %dma_start3A_497, %add3A, %dma_start3A_501, %dma_start3A_502] : memref<200x8x32x8x128xf32, #tpu.memory_space<hbm>> -> memref<1x1x1x8x128xf32, #tpu.memory_space<hbm>>
      %dma_start3A_504 = tpu.memref_squeeze %dma_start3A_503 : memref<1x1x1x8x128xf32, #tpu.memory_space<hbm>> -> memref<8x128xf32, #tpu.memory_space<hbm>>
      %dma_start3A_505 = arith.constant 0 : i32
      %dma_start3A_506 = arith.constant 0 : i32
      %dma_start3A_507 = tpu.memref_slice %arg4[%add3A_464, %dma_start3A_497, %add3A, %dma_start3A_505, %dma_start3A_506] : memref<200x8x32x8x128xf32, #tpu.memory_space<hbm>> -> memref<1x1x1x8x128xf32, #tpu.memory_space<hbm>>
      %dma_start3A_508 = tpu.memref_squeeze %dma_start3A_507 : memref<1x1x1x8x128xf32, #tpu.memory_space<hbm>> -> memref<8x128xf32, #tpu.memory_space<hbm>>
      %dma_start3A_509 = arith.constant 8 : i32
      %dma_start3A_510 = arith.constant 0 : i32
      %dma_start3A_511 = tpu.memref_slice %arg11[%dma_start3A_509, %dma_start3A_510] : memref<64x129xf32, #tpu.memory_space<vmem>> -> memref<8x128xf32, #tpu.memory_space<vmem>>
      tpu.enqueue_dma source(%dma_start3A_511 : memref<8x128xf32, #tpu.memory_space<vmem>>) target(%dma_start3A_508 : memref<8x128xf32, #tpu.memory_space<hbm>>) target_semaphore(%arg17 : memref<!tpu.dma_semaphore, #tpu.memory_space<semaphore_mem>>)
      %dma_start3A_512 = arith.constant 2 : i32
      %dma_start3A_513 = arith.constant 16 : i32
      %dma_start3A_514 = arith.constant 0 : i32
      %dma_start3A_515 = tpu.memref_slice %arg11[%dma_start3A_513, %dma_start3A_514] : memref<64x129xf32, #tpu.memory_space<vmem>> -> memref<8x128xf32, #tpu.memory_space<vmem>>
      %dma_start3A_516 = arith.constant 0 : i32
      %dma_start3A_517 = arith.constant 0 : i32
      %dma_start3A_518 = tpu.memref_slice %arg4[%add3A_464, %dma_start3A_512, %add3A, %dma_start3A_516, %dma_start3A_517] : memref<200x8x32x8x128xf32, #tpu.memory_space<hbm>> -> memref<1x1x1x8x128xf32, #tpu.memory_space<hbm>>
      %dma_start3A_519 = tpu.memref_squeeze %dma_start3A_518 : memref<1x1x1x8x128xf32, #tpu.memory_space<hbm>> -> memref<8x128xf32, #tpu.memory_space<hbm>>
      %dma_start3A_520 = arith.constant 0 : i32
      %dma_start3A_521 = arith.constant 0 : i32
      %dma_start3A_522 = tpu.memref_slice %arg4[%add3A_464, %dma_start3A_512, %add3A, %dma_start3A_520, %dma_start3A_521] : memref<200x8x32x8x128xf32, #tpu.memory_space<hbm>> -> memref<1x1x1x8x128xf32, #tpu.memory_space<hbm>>
      %dma_start3A_523 = tpu.memref_squeeze %dma_start3A_522 : memref<1x1x1x8x128xf32, #tpu.memory_space<hbm>> -> memref<8x128xf32, #tpu.memory_space<hbm>>
      %dma_start3A_524 = arith.constant 16 : i32
      %dma_start3A_525 = arith.constant 0 : i32
      %dma_start3A_526 = tpu.memref_slice %arg11[%dma_start3A_524, %dma_start3A_525] : memref<64x129xf32, #tpu.memory_space<vmem>> -> memref<8x128xf32, #tpu.memory_space<vmem>>
      tpu.enqueue_dma source(%dma_start3A_526 : memref<8x128xf32, #tpu.memory_space<vmem>>) target(%dma_start3A_523 : memref<8x128xf32, #tpu.memory_space<hbm>>) target_semaphore(%arg17 : memref<!tpu.dma_semaphore, #tpu.memory_space<semaphore_mem>>)
      %dma_start3A_527 = arith.constant 3 : i32
      %dma_start3A_528 = arith.constant 24 : i32
      %dma_start3A_529 = arith.constant 0 : i32
      %dma_start3A_530 = tpu.memref_slice %arg11[%dma_start3A_528, %dma_start3A_529] : memref<64x129xf32, #tpu.memory_space<vmem>> -> memref<8x128xf32, #tpu.memory_space<vmem>>
      %dma_start3A_531 = arith.constant 0 : i32
      %dma_start3A_532 = arith.constant 0 : i32
      %dma_start3A_533 = tpu.memref_slice %arg4[%add3A_464, %dma_start3A_527, %add3A, %dma_start3A_531, %dma_start3A_532] : memref<200x8x32x8x128xf32, #tpu.memory_space<hbm>> -> memref<1x1x1x8x128xf32, #tpu.memory_space<hbm>>
      %dma_start3A_534 = tpu.memref_squeeze %dma_start3A_533 : memref<1x1x1x8x128xf32, #tpu.memory_space<hbm>> -> memref<8x128xf32, #tpu.memory_space<hbm>>
      %dma_start3A_535 = arith.constant 0 : i32
      %dma_start3A_536 = arith.constant 0 : i32
      %dma_start3A_537 = tpu.memref_slice %arg4[%add3A_464, %dma_start3A_527, %add3A, %dma_start3A_535, %dma_start3A_536] : memref<200x8x32x8x128xf32, #tpu.memory_space<hbm>> -> memref<1x1x1x8x128xf32, #tpu.memory_space<hbm>>
      %dma_start3A_538 = tpu.memref_squeeze %dma_start3A_537 : memref<1x1x1x8x128xf32, #tpu.memory_space<hbm>> -> memref<8x128xf32, #tpu.memory_space<hbm>>
      %dma_start3A_539 = arith.constant 24 : i32
      %dma_start3A_540 = arith.constant 0 : i32
      %dma_start3A_541 = tpu.memref_slice %arg11[%dma_start3A_539, %dma_start3A_540] : memref<64x129xf32, #tpu.memory_space<vmem>> -> memref<8x128xf32, #tpu.memory_space<vmem>>
      tpu.enqueue_dma source(%dma_start3A_541 : memref<8x128xf32, #tpu.memory_space<vmem>>) target(%dma_start3A_538 : memref<8x128xf32, #tpu.memory_space<hbm>>) target_semaphore(%arg17 : memref<!tpu.dma_semaphore, #tpu.memory_space<semaphore_mem>>)
      %dma_start3A_542 = arith.constant 4 : i32
      %dma_start3A_543 = arith.constant 32 : i32
      %dma_start3A_544 = arith.constant 0 : i32
      %dma_start3A_545 = tpu.memref_slice %arg11[%dma_start3A_543, %dma_start3A_544] : memref<64x129xf32, #tpu.memory_space<vmem>> -> memref<8x128xf32, #tpu.memory_space<vmem>>
      %dma_start3A_546 = arith.constant 0 : i32
      %dma_start3A_547 = arith.constant 0 : i32
      %dma_start3A_548 = tpu.memref_slice %arg4[%add3A_464, %dma_start3A_542, %add3A, %dma_start3A_546, %dma_start3A_547] : memref<200x8x32x8x128xf32, #tpu.memory_space<hbm>> -> memref<1x1x1x8x128xf32, #tpu.memory_space<hbm>>
      %dma_start3A_549 = tpu.memref_squeeze %dma_start3A_548 : memref<1x1x1x8x128xf32, #tpu.memory_space<hbm>> -> memref<8x128xf32, #tpu.memory_space<hbm>>
      %dma_start3A_550 = arith.constant 0 : i32
      %dma_start3A_551 = arith.constant 0 : i32
      %dma_start3A_552 = tpu.memref_slice %arg4[%add3A_464, %dma_start3A_542, %add3A, %dma_start3A_550, %dma_start3A_551] : memref<200x8x32x8x128xf32, #tpu.memory_space<hbm>> -> memref<1x1x1x8x128xf32, #tpu.memory_space<hbm>>
      %dma_start3A_553 = tpu.memref_squeeze %dma_start3A_552 : memref<1x1x1x8x128xf32, #tpu.memory_space<hbm>> -> memref<8x128xf32, #tpu.memory_space<hbm>>
      %dma_start3A_554 = arith.constant 32 : i32
      %dma_start3A_555 = arith.constant 0 : i32
      %dma_start3A_556 = tpu.memref_slice %arg11[%dma_start3A_554, %dma_start3A_555] : memref<64x129xf32, #tpu.memory_space<vmem>> -> memref<8x128xf32, #tpu.memory_space<vmem>>
      tpu.enqueue_dma source(%dma_start3A_556 : memref<8x128xf32, #tpu.memory_space<vmem>>) target(%dma_start3A_553 : memref<8x128xf32, #tpu.memory_space<hbm>>) target_semaphore(%arg17 : memref<!tpu.dma_semaphore, #tpu.memory_space<semaphore_mem>>)
      %dma_start3A_557 = arith.constant 5 : i32
      %dma_start3A_558 = arith.constant 40 : i32
      %dma_start3A_559 = arith.constant 0 : i32
      %dma_start3A_560 = tpu.memref_slice %arg11[%dma_start3A_558, %dma_start3A_559] : memref<64x129xf32, #tpu.memory_space<vmem>> -> memref<8x128xf32, #tpu.memory_space<vmem>>
      %dma_start3A_561 = arith.constant 0 : i32
      %dma_start3A_562 = arith.constant 0 : i32
      %dma_start3A_563 = tpu.memref_slice %arg4[%add3A_464, %dma_start3A_557, %add3A, %dma_start3A_561, %dma_start3A_562] : memref<200x8x32x8x128xf32, #tpu.memory_space<hbm>> -> memref<1x1x1x8x128xf32, #tpu.memory_space<hbm>>
      %dma_start3A_564 = tpu.memref_squeeze %dma_start3A_563 : memref<1x1x1x8x128xf32, #tpu.memory_space<hbm>> -> memref<8x128xf32, #tpu.memory_space<hbm>>
      %dma_start3A_565 = arith.constant 0 : i32
      %dma_start3A_566 = arith.constant 0 : i32
      %dma_start3A_567 = tpu.memref_slice %arg4[%add3A_464, %dma_start3A_557, %add3A, %dma_start3A_565, %dma_start3A_566] : memref<200x8x32x8x128xf32, #tpu.memory_space<hbm>> -> memref<1x1x1x8x128xf32, #tpu.memory_space<hbm>>
      %dma_start3A_568 = tpu.memref_squeeze %dma_start3A_567 : memref<1x1x1x8x128xf32, #tpu.memory_space<hbm>> -> memref<8x128xf32, #tpu.memory_space<hbm>>
      %dma_start3A_569 = arith.constant 40 : i32
      %dma_start3A_570 = arith.constant 0 : i32
      %dma_start3A_571 = tpu.memref_slice %arg11[%dma_start3A_569, %dma_start3A_570] : memref<64x129xf32, #tpu.memory_space<vmem>> -> memref<8x128xf32, #tpu.memory_space<vmem>>
      tpu.enqueue_dma source(%dma_start3A_571 : memref<8x128xf32, #tpu.memory_space<vmem>>) target(%dma_start3A_568 : memref<8x128xf32, #tpu.memory_space<hbm>>) target_semaphore(%arg17 : memref<!tpu.dma_semaphore, #tpu.memory_space<semaphore_mem>>)
      %dma_start3A_572 = arith.constant 6 : i32
      %dma_start3A_573 = arith.constant 48 : i32
      %dma_start3A_574 = arith.constant 0 : i32
      %dma_start3A_575 = tpu.memref_slice %arg11[%dma_start3A_573, %dma_start3A_574] : memref<64x129xf32, #tpu.memory_space<vmem>> -> memref<8x128xf32, #tpu.memory_space<vmem>>
      %dma_start3A_576 = arith.constant 0 : i32
      %dma_start3A_577 = arith.constant 0 : i32
      %dma_start3A_578 = tpu.memref_slice %arg4[%add3A_464, %dma_start3A_572, %add3A, %dma_start3A_576, %dma_start3A_577] : memref<200x8x32x8x128xf32, #tpu.memory_space<hbm>> -> memref<1x1x1x8x128xf32, #tpu.memory_space<hbm>>
      %dma_start3A_579 = tpu.memref_squeeze %dma_start3A_578 : memref<1x1x1x8x128xf32, #tpu.memory_space<hbm>> -> memref<8x128xf32, #tpu.memory_space<hbm>>
      %dma_start3A_580 = arith.constant 0 : i32
      %dma_start3A_581 = arith.constant 0 : i32
      %dma_start3A_582 = tpu.memref_slice %arg4[%add3A_464, %dma_start3A_572, %add3A, %dma_start3A_580, %dma_start3A_581] : memref<200x8x32x8x128xf32, #tpu.memory_space<hbm>> -> memref<1x1x1x8x128xf32, #tpu.memory_space<hbm>>
      %dma_start3A_583 = tpu.memref_squeeze %dma_start3A_582 : memref<1x1x1x8x128xf32, #tpu.memory_space<hbm>> -> memref<8x128xf32, #tpu.memory_space<hbm>>
      %dma_start3A_584 = arith.constant 48 : i32
      %dma_start3A_585 = arith.constant 0 : i32
      %dma_start3A_586 = tpu.memref_slice %arg11[%dma_start3A_584, %dma_start3A_585] : memref<64x129xf32, #tpu.memory_space<vmem>> -> memref<8x128xf32, #tpu.memory_space<vmem>>
      tpu.enqueue_dma source(%dma_start3A_586 : memref<8x128xf32, #tpu.memory_space<vmem>>) target(%dma_start3A_583 : memref<8x128xf32, #tpu.memory_space<hbm>>) target_semaphore(%arg17 : memref<!tpu.dma_semaphore, #tpu.memory_space<semaphore_mem>>)
      %dma_start3A_587 = arith.constant 7 : i32
      %dma_start3A_588 = arith.constant 56 : i32
      %dma_start3A_589 = arith.constant 0 : i32
      %dma_start3A_590 = tpu.memref_slice %arg11[%dma_start3A_588, %dma_start3A_589] : memref<64x129xf32, #tpu.memory_space<vmem>> -> memref<8x128xf32, #tpu.memory_space<vmem>>
      %dma_start3A_591 = arith.constant 0 : i32
      %dma_start3A_592 = arith.constant 0 : i32
      %dma_start3A_593 = tpu.memref_slice %arg4[%add3A_464, %dma_start3A_587, %add3A, %dma_start3A_591, %dma_start3A_592] : memref<200x8x32x8x128xf32, #tpu.memory_space<hbm>> -> memref<1x1x1x8x128xf32, #tpu.memory_space<hbm>>
      %dma_start3A_594 = tpu.memref_squeeze %dma_start3A_593 : memref<1x1x1x8x128xf32, #tpu.memory_space<hbm>> -> memref<8x128xf32, #tpu.memory_space<hbm>>
      %dma_start3A_595 = arith.constant 0 : i32
      %dma_start3A_596 = arith.constant 0 : i32
      %dma_start3A_597 = tpu.memref_slice %arg4[%add3A_464, %dma_start3A_587, %add3A, %dma_start3A_595, %dma_start3A_596] : memref<200x8x32x8x128xf32, #tpu.memory_space<hbm>> -> memref<1x1x1x8x128xf32, #tpu.memory_space<hbm>>
      %dma_start3A_598 = tpu.memref_squeeze %dma_start3A_597 : memref<1x1x1x8x128xf32, #tpu.memory_space<hbm>> -> memref<8x128xf32, #tpu.memory_space<hbm>>
      %dma_start3A_599 = arith.constant 56 : i32
      %dma_start3A_600 = arith.constant 0 : i32
      %dma_start3A_601 = tpu.memref_slice %arg11[%dma_start3A_599, %dma_start3A_600] : memref<64x129xf32, #tpu.memory_space<vmem>> -> memref<8x128xf32, #tpu.memory_space<vmem>>
      tpu.enqueue_dma source(%dma_start3A_601 : memref<8x128xf32, #tpu.memory_space<vmem>>) target(%dma_start3A_598 : memref<8x128xf32, #tpu.memory_space<hbm>>) target_semaphore(%arg17 : memref<!tpu.dma_semaphore, #tpu.memory_space<semaphore_mem>>)
      %add3A_602 = arith.constant 4 : i32
      %add3A_603 = arith.addi %add3A_464, %add3A_602 : i32
      %lt3A_604 = arith.constant 200 : i32
      %lt3A_605 = arith.cmpi slt, %add3A_603, %lt3A_604 : i32
      %convert_element_type3A_606 = arith.extui %lt3A_605 : i1 to i32
      %cond3A_607 = arith.constant 0 : i32
      %cond3A_608 = arith.cmpi ne, %convert_element_type3A_606, %cond3A_607 : i32
      scf.if %cond3A_608 {
        %add3A_905 = arith.constant 4 : i32
        %add3A_906 = arith.addi %add3A_464, %add3A_905 : i32
        %dma_start3A_907 = arith.constant 0 : i32
        %dma_start3A_908 = tpu.memref_slice %arg5[%add3A_906, %dma_start3A_907] : memref<200x128xi32, #tpu.memory_space<vmem>> -> memref<1x128xi32, #tpu.memory_space<vmem>>
        %dma_start3A_909 = tpu.memref_squeeze %dma_start3A_908 : memref<1x128xi32, #tpu.memory_space<vmem>> -> memref<128xi32, #tpu.memory_space<vmem>>
        %dma_start3A_910 = arith.constant 0 : i32
        %dma_start3A_911 = arith.constant 0 : i32
        %dma_start3A_912 = tpu.memref_slice %arg2[%dma_start3A_910, %dma_start3A_911] : memref<1000001x64xf32, #tpu.memory_space<hbm>> -> memref<1000001x64xf32, #tpu.memory_space<hbm>>
        tpu.enqueue_indirect_dma source(%dma_start3A_912 : memref<1000001x64xf32, #tpu.memory_space<hbm>>) target(%arg7 : memref<128x64xf32, #tpu.memory_space<vmem>>) offsets(%dma_start3A_909 : memref<128xi32, #tpu.memory_space<vmem>>) semaphore(%arg13 : memref<!tpu.dma_semaphore, #tpu.memory_space<semaphore_mem>>)
      } else {
      }
      %mul3A_609 = arith.constant 4 : i32
      %mul3A_610 = arith.muli %mul3A_609, %scan3A_316 : i32
      %add3A_611 = arith.constant 2 : i32
      %add3A_612 = arith.addi %mul3A_610, %add3A_611 : i32
      %dma_wait3A_613 = arith.constant 0 : i32
      %dma_wait3A_614 = arith.constant 0 : i32
      %dma_wait3A_615 = tpu.memref_slice %arg2[%dma_wait3A_613, %dma_wait3A_614] : memref<1000001x64xf32, #tpu.memory_space<hbm>> -> memref<128x64xf32, #tpu.memory_space<hbm>>
      %dma_wait3A_616 = arith.constant 0 : i32
      %dma_wait3A_617 = arith.constant 0 : i32
      %dma_wait3A_618 = tpu.memref_slice %arg2[%dma_wait3A_616, %dma_wait3A_617] : memref<1000001x64xf32, #tpu.memory_space<hbm>> -> memref<128x64xf32, #tpu.memory_space<hbm>>
      tpu.wait_dma2 semaphore(%arg14 : memref<!tpu.dma_semaphore, #tpu.memory_space<semaphore_mem>>) src(%dma_wait3A_618 : memref<128x64xf32, #tpu.memory_space<hbm>>) dst(%arg8 : memref<128x64xf32, #tpu.memory_space<vmem>>)
      %ge3A_619 = arith.constant 2 : i32
      %ge3A_620 = arith.cmpi sge, %add3A_612, %ge3A_619 : i32
      %convert_element_type3A_621 = arith.extui %ge3A_620 : i1 to i32
      %cond3A_622 = arith.constant 0 : i32
      %cond3A_623 = arith.cmpi ne, %convert_element_type3A_621, %cond3A_622 : i32
      scf.if %cond3A_623 {
        %dma_wait3A_905 = arith.constant 0 : i32
        %dma_wait3A_906 = arith.constant 0 : i32
        %dma_wait3A_907 = arith.constant 0 : i32
        %dma_wait3A_908 = arith.constant 0 : i32
        %dma_wait3A_909 = arith.constant 0 : i32
        %dma_wait3A_910 = tpu.memref_slice %arg10[%dma_wait3A_908, %dma_wait3A_909] : memref<64x129xf32, #tpu.memory_space<vmem>> -> memref<8x128xf32, #tpu.memory_space<vmem>>
        %dma_wait3A_911 = arith.constant 0 : i32
        %dma_wait3A_912 = arith.constant 0 : i32
        %dma_wait3A_913 = tpu.memref_slice %arg4[%dma_wait3A_905, %dma_wait3A_906, %dma_wait3A_907, %dma_wait3A_911, %dma_wait3A_912] : memref<200x8x32x8x128xf32, #tpu.memory_space<hbm>> -> memref<1x1x1x8x128xf32, #tpu.memory_space<hbm>>
        %dma_wait3A_914 = tpu.memref_squeeze %dma_wait3A_913 : memref<1x1x1x8x128xf32, #tpu.memory_space<hbm>> -> memref<8x128xf32, #tpu.memory_space<hbm>>
        %dma_wait3A_915 = arith.constant 0 : i32
        %dma_wait3A_916 = arith.constant 0 : i32
        %dma_wait3A_917 = tpu.memref_slice %arg10[%dma_wait3A_915, %dma_wait3A_916] : memref<64x129xf32, #tpu.memory_space<vmem>> -> memref<8x128xf32, #tpu.memory_space<vmem>>
        %dma_wait3A_918 = arith.constant 0 : i32
        %dma_wait3A_919 = arith.constant 0 : i32
        %dma_wait3A_920 = tpu.memref_slice %arg4[%dma_wait3A_905, %dma_wait3A_906, %dma_wait3A_907, %dma_wait3A_918, %dma_wait3A_919] : memref<200x8x32x8x128xf32, #tpu.memory_space<hbm>> -> memref<1x1x1x8x128xf32, #tpu.memory_space<hbm>>
        %dma_wait3A_921 = tpu.memref_squeeze %dma_wait3A_920 : memref<1x1x1x8x128xf32, #tpu.memory_space<hbm>> -> memref<8x128xf32, #tpu.memory_space<hbm>>
        tpu.wait_dma2 semaphore(%arg16 : memref<!tpu.dma_semaphore, #tpu.memory_space<semaphore_mem>>) src(%dma_wait3A_921 : memref<8x128xf32, #tpu.memory_space<hbm>>) dst(%dma_wait3A_917 : memref<8x128xf32, #tpu.memory_space<vmem>>)
        %dma_wait3A_922 = arith.constant 0 : i32
        %dma_wait3A_923 = arith.constant 0 : i32
        %dma_wait3A_924 = arith.constant 0 : i32
        %dma_wait3A_925 = arith.constant 8 : i32
        %dma_wait3A_926 = arith.constant 0 : i32
        %dma_wait3A_927 = tpu.memref_slice %arg10[%dma_wait3A_925, %dma_wait3A_926] : memref<64x129xf32, #tpu.memory_space<vmem>> -> memref<8x128xf32, #tpu.memory_space<vmem>>
        %dma_wait3A_928 = arith.constant 0 : i32
        %dma_wait3A_929 = arith.constant 0 : i32
        %dma_wait3A_930 = tpu.memref_slice %arg4[%dma_wait3A_922, %dma_wait3A_923, %dma_wait3A_924, %dma_wait3A_928, %dma_wait3A_929] : memref<200x8x32x8x128xf32, #tpu.memory_space<hbm>> -> memref<1x1x1x8x128xf32, #tpu.memory_space<hbm>>
        %dma_wait3A_931 = tpu.memref_squeeze %dma_wait3A_930 : memref<1x1x1x8x128xf32, #tpu.memory_space<hbm>> -> memref<8x128xf32, #tpu.memory_space<hbm>>
        %dma_wait3A_932 = arith.constant 8 : i32
        %dma_wait3A_933 = arith.constant 0 : i32
        %dma_wait3A_934 = tpu.memref_slice %arg10[%dma_wait3A_932, %dma_wait3A_933] : memref<64x129xf32, #tpu.memory_space<vmem>> -> memref<8x128xf32, #tpu.memory_space<vmem>>
        %dma_wait3A_935 = arith.constant 0 : i32
        %dma_wait3A_936 = arith.constant 0 : i32
        %dma_wait3A_937 = tpu.memref_slice %arg4[%dma_wait3A_922, %dma_wait3A_923, %dma_wait3A_924, %dma_wait3A_935, %dma_wait3A_936] : memref<200x8x32x8x128xf32, #tpu.memory_space<hbm>> -> memref<1x1x1x8x128xf32, #tpu.memory_space<hbm>>
        %dma_wait3A_938 = tpu.memref_squeeze %dma_wait3A_937 : memref<1x1x1x8x128xf32, #tpu.memory_space<hbm>> -> memref<8x128xf32, #tpu.memory_space<hbm>>
        tpu.wait_dma2 semaphore(%arg16 : memref<!tpu.dma_semaphore, #tpu.memory_space<semaphore_mem>>) src(%dma_wait3A_938 : memref<8x128xf32, #tpu.memory_space<hbm>>) dst(%dma_wait3A_934 : memref<8x128xf32, #tpu.memory_space<vmem>>)
        %dma_wait3A_939 = arith.constant 0 : i32
        %dma_wait3A_940 = arith.constant 0 : i32
        %dma_wait3A_941 = arith.constant 0 : i32
        %dma_wait3A_942 = arith.constant 16 : i32
        %dma_wait3A_943 = arith.constant 0 : i32
        %dma_wait3A_944 = tpu.memref_slice %arg10[%dma_wait3A_942, %dma_wait3A_943] : memref<64x129xf32, #tpu.memory_space<vmem>> -> memref<8x128xf32, #tpu.memory_space<vmem>>
        %dma_wait3A_945 = arith.constant 0 : i32
        %dma_wait3A_946 = arith.constant 0 : i32
        %dma_wait3A_947 = tpu.memref_slice %arg4[%dma_wait3A_939, %dma_wait3A_940, %dma_wait3A_941, %dma_wait3A_945, %dma_wait3A_946] : memref<200x8x32x8x128xf32, #tpu.memory_space<hbm>> -> memref<1x1x1x8x128xf32, #tpu.memory_space<hbm>>
        %dma_wait3A_948 = tpu.memref_squeeze %dma_wait3A_947 : memref<1x1x1x8x128xf32, #tpu.memory_space<hbm>> -> memref<8x128xf32, #tpu.memory_space<hbm>>
        %dma_wait3A_949 = arith.constant 16 : i32
        %dma_wait3A_950 = arith.constant 0 : i32
        %dma_wait3A_951 = tpu.memref_slice %arg10[%dma_wait3A_949, %dma_wait3A_950] : memref<64x129xf32, #tpu.memory_space<vmem>> -> memref<8x128xf32, #tpu.memory_space<vmem>>
        %dma_wait3A_952 = arith.constant 0 : i32
        %dma_wait3A_953 = arith.constant 0 : i32
        %dma_wait3A_954 = tpu.memref_slice %arg4[%dma_wait3A_939, %dma_wait3A_940, %dma_wait3A_941, %dma_wait3A_952, %dma_wait3A_953] : memref<200x8x32x8x128xf32, #tpu.memory_space<hbm>> -> memref<1x1x1x8x128xf32, #tpu.memory_space<hbm>>
        %dma_wait3A_955 = tpu.memref_squeeze %dma_wait3A_954 : memref<1x1x1x8x128xf32, #tpu.memory_space<hbm>> -> memref<8x128xf32, #tpu.memory_space<hbm>>
        tpu.wait_dma2 semaphore(%arg16 : memref<!tpu.dma_semaphore, #tpu.memory_space<semaphore_mem>>) src(%dma_wait3A_955 : memref<8x128xf32, #tpu.memory_space<hbm>>) dst(%dma_wait3A_951 : memref<8x128xf32, #tpu.memory_space<vmem>>)
        %dma_wait3A_956 = arith.constant 0 : i32
        %dma_wait3A_957 = arith.constant 0 : i32
        %dma_wait3A_958 = arith.constant 0 : i32
        %dma_wait3A_959 = arith.constant 24 : i32
        %dma_wait3A_960 = arith.constant 0 : i32
        %dma_wait3A_961 = tpu.memref_slice %arg10[%dma_wait3A_959, %dma_wait3A_960] : memref<64x129xf32, #tpu.memory_space<vmem>> -> memref<8x128xf32, #tpu.memory_space<vmem>>
        %dma_wait3A_962 = arith.constant 0 : i32
        %dma_wait3A_963 = arith.constant 0 : i32
        %dma_wait3A_964 = tpu.memref_slice %arg4[%dma_wait3A_956, %dma_wait3A_957, %dma_wait3A_958, %dma_wait3A_962, %dma_wait3A_963] : memref<200x8x32x8x128xf32, #tpu.memory_space<hbm>> -> memref<1x1x1x8x128xf32, #tpu.memory_space<hbm>>
        %dma_wait3A_965 = tpu.memref_squeeze %dma_wait3A_964 : memref<1x1x1x8x128xf32, #tpu.memory_space<hbm>> -> memref<8x128xf32, #tpu.memory_space<hbm>>
        %dma_wait3A_966 = arith.constant 24 : i32
        %dma_wait3A_967 = arith.constant 0 : i32
        %dma_wait3A_968 = tpu.memref_slice %arg10[%dma_wait3A_966, %dma_wait3A_967] : memref<64x129xf32, #tpu.memory_space<vmem>> -> memref<8x128xf32, #tpu.memory_space<vmem>>
        %dma_wait3A_969 = arith.constant 0 : i32
        %dma_wait3A_970 = arith.constant 0 : i32
        %dma_wait3A_971 = tpu.memref_slice %arg4[%dma_wait3A_956, %dma_wait3A_957, %dma_wait3A_958, %dma_wait3A_969, %dma_wait3A_970] : memref<200x8x32x8x128xf32, #tpu.memory_space<hbm>> -> memref<1x1x1x8x128xf32, #tpu.memory_space<hbm>>
        %dma_wait3A_972 = tpu.memref_squeeze %dma_wait3A_971 : memref<1x1x1x8x128xf32, #tpu.memory_space<hbm>> -> memref<8x128xf32, #tpu.memory_space<hbm>>
        tpu.wait_dma2 semaphore(%arg16 : memref<!tpu.dma_semaphore, #tpu.memory_space<semaphore_mem>>) src(%dma_wait3A_972 : memref<8x128xf32, #tpu.memory_space<hbm>>) dst(%dma_wait3A_968 : memref<8x128xf32, #tpu.memory_space<vmem>>)
        %dma_wait3A_973 = arith.constant 0 : i32
        %dma_wait3A_974 = arith.constant 0 : i32
        %dma_wait3A_975 = arith.constant 0 : i32
        %dma_wait3A_976 = arith.constant 32 : i32
        %dma_wait3A_977 = arith.constant 0 : i32
        %dma_wait3A_978 = tpu.memref_slice %arg10[%dma_wait3A_976, %dma_wait3A_977] : memref<64x129xf32, #tpu.memory_space<vmem>> -> memref<8x128xf32, #tpu.memory_space<vmem>>
        %dma_wait3A_979 = arith.constant 0 : i32
        %dma_wait3A_980 = arith.constant 0 : i32
        %dma_wait3A_981 = tpu.memref_slice %arg4[%dma_wait3A_973, %dma_wait3A_974, %dma_wait3A_975, %dma_wait3A_979, %dma_wait3A_980] : memref<200x8x32x8x128xf32, #tpu.memory_space<hbm>> -> memref<1x1x1x8x128xf32, #tpu.memory_space<hbm>>
        %dma_wait3A_982 = tpu.memref_squeeze %dma_wait3A_981 : memref<1x1x1x8x128xf32, #tpu.memory_space<hbm>> -> memref<8x128xf32, #tpu.memory_space<hbm>>
        %dma_wait3A_983 = arith.constant 32 : i32
        %dma_wait3A_984 = arith.constant 0 : i32
        %dma_wait3A_985 = tpu.memref_slice %arg10[%dma_wait3A_983, %dma_wait3A_984] : memref<64x129xf32, #tpu.memory_space<vmem>> -> memref<8x128xf32, #tpu.memory_space<vmem>>
        %dma_wait3A_986 = arith.constant 0 : i32
        %dma_wait3A_987 = arith.constant 0 : i32
        %dma_wait3A_988 = tpu.memref_slice %arg4[%dma_wait3A_973, %dma_wait3A_974, %dma_wait3A_975, %dma_wait3A_986, %dma_wait3A_987] : memref<200x8x32x8x128xf32, #tpu.memory_space<hbm>> -> memref<1x1x1x8x128xf32, #tpu.memory_space<hbm>>
        %dma_wait3A_989 = tpu.memref_squeeze %dma_wait3A_988 : memref<1x1x1x8x128xf32, #tpu.memory_space<hbm>> -> memref<8x128xf32, #tpu.memory_space<hbm>>
        tpu.wait_dma2 semaphore(%arg16 : memref<!tpu.dma_semaphore, #tpu.memory_space<semaphore_mem>>) src(%dma_wait3A_989 : memref<8x128xf32, #tpu.memory_space<hbm>>) dst(%dma_wait3A_985 : memref<8x128xf32, #tpu.memory_space<vmem>>)
        %dma_wait3A_990 = arith.constant 0 : i32
        %dma_wait3A_991 = arith.constant 0 : i32
        %dma_wait3A_992 = arith.constant 0 : i32
        %dma_wait3A_993 = arith.constant 40 : i32
        %dma_wait3A_994 = arith.constant 0 : i32
        %dma_wait3A_995 = tpu.memref_slice %arg10[%dma_wait3A_993, %dma_wait3A_994] : memref<64x129xf32, #tpu.memory_space<vmem>> -> memref<8x128xf32, #tpu.memory_space<vmem>>
        %dma_wait3A_996 = arith.constant 0 : i32
        %dma_wait3A_997 = arith.constant 0 : i32
        %dma_wait3A_998 = tpu.memref_slice %arg4[%dma_wait3A_990, %dma_wait3A_991, %dma_wait3A_992, %dma_wait3A_996, %dma_wait3A_997] : memref<200x8x32x8x128xf32, #tpu.memory_space<hbm>> -> memref<1x1x1x8x128xf32, #tpu.memory_space<hbm>>
        %dma_wait3A_999 = tpu.memref_squeeze %dma_wait3A_998 : memref<1x1x1x8x128xf32, #tpu.memory_space<hbm>> -> memref<8x128xf32, #tpu.memory_space<hbm>>
        %dma_wait3A_1000 = arith.constant 40 : i32
        %dma_wait3A_1001 = arith.constant 0 : i32
        %dma_wait3A_1002 = tpu.memref_slice %arg10[%dma_wait3A_1000, %dma_wait3A_1001] : memref<64x129xf32, #tpu.memory_space<vmem>> -> memref<8x128xf32, #tpu.memory_space<vmem>>
        %dma_wait3A_1003 = arith.constant 0 : i32
        %dma_wait3A_1004 = arith.constant 0 : i32
        %dma_wait3A_1005 = tpu.memref_slice %arg4[%dma_wait3A_990, %dma_wait3A_991, %dma_wait3A_992, %dma_wait3A_1003, %dma_wait3A_1004] : memref<200x8x32x8x128xf32, #tpu.memory_space<hbm>> -> memref<1x1x1x8x128xf32, #tpu.memory_space<hbm>>
        %dma_wait3A_1006 = tpu.memref_squeeze %dma_wait3A_1005 : memref<1x1x1x8x128xf32, #tpu.memory_space<hbm>> -> memref<8x128xf32, #tpu.memory_space<hbm>>
        tpu.wait_dma2 semaphore(%arg16 : memref<!tpu.dma_semaphore, #tpu.memory_space<semaphore_mem>>) src(%dma_wait3A_1006 : memref<8x128xf32, #tpu.memory_space<hbm>>) dst(%dma_wait3A_1002 : memref<8x128xf32, #tpu.memory_space<vmem>>)
        %dma_wait3A_1007 = arith.constant 0 : i32
        %dma_wait3A_1008 = arith.constant 0 : i32
        %dma_wait3A_1009 = arith.constant 0 : i32
        %dma_wait3A_1010 = arith.constant 48 : i32
        %dma_wait3A_1011 = arith.constant 0 : i32
        %dma_wait3A_1012 = tpu.memref_slice %arg10[%dma_wait3A_1010, %dma_wait3A_1011] : memref<64x129xf32, #tpu.memory_space<vmem>> -> memref<8x128xf32, #tpu.memory_space<vmem>>
        %dma_wait3A_1013 = arith.constant 0 : i32
        %dma_wait3A_1014 = arith.constant 0 : i32
        %dma_wait3A_1015 = tpu.memref_slice %arg4[%dma_wait3A_1007, %dma_wait3A_1008, %dma_wait3A_1009, %dma_wait3A_1013, %dma_wait3A_1014] : memref<200x8x32x8x128xf32, #tpu.memory_space<hbm>> -> memref<1x1x1x8x128xf32, #tpu.memory_space<hbm>>
        %dma_wait3A_1016 = tpu.memref_squeeze %dma_wait3A_1015 : memref<1x1x1x8x128xf32, #tpu.memory_space<hbm>> -> memref<8x128xf32, #tpu.memory_space<hbm>>
        %dma_wait3A_1017 = arith.constant 48 : i32
        %dma_wait3A_1018 = arith.constant 0 : i32
        %dma_wait3A_1019 = tpu.memref_slice %arg10[%dma_wait3A_1017, %dma_wait3A_1018] : memref<64x129xf32, #tpu.memory_space<vmem>> -> memref<8x128xf32, #tpu.memory_space<vmem>>
        %dma_wait3A_1020 = arith.constant 0 : i32
        %dma_wait3A_1021 = arith.constant 0 : i32
        %dma_wait3A_1022 = tpu.memref_slice %arg4[%dma_wait3A_1007, %dma_wait3A_1008, %dma_wait3A_1009, %dma_wait3A_1020, %dma_wait3A_1021] : memref<200x8x32x8x128xf32, #tpu.memory_space<hbm>> -> memref<1x1x1x8x128xf32, #tpu.memory_space<hbm>>
        %dma_wait3A_1023 = tpu.memref_squeeze %dma_wait3A_1022 : memref<1x1x1x8x128xf32, #tpu.memory_space<hbm>> -> memref<8x128xf32, #tpu.memory_space<hbm>>
        tpu.wait_dma2 semaphore(%arg16 : memref<!tpu.dma_semaphore, #tpu.memory_space<semaphore_mem>>) src(%dma_wait3A_1023 : memref<8x128xf32, #tpu.memory_space<hbm>>) dst(%dma_wait3A_1019 : memref<8x128xf32, #tpu.memory_space<vmem>>)
        %dma_wait3A_1024 = arith.constant 0 : i32
        %dma_wait3A_1025 = arith.constant 0 : i32
        %dma_wait3A_1026 = arith.constant 0 : i32
        %dma_wait3A_1027 = arith.constant 56 : i32
        %dma_wait3A_1028 = arith.constant 0 : i32
        %dma_wait3A_1029 = tpu.memref_slice %arg10[%dma_wait3A_1027, %dma_wait3A_1028] : memref<64x129xf32, #tpu.memory_space<vmem>> -> memref<8x128xf32, #tpu.memory_space<vmem>>
        %dma_wait3A_1030 = arith.constant 0 : i32
        %dma_wait3A_1031 = arith.constant 0 : i32
        %dma_wait3A_1032 = tpu.memref_slice %arg4[%dma_wait3A_1024, %dma_wait3A_1025, %dma_wait3A_1026, %dma_wait3A_1030, %dma_wait3A_1031] : memref<200x8x32x8x128xf32, #tpu.memory_space<hbm>> -> memref<1x1x1x8x128xf32, #tpu.memory_space<hbm>>
        %dma_wait3A_1033 = tpu.memref_squeeze %dma_wait3A_1032 : memref<1x1x1x8x128xf32, #tpu.memory_space<hbm>> -> memref<8x128xf32, #tpu.memory_space<hbm>>
        %dma_wait3A_1034 = arith.constant 56 : i32
        %dma_wait3A_1035 = arith.constant 0 : i32
        %dma_wait3A_1036 = tpu.memref_slice %arg10[%dma_wait3A_1034, %dma_wait3A_1035] : memref<64x129xf32, #tpu.memory_space<vmem>> -> memref<8x128xf32, #tpu.memory_space<vmem>>
        %dma_wait3A_1037 = arith.constant 0 : i32
        %dma_wait3A_1038 = arith.constant 0 : i32
        %dma_wait3A_1039 = tpu.memref_slice %arg4[%dma_wait3A_1024, %dma_wait3A_1025, %dma_wait3A_1026, %dma_wait3A_1037, %dma_wait3A_1038] : memref<200x8x32x8x128xf32, #tpu.memory_space<hbm>> -> memref<1x1x1x8x128xf32, #tpu.memory_space<hbm>>
        %dma_wait3A_1040 = tpu.memref_squeeze %dma_wait3A_1039 : memref<1x1x1x8x128xf32, #tpu.memory_space<hbm>> -> memref<8x128xf32, #tpu.memory_space<hbm>>
        tpu.wait_dma2 semaphore(%arg16 : memref<!tpu.dma_semaphore, #tpu.memory_space<semaphore_mem>>) src(%dma_wait3A_1040 : memref<8x128xf32, #tpu.memory_space<hbm>>) dst(%dma_wait3A_1036 : memref<8x128xf32, #tpu.memory_space<vmem>>)
      } else {
      }
      %scan3A_624 = arith.constant 0 : i32
      %scan3A_625 = arith.constant 0 : i32
      %scan3A_626 = arith.constant 16 : i32
      %scan3A_627 = arith.addi %scan3A_625, %scan3A_626 : i32
      %scan3A_628 = arith.constant 1 : i32
      scf.for %scan3A_905 = %scan3A_625 to %scan3A_627 step %scan3A_628  : i32 {
        %mul3A_906 = arith.constant 8 : i32
        %mul3A_907 = arith.muli %mul3A_906, %scan3A_905 : i32
        %add3A_908 = arith.constant 0 : i32
        %add3A_909 = arith.addi %mul3A_907, %add3A_908 : i32
        %broadcast_in_dim3A = arith.constant 0 : i32
        %broadcast_in_dim3A_910 = vector.broadcast %broadcast_in_dim3A : i32 to vector<16xi32>
        %add3A_911 = vector.broadcast %add3A_909 : i32 to vector<16xi32>
        %add3A_912 = arith.addi %broadcast_in_dim3A_910, %add3A_911 : vector<16xi32>
        %get3A = arith.index_cast %add3A_909 : i32 to index
        %get3A_913 = arith.constant 0 : index
        %get3A_914 = tpu.vector_load %arg8[%get3A, %get3A_913] {strides = array<i32>} : memref<128x64xf32, #tpu.memory_space<vmem>>, vector<16xf32>,
        tpu.vector_store_idx %arg10[%add3A_3, %add3A_912], %get3A_914 : memref<64x129xf32, #tpu.memory_space<vmem>>[vector<16xi32>, vector<16xi32>], vector<16xf32>,
        %get3A_915 = arith.index_cast %add3A_909 : i32 to index
        %get3A_916 = arith.constant 16 : index
        %get3A_917 = tpu.vector_load %arg8[%get3A_915, %get3A_916] {strides = array<i32>} : memref<128x64xf32, #tpu.memory_space<vmem>>, vector<16xf32>,
        tpu.vector_store_idx %arg10[%add3A_6, %add3A_912], %get3A_917 : memref<64x129xf32, #tpu.memory_space<vmem>>[vector<16xi32>, vector<16xi32>], vector<16xf32>,
        %get3A_918 = arith.index_cast %add3A_909 : i32 to index
        %get3A_919 = arith.constant 32 : index
        %get3A_920 = tpu.vector_load %arg8[%get3A_918, %get3A_919] {strides = array<i32>} : memref<128x64xf32, #tpu.memory_space<vmem>>, vector<16xf32>,
        tpu.vector_store_idx %arg10[%add3A_9, %add3A_912], %get3A_920 : memref<64x129xf32, #tpu.memory_space<vmem>>[vector<16xi32>, vector<16xi32>], vector<16xf32>,
        %get3A_921 = arith.index_cast %add3A_909 : i32 to index
        %get3A_922 = arith.constant 48 : index
        %get3A_923 = tpu.vector_load %arg8[%get3A_921, %get3A_922] {strides = array<i32>} : memref<128x64xf32, #tpu.memory_space<vmem>>, vector<16xf32>,
        tpu.vector_store_idx %arg10[%add3A_12, %add3A_912], %get3A_923 : memref<64x129xf32, #tpu.memory_space<vmem>>[vector<16xi32>, vector<16xi32>], vector<16xf32>,
        %mul3A_924 = arith.constant 8 : i32
        %mul3A_925 = arith.muli %mul3A_924, %scan3A_905 : i32
        %add3A_926 = arith.constant 1 : i32
        %add3A_927 = arith.addi %mul3A_925, %add3A_926 : i32
        %broadcast_in_dim3A_928 = arith.constant 0 : i32
        %broadcast_in_dim3A_929 = vector.broadcast %broadcast_in_dim3A_928 : i32 to vector<16xi32>
        %add3A_930 = vector.broadcast %add3A_927 : i32 to vector<16xi32>
        %add3A_931 = arith.addi %broadcast_in_dim3A_929, %add3A_930 : vector<16xi32>
        %get3A_932 = arith.index_cast %add3A_927 : i32 to index
        %get3A_933 = arith.constant 0 : index
        %get3A_934 = tpu.vector_load %arg8[%get3A_932, %get3A_933] {strides = array<i32>} : memref<128x64xf32, #tpu.memory_space<vmem>>, vector<16xf32>,
        tpu.vector_store_idx %arg10[%add3A_3, %add3A_931], %get3A_934 : memref<64x129xf32, #tpu.memory_space<vmem>>[vector<16xi32>, vector<16xi32>], vector<16xf32>,
        %get3A_935 = arith.index_cast %add3A_927 : i32 to index
        %get3A_936 = arith.constant 16 : index
        %get3A_937 = tpu.vector_load %arg8[%get3A_935, %get3A_936] {strides = array<i32>} : memref<128x64xf32, #tpu.memory_space<vmem>>, vector<16xf32>,
        tpu.vector_store_idx %arg10[%add3A_6, %add3A_931], %get3A_937 : memref<64x129xf32, #tpu.memory_space<vmem>>[vector<16xi32>, vector<16xi32>], vector<16xf32>,
        %get3A_938 = arith.index_cast %add3A_927 : i32 to index
        %get3A_939 = arith.constant 32 : index
        %get3A_940 = tpu.vector_load %arg8[%get3A_938, %get3A_939] {strides = array<i32>} : memref<128x64xf32, #tpu.memory_space<vmem>>, vector<16xf32>,
        tpu.vector_store_idx %arg10[%add3A_9, %add3A_931], %get3A_940 : memref<64x129xf32, #tpu.memory_space<vmem>>[vector<16xi32>, vector<16xi32>], vector<16xf32>,
        %get3A_941 = arith.index_cast %add3A_927 : i32 to index
        %get3A_942 = arith.constant 48 : index
        %get3A_943 = tpu.vector_load %arg8[%get3A_941, %get3A_942] {strides = array<i32>} : memref<128x64xf32, #tpu.memory_space<vmem>>, vector<16xf32>,
        tpu.vector_store_idx %arg10[%add3A_12, %add3A_931], %get3A_943 : memref<64x129xf32, #tpu.memory_space<vmem>>[vector<16xi32>, vector<16xi32>], vector<16xf32>,
        %mul3A_944 = arith.constant 8 : i32
        %mul3A_945 = arith.muli %mul3A_944, %scan3A_905 : i32
        %add3A_946 = arith.constant 2 : i32
        %add3A_947 = arith.addi %mul3A_945, %add3A_946 : i32
        %broadcast_in_dim3A_948 = arith.constant 0 : i32
        %broadcast_in_dim3A_949 = vector.broadcast %broadcast_in_dim3A_948 : i32 to vector<16xi32>
        %add3A_950 = vector.broadcast %add3A_947 : i32 to vector<16xi32>
        %add3A_951 = arith.addi %broadcast_in_dim3A_949, %add3A_950 : vector<16xi32>
        %get3A_952 = arith.index_cast %add3A_947 : i32 to index
        %get3A_953 = arith.constant 0 : index
        %get3A_954 = tpu.vector_load %arg8[%get3A_952, %get3A_953] {strides = array<i32>} : memref<128x64xf32, #tpu.memory_space<vmem>>, vector<16xf32>,
        tpu.vector_store_idx %arg10[%add3A_3, %add3A_951], %get3A_954 : memref<64x129xf32, #tpu.memory_space<vmem>>[vector<16xi32>, vector<16xi32>], vector<16xf32>,
        %get3A_955 = arith.index_cast %add3A_947 : i32 to index
        %get3A_956 = arith.constant 16 : index
        %get3A_957 = tpu.vector_load %arg8[%get3A_955, %get3A_956] {strides = array<i32>} : memref<128x64xf32, #tpu.memory_space<vmem>>, vector<16xf32>,
        tpu.vector_store_idx %arg10[%add3A_6, %add3A_951], %get3A_957 : memref<64x129xf32, #tpu.memory_space<vmem>>[vector<16xi32>, vector<16xi32>], vector<16xf32>,
        %get3A_958 = arith.index_cast %add3A_947 : i32 to index
        %get3A_959 = arith.constant 32 : index
        %get3A_960 = tpu.vector_load %arg8[%get3A_958, %get3A_959] {strides = array<i32>} : memref<128x64xf32, #tpu.memory_space<vmem>>, vector<16xf32>,
        tpu.vector_store_idx %arg10[%add3A_9, %add3A_951], %get3A_960 : memref<64x129xf32, #tpu.memory_space<vmem>>[vector<16xi32>, vector<16xi32>], vector<16xf32>,
        %get3A_961 = arith.index_cast %add3A_947 : i32 to index
        %get3A_962 = arith.constant 48 : index
        %get3A_963 = tpu.vector_load %arg8[%get3A_961, %get3A_962] {strides = array<i32>} : memref<128x64xf32, #tpu.memory_space<vmem>>, vector<16xf32>,
        tpu.vector_store_idx %arg10[%add3A_12, %add3A_951], %get3A_963 : memref<64x129xf32, #tpu.memory_space<vmem>>[vector<16xi32>, vector<16xi32>], vector<16xf32>,
        %mul3A_964 = arith.constant 8 : i32
        %mul3A_965 = arith.muli %mul3A_964, %scan3A_905 : i32
        %add3A_966 = arith.constant 3 : i32
        %add3A_967 = arith.addi %mul3A_965, %add3A_966 : i32
        %broadcast_in_dim3A_968 = arith.constant 0 : i32
        %broadcast_in_dim3A_969 = vector.broadcast %broadcast_in_dim3A_968 : i32 to vector<16xi32>
        %add3A_970 = vector.broadcast %add3A_967 : i32 to vector<16xi32>
        %add3A_971 = arith.addi %broadcast_in_dim3A_969, %add3A_970 : vector<16xi32>
        %get3A_972 = arith.index_cast %add3A_967 : i32 to index
        %get3A_973 = arith.constant 0 : index
        %get3A_974 = tpu.vector_load %arg8[%get3A_972, %get3A_973] {strides = array<i32>} : memref<128x64xf32, #tpu.memory_space<vmem>>, vector<16xf32>,
        tpu.vector_store_idx %arg10[%add3A_3, %add3A_971], %get3A_974 : memref<64x129xf32, #tpu.memory_space<vmem>>[vector<16xi32>, vector<16xi32>], vector<16xf32>,
        %get3A_975 = arith.index_cast %add3A_967 : i32 to index
        %get3A_976 = arith.constant 16 : index
        %get3A_977 = tpu.vector_load %arg8[%get3A_975, %get3A_976] {strides = array<i32>} : memref<128x64xf32, #tpu.memory_space<vmem>>, vector<16xf32>,
        tpu.vector_store_idx %arg10[%add3A_6, %add3A_971], %get3A_977 : memref<64x129xf32, #tpu.memory_space<vmem>>[vector<16xi32>, vector<16xi32>], vector<16xf32>,
        %get3A_978 = arith.index_cast %add3A_967 : i32 to index
        %get3A_979 = arith.constant 32 : index
        %get3A_980 = tpu.vector_load %arg8[%get3A_978, %get3A_979] {strides = array<i32>} : memref<128x64xf32, #tpu.memory_space<vmem>>, vector<16xf32>,
        tpu.vector_store_idx %arg10[%add3A_9, %add3A_971], %get3A_980 : memref<64x129xf32, #tpu.memory_space<vmem>>[vector<16xi32>, vector<16xi32>], vector<16xf32>,
        %get3A_981 = arith.index_cast %add3A_967 : i32 to index
        %get3A_982 = arith.constant 48 : index
        %get3A_983 = tpu.vector_load %arg8[%get3A_981, %get3A_982] {strides = array<i32>} : memref<128x64xf32, #tpu.memory_space<vmem>>, vector<16xf32>,
        tpu.vector_store_idx %arg10[%add3A_12, %add3A_971], %get3A_983 : memref<64x129xf32, #tpu.memory_space<vmem>>[vector<16xi32>, vector<16xi32>], vector<16xf32>,
        %mul3A_984 = arith.constant 8 : i32
        %mul3A_985 = arith.muli %mul3A_984, %scan3A_905 : i32
        %add3A_986 = arith.constant 4 : i32
        %add3A_987 = arith.addi %mul3A_985, %add3A_986 : i32
        %broadcast_in_dim3A_988 = arith.constant 0 : i32
        %broadcast_in_dim3A_989 = vector.broadcast %broadcast_in_dim3A_988 : i32 to vector<16xi32>
        %add3A_990 = vector.broadcast %add3A_987 : i32 to vector<16xi32>
        %add3A_991 = arith.addi %broadcast_in_dim3A_989, %add3A_990 : vector<16xi32>
        %get3A_992 = arith.index_cast %add3A_987 : i32 to index
        %get3A_993 = arith.constant 0 : index
        %get3A_994 = tpu.vector_load %arg8[%get3A_992, %get3A_993] {strides = array<i32>} : memref<128x64xf32, #tpu.memory_space<vmem>>, vector<16xf32>,
        tpu.vector_store_idx %arg10[%add3A_3, %add3A_991], %get3A_994 : memref<64x129xf32, #tpu.memory_space<vmem>>[vector<16xi32>, vector<16xi32>], vector<16xf32>,
        %get3A_995 = arith.index_cast %add3A_987 : i32 to index
        %get3A_996 = arith.constant 16 : index
        %get3A_997 = tpu.vector_load %arg8[%get3A_995, %get3A_996] {strides = array<i32>} : memref<128x64xf32, #tpu.memory_space<vmem>>, vector<16xf32>,
        tpu.vector_store_idx %arg10[%add3A_6, %add3A_991], %get3A_997 : memref<64x129xf32, #tpu.memory_space<vmem>>[vector<16xi32>, vector<16xi32>], vector<16xf32>,
        %get3A_998 = arith.index_cast %add3A_987 : i32 to index
        %get3A_999 = arith.constant 32 : index
        %get3A_1000 = tpu.vector_load %arg8[%get3A_998, %get3A_999] {strides = array<i32>} : memref<128x64xf32, #tpu.memory_space<vmem>>, vector<16xf32>,
        tpu.vector_store_idx %arg10[%add3A_9, %add3A_991], %get3A_1000 : memref<64x129xf32, #tpu.memory_space<vmem>>[vector<16xi32>, vector<16xi32>], vector<16xf32>,
        %get3A_1001 = arith.index_cast %add3A_987 : i32 to index
        %get3A_1002 = arith.constant 48 : index
        %get3A_1003 = tpu.vector_load %arg8[%get3A_1001, %get3A_1002] {strides = array<i32>} : memref<128x64xf32, #tpu.memory_space<vmem>>, vector<16xf32>,
        tpu.vector_store_idx %arg10[%add3A_12, %add3A_991], %get3A_1003 : memref<64x129xf32, #tpu.memory_space<vmem>>[vector<16xi32>, vector<16xi32>], vector<16xf32>,
        %mul3A_1004 = arith.constant 8 : i32
        %mul3A_1005 = arith.muli %mul3A_1004, %scan3A_905 : i32
        %add3A_1006 = arith.constant 5 : i32
        %add3A_1007 = arith.addi %mul3A_1005, %add3A_1006 : i32
        %broadcast_in_dim3A_1008 = arith.constant 0 : i32
        %broadcast_in_dim3A_1009 = vector.broadcast %broadcast_in_dim3A_1008 : i32 to vector<16xi32>
        %add3A_1010 = vector.broadcast %add3A_1007 : i32 to vector<16xi32>
        %add3A_1011 = arith.addi %broadcast_in_dim3A_1009, %add3A_1010 : vector<16xi32>
        %get3A_1012 = arith.index_cast %add3A_1007 : i32 to index
        %get3A_1013 = arith.constant 0 : index
        %get3A_1014 = tpu.vector_load %arg8[%get3A_1012, %get3A_1013] {strides = array<i32>} : memref<128x64xf32, #tpu.memory_space<vmem>>, vector<16xf32>,
        tpu.vector_store_idx %arg10[%add3A_3, %add3A_1011], %get3A_1014 : memref<64x129xf32, #tpu.memory_space<vmem>>[vector<16xi32>, vector<16xi32>], vector<16xf32>,
        %get3A_1015 = arith.index_cast %add3A_1007 : i32 to index
        %get3A_1016 = arith.constant 16 : index
        %get3A_1017 = tpu.vector_load %arg8[%get3A_1015, %get3A_1016] {strides = array<i32>} : memref<128x64xf32, #tpu.memory_space<vmem>>, vector<16xf32>,
        tpu.vector_store_idx %arg10[%add3A_6, %add3A_1011], %get3A_1017 : memref<64x129xf32, #tpu.memory_space<vmem>>[vector<16xi32>, vector<16xi32>], vector<16xf32>,
        %get3A_1018 = arith.index_cast %add3A_1007 : i32 to index
        %get3A_1019 = arith.constant 32 : index
        %get3A_1020 = tpu.vector_load %arg8[%get3A_1018, %get3A_1019] {strides = array<i32>} : memref<128x64xf32, #tpu.memory_space<vmem>>, vector<16xf32>,
        tpu.vector_store_idx %arg10[%add3A_9, %add3A_1011], %get3A_1020 : memref<64x129xf32, #tpu.memory_space<vmem>>[vector<16xi32>, vector<16xi32>], vector<16xf32>,
        %get3A_1021 = arith.index_cast %add3A_1007 : i32 to index
        %get3A_1022 = arith.constant 48 : index
        %get3A_1023 = tpu.vector_load %arg8[%get3A_1021, %get3A_1022] {strides = array<i32>} : memref<128x64xf32, #tpu.memory_space<vmem>>, vector<16xf32>,
        tpu.vector_store_idx %arg10[%add3A_12, %add3A_1011], %get3A_1023 : memref<64x129xf32, #tpu.memory_space<vmem>>[vector<16xi32>, vector<16xi32>], vector<16xf32>,
        %mul3A_1024 = arith.constant 8 : i32
        %mul3A_1025 = arith.muli %mul3A_1024, %scan3A_905 : i32
        %add3A_1026 = arith.constant 6 : i32
        %add3A_1027 = arith.addi %mul3A_1025, %add3A_1026 : i32
        %broadcast_in_dim3A_1028 = arith.constant 0 : i32
        %broadcast_in_dim3A_1029 = vector.broadcast %broadcast_in_dim3A_1028 : i32 to vector<16xi32>
        %add3A_1030 = vector.broadcast %add3A_1027 : i32 to vector<16xi32>
        %add3A_1031 = arith.addi %broadcast_in_dim3A_1029, %add3A_1030 : vector<16xi32>
        %get3A_1032 = arith.index_cast %add3A_1027 : i32 to index
        %get3A_1033 = arith.constant 0 : index
        %get3A_1034 = tpu.vector_load %arg8[%get3A_1032, %get3A_1033] {strides = array<i32>} : memref<128x64xf32, #tpu.memory_space<vmem>>, vector<16xf32>,
        tpu.vector_store_idx %arg10[%add3A_3, %add3A_1031], %get3A_1034 : memref<64x129xf32, #tpu.memory_space<vmem>>[vector<16xi32>, vector<16xi32>], vector<16xf32>,
        %get3A_1035 = arith.index_cast %add3A_1027 : i32 to index
        %get3A_1036 = arith.constant 16 : index
        %get3A_1037 = tpu.vector_load %arg8[%get3A_1035, %get3A_1036] {strides = array<i32>} : memref<128x64xf32, #tpu.memory_space<vmem>>, vector<16xf32>,
        tpu.vector_store_idx %arg10[%add3A_6, %add3A_1031], %get3A_1037 : memref<64x129xf32, #tpu.memory_space<vmem>>[vector<16xi32>, vector<16xi32>], vector<16xf32>,
        %get3A_1038 = arith.index_cast %add3A_1027 : i32 to index
        %get3A_1039 = arith.constant 32 : index
        %get3A_1040 = tpu.vector_load %arg8[%get3A_1038, %get3A_1039] {strides = array<i32>} : memref<128x64xf32, #tpu.memory_space<vmem>>, vector<16xf32>,
        tpu.vector_store_idx %arg10[%add3A_9, %add3A_1031], %get3A_1040 : memref<64x129xf32, #tpu.memory_space<vmem>>[vector<16xi32>, vector<16xi32>], vector<16xf32>,
        %get3A_1041 = arith.index_cast %add3A_1027 : i32 to index
        %get3A_1042 = arith.constant 48 : index
        %get3A_1043 = tpu.vector_load %arg8[%get3A_1041, %get3A_1042] {strides = array<i32>} : memref<128x64xf32, #tpu.memory_space<vmem>>, vector<16xf32>,
        tpu.vector_store_idx %arg10[%add3A_12, %add3A_1031], %get3A_1043 : memref<64x129xf32, #tpu.memory_space<vmem>>[vector<16xi32>, vector<16xi32>], vector<16xf32>,
        %mul3A_1044 = arith.constant 8 : i32
        %mul3A_1045 = arith.muli %mul3A_1044, %scan3A_905 : i32
        %add3A_1046 = arith.constant 7 : i32
        %add3A_1047 = arith.addi %mul3A_1045, %add3A_1046 : i32
        %broadcast_in_dim3A_1048 = arith.constant 0 : i32
        %broadcast_in_dim3A_1049 = vector.broadcast %broadcast_in_dim3A_1048 : i32 to vector<16xi32>
        %add3A_1050 = vector.broadcast %add3A_1047 : i32 to vector<16xi32>
        %add3A_1051 = arith.addi %broadcast_in_dim3A_1049, %add3A_1050 : vector<16xi32>
        %get3A_1052 = arith.index_cast %add3A_1047 : i32 to index
        %get3A_1053 = arith.constant 0 : index
        %get3A_1054 = tpu.vector_load %arg8[%get3A_1052, %get3A_1053] {strides = array<i32>} : memref<128x64xf32, #tpu.memory_space<vmem>>, vector<16xf32>,
        tpu.vector_store_idx %arg10[%add3A_3, %add3A_1051], %get3A_1054 : memref<64x129xf32, #tpu.memory_space<vmem>>[vector<16xi32>, vector<16xi32>], vector<16xf32>,
        %get3A_1055 = arith.index_cast %add3A_1047 : i32 to index
        %get3A_1056 = arith.constant 16 : index
        %get3A_1057 = tpu.vector_load %arg8[%get3A_1055, %get3A_1056] {strides = array<i32>} : memref<128x64xf32, #tpu.memory_space<vmem>>, vector<16xf32>,
        tpu.vector_store_idx %arg10[%add3A_6, %add3A_1051], %get3A_1057 : memref<64x129xf32, #tpu.memory_space<vmem>>[vector<16xi32>, vector<16xi32>], vector<16xf32>,
        %get3A_1058 = arith.index_cast %add3A_1047 : i32 to index
        %get3A_1059 = arith.constant 32 : index
        %get3A_1060 = tpu.vector_load %arg8[%get3A_1058, %get3A_1059] {strides = array<i32>} : memref<128x64xf32, #tpu.memory_space<vmem>>, vector<16xf32>,
        tpu.vector_store_idx %arg10[%add3A_9, %add3A_1051], %get3A_1060 : memref<64x129xf32, #tpu.memory_space<vmem>>[vector<16xi32>, vector<16xi32>], vector<16xf32>,
        %get3A_1061 = arith.index_cast %add3A_1047 : i32 to index
        %get3A_1062 = arith.constant 48 : index
        %get3A_1063 = tpu.vector_load %arg8[%get3A_1061, %get3A_1062] {strides = array<i32>} : memref<128x64xf32, #tpu.memory_space<vmem>>, vector<16xf32>,
        tpu.vector_store_idx %arg10[%add3A_12, %add3A_1051], %get3A_1063 : memref<64x129xf32, #tpu.memory_space<vmem>>[vector<16xi32>, vector<16xi32>], vector<16xf32>,
      }
      %scan3A_629 = arith.constant 16 : i32
      %dma_start3A_630 = arith.constant 0 : i32
      %dma_start3A_631 = arith.constant 0 : i32
      %dma_start3A_632 = arith.constant 0 : i32
      %dma_start3A_633 = tpu.memref_slice %arg10[%dma_start3A_631, %dma_start3A_632] : memref<64x129xf32, #tpu.memory_space<vmem>> -> memref<8x128xf32, #tpu.memory_space<vmem>>
      %dma_start3A_634 = arith.constant 0 : i32
      %dma_start3A_635 = arith.constant 0 : i32
      %dma_start3A_636 = tpu.memref_slice %arg4[%add3A_612, %dma_start3A_630, %add3A, %dma_start3A_634, %dma_start3A_635] : memref<200x8x32x8x128xf32, #tpu.memory_space<hbm>> -> memref<1x1x1x8x128xf32, #tpu.memory_space<hbm>>
      %dma_start3A_637 = tpu.memref_squeeze %dma_start3A_636 : memref<1x1x1x8x128xf32, #tpu.memory_space<hbm>> -> memref<8x128xf32, #tpu.memory_space<hbm>>
      %dma_start3A_638 = arith.constant 0 : i32
      %dma_start3A_639 = arith.constant 0 : i32
      %dma_start3A_640 = tpu.memref_slice %arg4[%add3A_612, %dma_start3A_630, %add3A, %dma_start3A_638, %dma_start3A_639] : memref<200x8x32x8x128xf32, #tpu.memory_space<hbm>> -> memref<1x1x1x8x128xf32, #tpu.memory_space<hbm>>
      %dma_start3A_641 = tpu.memref_squeeze %dma_start3A_640 : memref<1x1x1x8x128xf32, #tpu.memory_space<hbm>> -> memref<8x128xf32, #tpu.memory_space<hbm>>
      %dma_start3A_642 = arith.constant 0 : i32
      %dma_start3A_643 = arith.constant 0 : i32
      %dma_start3A_644 = tpu.memref_slice %arg10[%dma_start3A_642, %dma_start3A_643] : memref<64x129xf32, #tpu.memory_space<vmem>> -> memref<8x128xf32, #tpu.memory_space<vmem>>
      tpu.enqueue_dma source(%dma_start3A_644 : memref<8x128xf32, #tpu.memory_space<vmem>>) target(%dma_start3A_641 : memref<8x128xf32, #tpu.memory_space<hbm>>) target_semaphore(%arg16 : memref<!tpu.dma_semaphore, #tpu.memory_space<semaphore_mem>>)
      %dma_start3A_645 = arith.constant 1 : i32
      %dma_start3A_646 = arith.constant 8 : i32
      %dma_start3A_647 = arith.constant 0 : i32
      %dma_start3A_648 = tpu.memref_slice %arg10[%dma_start3A_646, %dma_start3A_647] : memref<64x129xf32, #tpu.memory_space<vmem>> -> memref<8x128xf32, #tpu.memory_space<vmem>>
      %dma_start3A_649 = arith.constant 0 : i32
      %dma_start3A_650 = arith.constant 0 : i32
      %dma_start3A_651 = tpu.memref_slice %arg4[%add3A_612, %dma_start3A_645, %add3A, %dma_start3A_649, %dma_start3A_650] : memref<200x8x32x8x128xf32, #tpu.memory_space<hbm>> -> memref<1x1x1x8x128xf32, #tpu.memory_space<hbm>>
      %dma_start3A_652 = tpu.memref_squeeze %dma_start3A_651 : memref<1x1x1x8x128xf32, #tpu.memory_space<hbm>> -> memref<8x128xf32, #tpu.memory_space<hbm>>
      %dma_start3A_653 = arith.constant 0 : i32
      %dma_start3A_654 = arith.constant 0 : i32
      %dma_start3A_655 = tpu.memref_slice %arg4[%add3A_612, %dma_start3A_645, %add3A, %dma_start3A_653, %dma_start3A_654] : memref<200x8x32x8x128xf32, #tpu.memory_space<hbm>> -> memref<1x1x1x8x128xf32, #tpu.memory_space<hbm>>
      %dma_start3A_656 = tpu.memref_squeeze %dma_start3A_655 : memref<1x1x1x8x128xf32, #tpu.memory_space<hbm>> -> memref<8x128xf32, #tpu.memory_space<hbm>>
      %dma_start3A_657 = arith.constant 8 : i32
      %dma_start3A_658 = arith.constant 0 : i32
      %dma_start3A_659 = tpu.memref_slice %arg10[%dma_start3A_657, %dma_start3A_658] : memref<64x129xf32, #tpu.memory_space<vmem>> -> memref<8x128xf32, #tpu.memory_space<vmem>>
      tpu.enqueue_dma source(%dma_start3A_659 : memref<8x128xf32, #tpu.memory_space<vmem>>) target(%dma_start3A_656 : memref<8x128xf32, #tpu.memory_space<hbm>>) target_semaphore(%arg16 : memref<!tpu.dma_semaphore, #tpu.memory_space<semaphore_mem>>)
      %dma_start3A_660 = arith.constant 2 : i32
      %dma_start3A_661 = arith.constant 16 : i32
      %dma_start3A_662 = arith.constant 0 : i32
      %dma_start3A_663 = tpu.memref_slice %arg10[%dma_start3A_661, %dma_start3A_662] : memref<64x129xf32, #tpu.memory_space<vmem>> -> memref<8x128xf32, #tpu.memory_space<vmem>>
      %dma_start3A_664 = arith.constant 0 : i32
      %dma_start3A_665 = arith.constant 0 : i32
      %dma_start3A_666 = tpu.memref_slice %arg4[%add3A_612, %dma_start3A_660, %add3A, %dma_start3A_664, %dma_start3A_665] : memref<200x8x32x8x128xf32, #tpu.memory_space<hbm>> -> memref<1x1x1x8x128xf32, #tpu.memory_space<hbm>>
      %dma_start3A_667 = tpu.memref_squeeze %dma_start3A_666 : memref<1x1x1x8x128xf32, #tpu.memory_space<hbm>> -> memref<8x128xf32, #tpu.memory_space<hbm>>
      %dma_start3A_668 = arith.constant 0 : i32
      %dma_start3A_669 = arith.constant 0 : i32
      %dma_start3A_670 = tpu.memref_slice %arg4[%add3A_612, %dma_start3A_660, %add3A, %dma_start3A_668, %dma_start3A_669] : memref<200x8x32x8x128xf32, #tpu.memory_space<hbm>> -> memref<1x1x1x8x128xf32, #tpu.memory_space<hbm>>
      %dma_start3A_671 = tpu.memref_squeeze %dma_start3A_670 : memref<1x1x1x8x128xf32, #tpu.memory_space<hbm>> -> memref<8x128xf32, #tpu.memory_space<hbm>>
      %dma_start3A_672 = arith.constant 16 : i32
      %dma_start3A_673 = arith.constant 0 : i32
      %dma_start3A_674 = tpu.memref_slice %arg10[%dma_start3A_672, %dma_start3A_673] : memref<64x129xf32, #tpu.memory_space<vmem>> -> memref<8x128xf32, #tpu.memory_space<vmem>>
      tpu.enqueue_dma source(%dma_start3A_674 : memref<8x128xf32, #tpu.memory_space<vmem>>) target(%dma_start3A_671 : memref<8x128xf32, #tpu.memory_space<hbm>>) target_semaphore(%arg16 : memref<!tpu.dma_semaphore, #tpu.memory_space<semaphore_mem>>)
      %dma_start3A_675 = arith.constant 3 : i32
      %dma_start3A_676 = arith.constant 24 : i32
      %dma_start3A_677 = arith.constant 0 : i32
      %dma_start3A_678 = tpu.memref_slice %arg10[%dma_start3A_676, %dma_start3A_677] : memref<64x129xf32, #tpu.memory_space<vmem>> -> memref<8x128xf32, #tpu.memory_space<vmem>>
      %dma_start3A_679 = arith.constant 0 : i32
      %dma_start3A_680 = arith.constant 0 : i32
      %dma_start3A_681 = tpu.memref_slice %arg4[%add3A_612, %dma_start3A_675, %add3A, %dma_start3A_679, %dma_start3A_680] : memref<200x8x32x8x128xf32, #tpu.memory_space<hbm>> -> memref<1x1x1x8x128xf32, #tpu.memory_space<hbm>>
      %dma_start3A_682 = tpu.memref_squeeze %dma_start3A_681 : memref<1x1x1x8x128xf32, #tpu.memory_space<hbm>> -> memref<8x128xf32, #tpu.memory_space<hbm>>
      %dma_start3A_683 = arith.constant 0 : i32
      %dma_start3A_684 = arith.constant 0 : i32
      %dma_start3A_685 = tpu.memref_slice %arg4[%add3A_612, %dma_start3A_675, %add3A, %dma_start3A_683, %dma_start3A_684] : memref<200x8x32x8x128xf32, #tpu.memory_space<hbm>> -> memref<1x1x1x8x128xf32, #tpu.memory_space<hbm>>
      %dma_start3A_686 = tpu.memref_squeeze %dma_start3A_685 : memref<1x1x1x8x128xf32, #tpu.memory_space<hbm>> -> memref<8x128xf32, #tpu.memory_space<hbm>>
      %dma_start3A_687 = arith.constant 24 : i32
      %dma_start3A_688 = arith.constant 0 : i32
      %dma_start3A_689 = tpu.memref_slice %arg10[%dma_start3A_687, %dma_start3A_688] : memref<64x129xf32, #tpu.memory_space<vmem>> -> memref<8x128xf32, #tpu.memory_space<vmem>>
      tpu.enqueue_dma source(%dma_start3A_689 : memref<8x128xf32, #tpu.memory_space<vmem>>) target(%dma_start3A_686 : memref<8x128xf32, #tpu.memory_space<hbm>>) target_semaphore(%arg16 : memref<!tpu.dma_semaphore, #tpu.memory_space<semaphore_mem>>)
      %dma_start3A_690 = arith.constant 4 : i32
      %dma_start3A_691 = arith.constant 32 : i32
      %dma_start3A_692 = arith.constant 0 : i32
      %dma_start3A_693 = tpu.memref_slice %arg10[%dma_start3A_691, %dma_start3A_692] : memref<64x129xf32, #tpu.memory_space<vmem>> -> memref<8x128xf32, #tpu.memory_space<vmem>>
      %dma_start3A_694 = arith.constant 0 : i32
      %dma_start3A_695 = arith.constant 0 : i32
      %dma_start3A_696 = tpu.memref_slice %arg4[%add3A_612, %dma_start3A_690, %add3A, %dma_start3A_694, %dma_start3A_695] : memref<200x8x32x8x128xf32, #tpu.memory_space<hbm>> -> memref<1x1x1x8x128xf32, #tpu.memory_space<hbm>>
      %dma_start3A_697 = tpu.memref_squeeze %dma_start3A_696 : memref<1x1x1x8x128xf32, #tpu.memory_space<hbm>> -> memref<8x128xf32, #tpu.memory_space<hbm>>
      %dma_start3A_698 = arith.constant 0 : i32
      %dma_start3A_699 = arith.constant 0 : i32
      %dma_start3A_700 = tpu.memref_slice %arg4[%add3A_612, %dma_start3A_690, %add3A, %dma_start3A_698, %dma_start3A_699] : memref<200x8x32x8x128xf32, #tpu.memory_space<hbm>> -> memref<1x1x1x8x128xf32, #tpu.memory_space<hbm>>
      %dma_start3A_701 = tpu.memref_squeeze %dma_start3A_700 : memref<1x1x1x8x128xf32, #tpu.memory_space<hbm>> -> memref<8x128xf32, #tpu.memory_space<hbm>>
      %dma_start3A_702 = arith.constant 32 : i32
      %dma_start3A_703 = arith.constant 0 : i32
      %dma_start3A_704 = tpu.memref_slice %arg10[%dma_start3A_702, %dma_start3A_703] : memref<64x129xf32, #tpu.memory_space<vmem>> -> memref<8x128xf32, #tpu.memory_space<vmem>>
      tpu.enqueue_dma source(%dma_start3A_704 : memref<8x128xf32, #tpu.memory_space<vmem>>) target(%dma_start3A_701 : memref<8x128xf32, #tpu.memory_space<hbm>>) target_semaphore(%arg16 : memref<!tpu.dma_semaphore, #tpu.memory_space<semaphore_mem>>)
      %dma_start3A_705 = arith.constant 5 : i32
      %dma_start3A_706 = arith.constant 40 : i32
      %dma_start3A_707 = arith.constant 0 : i32
      %dma_start3A_708 = tpu.memref_slice %arg10[%dma_start3A_706, %dma_start3A_707] : memref<64x129xf32, #tpu.memory_space<vmem>> -> memref<8x128xf32, #tpu.memory_space<vmem>>
      %dma_start3A_709 = arith.constant 0 : i32
      %dma_start3A_710 = arith.constant 0 : i32
      %dma_start3A_711 = tpu.memref_slice %arg4[%add3A_612, %dma_start3A_705, %add3A, %dma_start3A_709, %dma_start3A_710] : memref<200x8x32x8x128xf32, #tpu.memory_space<hbm>> -> memref<1x1x1x8x128xf32, #tpu.memory_space<hbm>>
      %dma_start3A_712 = tpu.memref_squeeze %dma_start3A_711 : memref<1x1x1x8x128xf32, #tpu.memory_space<hbm>> -> memref<8x128xf32, #tpu.memory_space<hbm>>
      %dma_start3A_713 = arith.constant 0 : i32
      %dma_start3A_714 = arith.constant 0 : i32
      %dma_start3A_715 = tpu.memref_slice %arg4[%add3A_612, %dma_start3A_705, %add3A, %dma_start3A_713, %dma_start3A_714] : memref<200x8x32x8x128xf32, #tpu.memory_space<hbm>> -> memref<1x1x1x8x128xf32, #tpu.memory_space<hbm>>
      %dma_start3A_716 = tpu.memref_squeeze %dma_start3A_715 : memref<1x1x1x8x128xf32, #tpu.memory_space<hbm>> -> memref<8x128xf32, #tpu.memory_space<hbm>>
      %dma_start3A_717 = arith.constant 40 : i32
      %dma_start3A_718 = arith.constant 0 : i32
      %dma_start3A_719 = tpu.memref_slice %arg10[%dma_start3A_717, %dma_start3A_718] : memref<64x129xf32, #tpu.memory_space<vmem>> -> memref<8x128xf32, #tpu.memory_space<vmem>>
      tpu.enqueue_dma source(%dma_start3A_719 : memref<8x128xf32, #tpu.memory_space<vmem>>) target(%dma_start3A_716 : memref<8x128xf32, #tpu.memory_space<hbm>>) target_semaphore(%arg16 : memref<!tpu.dma_semaphore, #tpu.memory_space<semaphore_mem>>)
      %dma_start3A_720 = arith.constant 6 : i32
      %dma_start3A_721 = arith.constant 48 : i32
      %dma_start3A_722 = arith.constant 0 : i32
      %dma_start3A_723 = tpu.memref_slice %arg10[%dma_start3A_721, %dma_start3A_722] : memref<64x129xf32, #tpu.memory_space<vmem>> -> memref<8x128xf32, #tpu.memory_space<vmem>>
      %dma_start3A_724 = arith.constant 0 : i32
      %dma_start3A_725 = arith.constant 0 : i32
      %dma_start3A_726 = tpu.memref_slice %arg4[%add3A_612, %dma_start3A_720, %add3A, %dma_start3A_724, %dma_start3A_725] : memref<200x8x32x8x128xf32, #tpu.memory_space<hbm>> -> memref<1x1x1x8x128xf32, #tpu.memory_space<hbm>>
      %dma_start3A_727 = tpu.memref_squeeze %dma_start3A_726 : memref<1x1x1x8x128xf32, #tpu.memory_space<hbm>> -> memref<8x128xf32, #tpu.memory_space<hbm>>
      %dma_start3A_728 = arith.constant 0 : i32
      %dma_start3A_729 = arith.constant 0 : i32
      %dma_start3A_730 = tpu.memref_slice %arg4[%add3A_612, %dma_start3A_720, %add3A, %dma_start3A_728, %dma_start3A_729] : memref<200x8x32x8x128xf32, #tpu.memory_space<hbm>> -> memref<1x1x1x8x128xf32, #tpu.memory_space<hbm>>
      %dma_start3A_731 = tpu.memref_squeeze %dma_start3A_730 : memref<1x1x1x8x128xf32, #tpu.memory_space<hbm>> -> memref<8x128xf32, #tpu.memory_space<hbm>>
      %dma_start3A_732 = arith.constant 48 : i32
      %dma_start3A_733 = arith.constant 0 : i32
      %dma_start3A_734 = tpu.memref_slice %arg10[%dma_start3A_732, %dma_start3A_733] : memref<64x129xf32, #tpu.memory_space<vmem>> -> memref<8x128xf32, #tpu.memory_space<vmem>>
      tpu.enqueue_dma source(%dma_start3A_734 : memref<8x128xf32, #tpu.memory_space<vmem>>) target(%dma_start3A_731 : memref<8x128xf32, #tpu.memory_space<hbm>>) target_semaphore(%arg16 : memref<!tpu.dma_semaphore, #tpu.memory_space<semaphore_mem>>)
      %dma_start3A_735 = arith.constant 7 : i32
      %dma_start3A_736 = arith.constant 56 : i32
      %dma_start3A_737 = arith.constant 0 : i32
      %dma_start3A_738 = tpu.memref_slice %arg10[%dma_start3A_736, %dma_start3A_737] : memref<64x129xf32, #tpu.memory_space<vmem>> -> memref<8x128xf32, #tpu.memory_space<vmem>>
      %dma_start3A_739 = arith.constant 0 : i32
      %dma_start3A_740 = arith.constant 0 : i32
      %dma_start3A_741 = tpu.memref_slice %arg4[%add3A_612, %dma_start3A_735, %add3A, %dma_start3A_739, %dma_start3A_740] : memref<200x8x32x8x128xf32, #tpu.memory_space<hbm>> -> memref<1x1x1x8x128xf32, #tpu.memory_space<hbm>>
      %dma_start3A_742 = tpu.memref_squeeze %dma_start3A_741 : memref<1x1x1x8x128xf32, #tpu.memory_space<hbm>> -> memref<8x128xf32, #tpu.memory_space<hbm>>
      %dma_start3A_743 = arith.constant 0 : i32
      %dma_start3A_744 = arith.constant 0 : i32
      %dma_start3A_745 = tpu.memref_slice %arg4[%add3A_612, %dma_start3A_735, %add3A, %dma_start3A_743, %dma_start3A_744] : memref<200x8x32x8x128xf32, #tpu.memory_space<hbm>> -> memref<1x1x1x8x128xf32, #tpu.memory_space<hbm>>
      %dma_start3A_746 = tpu.memref_squeeze %dma_start3A_745 : memref<1x1x1x8x128xf32, #tpu.memory_space<hbm>> -> memref<8x128xf32, #tpu.memory_space<hbm>>
      %dma_start3A_747 = arith.constant 56 : i32
      %dma_start3A_748 = arith.constant 0 : i32
      %dma_start3A_749 = tpu.memref_slice %arg10[%dma_start3A_747, %dma_start3A_748] : memref<64x129xf32, #tpu.memory_space<vmem>> -> memref<8x128xf32, #tpu.memory_space<vmem>>
      tpu.enqueue_dma source(%dma_start3A_749 : memref<8x128xf32, #tpu.memory_space<vmem>>) target(%dma_start3A_746 : memref<8x128xf32, #tpu.memory_space<hbm>>) target_semaphore(%arg16 : memref<!tpu.dma_semaphore, #tpu.memory_space<semaphore_mem>>)
      %add3A_750 = arith.constant 4 : i32
      %add3A_751 = arith.addi %add3A_612, %add3A_750 : i32
      %lt3A_752 = arith.constant 200 : i32
      %lt3A_753 = arith.cmpi slt, %add3A_751, %lt3A_752 : i32
      %convert_element_type3A_754 = arith.extui %lt3A_753 : i1 to i32
      %cond3A_755 = arith.constant 0 : i32
      %cond3A_756 = arith.cmpi ne, %convert_element_type3A_754, %cond3A_755 : i32
      scf.if %cond3A_756 {
        %add3A_905 = arith.constant 4 : i32
        %add3A_906 = arith.addi %add3A_612, %add3A_905 : i32
        %dma_start3A_907 = arith.constant 0 : i32
        %dma_start3A_908 = tpu.memref_slice %arg5[%add3A_906, %dma_start3A_907] : memref<200x128xi32, #tpu.memory_space<vmem>> -> memref<1x128xi32, #tpu.memory_space<vmem>>
        %dma_start3A_909 = tpu.memref_squeeze %dma_start3A_908 : memref<1x128xi32, #tpu.memory_space<vmem>> -> memref<128xi32, #tpu.memory_space<vmem>>
        %dma_start3A_910 = arith.constant 0 : i32
        %dma_start3A_911 = arith.constant 0 : i32
        %dma_start3A_912 = tpu.memref_slice %arg2[%dma_start3A_910, %dma_start3A_911] : memref<1000001x64xf32, #tpu.memory_space<hbm>> -> memref<1000001x64xf32, #tpu.memory_space<hbm>>
        tpu.enqueue_indirect_dma source(%dma_start3A_912 : memref<1000001x64xf32, #tpu.memory_space<hbm>>) target(%arg8 : memref<128x64xf32, #tpu.memory_space<vmem>>) offsets(%dma_start3A_909 : memref<128xi32, #tpu.memory_space<vmem>>) semaphore(%arg14 : memref<!tpu.dma_semaphore, #tpu.memory_space<semaphore_mem>>)
      } else {
      }
      %mul3A_757 = arith.constant 4 : i32
      %mul3A_758 = arith.muli %mul3A_757, %scan3A_316 : i32
      %add3A_759 = arith.constant 3 : i32
      %add3A_760 = arith.addi %mul3A_758, %add3A_759 : i32
      %dma_wait3A_761 = arith.constant 0 : i32
      %dma_wait3A_762 = arith.constant 0 : i32
      %dma_wait3A_763 = tpu.memref_slice %arg2[%dma_wait3A_761, %dma_wait3A_762] : memref<1000001x64xf32, #tpu.memory_space<hbm>> -> memref<128x64xf32, #tpu.memory_space<hbm>>
      %dma_wait3A_764 = arith.constant 0 : i32
      %dma_wait3A_765 = arith.constant 0 : i32
      %dma_wait3A_766 = tpu.memref_slice %arg2[%dma_wait3A_764, %dma_wait3A_765] : memref<1000001x64xf32, #tpu.memory_space<hbm>> -> memref<128x64xf32, #tpu.memory_space<hbm>>
      tpu.wait_dma2 semaphore(%arg15 : memref<!tpu.dma_semaphore, #tpu.memory_space<semaphore_mem>>) src(%dma_wait3A_766 : memref<128x64xf32, #tpu.memory_space<hbm>>) dst(%arg9 : memref<128x64xf32, #tpu.memory_space<vmem>>)
      %ge3A_767 = arith.constant 2 : i32
      %ge3A_768 = arith.cmpi sge, %add3A_760, %ge3A_767 : i32
      %convert_element_type3A_769 = arith.extui %ge3A_768 : i1 to i32
      %cond3A_770 = arith.constant 0 : i32
      %cond3A_771 = arith.cmpi ne, %convert_element_type3A_769, %cond3A_770 : i32
      scf.if %cond3A_771 {
        %dma_wait3A_905 = arith.constant 0 : i32
        %dma_wait3A_906 = arith.constant 0 : i32
        %dma_wait3A_907 = arith.constant 0 : i32
        %dma_wait3A_908 = arith.constant 0 : i32
        %dma_wait3A_909 = arith.constant 0 : i32
        %dma_wait3A_910 = tpu.memref_slice %arg11[%dma_wait3A_908, %dma_wait3A_909] : memref<64x129xf32, #tpu.memory_space<vmem>> -> memref<8x128xf32, #tpu.memory_space<vmem>>
        %dma_wait3A_911 = arith.constant 0 : i32
        %dma_wait3A_912 = arith.constant 0 : i32
        %dma_wait3A_913 = tpu.memref_slice %arg4[%dma_wait3A_905, %dma_wait3A_906, %dma_wait3A_907, %dma_wait3A_911, %dma_wait3A_912] : memref<200x8x32x8x128xf32, #tpu.memory_space<hbm>> -> memref<1x1x1x8x128xf32, #tpu.memory_space<hbm>>
        %dma_wait3A_914 = tpu.memref_squeeze %dma_wait3A_913 : memref<1x1x1x8x128xf32, #tpu.memory_space<hbm>> -> memref<8x128xf32, #tpu.memory_space<hbm>>
        %dma_wait3A_915 = arith.constant 0 : i32
        %dma_wait3A_916 = arith.constant 0 : i32
        %dma_wait3A_917 = tpu.memref_slice %arg11[%dma_wait3A_915, %dma_wait3A_916] : memref<64x129xf32, #tpu.memory_space<vmem>> -> memref<8x128xf32, #tpu.memory_space<vmem>>
        %dma_wait3A_918 = arith.constant 0 : i32
        %dma_wait3A_919 = arith.constant 0 : i32
        %dma_wait3A_920 = tpu.memref_slice %arg4[%dma_wait3A_905, %dma_wait3A_906, %dma_wait3A_907, %dma_wait3A_918, %dma_wait3A_919] : memref<200x8x32x8x128xf32, #tpu.memory_space<hbm>> -> memref<1x1x1x8x128xf32, #tpu.memory_space<hbm>>
        %dma_wait3A_921 = tpu.memref_squeeze %dma_wait3A_920 : memref<1x1x1x8x128xf32, #tpu.memory_space<hbm>> -> memref<8x128xf32, #tpu.memory_space<hbm>>
        tpu.wait_dma2 semaphore(%arg17 : memref<!tpu.dma_semaphore, #tpu.memory_space<semaphore_mem>>) src(%dma_wait3A_921 : memref<8x128xf32, #tpu.memory_space<hbm>>) dst(%dma_wait3A_917 : memref<8x128xf32, #tpu.memory_space<vmem>>)
        %dma_wait3A_922 = arith.constant 0 : i32
        %dma_wait3A_923 = arith.constant 0 : i32
        %dma_wait3A_924 = arith.constant 0 : i32
        %dma_wait3A_925 = arith.constant 8 : i32
        %dma_wait3A_926 = arith.constant 0 : i32
        %dma_wait3A_927 = tpu.memref_slice %arg11[%dma_wait3A_925, %dma_wait3A_926] : memref<64x129xf32, #tpu.memory_space<vmem>> -> memref<8x128xf32, #tpu.memory_space<vmem>>
        %dma_wait3A_928 = arith.constant 0 : i32
        %dma_wait3A_929 = arith.constant 0 : i32
        %dma_wait3A_930 = tpu.memref_slice %arg4[%dma_wait3A_922, %dma_wait3A_923, %dma_wait3A_924, %dma_wait3A_928, %dma_wait3A_929] : memref<200x8x32x8x128xf32, #tpu.memory_space<hbm>> -> memref<1x1x1x8x128xf32, #tpu.memory_space<hbm>>
        %dma_wait3A_931 = tpu.memref_squeeze %dma_wait3A_930 : memref<1x1x1x8x128xf32, #tpu.memory_space<hbm>> -> memref<8x128xf32, #tpu.memory_space<hbm>>
        %dma_wait3A_932 = arith.constant 8 : i32
        %dma_wait3A_933 = arith.constant 0 : i32
        %dma_wait3A_934 = tpu.memref_slice %arg11[%dma_wait3A_932, %dma_wait3A_933] : memref<64x129xf32, #tpu.memory_space<vmem>> -> memref<8x128xf32, #tpu.memory_space<vmem>>
        %dma_wait3A_935 = arith.constant 0 : i32
        %dma_wait3A_936 = arith.constant 0 : i32
        %dma_wait3A_937 = tpu.memref_slice %arg4[%dma_wait3A_922, %dma_wait3A_923, %dma_wait3A_924, %dma_wait3A_935, %dma_wait3A_936] : memref<200x8x32x8x128xf32, #tpu.memory_space<hbm>> -> memref<1x1x1x8x128xf32, #tpu.memory_space<hbm>>
        %dma_wait3A_938 = tpu.memref_squeeze %dma_wait3A_937 : memref<1x1x1x8x128xf32, #tpu.memory_space<hbm>> -> memref<8x128xf32, #tpu.memory_space<hbm>>
        tpu.wait_dma2 semaphore(%arg17 : memref<!tpu.dma_semaphore, #tpu.memory_space<semaphore_mem>>) src(%dma_wait3A_938 : memref<8x128xf32, #tpu.memory_space<hbm>>) dst(%dma_wait3A_934 : memref<8x128xf32, #tpu.memory_space<vmem>>)
        %dma_wait3A_939 = arith.constant 0 : i32
        %dma_wait3A_940 = arith.constant 0 : i32
        %dma_wait3A_941 = arith.constant 0 : i32
        %dma_wait3A_942 = arith.constant 16 : i32
        %dma_wait3A_943 = arith.constant 0 : i32
        %dma_wait3A_944 = tpu.memref_slice %arg11[%dma_wait3A_942, %dma_wait3A_943] : memref<64x129xf32, #tpu.memory_space<vmem>> -> memref<8x128xf32, #tpu.memory_space<vmem>>
        %dma_wait3A_945 = arith.constant 0 : i32
        %dma_wait3A_946 = arith.constant 0 : i32
        %dma_wait3A_947 = tpu.memref_slice %arg4[%dma_wait3A_939, %dma_wait3A_940, %dma_wait3A_941, %dma_wait3A_945, %dma_wait3A_946] : memref<200x8x32x8x128xf32, #tpu.memory_space<hbm>> -> memref<1x1x1x8x128xf32, #tpu.memory_space<hbm>>
        %dma_wait3A_948 = tpu.memref_squeeze %dma_wait3A_947 : memref<1x1x1x8x128xf32, #tpu.memory_space<hbm>> -> memref<8x128xf32, #tpu.memory_space<hbm>>
        %dma_wait3A_949 = arith.constant 16 : i32
        %dma_wait3A_950 = arith.constant 0 : i32
        %dma_wait3A_951 = tpu.memref_slice %arg11[%dma_wait3A_949, %dma_wait3A_950] : memref<64x129xf32, #tpu.memory_space<vmem>> -> memref<8x128xf32, #tpu.memory_space<vmem>>
        %dma_wait3A_952 = arith.constant 0 : i32
        %dma_wait3A_953 = arith.constant 0 : i32
        %dma_wait3A_954 = tpu.memref_slice %arg4[%dma_wait3A_939, %dma_wait3A_940, %dma_wait3A_941, %dma_wait3A_952, %dma_wait3A_953] : memref<200x8x32x8x128xf32, #tpu.memory_space<hbm>> -> memref<1x1x1x8x128xf32, #tpu.memory_space<hbm>>
        %dma_wait3A_955 = tpu.memref_squeeze %dma_wait3A_954 : memref<1x1x1x8x128xf32, #tpu.memory_space<hbm>> -> memref<8x128xf32, #tpu.memory_space<hbm>>
        tpu.wait_dma2 semaphore(%arg17 : memref<!tpu.dma_semaphore, #tpu.memory_space<semaphore_mem>>) src(%dma_wait3A_955 : memref<8x128xf32, #tpu.memory_space<hbm>>) dst(%dma_wait3A_951 : memref<8x128xf32, #tpu.memory_space<vmem>>)
        %dma_wait3A_956 = arith.constant 0 : i32
        %dma_wait3A_957 = arith.constant 0 : i32
        %dma_wait3A_958 = arith.constant 0 : i32
        %dma_wait3A_959 = arith.constant 24 : i32
        %dma_wait3A_960 = arith.constant 0 : i32
        %dma_wait3A_961 = tpu.memref_slice %arg11[%dma_wait3A_959, %dma_wait3A_960] : memref<64x129xf32, #tpu.memory_space<vmem>> -> memref<8x128xf32, #tpu.memory_space<vmem>>
        %dma_wait3A_962 = arith.constant 0 : i32
        %dma_wait3A_963 = arith.constant 0 : i32
        %dma_wait3A_964 = tpu.memref_slice %arg4[%dma_wait3A_956, %dma_wait3A_957, %dma_wait3A_958, %dma_wait3A_962, %dma_wait3A_963] : memref<200x8x32x8x128xf32, #tpu.memory_space<hbm>> -> memref<1x1x1x8x128xf32, #tpu.memory_space<hbm>>
        %dma_wait3A_965 = tpu.memref_squeeze %dma_wait3A_964 : memref<1x1x1x8x128xf32, #tpu.memory_space<hbm>> -> memref<8x128xf32, #tpu.memory_space<hbm>>
        %dma_wait3A_966 = arith.constant 24 : i32
        %dma_wait3A_967 = arith.constant 0 : i32
        %dma_wait3A_968 = tpu.memref_slice %arg11[%dma_wait3A_966, %dma_wait3A_967] : memref<64x129xf32, #tpu.memory_space<vmem>> -> memref<8x128xf32, #tpu.memory_space<vmem>>
        %dma_wait3A_969 = arith.constant 0 : i32
        %dma_wait3A_970 = arith.constant 0 : i32
        %dma_wait3A_971 = tpu.memref_slice %arg4[%dma_wait3A_956, %dma_wait3A_957, %dma_wait3A_958, %dma_wait3A_969, %dma_wait3A_970] : memref<200x8x32x8x128xf32, #tpu.memory_space<hbm>> -> memref<1x1x1x8x128xf32, #tpu.memory_space<hbm>>
        %dma_wait3A_972 = tpu.memref_squeeze %dma_wait3A_971 : memref<1x1x1x8x128xf32, #tpu.memory_space<hbm>> -> memref<8x128xf32, #tpu.memory_space<hbm>>
        tpu.wait_dma2 semaphore(%arg17 : memref<!tpu.dma_semaphore, #tpu.memory_space<semaphore_mem>>) src(%dma_wait3A_972 : memref<8x128xf32, #tpu.memory_space<hbm>>) dst(%dma_wait3A_968 : memref<8x128xf32, #tpu.memory_space<vmem>>)
        %dma_wait3A_973 = arith.constant 0 : i32
        %dma_wait3A_974 = arith.constant 0 : i32
        %dma_wait3A_975 = arith.constant 0 : i32
        %dma_wait3A_976 = arith.constant 32 : i32
        %dma_wait3A_977 = arith.constant 0 : i32
        %dma_wait3A_978 = tpu.memref_slice %arg11[%dma_wait3A_976, %dma_wait3A_977] : memref<64x129xf32, #tpu.memory_space<vmem>> -> memref<8x128xf32, #tpu.memory_space<vmem>>
        %dma_wait3A_979 = arith.constant 0 : i32
        %dma_wait3A_980 = arith.constant 0 : i32
        %dma_wait3A_981 = tpu.memref_slice %arg4[%dma_wait3A_973, %dma_wait3A_974, %dma_wait3A_975, %dma_wait3A_979, %dma_wait3A_980] : memref<200x8x32x8x128xf32, #tpu.memory_space<hbm>> -> memref<1x1x1x8x128xf32, #tpu.memory_space<hbm>>
        %dma_wait3A_982 = tpu.memref_squeeze %dma_wait3A_981 : memref<1x1x1x8x128xf32, #tpu.memory_space<hbm>> -> memref<8x128xf32, #tpu.memory_space<hbm>>
        %dma_wait3A_983 = arith.constant 32 : i32
        %dma_wait3A_984 = arith.constant 0 : i32
        %dma_wait3A_985 = tpu.memref_slice %arg11[%dma_wait3A_983, %dma_wait3A_984] : memref<64x129xf32, #tpu.memory_space<vmem>> -> memref<8x128xf32, #tpu.memory_space<vmem>>
        %dma_wait3A_986 = arith.constant 0 : i32
        %dma_wait3A_987 = arith.constant 0 : i32
        %dma_wait3A_988 = tpu.memref_slice %arg4[%dma_wait3A_973, %dma_wait3A_974, %dma_wait3A_975, %dma_wait3A_986, %dma_wait3A_987] : memref<200x8x32x8x128xf32, #tpu.memory_space<hbm>> -> memref<1x1x1x8x128xf32, #tpu.memory_space<hbm>>
        %dma_wait3A_989 = tpu.memref_squeeze %dma_wait3A_988 : memref<1x1x1x8x128xf32, #tpu.memory_space<hbm>> -> memref<8x128xf32, #tpu.memory_space<hbm>>
        tpu.wait_dma2 semaphore(%arg17 : memref<!tpu.dma_semaphore, #tpu.memory_space<semaphore_mem>>) src(%dma_wait3A_989 : memref<8x128xf32, #tpu.memory_space<hbm>>) dst(%dma_wait3A_985 : memref<8x128xf32, #tpu.memory_space<vmem>>)
        %dma_wait3A_990 = arith.constant 0 : i32
        %dma_wait3A_991 = arith.constant 0 : i32
        %dma_wait3A_992 = arith.constant 0 : i32
        %dma_wait3A_993 = arith.constant 40 : i32
        %dma_wait3A_994 = arith.constant 0 : i32
        %dma_wait3A_995 = tpu.memref_slice %arg11[%dma_wait3A_993, %dma_wait3A_994] : memref<64x129xf32, #tpu.memory_space<vmem>> -> memref<8x128xf32, #tpu.memory_space<vmem>>
        %dma_wait3A_996 = arith.constant 0 : i32
        %dma_wait3A_997 = arith.constant 0 : i32
        %dma_wait3A_998 = tpu.memref_slice %arg4[%dma_wait3A_990, %dma_wait3A_991, %dma_wait3A_992, %dma_wait3A_996, %dma_wait3A_997] : memref<200x8x32x8x128xf32, #tpu.memory_space<hbm>> -> memref<1x1x1x8x128xf32, #tpu.memory_space<hbm>>
        %dma_wait3A_999 = tpu.memref_squeeze %dma_wait3A_998 : memref<1x1x1x8x128xf32, #tpu.memory_space<hbm>> -> memref<8x128xf32, #tpu.memory_space<hbm>>
        %dma_wait3A_1000 = arith.constant 40 : i32
        %dma_wait3A_1001 = arith.constant 0 : i32
        %dma_wait3A_1002 = tpu.memref_slice %arg11[%dma_wait3A_1000, %dma_wait3A_1001] : memref<64x129xf32, #tpu.memory_space<vmem>> -> memref<8x128xf32, #tpu.memory_space<vmem>>
        %dma_wait3A_1003 = arith.constant 0 : i32
        %dma_wait3A_1004 = arith.constant 0 : i32
        %dma_wait3A_1005 = tpu.memref_slice %arg4[%dma_wait3A_990, %dma_wait3A_991, %dma_wait3A_992, %dma_wait3A_1003, %dma_wait3A_1004] : memref<200x8x32x8x128xf32, #tpu.memory_space<hbm>> -> memref<1x1x1x8x128xf32, #tpu.memory_space<hbm>>
        %dma_wait3A_1006 = tpu.memref_squeeze %dma_wait3A_1005 : memref<1x1x1x8x128xf32, #tpu.memory_space<hbm>> -> memref<8x128xf32, #tpu.memory_space<hbm>>
        tpu.wait_dma2 semaphore(%arg17 : memref<!tpu.dma_semaphore, #tpu.memory_space<semaphore_mem>>) src(%dma_wait3A_1006 : memref<8x128xf32, #tpu.memory_space<hbm>>) dst(%dma_wait3A_1002 : memref<8x128xf32, #tpu.memory_space<vmem>>)
        %dma_wait3A_1007 = arith.constant 0 : i32
        %dma_wait3A_1008 = arith.constant 0 : i32
        %dma_wait3A_1009 = arith.constant 0 : i32
        %dma_wait3A_1010 = arith.constant 48 : i32
        %dma_wait3A_1011 = arith.constant 0 : i32
        %dma_wait3A_1012 = tpu.memref_slice %arg11[%dma_wait3A_1010, %dma_wait3A_1011] : memref<64x129xf32, #tpu.memory_space<vmem>> -> memref<8x128xf32, #tpu.memory_space<vmem>>
        %dma_wait3A_1013 = arith.constant 0 : i32
        %dma_wait3A_1014 = arith.constant 0 : i32
        %dma_wait3A_1015 = tpu.memref_slice %arg4[%dma_wait3A_1007, %dma_wait3A_1008, %dma_wait3A_1009, %dma_wait3A_1013, %dma_wait3A_1014] : memref<200x8x32x8x128xf32, #tpu.memory_space<hbm>> -> memref<1x1x1x8x128xf32, #tpu.memory_space<hbm>>
        %dma_wait3A_1016 = tpu.memref_squeeze %dma_wait3A_1015 : memref<1x1x1x8x128xf32, #tpu.memory_space<hbm>> -> memref<8x128xf32, #tpu.memory_space<hbm>>
        %dma_wait3A_1017 = arith.constant 48 : i32
        %dma_wait3A_1018 = arith.constant 0 : i32
        %dma_wait3A_1019 = tpu.memref_slice %arg11[%dma_wait3A_1017, %dma_wait3A_1018] : memref<64x129xf32, #tpu.memory_space<vmem>> -> memref<8x128xf32, #tpu.memory_space<vmem>>
        %dma_wait3A_1020 = arith.constant 0 : i32
        %dma_wait3A_1021 = arith.constant 0 : i32
        %dma_wait3A_1022 = tpu.memref_slice %arg4[%dma_wait3A_1007, %dma_wait3A_1008, %dma_wait3A_1009, %dma_wait3A_1020, %dma_wait3A_1021] : memref<200x8x32x8x128xf32, #tpu.memory_space<hbm>> -> memref<1x1x1x8x128xf32, #tpu.memory_space<hbm>>
        %dma_wait3A_1023 = tpu.memref_squeeze %dma_wait3A_1022 : memref<1x1x1x8x128xf32, #tpu.memory_space<hbm>> -> memref<8x128xf32, #tpu.memory_space<hbm>>
        tpu.wait_dma2 semaphore(%arg17 : memref<!tpu.dma_semaphore, #tpu.memory_space<semaphore_mem>>) src(%dma_wait3A_1023 : memref<8x128xf32, #tpu.memory_space<hbm>>) dst(%dma_wait3A_1019 : memref<8x128xf32, #tpu.memory_space<vmem>>)
        %dma_wait3A_1024 = arith.constant 0 : i32
        %dma_wait3A_1025 = arith.constant 0 : i32
        %dma_wait3A_1026 = arith.constant 0 : i32
        %dma_wait3A_1027 = arith.constant 56 : i32
        %dma_wait3A_1028 = arith.constant 0 : i32
        %dma_wait3A_1029 = tpu.memref_slice %arg11[%dma_wait3A_1027, %dma_wait3A_1028] : memref<64x129xf32, #tpu.memory_space<vmem>> -> memref<8x128xf32, #tpu.memory_space<vmem>>
        %dma_wait3A_1030 = arith.constant 0 : i32
        %dma_wait3A_1031 = arith.constant 0 : i32
        %dma_wait3A_1032 = tpu.memref_slice %arg4[%dma_wait3A_1024, %dma_wait3A_1025, %dma_wait3A_1026, %dma_wait3A_1030, %dma_wait3A_1031] : memref<200x8x32x8x128xf32, #tpu.memory_space<hbm>> -> memref<1x1x1x8x128xf32, #tpu.memory_space<hbm>>
        %dma_wait3A_1033 = tpu.memref_squeeze %dma_wait3A_1032 : memref<1x1x1x8x128xf32, #tpu.memory_space<hbm>> -> memref<8x128xf32, #tpu.memory_space<hbm>>
        %dma_wait3A_1034 = arith.constant 56 : i32
        %dma_wait3A_1035 = arith.constant 0 : i32
        %dma_wait3A_1036 = tpu.memref_slice %arg11[%dma_wait3A_1034, %dma_wait3A_1035] : memref<64x129xf32, #tpu.memory_space<vmem>> -> memref<8x128xf32, #tpu.memory_space<vmem>>
        %dma_wait3A_1037 = arith.constant 0 : i32
        %dma_wait3A_1038 = arith.constant 0 : i32
        %dma_wait3A_1039 = tpu.memref_slice %arg4[%dma_wait3A_1024, %dma_wait3A_1025, %dma_wait3A_1026, %dma_wait3A_1037, %dma_wait3A_1038] : memref<200x8x32x8x128xf32, #tpu.memory_space<hbm>> -> memref<1x1x1x8x128xf32, #tpu.memory_space<hbm>>
        %dma_wait3A_1040 = tpu.memref_squeeze %dma_wait3A_1039 : memref<1x1x1x8x128xf32, #tpu.memory_space<hbm>> -> memref<8x128xf32, #tpu.memory_space<hbm>>
        tpu.wait_dma2 semaphore(%arg17 : memref<!tpu.dma_semaphore, #tpu.memory_space<semaphore_mem>>) src(%dma_wait3A_1040 : memref<8x128xf32, #tpu.memory_space<hbm>>) dst(%dma_wait3A_1036 : memref<8x128xf32, #tpu.memory_space<vmem>>)
      } else {
      }
      %scan3A_772 = arith.constant 0 : i32
      %scan3A_773 = arith.constant 0 : i32
      %scan3A_774 = arith.constant 16 : i32
      %scan3A_775 = arith.addi %scan3A_773, %scan3A_774 : i32
      %scan3A_776 = arith.constant 1 : i32
      scf.for %scan3A_905 = %scan3A_773 to %scan3A_775 step %scan3A_776  : i32 {
        %mul3A_906 = arith.constant 8 : i32
        %mul3A_907 = arith.muli %mul3A_906, %scan3A_905 : i32
        %add3A_908 = arith.constant 0 : i32
        %add3A_909 = arith.addi %mul3A_907, %add3A_908 : i32
        %broadcast_in_dim3A = arith.constant 0 : i32
        %broadcast_in_dim3A_910 = vector.broadcast %broadcast_in_dim3A : i32 to vector<16xi32>
        %add3A_911 = vector.broadcast %add3A_909 : i32 to vector<16xi32>
        %add3A_912 = arith.addi %broadcast_in_dim3A_910, %add3A_911 : vector<16xi32>
        %get3A = arith.index_cast %add3A_909 : i32 to index
        %get3A_913 = arith.constant 0 : index
        %get3A_914 = tpu.vector_load %arg9[%get3A, %get3A_913] {strides = array<i32>} : memref<128x64xf32, #tpu.memory_space<vmem>>, vector<16xf32>,
        tpu.vector_store_idx %arg11[%add3A_3, %add3A_912], %get3A_914 : memref<64x129xf32, #tpu.memory_space<vmem>>[vector<16xi32>, vector<16xi32>], vector<16xf32>,
        %get3A_915 = arith.index_cast %add3A_909 : i32 to index
        %get3A_916 = arith.constant 16 : index
        %get3A_917 = tpu.vector_load %arg9[%get3A_915, %get3A_916] {strides = array<i32>} : memref<128x64xf32, #tpu.memory_space<vmem>>, vector<16xf32>,
        tpu.vector_store_idx %arg11[%add3A_6, %add3A_912], %get3A_917 : memref<64x129xf32, #tpu.memory_space<vmem>>[vector<16xi32>, vector<16xi32>], vector<16xf32>,
        %get3A_918 = arith.index_cast %add3A_909 : i32 to index
        %get3A_919 = arith.constant 32 : index
        %get3A_920 = tpu.vector_load %arg9[%get3A_918, %get3A_919] {strides = array<i32>} : memref<128x64xf32, #tpu.memory_space<vmem>>, vector<16xf32>,
        tpu.vector_store_idx %arg11[%add3A_9, %add3A_912], %get3A_920 : memref<64x129xf32, #tpu.memory_space<vmem>>[vector<16xi32>, vector<16xi32>], vector<16xf32>,
        %get3A_921 = arith.index_cast %add3A_909 : i32 to index
        %get3A_922 = arith.constant 48 : index
        %get3A_923 = tpu.vector_load %arg9[%get3A_921, %get3A_922] {strides = array<i32>} : memref<128x64xf32, #tpu.memory_space<vmem>>, vector<16xf32>,
        tpu.vector_store_idx %arg11[%add3A_12, %add3A_912], %get3A_923 : memref<64x129xf32, #tpu.memory_space<vmem>>[vector<16xi32>, vector<16xi32>], vector<16xf32>,
        %mul3A_924 = arith.constant 8 : i32
        %mul3A_925 = arith.muli %mul3A_924, %scan3A_905 : i32
        %add3A_926 = arith.constant 1 : i32
        %add3A_927 = arith.addi %mul3A_925, %add3A_926 : i32
        %broadcast_in_dim3A_928 = arith.constant 0 : i32
        %broadcast_in_dim3A_929 = vector.broadcast %broadcast_in_dim3A_928 : i32 to vector<16xi32>
        %add3A_930 = vector.broadcast %add3A_927 : i32 to vector<16xi32>
        %add3A_931 = arith.addi %broadcast_in_dim3A_929, %add3A_930 : vector<16xi32>
        %get3A_932 = arith.index_cast %add3A_927 : i32 to index
        %get3A_933 = arith.constant 0 : index
        %get3A_934 = tpu.vector_load %arg9[%get3A_932, %get3A_933] {strides = array<i32>} : memref<128x64xf32, #tpu.memory_space<vmem>>, vector<16xf32>,
        tpu.vector_store_idx %arg11[%add3A_3, %add3A_931], %get3A_934 : memref<64x129xf32, #tpu.memory_space<vmem>>[vector<16xi32>, vector<16xi32>], vector<16xf32>,
        %get3A_935 = arith.index_cast %add3A_927 : i32 to index
        %get3A_936 = arith.constant 16 : index
        %get3A_937 = tpu.vector_load %arg9[%get3A_935, %get3A_936] {strides = array<i32>} : memref<128x64xf32, #tpu.memory_space<vmem>>, vector<16xf32>,
        tpu.vector_store_idx %arg11[%add3A_6, %add3A_931], %get3A_937 : memref<64x129xf32, #tpu.memory_space<vmem>>[vector<16xi32>, vector<16xi32>], vector<16xf32>,
        %get3A_938 = arith.index_cast %add3A_927 : i32 to index
        %get3A_939 = arith.constant 32 : index
        %get3A_940 = tpu.vector_load %arg9[%get3A_938, %get3A_939] {strides = array<i32>} : memref<128x64xf32, #tpu.memory_space<vmem>>, vector<16xf32>,
        tpu.vector_store_idx %arg11[%add3A_9, %add3A_931], %get3A_940 : memref<64x129xf32, #tpu.memory_space<vmem>>[vector<16xi32>, vector<16xi32>], vector<16xf32>,
        %get3A_941 = arith.index_cast %add3A_927 : i32 to index
        %get3A_942 = arith.constant 48 : index
        %get3A_943 = tpu.vector_load %arg9[%get3A_941, %get3A_942] {strides = array<i32>} : memref<128x64xf32, #tpu.memory_space<vmem>>, vector<16xf32>,
        tpu.vector_store_idx %arg11[%add3A_12, %add3A_931], %get3A_943 : memref<64x129xf32, #tpu.memory_space<vmem>>[vector<16xi32>, vector<16xi32>], vector<16xf32>,
        %mul3A_944 = arith.constant 8 : i32
        %mul3A_945 = arith.muli %mul3A_944, %scan3A_905 : i32
        %add3A_946 = arith.constant 2 : i32
        %add3A_947 = arith.addi %mul3A_945, %add3A_946 : i32
        %broadcast_in_dim3A_948 = arith.constant 0 : i32
        %broadcast_in_dim3A_949 = vector.broadcast %broadcast_in_dim3A_948 : i32 to vector<16xi32>
        %add3A_950 = vector.broadcast %add3A_947 : i32 to vector<16xi32>
        %add3A_951 = arith.addi %broadcast_in_dim3A_949, %add3A_950 : vector<16xi32>
        %get3A_952 = arith.index_cast %add3A_947 : i32 to index
        %get3A_953 = arith.constant 0 : index
        %get3A_954 = tpu.vector_load %arg9[%get3A_952, %get3A_953] {strides = array<i32>} : memref<128x64xf32, #tpu.memory_space<vmem>>, vector<16xf32>,
        tpu.vector_store_idx %arg11[%add3A_3, %add3A_951], %get3A_954 : memref<64x129xf32, #tpu.memory_space<vmem>>[vector<16xi32>, vector<16xi32>], vector<16xf32>,
        %get3A_955 = arith.index_cast %add3A_947 : i32 to index
        %get3A_956 = arith.constant 16 : index
        %get3A_957 = tpu.vector_load %arg9[%get3A_955, %get3A_956] {strides = array<i32>} : memref<128x64xf32, #tpu.memory_space<vmem>>, vector<16xf32>,
        tpu.vector_store_idx %arg11[%add3A_6, %add3A_951], %get3A_957 : memref<64x129xf32, #tpu.memory_space<vmem>>[vector<16xi32>, vector<16xi32>], vector<16xf32>,
        %get3A_958 = arith.index_cast %add3A_947 : i32 to index
        %get3A_959 = arith.constant 32 : index
        %get3A_960 = tpu.vector_load %arg9[%get3A_958, %get3A_959] {strides = array<i32>} : memref<128x64xf32, #tpu.memory_space<vmem>>, vector<16xf32>,
        tpu.vector_store_idx %arg11[%add3A_9, %add3A_951], %get3A_960 : memref<64x129xf32, #tpu.memory_space<vmem>>[vector<16xi32>, vector<16xi32>], vector<16xf32>,
        %get3A_961 = arith.index_cast %add3A_947 : i32 to index
        %get3A_962 = arith.constant 48 : index
        %get3A_963 = tpu.vector_load %arg9[%get3A_961, %get3A_962] {strides = array<i32>} : memref<128x64xf32, #tpu.memory_space<vmem>>, vector<16xf32>,
        tpu.vector_store_idx %arg11[%add3A_12, %add3A_951], %get3A_963 : memref<64x129xf32, #tpu.memory_space<vmem>>[vector<16xi32>, vector<16xi32>], vector<16xf32>,
        %mul3A_964 = arith.constant 8 : i32
        %mul3A_965 = arith.muli %mul3A_964, %scan3A_905 : i32
        %add3A_966 = arith.constant 3 : i32
        %add3A_967 = arith.addi %mul3A_965, %add3A_966 : i32
        %broadcast_in_dim3A_968 = arith.constant 0 : i32
        %broadcast_in_dim3A_969 = vector.broadcast %broadcast_in_dim3A_968 : i32 to vector<16xi32>
        %add3A_970 = vector.broadcast %add3A_967 : i32 to vector<16xi32>
        %add3A_971 = arith.addi %broadcast_in_dim3A_969, %add3A_970 : vector<16xi32>
        %get3A_972 = arith.index_cast %add3A_967 : i32 to index
        %get3A_973 = arith.constant 0 : index
        %get3A_974 = tpu.vector_load %arg9[%get3A_972, %get3A_973] {strides = array<i32>} : memref<128x64xf32, #tpu.memory_space<vmem>>, vector<16xf32>,
        tpu.vector_store_idx %arg11[%add3A_3, %add3A_971], %get3A_974 : memref<64x129xf32, #tpu.memory_space<vmem>>[vector<16xi32>, vector<16xi32>], vector<16xf32>,
        %get3A_975 = arith.index_cast %add3A_967 : i32 to index
        %get3A_976 = arith.constant 16 : index
        %get3A_977 = tpu.vector_load %arg9[%get3A_975, %get3A_976] {strides = array<i32>} : memref<128x64xf32, #tpu.memory_space<vmem>>, vector<16xf32>,
        tpu.vector_store_idx %arg11[%add3A_6, %add3A_971], %get3A_977 : memref<64x129xf32, #tpu.memory_space<vmem>>[vector<16xi32>, vector<16xi32>], vector<16xf32>,
        %get3A_978 = arith.index_cast %add3A_967 : i32 to index
        %get3A_979 = arith.constant 32 : index
        %get3A_980 = tpu.vector_load %arg9[%get3A_978, %get3A_979] {strides = array<i32>} : memref<128x64xf32, #tpu.memory_space<vmem>>, vector<16xf32>,
        tpu.vector_store_idx %arg11[%add3A_9, %add3A_971], %get3A_980 : memref<64x129xf32, #tpu.memory_space<vmem>>[vector<16xi32>, vector<16xi32>], vector<16xf32>,
        %get3A_981 = arith.index_cast %add3A_967 : i32 to index
        %get3A_982 = arith.constant 48 : index
        %get3A_983 = tpu.vector_load %arg9[%get3A_981, %get3A_982] {strides = array<i32>} : memref<128x64xf32, #tpu.memory_space<vmem>>, vector<16xf32>,
        tpu.vector_store_idx %arg11[%add3A_12, %add3A_971], %get3A_983 : memref<64x129xf32, #tpu.memory_space<vmem>>[vector<16xi32>, vector<16xi32>], vector<16xf32>,
        %mul3A_984 = arith.constant 8 : i32
        %mul3A_985 = arith.muli %mul3A_984, %scan3A_905 : i32
        %add3A_986 = arith.constant 4 : i32
        %add3A_987 = arith.addi %mul3A_985, %add3A_986 : i32
        %broadcast_in_dim3A_988 = arith.constant 0 : i32
        %broadcast_in_dim3A_989 = vector.broadcast %broadcast_in_dim3A_988 : i32 to vector<16xi32>
        %add3A_990 = vector.broadcast %add3A_987 : i32 to vector<16xi32>
        %add3A_991 = arith.addi %broadcast_in_dim3A_989, %add3A_990 : vector<16xi32>
        %get3A_992 = arith.index_cast %add3A_987 : i32 to index
        %get3A_993 = arith.constant 0 : index
        %get3A_994 = tpu.vector_load %arg9[%get3A_992, %get3A_993] {strides = array<i32>} : memref<128x64xf32, #tpu.memory_space<vmem>>, vector<16xf32>,
        tpu.vector_store_idx %arg11[%add3A_3, %add3A_991], %get3A_994 : memref<64x129xf32, #tpu.memory_space<vmem>>[vector<16xi32>, vector<16xi32>], vector<16xf32>,
        %get3A_995 = arith.index_cast %add3A_987 : i32 to index
        %get3A_996 = arith.constant 16 : index
        %get3A_997 = tpu.vector_load %arg9[%get3A_995, %get3A_996] {strides = array<i32>} : memref<128x64xf32, #tpu.memory_space<vmem>>, vector<16xf32>,
        tpu.vector_store_idx %arg11[%add3A_6, %add3A_991], %get3A_997 : memref<64x129xf32, #tpu.memory_space<vmem>>[vector<16xi32>, vector<16xi32>], vector<16xf32>,
        %get3A_998 = arith.index_cast %add3A_987 : i32 to index
        %get3A_999 = arith.constant 32 : index
        %get3A_1000 = tpu.vector_load %arg9[%get3A_998, %get3A_999] {strides = array<i32>} : memref<128x64xf32, #tpu.memory_space<vmem>>, vector<16xf32>,
        tpu.vector_store_idx %arg11[%add3A_9, %add3A_991], %get3A_1000 : memref<64x129xf32, #tpu.memory_space<vmem>>[vector<16xi32>, vector<16xi32>], vector<16xf32>,
        %get3A_1001 = arith.index_cast %add3A_987 : i32 to index
        %get3A_1002 = arith.constant 48 : index
        %get3A_1003 = tpu.vector_load %arg9[%get3A_1001, %get3A_1002] {strides = array<i32>} : memref<128x64xf32, #tpu.memory_space<vmem>>, vector<16xf32>,
        tpu.vector_store_idx %arg11[%add3A_12, %add3A_991], %get3A_1003 : memref<64x129xf32, #tpu.memory_space<vmem>>[vector<16xi32>, vector<16xi32>], vector<16xf32>,
        %mul3A_1004 = arith.constant 8 : i32
        %mul3A_1005 = arith.muli %mul3A_1004, %scan3A_905 : i32
        %add3A_1006 = arith.constant 5 : i32
        %add3A_1007 = arith.addi %mul3A_1005, %add3A_1006 : i32
        %broadcast_in_dim3A_1008 = arith.constant 0 : i32
        %broadcast_in_dim3A_1009 = vector.broadcast %broadcast_in_dim3A_1008 : i32 to vector<16xi32>
        %add3A_1010 = vector.broadcast %add3A_1007 : i32 to vector<16xi32>
        %add3A_1011 = arith.addi %broadcast_in_dim3A_1009, %add3A_1010 : vector<16xi32>
        %get3A_1012 = arith.index_cast %add3A_1007 : i32 to index
        %get3A_1013 = arith.constant 0 : index
        %get3A_1014 = tpu.vector_load %arg9[%get3A_1012, %get3A_1013] {strides = array<i32>} : memref<128x64xf32, #tpu.memory_space<vmem>>, vector<16xf32>,
        tpu.vector_store_idx %arg11[%add3A_3, %add3A_1011], %get3A_1014 : memref<64x129xf32, #tpu.memory_space<vmem>>[vector<16xi32>, vector<16xi32>], vector<16xf32>,
        %get3A_1015 = arith.index_cast %add3A_1007 : i32 to index
        %get3A_1016 = arith.constant 16 : index
        %get3A_1017 = tpu.vector_load %arg9[%get3A_1015, %get3A_1016] {strides = array<i32>} : memref<128x64xf32, #tpu.memory_space<vmem>>, vector<16xf32>,
        tpu.vector_store_idx %arg11[%add3A_6, %add3A_1011], %get3A_1017 : memref<64x129xf32, #tpu.memory_space<vmem>>[vector<16xi32>, vector<16xi32>], vector<16xf32>,
        %get3A_1018 = arith.index_cast %add3A_1007 : i32 to index
        %get3A_1019 = arith.constant 32 : index
        %get3A_1020 = tpu.vector_load %arg9[%get3A_1018, %get3A_1019] {strides = array<i32>} : memref<128x64xf32, #tpu.memory_space<vmem>>, vector<16xf32>,
        tpu.vector_store_idx %arg11[%add3A_9, %add3A_1011], %get3A_1020 : memref<64x129xf32, #tpu.memory_space<vmem>>[vector<16xi32>, vector<16xi32>], vector<16xf32>,
        %get3A_1021 = arith.index_cast %add3A_1007 : i32 to index
        %get3A_1022 = arith.constant 48 : index
        %get3A_1023 = tpu.vector_load %arg9[%get3A_1021, %get3A_1022] {strides = array<i32>} : memref<128x64xf32, #tpu.memory_space<vmem>>, vector<16xf32>,
        tpu.vector_store_idx %arg11[%add3A_12, %add3A_1011], %get3A_1023 : memref<64x129xf32, #tpu.memory_space<vmem>>[vector<16xi32>, vector<16xi32>], vector<16xf32>,
        %mul3A_1024 = arith.constant 8 : i32
        %mul3A_1025 = arith.muli %mul3A_1024, %scan3A_905 : i32
        %add3A_1026 = arith.constant 6 : i32
        %add3A_1027 = arith.addi %mul3A_1025, %add3A_1026 : i32
        %broadcast_in_dim3A_1028 = arith.constant 0 : i32
        %broadcast_in_dim3A_1029 = vector.broadcast %broadcast_in_dim3A_1028 : i32 to vector<16xi32>
        %add3A_1030 = vector.broadcast %add3A_1027 : i32 to vector<16xi32>
        %add3A_1031 = arith.addi %broadcast_in_dim3A_1029, %add3A_1030 : vector<16xi32>
        %get3A_1032 = arith.index_cast %add3A_1027 : i32 to index
        %get3A_1033 = arith.constant 0 : index
        %get3A_1034 = tpu.vector_load %arg9[%get3A_1032, %get3A_1033] {strides = array<i32>} : memref<128x64xf32, #tpu.memory_space<vmem>>, vector<16xf32>,
        tpu.vector_store_idx %arg11[%add3A_3, %add3A_1031], %get3A_1034 : memref<64x129xf32, #tpu.memory_space<vmem>>[vector<16xi32>, vector<16xi32>], vector<16xf32>,
        %get3A_1035 = arith.index_cast %add3A_1027 : i32 to index
        %get3A_1036 = arith.constant 16 : index
        %get3A_1037 = tpu.vector_load %arg9[%get3A_1035, %get3A_1036] {strides = array<i32>} : memref<128x64xf32, #tpu.memory_space<vmem>>, vector<16xf32>,
        tpu.vector_store_idx %arg11[%add3A_6, %add3A_1031], %get3A_1037 : memref<64x129xf32, #tpu.memory_space<vmem>>[vector<16xi32>, vector<16xi32>], vector<16xf32>,
        %get3A_1038 = arith.index_cast %add3A_1027 : i32 to index
        %get3A_1039 = arith.constant 32 : index
        %get3A_1040 = tpu.vector_load %arg9[%get3A_1038, %get3A_1039] {strides = array<i32>} : memref<128x64xf32, #tpu.memory_space<vmem>>, vector<16xf32>,
        tpu.vector_store_idx %arg11[%add3A_9, %add3A_1031], %get3A_1040 : memref<64x129xf32, #tpu.memory_space<vmem>>[vector<16xi32>, vector<16xi32>], vector<16xf32>,
        %get3A_1041 = arith.index_cast %add3A_1027 : i32 to index
        %get3A_1042 = arith.constant 48 : index
        %get3A_1043 = tpu.vector_load %arg9[%get3A_1041, %get3A_1042] {strides = array<i32>} : memref<128x64xf32, #tpu.memory_space<vmem>>, vector<16xf32>,
        tpu.vector_store_idx %arg11[%add3A_12, %add3A_1031], %get3A_1043 : memref<64x129xf32, #tpu.memory_space<vmem>>[vector<16xi32>, vector<16xi32>], vector<16xf32>,
        %mul3A_1044 = arith.constant 8 : i32
        %mul3A_1045 = arith.muli %mul3A_1044, %scan3A_905 : i32
        %add3A_1046 = arith.constant 7 : i32
        %add3A_1047 = arith.addi %mul3A_1045, %add3A_1046 : i32
        %broadcast_in_dim3A_1048 = arith.constant 0 : i32
        %broadcast_in_dim3A_1049 = vector.broadcast %broadcast_in_dim3A_1048 : i32 to vector<16xi32>
        %add3A_1050 = vector.broadcast %add3A_1047 : i32 to vector<16xi32>
        %add3A_1051 = arith.addi %broadcast_in_dim3A_1049, %add3A_1050 : vector<16xi32>
        %get3A_1052 = arith.index_cast %add3A_1047 : i32 to index
        %get3A_1053 = arith.constant 0 : index
        %get3A_1054 = tpu.vector_load %arg9[%get3A_1052, %get3A_1053] {strides = array<i32>} : memref<128x64xf32, #tpu.memory_space<vmem>>, vector<16xf32>,
        tpu.vector_store_idx %arg11[%add3A_3, %add3A_1051], %get3A_1054 : memref<64x129xf32, #tpu.memory_space<vmem>>[vector<16xi32>, vector<16xi32>], vector<16xf32>,
        %get3A_1055 = arith.index_cast %add3A_1047 : i32 to index
        %get3A_1056 = arith.constant 16 : index
        %get3A_1057 = tpu.vector_load %arg9[%get3A_1055, %get3A_1056] {strides = array<i32>} : memref<128x64xf32, #tpu.memory_space<vmem>>, vector<16xf32>,
        tpu.vector_store_idx %arg11[%add3A_6, %add3A_1051], %get3A_1057 : memref<64x129xf32, #tpu.memory_space<vmem>>[vector<16xi32>, vector<16xi32>], vector<16xf32>,
        %get3A_1058 = arith.index_cast %add3A_1047 : i32 to index
        %get3A_1059 = arith.constant 32 : index
        %get3A_1060 = tpu.vector_load %arg9[%get3A_1058, %get3A_1059] {strides = array<i32>} : memref<128x64xf32, #tpu.memory_space<vmem>>, vector<16xf32>,
        tpu.vector_store_idx %arg11[%add3A_9, %add3A_1051], %get3A_1060 : memref<64x129xf32, #tpu.memory_space<vmem>>[vector<16xi32>, vector<16xi32>], vector<16xf32>,
        %get3A_1061 = arith.index_cast %add3A_1047 : i32 to index
        %get3A_1062 = arith.constant 48 : index
        %get3A_1063 = tpu.vector_load %arg9[%get3A_1061, %get3A_1062] {strides = array<i32>} : memref<128x64xf32, #tpu.memory_space<vmem>>, vector<16xf32>,
        tpu.vector_store_idx %arg11[%add3A_12, %add3A_1051], %get3A_1063 : memref<64x129xf32, #tpu.memory_space<vmem>>[vector<16xi32>, vector<16xi32>], vector<16xf32>,
      }
      %scan3A_777 = arith.constant 16 : i32
      %dma_start3A_778 = arith.constant 0 : i32
      %dma_start3A_779 = arith.constant 0 : i32
      %dma_start3A_780 = arith.constant 0 : i32
      %dma_start3A_781 = tpu.memref_slice %arg11[%dma_start3A_779, %dma_start3A_780] : memref<64x129xf32, #tpu.memory_space<vmem>> -> memref<8x128xf32, #tpu.memory_space<vmem>>
      %dma_start3A_782 = arith.constant 0 : i32
      %dma_start3A_783 = arith.constant 0 : i32
      %dma_start3A_784 = tpu.memref_slice %arg4[%add3A_760, %dma_start3A_778, %add3A, %dma_start3A_782, %dma_start3A_783] : memref<200x8x32x8x128xf32, #tpu.memory_space<hbm>> -> memref<1x1x1x8x128xf32, #tpu.memory_space<hbm>>
      %dma_start3A_785 = tpu.memref_squeeze %dma_start3A_784 : memref<1x1x1x8x128xf32, #tpu.memory_space<hbm>> -> memref<8x128xf32, #tpu.memory_space<hbm>>
      %dma_start3A_786 = arith.constant 0 : i32
      %dma_start3A_787 = arith.constant 0 : i32
      %dma_start3A_788 = tpu.memref_slice %arg4[%add3A_760, %dma_start3A_778, %add3A, %dma_start3A_786, %dma_start3A_787] : memref<200x8x32x8x128xf32, #tpu.memory_space<hbm>> -> memref<1x1x1x8x128xf32, #tpu.memory_space<hbm>>
      %dma_start3A_789 = tpu.memref_squeeze %dma_start3A_788 : memref<1x1x1x8x128xf32, #tpu.memory_space<hbm>> -> memref<8x128xf32, #tpu.memory_space<hbm>>
      %dma_start3A_790 = arith.constant 0 : i32
      %dma_start3A_791 = arith.constant 0 : i32
      %dma_start3A_792 = tpu.memref_slice %arg11[%dma_start3A_790, %dma_start3A_791] : memref<64x129xf32, #tpu.memory_space<vmem>> -> memref<8x128xf32, #tpu.memory_space<vmem>>
      tpu.enqueue_dma source(%dma_start3A_792 : memref<8x128xf32, #tpu.memory_space<vmem>>) target(%dma_start3A_789 : memref<8x128xf32, #tpu.memory_space<hbm>>) target_semaphore(%arg17 : memref<!tpu.dma_semaphore, #tpu.memory_space<semaphore_mem>>)
      %dma_start3A_793 = arith.constant 1 : i32
      %dma_start3A_794 = arith.constant 8 : i32
      %dma_start3A_795 = arith.constant 0 : i32
      %dma_start3A_796 = tpu.memref_slice %arg11[%dma_start3A_794, %dma_start3A_795] : memref<64x129xf32, #tpu.memory_space<vmem>> -> memref<8x128xf32, #tpu.memory_space<vmem>>
      %dma_start3A_797 = arith.constant 0 : i32
      %dma_start3A_798 = arith.constant 0 : i32
      %dma_start3A_799 = tpu.memref_slice %arg4[%add3A_760, %dma_start3A_793, %add3A, %dma_start3A_797, %dma_start3A_798] : memref<200x8x32x8x128xf32, #tpu.memory_space<hbm>> -> memref<1x1x1x8x128xf32, #tpu.memory_space<hbm>>
      %dma_start3A_800 = tpu.memref_squeeze %dma_start3A_799 : memref<1x1x1x8x128xf32, #tpu.memory_space<hbm>> -> memref<8x128xf32, #tpu.memory_space<hbm>>
      %dma_start3A_801 = arith.constant 0 : i32
      %dma_start3A_802 = arith.constant 0 : i32
      %dma_start3A_803 = tpu.memref_slice %arg4[%add3A_760, %dma_start3A_793, %add3A, %dma_start3A_801, %dma_start3A_802] : memref<200x8x32x8x128xf32, #tpu.memory_space<hbm>> -> memref<1x1x1x8x128xf32, #tpu.memory_space<hbm>>
      %dma_start3A_804 = tpu.memref_squeeze %dma_start3A_803 : memref<1x1x1x8x128xf32, #tpu.memory_space<hbm>> -> memref<8x128xf32, #tpu.memory_space<hbm>>
      %dma_start3A_805 = arith.constant 8 : i32
      %dma_start3A_806 = arith.constant 0 : i32
      %dma_start3A_807 = tpu.memref_slice %arg11[%dma_start3A_805, %dma_start3A_806] : memref<64x129xf32, #tpu.memory_space<vmem>> -> memref<8x128xf32, #tpu.memory_space<vmem>>
      tpu.enqueue_dma source(%dma_start3A_807 : memref<8x128xf32, #tpu.memory_space<vmem>>) target(%dma_start3A_804 : memref<8x128xf32, #tpu.memory_space<hbm>>) target_semaphore(%arg17 : memref<!tpu.dma_semaphore, #tpu.memory_space<semaphore_mem>>)
      %dma_start3A_808 = arith.constant 2 : i32
      %dma_start3A_809 = arith.constant 16 : i32
      %dma_start3A_810 = arith.constant 0 : i32
      %dma_start3A_811 = tpu.memref_slice %arg11[%dma_start3A_809, %dma_start3A_810] : memref<64x129xf32, #tpu.memory_space<vmem>> -> memref<8x128xf32, #tpu.memory_space<vmem>>
      %dma_start3A_812 = arith.constant 0 : i32
      %dma_start3A_813 = arith.constant 0 : i32
      %dma_start3A_814 = tpu.memref_slice %arg4[%add3A_760, %dma_start3A_808, %add3A, %dma_start3A_812, %dma_start3A_813] : memref<200x8x32x8x128xf32, #tpu.memory_space<hbm>> -> memref<1x1x1x8x128xf32, #tpu.memory_space<hbm>>
      %dma_start3A_815 = tpu.memref_squeeze %dma_start3A_814 : memref<1x1x1x8x128xf32, #tpu.memory_space<hbm>> -> memref<8x128xf32, #tpu.memory_space<hbm>>
      %dma_start3A_816 = arith.constant 0 : i32
      %dma_start3A_817 = arith.constant 0 : i32
      %dma_start3A_818 = tpu.memref_slice %arg4[%add3A_760, %dma_start3A_808, %add3A, %dma_start3A_816, %dma_start3A_817] : memref<200x8x32x8x128xf32, #tpu.memory_space<hbm>> -> memref<1x1x1x8x128xf32, #tpu.memory_space<hbm>>
      %dma_start3A_819 = tpu.memref_squeeze %dma_start3A_818 : memref<1x1x1x8x128xf32, #tpu.memory_space<hbm>> -> memref<8x128xf32, #tpu.memory_space<hbm>>
      %dma_start3A_820 = arith.constant 16 : i32
      %dma_start3A_821 = arith.constant 0 : i32
      %dma_start3A_822 = tpu.memref_slice %arg11[%dma_start3A_820, %dma_start3A_821] : memref<64x129xf32, #tpu.memory_space<vmem>> -> memref<8x128xf32, #tpu.memory_space<vmem>>
      tpu.enqueue_dma source(%dma_start3A_822 : memref<8x128xf32, #tpu.memory_space<vmem>>) target(%dma_start3A_819 : memref<8x128xf32, #tpu.memory_space<hbm>>) target_semaphore(%arg17 : memref<!tpu.dma_semaphore, #tpu.memory_space<semaphore_mem>>)
      %dma_start3A_823 = arith.constant 3 : i32
      %dma_start3A_824 = arith.constant 24 : i32
      %dma_start3A_825 = arith.constant 0 : i32
      %dma_start3A_826 = tpu.memref_slice %arg11[%dma_start3A_824, %dma_start3A_825] : memref<64x129xf32, #tpu.memory_space<vmem>> -> memref<8x128xf32, #tpu.memory_space<vmem>>
      %dma_start3A_827 = arith.constant 0 : i32
      %dma_start3A_828 = arith.constant 0 : i32
      %dma_start3A_829 = tpu.memref_slice %arg4[%add3A_760, %dma_start3A_823, %add3A, %dma_start3A_827, %dma_start3A_828] : memref<200x8x32x8x128xf32, #tpu.memory_space<hbm>> -> memref<1x1x1x8x128xf32, #tpu.memory_space<hbm>>
      %dma_start3A_830 = tpu.memref_squeeze %dma_start3A_829 : memref<1x1x1x8x128xf32, #tpu.memory_space<hbm>> -> memref<8x128xf32, #tpu.memory_space<hbm>>
      %dma_start3A_831 = arith.constant 0 : i32
      %dma_start3A_832 = arith.constant 0 : i32
      %dma_start3A_833 = tpu.memref_slice %arg4[%add3A_760, %dma_start3A_823, %add3A, %dma_start3A_831, %dma_start3A_832] : memref<200x8x32x8x128xf32, #tpu.memory_space<hbm>> -> memref<1x1x1x8x128xf32, #tpu.memory_space<hbm>>
      %dma_start3A_834 = tpu.memref_squeeze %dma_start3A_833 : memref<1x1x1x8x128xf32, #tpu.memory_space<hbm>> -> memref<8x128xf32, #tpu.memory_space<hbm>>
      %dma_start3A_835 = arith.constant 24 : i32
      %dma_start3A_836 = arith.constant 0 : i32
      %dma_start3A_837 = tpu.memref_slice %arg11[%dma_start3A_835, %dma_start3A_836] : memref<64x129xf32, #tpu.memory_space<vmem>> -> memref<8x128xf32, #tpu.memory_space<vmem>>
      tpu.enqueue_dma source(%dma_start3A_837 : memref<8x128xf32, #tpu.memory_space<vmem>>) target(%dma_start3A_834 : memref<8x128xf32, #tpu.memory_space<hbm>>) target_semaphore(%arg17 : memref<!tpu.dma_semaphore, #tpu.memory_space<semaphore_mem>>)
      %dma_start3A_838 = arith.constant 4 : i32
      %dma_start3A_839 = arith.constant 32 : i32
      %dma_start3A_840 = arith.constant 0 : i32
      %dma_start3A_841 = tpu.memref_slice %arg11[%dma_start3A_839, %dma_start3A_840] : memref<64x129xf32, #tpu.memory_space<vmem>> -> memref<8x128xf32, #tpu.memory_space<vmem>>
      %dma_start3A_842 = arith.constant 0 : i32
      %dma_start3A_843 = arith.constant 0 : i32
      %dma_start3A_844 = tpu.memref_slice %arg4[%add3A_760, %dma_start3A_838, %add3A, %dma_start3A_842, %dma_start3A_843] : memref<200x8x32x8x128xf32, #tpu.memory_space<hbm>> -> memref<1x1x1x8x128xf32, #tpu.memory_space<hbm>>
      %dma_start3A_845 = tpu.memref_squeeze %dma_start3A_844 : memref<1x1x1x8x128xf32, #tpu.memory_space<hbm>> -> memref<8x128xf32, #tpu.memory_space<hbm>>
      %dma_start3A_846 = arith.constant 0 : i32
      %dma_start3A_847 = arith.constant 0 : i32
      %dma_start3A_848 = tpu.memref_slice %arg4[%add3A_760, %dma_start3A_838, %add3A, %dma_start3A_846, %dma_start3A_847] : memref<200x8x32x8x128xf32, #tpu.memory_space<hbm>> -> memref<1x1x1x8x128xf32, #tpu.memory_space<hbm>>
      %dma_start3A_849 = tpu.memref_squeeze %dma_start3A_848 : memref<1x1x1x8x128xf32, #tpu.memory_space<hbm>> -> memref<8x128xf32, #tpu.memory_space<hbm>>
      %dma_start3A_850 = arith.constant 32 : i32
      %dma_start3A_851 = arith.constant 0 : i32
      %dma_start3A_852 = tpu.memref_slice %arg11[%dma_start3A_850, %dma_start3A_851] : memref<64x129xf32, #tpu.memory_space<vmem>> -> memref<8x128xf32, #tpu.memory_space<vmem>>
      tpu.enqueue_dma source(%dma_start3A_852 : memref<8x128xf32, #tpu.memory_space<vmem>>) target(%dma_start3A_849 : memref<8x128xf32, #tpu.memory_space<hbm>>) target_semaphore(%arg17 : memref<!tpu.dma_semaphore, #tpu.memory_space<semaphore_mem>>)
      %dma_start3A_853 = arith.constant 5 : i32
      %dma_start3A_854 = arith.constant 40 : i32
      %dma_start3A_855 = arith.constant 0 : i32
      %dma_start3A_856 = tpu.memref_slice %arg11[%dma_start3A_854, %dma_start3A_855] : memref<64x129xf32, #tpu.memory_space<vmem>> -> memref<8x128xf32, #tpu.memory_space<vmem>>
      %dma_start3A_857 = arith.constant 0 : i32
      %dma_start3A_858 = arith.constant 0 : i32
      %dma_start3A_859 = tpu.memref_slice %arg4[%add3A_760, %dma_start3A_853, %add3A, %dma_start3A_857, %dma_start3A_858] : memref<200x8x32x8x128xf32, #tpu.memory_space<hbm>> -> memref<1x1x1x8x128xf32, #tpu.memory_space<hbm>>
      %dma_start3A_860 = tpu.memref_squeeze %dma_start3A_859 : memref<1x1x1x8x128xf32, #tpu.memory_space<hbm>> -> memref<8x128xf32, #tpu.memory_space<hbm>>
      %dma_start3A_861 = arith.constant 0 : i32
      %dma_start3A_862 = arith.constant 0 : i32
      %dma_start3A_863 = tpu.memref_slice %arg4[%add3A_760, %dma_start3A_853, %add3A, %dma_start3A_861, %dma_start3A_862] : memref<200x8x32x8x128xf32, #tpu.memory_space<hbm>> -> memref<1x1x1x8x128xf32, #tpu.memory_space<hbm>>
      %dma_start3A_864 = tpu.memref_squeeze %dma_start3A_863 : memref<1x1x1x8x128xf32, #tpu.memory_space<hbm>> -> memref<8x128xf32, #tpu.memory_space<hbm>>
      %dma_start3A_865 = arith.constant 40 : i32
      %dma_start3A_866 = arith.constant 0 : i32
      %dma_start3A_867 = tpu.memref_slice %arg11[%dma_start3A_865, %dma_start3A_866] : memref<64x129xf32, #tpu.memory_space<vmem>> -> memref<8x128xf32, #tpu.memory_space<vmem>>
      tpu.enqueue_dma source(%dma_start3A_867 : memref<8x128xf32, #tpu.memory_space<vmem>>) target(%dma_start3A_864 : memref<8x128xf32, #tpu.memory_space<hbm>>) target_semaphore(%arg17 : memref<!tpu.dma_semaphore, #tpu.memory_space<semaphore_mem>>)
      %dma_start3A_868 = arith.constant 6 : i32
      %dma_start3A_869 = arith.constant 48 : i32
      %dma_start3A_870 = arith.constant 0 : i32
      %dma_start3A_871 = tpu.memref_slice %arg11[%dma_start3A_869, %dma_start3A_870] : memref<64x129xf32, #tpu.memory_space<vmem>> -> memref<8x128xf32, #tpu.memory_space<vmem>>
      %dma_start3A_872 = arith.constant 0 : i32
      %dma_start3A_873 = arith.constant 0 : i32
      %dma_start3A_874 = tpu.memref_slice %arg4[%add3A_760, %dma_start3A_868, %add3A, %dma_start3A_872, %dma_start3A_873] : memref<200x8x32x8x128xf32, #tpu.memory_space<hbm>> -> memref<1x1x1x8x128xf32, #tpu.memory_space<hbm>>
      %dma_start3A_875 = tpu.memref_squeeze %dma_start3A_874 : memref<1x1x1x8x128xf32, #tpu.memory_space<hbm>> -> memref<8x128xf32, #tpu.memory_space<hbm>>
      %dma_start3A_876 = arith.constant 0 : i32
      %dma_start3A_877 = arith.constant 0 : i32
      %dma_start3A_878 = tpu.memref_slice %arg4[%add3A_760, %dma_start3A_868, %add3A, %dma_start3A_876, %dma_start3A_877] : memref<200x8x32x8x128xf32, #tpu.memory_space<hbm>> -> memref<1x1x1x8x128xf32, #tpu.memory_space<hbm>>
      %dma_start3A_879 = tpu.memref_squeeze %dma_start3A_878 : memref<1x1x1x8x128xf32, #tpu.memory_space<hbm>> -> memref<8x128xf32, #tpu.memory_space<hbm>>
      %dma_start3A_880 = arith.constant 48 : i32
      %dma_start3A_881 = arith.constant 0 : i32
      %dma_start3A_882 = tpu.memref_slice %arg11[%dma_start3A_880, %dma_start3A_881] : memref<64x129xf32, #tpu.memory_space<vmem>> -> memref<8x128xf32, #tpu.memory_space<vmem>>
      tpu.enqueue_dma source(%dma_start3A_882 : memref<8x128xf32, #tpu.memory_space<vmem>>) target(%dma_start3A_879 : memref<8x128xf32, #tpu.memory_space<hbm>>) target_semaphore(%arg17 : memref<!tpu.dma_semaphore, #tpu.memory_space<semaphore_mem>>)
      %dma_start3A_883 = arith.constant 7 : i32
      %dma_start3A_884 = arith.constant 56 : i32
      %dma_start3A_885 = arith.constant 0 : i32
      %dma_start3A_886 = tpu.memref_slice %arg11[%dma_start3A_884, %dma_start3A_885] : memref<64x129xf32, #tpu.memory_space<vmem>> -> memref<8x128xf32, #tpu.memory_space<vmem>>
      %dma_start3A_887 = arith.constant 0 : i32
      %dma_start3A_888 = arith.constant 0 : i32
      %dma_start3A_889 = tpu.memref_slice %arg4[%add3A_760, %dma_start3A_883, %add3A, %dma_start3A_887, %dma_start3A_888] : memref<200x8x32x8x128xf32, #tpu.memory_space<hbm>> -> memref<1x1x1x8x128xf32, #tpu.memory_space<hbm>>
      %dma_start3A_890 = tpu.memref_squeeze %dma_start3A_889 : memref<1x1x1x8x128xf32, #tpu.memory_space<hbm>> -> memref<8x128xf32, #tpu.memory_space<hbm>>
      %dma_start3A_891 = arith.constant 0 : i32
      %dma_start3A_892 = arith.constant 0 : i32
      %dma_start3A_893 = tpu.memref_slice %arg4[%add3A_760, %dma_start3A_883, %add3A, %dma_start3A_891, %dma_start3A_892] : memref<200x8x32x8x128xf32, #tpu.memory_space<hbm>> -> memref<1x1x1x8x128xf32, #tpu.memory_space<hbm>>
      %dma_start3A_894 = tpu.memref_squeeze %dma_start3A_893 : memref<1x1x1x8x128xf32, #tpu.memory_space<hbm>> -> memref<8x128xf32, #tpu.memory_space<hbm>>
      %dma_start3A_895 = arith.constant 56 : i32
      %dma_start3A_896 = arith.constant 0 : i32
      %dma_start3A_897 = tpu.memref_slice %arg11[%dma_start3A_895, %dma_start3A_896] : memref<64x129xf32, #tpu.memory_space<vmem>> -> memref<8x128xf32, #tpu.memory_space<vmem>>
      tpu.enqueue_dma source(%dma_start3A_897 : memref<8x128xf32, #tpu.memory_space<vmem>>) target(%dma_start3A_894 : memref<8x128xf32, #tpu.memory_space<hbm>>) target_semaphore(%arg17 : memref<!tpu.dma_semaphore, #tpu.memory_space<semaphore_mem>>)
      %add3A_898 = arith.constant 4 : i32
      %add3A_899 = arith.addi %add3A_760, %add3A_898 : i32
      %lt3A_900 = arith.constant 200 : i32
      %lt3A_901 = arith.cmpi slt, %add3A_899, %lt3A_900 : i32
      %convert_element_type3A_902 = arith.extui %lt3A_901 : i1 to i32
      %cond3A_903 = arith.constant 0 : i32
      %cond3A_904 = arith.cmpi ne, %convert_element_type3A_902, %cond3A_903 : i32
      scf.if %cond3A_904 {
        %add3A_905 = arith.constant 4 : i32
        %add3A_906 = arith.addi %add3A_760, %add3A_905 : i32
        %dma_start3A_907 = arith.constant 0 : i32
        %dma_start3A_908 = tpu.memref_slice %arg5[%add3A_906, %dma_start3A_907] : memref<200x128xi32, #tpu.memory_space<vmem>> -> memref<1x128xi32, #tpu.memory_space<vmem>>
        %dma_start3A_909 = tpu.memref_squeeze %dma_start3A_908 : memref<1x128xi32, #tpu.memory_space<vmem>> -> memref<128xi32, #tpu.memory_space<vmem>>
        %dma_start3A_910 = arith.constant 0 : i32
        %dma_start3A_911 = arith.constant 0 : i32
        %dma_start3A_912 = tpu.memref_slice %arg2[%dma_start3A_910, %dma_start3A_911] : memref<1000001x64xf32, #tpu.memory_space<hbm>> -> memref<1000001x64xf32, #tpu.memory_space<hbm>>
        tpu.enqueue_indirect_dma source(%dma_start3A_912 : memref<1000001x64xf32, #tpu.memory_space<hbm>>) target(%arg9 : memref<128x64xf32, #tpu.memory_space<vmem>>) offsets(%dma_start3A_909 : memref<128xi32, #tpu.memory_space<vmem>>) semaphore(%arg15 : memref<!tpu.dma_semaphore, #tpu.memory_space<semaphore_mem>>)
      } else {
      }
    }
    %scan3A_44 = arith.constant 50 : i32
    %dma_wait3A = arith.constant 0 : i32
    %dma_wait3A_45 = arith.constant 0 : i32
    %dma_wait3A_46 = arith.constant 0 : i32
    %dma_wait3A_47 = arith.constant 0 : i32
    %dma_wait3A_48 = arith.constant 0 : i32
    %dma_wait3A_49 = tpu.memref_slice %arg10[%dma_wait3A_47, %dma_wait3A_48] : memref<64x129xf32, #tpu.memory_space<vmem>> -> memref<8x128xf32, #tpu.memory_space<vmem>>
    %dma_wait3A_50 = arith.constant 0 : i32
    %dma_wait3A_51 = arith.constant 0 : i32
    %dma_wait3A_52 = tpu.memref_slice %arg4[%dma_wait3A, %dma_wait3A_45, %dma_wait3A_46, %dma_wait3A_50, %dma_wait3A_51] : memref<200x8x32x8x128xf32, #tpu.memory_space<hbm>> -> memref<1x1x1x8x128xf32, #tpu.memory_space<hbm>>
    %dma_wait3A_53 = tpu.memref_squeeze %dma_wait3A_52 : memref<1x1x1x8x128xf32, #tpu.memory_space<hbm>> -> memref<8x128xf32, #tpu.memory_space<hbm>>
    %dma_wait3A_54 = arith.constant 0 : i32
    %dma_wait3A_55 = arith.constant 0 : i32
    %dma_wait3A_56 = tpu.memref_slice %arg10[%dma_wait3A_54, %dma_wait3A_55] : memref<64x129xf32, #tpu.memory_space<vmem>> -> memref<8x128xf32, #tpu.memory_space<vmem>>
    %dma_wait3A_57 = arith.constant 0 : i32
    %dma_wait3A_58 = arith.constant 0 : i32
    %dma_wait3A_59 = tpu.memref_slice %arg4[%dma_wait3A, %dma_wait3A_45, %dma_wait3A_46, %dma_wait3A_57, %dma_wait3A_58] : memref<200x8x32x8x128xf32, #tpu.memory_space<hbm>> -> memref<1x1x1x8x128xf32, #tpu.memory_space<hbm>>
    %dma_wait3A_60 = tpu.memref_squeeze %dma_wait3A_59 : memref<1x1x1x8x128xf32, #tpu.memory_space<hbm>> -> memref<8x128xf32, #tpu.memory_space<hbm>>
    tpu.wait_dma2 semaphore(%arg16 : memref<!tpu.dma_semaphore, #tpu.memory_space<semaphore_mem>>) src(%dma_wait3A_60 : memref<8x128xf32, #tpu.memory_space<hbm>>) dst(%dma_wait3A_56 : memref<8x128xf32, #tpu.memory_space<vmem>>)
    %dma_wait3A_61 = arith.constant 0 : i32
    %dma_wait3A_62 = arith.constant 0 : i32
    %dma_wait3A_63 = arith.constant 0 : i32
    %dma_wait3A_64 = arith.constant 8 : i32
    %dma_wait3A_65 = arith.constant 0 : i32
    %dma_wait3A_66 = tpu.memref_slice %arg10[%dma_wait3A_64, %dma_wait3A_65] : memref<64x129xf32, #tpu.memory_space<vmem>> -> memref<8x128xf32, #tpu.memory_space<vmem>>
    %dma_wait3A_67 = arith.constant 0 : i32
    %dma_wait3A_68 = arith.constant 0 : i32
    %dma_wait3A_69 = tpu.memref_slice %arg4[%dma_wait3A_61, %dma_wait3A_62, %dma_wait3A_63, %dma_wait3A_67, %dma_wait3A_68] : memref<200x8x32x8x128xf32, #tpu.memory_space<hbm>> -> memref<1x1x1x8x128xf32, #tpu.memory_space<hbm>>
    %dma_wait3A_70 = tpu.memref_squeeze %dma_wait3A_69 : memref<1x1x1x8x128xf32, #tpu.memory_space<hbm>> -> memref<8x128xf32, #tpu.memory_space<hbm>>
    %dma_wait3A_71 = arith.constant 8 : i32
    %dma_wait3A_72 = arith.constant 0 : i32
    %dma_wait3A_73 = tpu.memref_slice %arg10[%dma_wait3A_71, %dma_wait3A_72] : memref<64x129xf32, #tpu.memory_space<vmem>> -> memref<8x128xf32, #tpu.memory_space<vmem>>
    %dma_wait3A_74 = arith.constant 0 : i32
    %dma_wait3A_75 = arith.constant 0 : i32
    %dma_wait3A_76 = tpu.memref_slice %arg4[%dma_wait3A_61, %dma_wait3A_62, %dma_wait3A_63, %dma_wait3A_74, %dma_wait3A_75] : memref<200x8x32x8x128xf32, #tpu.memory_space<hbm>> -> memref<1x1x1x8x128xf32, #tpu.memory_space<hbm>>
    %dma_wait3A_77 = tpu.memref_squeeze %dma_wait3A_76 : memref<1x1x1x8x128xf32, #tpu.memory_space<hbm>> -> memref<8x128xf32, #tpu.memory_space<hbm>>
    tpu.wait_dma2 semaphore(%arg16 : memref<!tpu.dma_semaphore, #tpu.memory_space<semaphore_mem>>) src(%dma_wait3A_77 : memref<8x128xf32, #tpu.memory_space<hbm>>) dst(%dma_wait3A_73 : memref<8x128xf32, #tpu.memory_space<vmem>>)
    %dma_wait3A_78 = arith.constant 0 : i32
    %dma_wait3A_79 = arith.constant 0 : i32
    %dma_wait3A_80 = arith.constant 0 : i32
    %dma_wait3A_81 = arith.constant 16 : i32
    %dma_wait3A_82 = arith.constant 0 : i32
    %dma_wait3A_83 = tpu.memref_slice %arg10[%dma_wait3A_81, %dma_wait3A_82] : memref<64x129xf32, #tpu.memory_space<vmem>> -> memref<8x128xf32, #tpu.memory_space<vmem>>
    %dma_wait3A_84 = arith.constant 0 : i32
    %dma_wait3A_85 = arith.constant 0 : i32
    %dma_wait3A_86 = tpu.memref_slice %arg4[%dma_wait3A_78, %dma_wait3A_79, %dma_wait3A_80, %dma_wait3A_84, %dma_wait3A_85] : memref<200x8x32x8x128xf32, #tpu.memory_space<hbm>> -> memref<1x1x1x8x128xf32, #tpu.memory_space<hbm>>
    %dma_wait3A_87 = tpu.memref_squeeze %dma_wait3A_86 : memref<1x1x1x8x128xf32, #tpu.memory_space<hbm>> -> memref<8x128xf32, #tpu.memory_space<hbm>>
    %dma_wait3A_88 = arith.constant 16 : i32
    %dma_wait3A_89 = arith.constant 0 : i32
    %dma_wait3A_90 = tpu.memref_slice %arg10[%dma_wait3A_88, %dma_wait3A_89] : memref<64x129xf32, #tpu.memory_space<vmem>> -> memref<8x128xf32, #tpu.memory_space<vmem>>
    %dma_wait3A_91 = arith.constant 0 : i32
    %dma_wait3A_92 = arith.constant 0 : i32
    %dma_wait3A_93 = tpu.memref_slice %arg4[%dma_wait3A_78, %dma_wait3A_79, %dma_wait3A_80, %dma_wait3A_91, %dma_wait3A_92] : memref<200x8x32x8x128xf32, #tpu.memory_space<hbm>> -> memref<1x1x1x8x128xf32, #tpu.memory_space<hbm>>
    %dma_wait3A_94 = tpu.memref_squeeze %dma_wait3A_93 : memref<1x1x1x8x128xf32, #tpu.memory_space<hbm>> -> memref<8x128xf32, #tpu.memory_space<hbm>>
    tpu.wait_dma2 semaphore(%arg16 : memref<!tpu.dma_semaphore, #tpu.memory_space<semaphore_mem>>) src(%dma_wait3A_94 : memref<8x128xf32, #tpu.memory_space<hbm>>) dst(%dma_wait3A_90 : memref<8x128xf32, #tpu.memory_space<vmem>>)
    %dma_wait3A_95 = arith.constant 0 : i32
    %dma_wait3A_96 = arith.constant 0 : i32
    %dma_wait3A_97 = arith.constant 0 : i32
    %dma_wait3A_98 = arith.constant 24 : i32
    %dma_wait3A_99 = arith.constant 0 : i32
    %dma_wait3A_100 = tpu.memref_slice %arg10[%dma_wait3A_98, %dma_wait3A_99] : memref<64x129xf32, #tpu.memory_space<vmem>> -> memref<8x128xf32, #tpu.memory_space<vmem>>
    %dma_wait3A_101 = arith.constant 0 : i32
    %dma_wait3A_102 = arith.constant 0 : i32
    %dma_wait3A_103 = tpu.memref_slice %arg4[%dma_wait3A_95, %dma_wait3A_96, %dma_wait3A_97, %dma_wait3A_101, %dma_wait3A_102] : memref<200x8x32x8x128xf32, #tpu.memory_space<hbm>> -> memref<1x1x1x8x128xf32, #tpu.memory_space<hbm>>
    %dma_wait3A_104 = tpu.memref_squeeze %dma_wait3A_103 : memref<1x1x1x8x128xf32, #tpu.memory_space<hbm>> -> memref<8x128xf32, #tpu.memory_space<hbm>>
    %dma_wait3A_105 = arith.constant 24 : i32
    %dma_wait3A_106 = arith.constant 0 : i32
    %dma_wait3A_107 = tpu.memref_slice %arg10[%dma_wait3A_105, %dma_wait3A_106] : memref<64x129xf32, #tpu.memory_space<vmem>> -> memref<8x128xf32, #tpu.memory_space<vmem>>
    %dma_wait3A_108 = arith.constant 0 : i32
    %dma_wait3A_109 = arith.constant 0 : i32
    %dma_wait3A_110 = tpu.memref_slice %arg4[%dma_wait3A_95, %dma_wait3A_96, %dma_wait3A_97, %dma_wait3A_108, %dma_wait3A_109] : memref<200x8x32x8x128xf32, #tpu.memory_space<hbm>> -> memref<1x1x1x8x128xf32, #tpu.memory_space<hbm>>
    %dma_wait3A_111 = tpu.memref_squeeze %dma_wait3A_110 : memref<1x1x1x8x128xf32, #tpu.memory_space<hbm>> -> memref<8x128xf32, #tpu.memory_space<hbm>>
    tpu.wait_dma2 semaphore(%arg16 : memref<!tpu.dma_semaphore, #tpu.memory_space<semaphore_mem>>) src(%dma_wait3A_111 : memref<8x128xf32, #tpu.memory_space<hbm>>) dst(%dma_wait3A_107 : memref<8x128xf32, #tpu.memory_space<vmem>>)
    %dma_wait3A_112 = arith.constant 0 : i32
    %dma_wait3A_113 = arith.constant 0 : i32
    %dma_wait3A_114 = arith.constant 0 : i32
    %dma_wait3A_115 = arith.constant 32 : i32
    %dma_wait3A_116 = arith.constant 0 : i32
    %dma_wait3A_117 = tpu.memref_slice %arg10[%dma_wait3A_115, %dma_wait3A_116] : memref<64x129xf32, #tpu.memory_space<vmem>> -> memref<8x128xf32, #tpu.memory_space<vmem>>
    %dma_wait3A_118 = arith.constant 0 : i32
    %dma_wait3A_119 = arith.constant 0 : i32
    %dma_wait3A_120 = tpu.memref_slice %arg4[%dma_wait3A_112, %dma_wait3A_113, %dma_wait3A_114, %dma_wait3A_118, %dma_wait3A_119] : memref<200x8x32x8x128xf32, #tpu.memory_space<hbm>> -> memref<1x1x1x8x128xf32, #tpu.memory_space<hbm>>
    %dma_wait3A_121 = tpu.memref_squeeze %dma_wait3A_120 : memref<1x1x1x8x128xf32, #tpu.memory_space<hbm>> -> memref<8x128xf32, #tpu.memory_space<hbm>>
    %dma_wait3A_122 = arith.constant 32 : i32
    %dma_wait3A_123 = arith.constant 0 : i32
    %dma_wait3A_124 = tpu.memref_slice %arg10[%dma_wait3A_122, %dma_wait3A_123] : memref<64x129xf32, #tpu.memory_space<vmem>> -> memref<8x128xf32, #tpu.memory_space<vmem>>
    %dma_wait3A_125 = arith.constant 0 : i32
    %dma_wait3A_126 = arith.constant 0 : i32
    %dma_wait3A_127 = tpu.memref_slice %arg4[%dma_wait3A_112, %dma_wait3A_113, %dma_wait3A_114, %dma_wait3A_125, %dma_wait3A_126] : memref<200x8x32x8x128xf32, #tpu.memory_space<hbm>> -> memref<1x1x1x8x128xf32, #tpu.memory_space<hbm>>
    %dma_wait3A_128 = tpu.memref_squeeze %dma_wait3A_127 : memref<1x1x1x8x128xf32, #tpu.memory_space<hbm>> -> memref<8x128xf32, #tpu.memory_space<hbm>>
    tpu.wait_dma2 semaphore(%arg16 : memref<!tpu.dma_semaphore, #tpu.memory_space<semaphore_mem>>) src(%dma_wait3A_128 : memref<8x128xf32, #tpu.memory_space<hbm>>) dst(%dma_wait3A_124 : memref<8x128xf32, #tpu.memory_space<vmem>>)
    %dma_wait3A_129 = arith.constant 0 : i32
    %dma_wait3A_130 = arith.constant 0 : i32
    %dma_wait3A_131 = arith.constant 0 : i32
    %dma_wait3A_132 = arith.constant 40 : i32
    %dma_wait3A_133 = arith.constant 0 : i32
    %dma_wait3A_134 = tpu.memref_slice %arg10[%dma_wait3A_132, %dma_wait3A_133] : memref<64x129xf32, #tpu.memory_space<vmem>> -> memref<8x128xf32, #tpu.memory_space<vmem>>
    %dma_wait3A_135 = arith.constant 0 : i32
    %dma_wait3A_136 = arith.constant 0 : i32
    %dma_wait3A_137 = tpu.memref_slice %arg4[%dma_wait3A_129, %dma_wait3A_130, %dma_wait3A_131, %dma_wait3A_135, %dma_wait3A_136] : memref<200x8x32x8x128xf32, #tpu.memory_space<hbm>> -> memref<1x1x1x8x128xf32, #tpu.memory_space<hbm>>
    %dma_wait3A_138 = tpu.memref_squeeze %dma_wait3A_137 : memref<1x1x1x8x128xf32, #tpu.memory_space<hbm>> -> memref<8x128xf32, #tpu.memory_space<hbm>>
    %dma_wait3A_139 = arith.constant 40 : i32
    %dma_wait3A_140 = arith.constant 0 : i32
    %dma_wait3A_141 = tpu.memref_slice %arg10[%dma_wait3A_139, %dma_wait3A_140] : memref<64x129xf32, #tpu.memory_space<vmem>> -> memref<8x128xf32, #tpu.memory_space<vmem>>
    %dma_wait3A_142 = arith.constant 0 : i32
    %dma_wait3A_143 = arith.constant 0 : i32
    %dma_wait3A_144 = tpu.memref_slice %arg4[%dma_wait3A_129, %dma_wait3A_130, %dma_wait3A_131, %dma_wait3A_142, %dma_wait3A_143] : memref<200x8x32x8x128xf32, #tpu.memory_space<hbm>> -> memref<1x1x1x8x128xf32, #tpu.memory_space<hbm>>
    %dma_wait3A_145 = tpu.memref_squeeze %dma_wait3A_144 : memref<1x1x1x8x128xf32, #tpu.memory_space<hbm>> -> memref<8x128xf32, #tpu.memory_space<hbm>>
    tpu.wait_dma2 semaphore(%arg16 : memref<!tpu.dma_semaphore, #tpu.memory_space<semaphore_mem>>) src(%dma_wait3A_145 : memref<8x128xf32, #tpu.memory_space<hbm>>) dst(%dma_wait3A_141 : memref<8x128xf32, #tpu.memory_space<vmem>>)
    %dma_wait3A_146 = arith.constant 0 : i32
    %dma_wait3A_147 = arith.constant 0 : i32
    %dma_wait3A_148 = arith.constant 0 : i32
    %dma_wait3A_149 = arith.constant 48 : i32
    %dma_wait3A_150 = arith.constant 0 : i32
    %dma_wait3A_151 = tpu.memref_slice %arg10[%dma_wait3A_149, %dma_wait3A_150] : memref<64x129xf32, #tpu.memory_space<vmem>> -> memref<8x128xf32, #tpu.memory_space<vmem>>
    %dma_wait3A_152 = arith.constant 0 : i32
    %dma_wait3A_153 = arith.constant 0 : i32
    %dma_wait3A_154 = tpu.memref_slice %arg4[%dma_wait3A_146, %dma_wait3A_147, %dma_wait3A_148, %dma_wait3A_152, %dma_wait3A_153] : memref<200x8x32x8x128xf32, #tpu.memory_space<hbm>> -> memref<1x1x1x8x128xf32, #tpu.memory_space<hbm>>
    %dma_wait3A_155 = tpu.memref_squeeze %dma_wait3A_154 : memref<1x1x1x8x128xf32, #tpu.memory_space<hbm>> -> memref<8x128xf32, #tpu.memory_space<hbm>>
    %dma_wait3A_156 = arith.constant 48 : i32
    %dma_wait3A_157 = arith.constant 0 : i32
    %dma_wait3A_158 = tpu.memref_slice %arg10[%dma_wait3A_156, %dma_wait3A_157] : memref<64x129xf32, #tpu.memory_space<vmem>> -> memref<8x128xf32, #tpu.memory_space<vmem>>
    %dma_wait3A_159 = arith.constant 0 : i32
    %dma_wait3A_160 = arith.constant 0 : i32
    %dma_wait3A_161 = tpu.memref_slice %arg4[%dma_wait3A_146, %dma_wait3A_147, %dma_wait3A_148, %dma_wait3A_159, %dma_wait3A_160] : memref<200x8x32x8x128xf32, #tpu.memory_space<hbm>> -> memref<1x1x1x8x128xf32, #tpu.memory_space<hbm>>
    %dma_wait3A_162 = tpu.memref_squeeze %dma_wait3A_161 : memref<1x1x1x8x128xf32, #tpu.memory_space<hbm>> -> memref<8x128xf32, #tpu.memory_space<hbm>>
    tpu.wait_dma2 semaphore(%arg16 : memref<!tpu.dma_semaphore, #tpu.memory_space<semaphore_mem>>) src(%dma_wait3A_162 : memref<8x128xf32, #tpu.memory_space<hbm>>) dst(%dma_wait3A_158 : memref<8x128xf32, #tpu.memory_space<vmem>>)
    %dma_wait3A_163 = arith.constant 0 : i32
    %dma_wait3A_164 = arith.constant 0 : i32
    %dma_wait3A_165 = arith.constant 0 : i32
    %dma_wait3A_166 = arith.constant 56 : i32
    %dma_wait3A_167 = arith.constant 0 : i32
    %dma_wait3A_168 = tpu.memref_slice %arg10[%dma_wait3A_166, %dma_wait3A_167] : memref<64x129xf32, #tpu.memory_space<vmem>> -> memref<8x128xf32, #tpu.memory_space<vmem>>
    %dma_wait3A_169 = arith.constant 0 : i32
    %dma_wait3A_170 = arith.constant 0 : i32
    %dma_wait3A_171 = tpu.memref_slice %arg4[%dma_wait3A_163, %dma_wait3A_164, %dma_wait3A_165, %dma_wait3A_169, %dma_wait3A_170] : memref<200x8x32x8x128xf32, #tpu.memory_space<hbm>> -> memref<1x1x1x8x128xf32, #tpu.memory_space<hbm>>
    %dma_wait3A_172 = tpu.memref_squeeze %dma_wait3A_171 : memref<1x1x1x8x128xf32, #tpu.memory_space<hbm>> -> memref<8x128xf32, #tpu.memory_space<hbm>>
    %dma_wait3A_173 = arith.constant 56 : i32
    %dma_wait3A_174 = arith.constant 0 : i32
    %dma_wait3A_175 = tpu.memref_slice %arg10[%dma_wait3A_173, %dma_wait3A_174] : memref<64x129xf32, #tpu.memory_space<vmem>> -> memref<8x128xf32, #tpu.memory_space<vmem>>
    %dma_wait3A_176 = arith.constant 0 : i32
    %dma_wait3A_177 = arith.constant 0 : i32
    %dma_wait3A_178 = tpu.memref_slice %arg4[%dma_wait3A_163, %dma_wait3A_164, %dma_wait3A_165, %dma_wait3A_176, %dma_wait3A_177] : memref<200x8x32x8x128xf32, #tpu.memory_space<hbm>> -> memref<1x1x1x8x128xf32, #tpu.memory_space<hbm>>
    %dma_wait3A_179 = tpu.memref_squeeze %dma_wait3A_178 : memref<1x1x1x8x128xf32, #tpu.memory_space<hbm>> -> memref<8x128xf32, #tpu.memory_space<hbm>>
    tpu.wait_dma2 semaphore(%arg16 : memref<!tpu.dma_semaphore, #tpu.memory_space<semaphore_mem>>) src(%dma_wait3A_179 : memref<8x128xf32, #tpu.memory_space<hbm>>) dst(%dma_wait3A_175 : memref<8x128xf32, #tpu.memory_space<vmem>>)
    %dma_wait3A_180 = arith.constant 0 : i32
    %dma_wait3A_181 = arith.constant 0 : i32
    %dma_wait3A_182 = arith.constant 0 : i32
    %dma_wait3A_183 = arith.constant 0 : i32
    %dma_wait3A_184 = arith.constant 0 : i32
    %dma_wait3A_185 = tpu.memref_slice %arg11[%dma_wait3A_183, %dma_wait3A_184] : memref<64x129xf32, #tpu.memory_space<vmem>> -> memref<8x128xf32, #tpu.memory_space<vmem>>
    %dma_wait3A_186 = arith.constant 0 : i32
    %dma_wait3A_187 = arith.constant 0 : i32
    %dma_wait3A_188 = tpu.memref_slice %arg4[%dma_wait3A_180, %dma_wait3A_181, %dma_wait3A_182, %dma_wait3A_186, %dma_wait3A_187] : memref<200x8x32x8x128xf32, #tpu.memory_space<hbm>> -> memref<1x1x1x8x128xf32, #tpu.memory_space<hbm>>
    %dma_wait3A_189 = tpu.memref_squeeze %dma_wait3A_188 : memref<1x1x1x8x128xf32, #tpu.memory_space<hbm>> -> memref<8x128xf32, #tpu.memory_space<hbm>>
    %dma_wait3A_190 = arith.constant 0 : i32
    %dma_wait3A_191 = arith.constant 0 : i32
    %dma_wait3A_192 = tpu.memref_slice %arg11[%dma_wait3A_190, %dma_wait3A_191] : memref<64x129xf32, #tpu.memory_space<vmem>> -> memref<8x128xf32, #tpu.memory_space<vmem>>
    %dma_wait3A_193 = arith.constant 0 : i32
    %dma_wait3A_194 = arith.constant 0 : i32
    %dma_wait3A_195 = tpu.memref_slice %arg4[%dma_wait3A_180, %dma_wait3A_181, %dma_wait3A_182, %dma_wait3A_193, %dma_wait3A_194] : memref<200x8x32x8x128xf32, #tpu.memory_space<hbm>> -> memref<1x1x1x8x128xf32, #tpu.memory_space<hbm>>
    %dma_wait3A_196 = tpu.memref_squeeze %dma_wait3A_195 : memref<1x1x1x8x128xf32, #tpu.memory_space<hbm>> -> memref<8x128xf32, #tpu.memory_space<hbm>>
    tpu.wait_dma2 semaphore(%arg17 : memref<!tpu.dma_semaphore, #tpu.memory_space<semaphore_mem>>) src(%dma_wait3A_196 : memref<8x128xf32, #tpu.memory_space<hbm>>) dst(%dma_wait3A_192 : memref<8x128xf32, #tpu.memory_space<vmem>>)
    %dma_wait3A_197 = arith.constant 0 : i32
    %dma_wait3A_198 = arith.constant 0 : i32
    %dma_wait3A_199 = arith.constant 0 : i32
    %dma_wait3A_200 = arith.constant 8 : i32
    %dma_wait3A_201 = arith.constant 0 : i32
    %dma_wait3A_202 = tpu.memref_slice %arg11[%dma_wait3A_200, %dma_wait3A_201] : memref<64x129xf32, #tpu.memory_space<vmem>> -> memref<8x128xf32, #tpu.memory_space<vmem>>
    %dma_wait3A_203 = arith.constant 0 : i32
    %dma_wait3A_204 = arith.constant 0 : i32
    %dma_wait3A_205 = tpu.memref_slice %arg4[%dma_wait3A_197, %dma_wait3A_198, %dma_wait3A_199, %dma_wait3A_203, %dma_wait3A_204] : memref<200x8x32x8x128xf32, #tpu.memory_space<hbm>> -> memref<1x1x1x8x128xf32, #tpu.memory_space<hbm>>
    %dma_wait3A_206 = tpu.memref_squeeze %dma_wait3A_205 : memref<1x1x1x8x128xf32, #tpu.memory_space<hbm>> -> memref<8x128xf32, #tpu.memory_space<hbm>>
    %dma_wait3A_207 = arith.constant 8 : i32
    %dma_wait3A_208 = arith.constant 0 : i32
    %dma_wait3A_209 = tpu.memref_slice %arg11[%dma_wait3A_207, %dma_wait3A_208] : memref<64x129xf32, #tpu.memory_space<vmem>> -> memref<8x128xf32, #tpu.memory_space<vmem>>
    %dma_wait3A_210 = arith.constant 0 : i32
    %dma_wait3A_211 = arith.constant 0 : i32
    %dma_wait3A_212 = tpu.memref_slice %arg4[%dma_wait3A_197, %dma_wait3A_198, %dma_wait3A_199, %dma_wait3A_210, %dma_wait3A_211] : memref<200x8x32x8x128xf32, #tpu.memory_space<hbm>> -> memref<1x1x1x8x128xf32, #tpu.memory_space<hbm>>
    %dma_wait3A_213 = tpu.memref_squeeze %dma_wait3A_212 : memref<1x1x1x8x128xf32, #tpu.memory_space<hbm>> -> memref<8x128xf32, #tpu.memory_space<hbm>>
    tpu.wait_dma2 semaphore(%arg17 : memref<!tpu.dma_semaphore, #tpu.memory_space<semaphore_mem>>) src(%dma_wait3A_213 : memref<8x128xf32, #tpu.memory_space<hbm>>) dst(%dma_wait3A_209 : memref<8x128xf32, #tpu.memory_space<vmem>>)
    %dma_wait3A_214 = arith.constant 0 : i32
    %dma_wait3A_215 = arith.constant 0 : i32
    %dma_wait3A_216 = arith.constant 0 : i32
    %dma_wait3A_217 = arith.constant 16 : i32
    %dma_wait3A_218 = arith.constant 0 : i32
    %dma_wait3A_219 = tpu.memref_slice %arg11[%dma_wait3A_217, %dma_wait3A_218] : memref<64x129xf32, #tpu.memory_space<vmem>> -> memref<8x128xf32, #tpu.memory_space<vmem>>
    %dma_wait3A_220 = arith.constant 0 : i32
    %dma_wait3A_221 = arith.constant 0 : i32
    %dma_wait3A_222 = tpu.memref_slice %arg4[%dma_wait3A_214, %dma_wait3A_215, %dma_wait3A_216, %dma_wait3A_220, %dma_wait3A_221] : memref<200x8x32x8x128xf32, #tpu.memory_space<hbm>> -> memref<1x1x1x8x128xf32, #tpu.memory_space<hbm>>
    %dma_wait3A_223 = tpu.memref_squeeze %dma_wait3A_222 : memref<1x1x1x8x128xf32, #tpu.memory_space<hbm>> -> memref<8x128xf32, #tpu.memory_space<hbm>>
    %dma_wait3A_224 = arith.constant 16 : i32
    %dma_wait3A_225 = arith.constant 0 : i32
    %dma_wait3A_226 = tpu.memref_slice %arg11[%dma_wait3A_224, %dma_wait3A_225] : memref<64x129xf32, #tpu.memory_space<vmem>> -> memref<8x128xf32, #tpu.memory_space<vmem>>
    %dma_wait3A_227 = arith.constant 0 : i32
    %dma_wait3A_228 = arith.constant 0 : i32
    %dma_wait3A_229 = tpu.memref_slice %arg4[%dma_wait3A_214, %dma_wait3A_215, %dma_wait3A_216, %dma_wait3A_227, %dma_wait3A_228] : memref<200x8x32x8x128xf32, #tpu.memory_space<hbm>> -> memref<1x1x1x8x128xf32, #tpu.memory_space<hbm>>
    %dma_wait3A_230 = tpu.memref_squeeze %dma_wait3A_229 : memref<1x1x1x8x128xf32, #tpu.memory_space<hbm>> -> memref<8x128xf32, #tpu.memory_space<hbm>>
    tpu.wait_dma2 semaphore(%arg17 : memref<!tpu.dma_semaphore, #tpu.memory_space<semaphore_mem>>) src(%dma_wait3A_230 : memref<8x128xf32, #tpu.memory_space<hbm>>) dst(%dma_wait3A_226 : memref<8x128xf32, #tpu.memory_space<vmem>>)
    %dma_wait3A_231 = arith.constant 0 : i32
    %dma_wait3A_232 = arith.constant 0 : i32
    %dma_wait3A_233 = arith.constant 0 : i32
    %dma_wait3A_234 = arith.constant 24 : i32
    %dma_wait3A_235 = arith.constant 0 : i32
    %dma_wait3A_236 = tpu.memref_slice %arg11[%dma_wait3A_234, %dma_wait3A_235] : memref<64x129xf32, #tpu.memory_space<vmem>> -> memref<8x128xf32, #tpu.memory_space<vmem>>
    %dma_wait3A_237 = arith.constant 0 : i32
    %dma_wait3A_238 = arith.constant 0 : i32
    %dma_wait3A_239 = tpu.memref_slice %arg4[%dma_wait3A_231, %dma_wait3A_232, %dma_wait3A_233, %dma_wait3A_237, %dma_wait3A_238] : memref<200x8x32x8x128xf32, #tpu.memory_space<hbm>> -> memref<1x1x1x8x128xf32, #tpu.memory_space<hbm>>
    %dma_wait3A_240 = tpu.memref_squeeze %dma_wait3A_239 : memref<1x1x1x8x128xf32, #tpu.memory_space<hbm>> -> memref<8x128xf32, #tpu.memory_space<hbm>>
    %dma_wait3A_241 = arith.constant 24 : i32
    %dma_wait3A_242 = arith.constant 0 : i32
    %dma_wait3A_243 = tpu.memref_slice %arg11[%dma_wait3A_241, %dma_wait3A_242] : memref<64x129xf32, #tpu.memory_space<vmem>> -> memref<8x128xf32, #tpu.memory_space<vmem>>
    %dma_wait3A_244 = arith.constant 0 : i32
    %dma_wait3A_245 = arith.constant 0 : i32
    %dma_wait3A_246 = tpu.memref_slice %arg4[%dma_wait3A_231, %dma_wait3A_232, %dma_wait3A_233, %dma_wait3A_244, %dma_wait3A_245] : memref<200x8x32x8x128xf32, #tpu.memory_space<hbm>> -> memref<1x1x1x8x128xf32, #tpu.memory_space<hbm>>
    %dma_wait3A_247 = tpu.memref_squeeze %dma_wait3A_246 : memref<1x1x1x8x128xf32, #tpu.memory_space<hbm>> -> memref<8x128xf32, #tpu.memory_space<hbm>>
    tpu.wait_dma2 semaphore(%arg17 : memref<!tpu.dma_semaphore, #tpu.memory_space<semaphore_mem>>) src(%dma_wait3A_247 : memref<8x128xf32, #tpu.memory_space<hbm>>) dst(%dma_wait3A_243 : memref<8x128xf32, #tpu.memory_space<vmem>>)
    %dma_wait3A_248 = arith.constant 0 : i32
    %dma_wait3A_249 = arith.constant 0 : i32
    %dma_wait3A_250 = arith.constant 0 : i32
    %dma_wait3A_251 = arith.constant 32 : i32
    %dma_wait3A_252 = arith.constant 0 : i32
    %dma_wait3A_253 = tpu.memref_slice %arg11[%dma_wait3A_251, %dma_wait3A_252] : memref<64x129xf32, #tpu.memory_space<vmem>> -> memref<8x128xf32, #tpu.memory_space<vmem>>
    %dma_wait3A_254 = arith.constant 0 : i32
    %dma_wait3A_255 = arith.constant 0 : i32
    %dma_wait3A_256 = tpu.memref_slice %arg4[%dma_wait3A_248, %dma_wait3A_249, %dma_wait3A_250, %dma_wait3A_254, %dma_wait3A_255] : memref<200x8x32x8x128xf32, #tpu.memory_space<hbm>> -> memref<1x1x1x8x128xf32, #tpu.memory_space<hbm>>
    %dma_wait3A_257 = tpu.memref_squeeze %dma_wait3A_256 : memref<1x1x1x8x128xf32, #tpu.memory_space<hbm>> -> memref<8x128xf32, #tpu.memory_space<hbm>>
    %dma_wait3A_258 = arith.constant 32 : i32
    %dma_wait3A_259 = arith.constant 0 : i32
    %dma_wait3A_260 = tpu.memref_slice %arg11[%dma_wait3A_258, %dma_wait3A_259] : memref<64x129xf32, #tpu.memory_space<vmem>> -> memref<8x128xf32, #tpu.memory_space<vmem>>
    %dma_wait3A_261 = arith.constant 0 : i32
    %dma_wait3A_262 = arith.constant 0 : i32
    %dma_wait3A_263 = tpu.memref_slice %arg4[%dma_wait3A_248, %dma_wait3A_249, %dma_wait3A_250, %dma_wait3A_261, %dma_wait3A_262] : memref<200x8x32x8x128xf32, #tpu.memory_space<hbm>> -> memref<1x1x1x8x128xf32, #tpu.memory_space<hbm>>
    %dma_wait3A_264 = tpu.memref_squeeze %dma_wait3A_263 : memref<1x1x1x8x128xf32, #tpu.memory_space<hbm>> -> memref<8x128xf32, #tpu.memory_space<hbm>>
    tpu.wait_dma2 semaphore(%arg17 : memref<!tpu.dma_semaphore, #tpu.memory_space<semaphore_mem>>) src(%dma_wait3A_264 : memref<8x128xf32, #tpu.memory_space<hbm>>) dst(%dma_wait3A_260 : memref<8x128xf32, #tpu.memory_space<vmem>>)
    %dma_wait3A_265 = arith.constant 0 : i32
    %dma_wait3A_266 = arith.constant 0 : i32
    %dma_wait3A_267 = arith.constant 0 : i32
    %dma_wait3A_268 = arith.constant 40 : i32
    %dma_wait3A_269 = arith.constant 0 : i32
    %dma_wait3A_270 = tpu.memref_slice %arg11[%dma_wait3A_268, %dma_wait3A_269] : memref<64x129xf32, #tpu.memory_space<vmem>> -> memref<8x128xf32, #tpu.memory_space<vmem>>
    %dma_wait3A_271 = arith.constant 0 : i32
    %dma_wait3A_272 = arith.constant 0 : i32
    %dma_wait3A_273 = tpu.memref_slice %arg4[%dma_wait3A_265, %dma_wait3A_266, %dma_wait3A_267, %dma_wait3A_271, %dma_wait3A_272] : memref<200x8x32x8x128xf32, #tpu.memory_space<hbm>> -> memref<1x1x1x8x128xf32, #tpu.memory_space<hbm>>
    %dma_wait3A_274 = tpu.memref_squeeze %dma_wait3A_273 : memref<1x1x1x8x128xf32, #tpu.memory_space<hbm>> -> memref<8x128xf32, #tpu.memory_space<hbm>>
    %dma_wait3A_275 = arith.constant 40 : i32
    %dma_wait3A_276 = arith.constant 0 : i32
    %dma_wait3A_277 = tpu.memref_slice %arg11[%dma_wait3A_275, %dma_wait3A_276] : memref<64x129xf32, #tpu.memory_space<vmem>> -> memref<8x128xf32, #tpu.memory_space<vmem>>
    %dma_wait3A_278 = arith.constant 0 : i32
    %dma_wait3A_279 = arith.constant 0 : i32
    %dma_wait3A_280 = tpu.memref_slice %arg4[%dma_wait3A_265, %dma_wait3A_266, %dma_wait3A_267, %dma_wait3A_278, %dma_wait3A_279] : memref<200x8x32x8x128xf32, #tpu.memory_space<hbm>> -> memref<1x1x1x8x128xf32, #tpu.memory_space<hbm>>
    %dma_wait3A_281 = tpu.memref_squeeze %dma_wait3A_280 : memref<1x1x1x8x128xf32, #tpu.memory_space<hbm>> -> memref<8x128xf32, #tpu.memory_space<hbm>>
    tpu.wait_dma2 semaphore(%arg17 : memref<!tpu.dma_semaphore, #tpu.memory_space<semaphore_mem>>) src(%dma_wait3A_281 : memref<8x128xf32, #tpu.memory_space<hbm>>) dst(%dma_wait3A_277 : memref<8x128xf32, #tpu.memory_space<vmem>>)
    %dma_wait3A_282 = arith.constant 0 : i32
    %dma_wait3A_283 = arith.constant 0 : i32
    %dma_wait3A_284 = arith.constant 0 : i32
    %dma_wait3A_285 = arith.constant 48 : i32
    %dma_wait3A_286 = arith.constant 0 : i32
    %dma_wait3A_287 = tpu.memref_slice %arg11[%dma_wait3A_285, %dma_wait3A_286] : memref<64x129xf32, #tpu.memory_space<vmem>> -> memref<8x128xf32, #tpu.memory_space<vmem>>
    %dma_wait3A_288 = arith.constant 0 : i32
    %dma_wait3A_289 = arith.constant 0 : i32
    %dma_wait3A_290 = tpu.memref_slice %arg4[%dma_wait3A_282, %dma_wait3A_283, %dma_wait3A_284, %dma_wait3A_288, %dma_wait3A_289] : memref<200x8x32x8x128xf32, #tpu.memory_space<hbm>> -> memref<1x1x1x8x128xf32, #tpu.memory_space<hbm>>
    %dma_wait3A_291 = tpu.memref_squeeze %dma_wait3A_290 : memref<1x1x1x8x128xf32, #tpu.memory_space<hbm>> -> memref<8x128xf32, #tpu.memory_space<hbm>>
    %dma_wait3A_292 = arith.constant 48 : i32
    %dma_wait3A_293 = arith.constant 0 : i32
    %dma_wait3A_294 = tpu.memref_slice %arg11[%dma_wait3A_292, %dma_wait3A_293] : memref<64x129xf32, #tpu.memory_space<vmem>> -> memref<8x128xf32, #tpu.memory_space<vmem>>
    %dma_wait3A_295 = arith.constant 0 : i32
    %dma_wait3A_296 = arith.constant 0 : i32
    %dma_wait3A_297 = tpu.memref_slice %arg4[%dma_wait3A_282, %dma_wait3A_283, %dma_wait3A_284, %dma_wait3A_295, %dma_wait3A_296] : memref<200x8x32x8x128xf32, #tpu.memory_space<hbm>> -> memref<1x1x1x8x128xf32, #tpu.memory_space<hbm>>
    %dma_wait3A_298 = tpu.memref_squeeze %dma_wait3A_297 : memref<1x1x1x8x128xf32, #tpu.memory_space<hbm>> -> memref<8x128xf32, #tpu.memory_space<hbm>>
    tpu.wait_dma2 semaphore(%arg17 : memref<!tpu.dma_semaphore, #tpu.memory_space<semaphore_mem>>) src(%dma_wait3A_298 : memref<8x128xf32, #tpu.memory_space<hbm>>) dst(%dma_wait3A_294 : memref<8x128xf32, #tpu.memory_space<vmem>>)
    %dma_wait3A_299 = arith.constant 0 : i32
    %dma_wait3A_300 = arith.constant 0 : i32
    %dma_wait3A_301 = arith.constant 0 : i32
    %dma_wait3A_302 = arith.constant 56 : i32
    %dma_wait3A_303 = arith.constant 0 : i32
    %dma_wait3A_304 = tpu.memref_slice %arg11[%dma_wait3A_302, %dma_wait3A_303] : memref<64x129xf32, #tpu.memory_space<vmem>> -> memref<8x128xf32, #tpu.memory_space<vmem>>
    %dma_wait3A_305 = arith.constant 0 : i32
    %dma_wait3A_306 = arith.constant 0 : i32
    %dma_wait3A_307 = tpu.memref_slice %arg4[%dma_wait3A_299, %dma_wait3A_300, %dma_wait3A_301, %dma_wait3A_305, %dma_wait3A_306] : memref<200x8x32x8x128xf32, #tpu.memory_space<hbm>> -> memref<1x1x1x8x128xf32, #tpu.memory_space<hbm>>
    %dma_wait3A_308 = tpu.memref_squeeze %dma_wait3A_307 : memref<1x1x1x8x128xf32, #tpu.memory_space<hbm>> -> memref<8x128xf32, #tpu.memory_space<hbm>>
    %dma_wait3A_309 = arith.constant 56 : i32
    %dma_wait3A_310 = arith.constant 0 : i32
    %dma_wait3A_311 = tpu.memref_slice %arg11[%dma_wait3A_309, %dma_wait3A_310] : memref<64x129xf32, #tpu.memory_space<vmem>> -> memref<8x128xf32, #tpu.memory_space<vmem>>
    %dma_wait3A_312 = arith.constant 0 : i32
    %dma_wait3A_313 = arith.constant 0 : i32
    %dma_wait3A_314 = tpu.memref_slice %arg4[%dma_wait3A_299, %dma_wait3A_300, %dma_wait3A_301, %dma_wait3A_312, %dma_wait3A_313] : memref<200x8x32x8x128xf32, #tpu.memory_space<hbm>> -> memref<1x1x1x8x128xf32, #tpu.memory_space<hbm>>
    %dma_wait3A_315 = tpu.memref_squeeze %dma_wait3A_314 : memref<1x1x1x8x128xf32, #tpu.memory_space<hbm>> -> memref<8x128xf32, #tpu.memory_space<hbm>>
    tpu.wait_dma2 semaphore(%arg17 : memref<!tpu.dma_semaphore, #tpu.memory_space<semaphore_mem>>) src(%dma_wait3A_315 : memref<8x128xf32, #tpu.memory_space<hbm>>) dst(%dma_wait3A_311 : memref<8x128xf32, #tpu.memory_space<vmem>>)
    return
  }
}

</mosaic_0001>

<sc_bundles>
// kernel: kernel.3.cloned.1.call-start
scs
__scs_entry_jumppad:
0x0: {  	(pc) =	sbr.rel $0x88, $3  }
0x1: {  	(tag) =	ssettag $0x0;
	lr =	simm.s32 $0x1  }
0x2: {  	[smem:$0x3F9F] =	sst lr;
	_ =	strace $0xD0000000  }
0x3: {  	_ = 	snop  }
0x4: {  	_ = 	snop  }
0x5: {  	_ = 	snop  }
0x6: {  	_ = 	snop  }
0x7: {  	_ = 	snop  }
__scs_overlays_trampoline_lowered:
0x8: {  	[smem:$0x3FAE] =	sst s0  }
0x9: {  	[smem:$0x3FAF] =	sst s1  }
0xa: {  	[smem:$0x3FB0] =	sst s2  }
0xb: {  	[smem:$0x3FB1] =	sst s3  }
0xc: {  	[smem:$0x3FB2] =	sst s4  }
0xd: {  	[smem:$0x3FB3] =	sst s5  }
0xe: {  	[smem:$0x3FB4] =	sst s6  }
0xf: {  	[smem:$0x3FB5] =	sst s7  }
0x10: {  	[smem:$0x3FB6] =	sst s8  }
0x11: {  	[smem:$0x3FB7] =	sst s9;
	s0 =	simm.s32 @!p0 $0x0  }
0x12: {  	s1 =	sld [smem:$0x3F9D];
	s0 =	simm.s32 @p0 $0x1  }
0x13: {  	[smem:$0x3FB8] =	sst s0;
	s0 =	simm.s32 @!p1 $0x0  }
0x14: {  	s2 =	sld [smem:$0x3F9C];
	s0 =	simm.s32 @p1 $0x1  }
0x15: {  	[smem:$0x3FB9] =	sst s0;
	s0 =	simm.s32 @!p2 $0x0  }
0x16: {  	s3 =	sld [smem:$0x3FDB];
	s0 =	simm.s32 @p2 $0x1  }
0x17: {  	s4 =	simm.s32 $0x1BF5;
	[smem:$0x3FBB] =	sst s0  }
0x18: {  	s0 =	sld [smem:$0x3F9E];
	_ =	swait.ge [sflag:s4], $0x0  }
0x19: {  	s7 =	sld [smem:$0x3F9F]  }
0x1a: {  	s8 =	sadd.s32 $0xFFFFE003, lr  }
0x1b: {  	s9 =	sadd.s32 $0xFFFFFEF7, lr;
	s5 =	simm.s32 $0xFFFFFFFF;
	p2 =	slt.u32 s8, $0xFFFFF086  }
0x1c: {  	p1 =	slt.u32 s9, $0xF7A;
	s5 =	simm.s32 @!p2 $0x0  }
0x1d: {  	s5 =	simm.s32 @p1 $0x1;
	p0 =	seq.s32 s7, s2  }
0x1e: {  	s7 =	smul.u32 @!p0 $0xF7A, s2;
	p2 =	seq.s32 @!p0 s5, $0x0  }
0x1f: {  	s9 =	smul.u32 $0xF7A, s1;
	s8 =	simm.s32 @!p0 $0x1BF5;
	p2 =	por !p2, p0  }
0x20: {  	[sflag:s8] =	ssyncset.s32 @!p0 $0xFFFFF086;
	s6 =	sadd.s32 @!p0 s3, s7;
	s7 =	simm.s32 @!p0 $0x108  }
0x21: {  	s3 =	sadd.s32 s3, s9;
	s6 =	sadd.s32 @!p0 $0x88, s6;
	s7 =	simm.s32 @p2 $0x1082  }
0x22: {  	[simem:s7], [sflag:s8] =	dma.local @!p0 [hbm:s6], $0xF7A  }
0x23: {  	s9 =	sor.u32 $0xD0000000, s2;
	s6 =	simm.s32 $0x108;
	_ =	swait.ge @!p0 [sflag:s8], $0x0  }
0x24: {  	s3 =	sadd.s32 $0x88, s3;
	s6 =	simm.s32 @!p1 $0x1082;
	[sflag:s4] =	ssyncset.s32 $0xFFFFF086  }
0x25: {  	[simem:s6], [sflag:s4] =	dma.local [hbm:s3], $0xF7A  }
0x26: {  	[smem:$0x3F9F] =	sst s1;
	(tag) =	ssettag s2;
	_ =	strace s9  }
0x27: {  	s1 =	sld [smem:$0x3FAF]  }
0x28: {  	s2 =	sld [smem:$0x3FB0]  }
0x29: {  	s4 =	sld [smem:$0x3FB2]  }
0x2a: {  	p0 =	seq.s32 s5, $0x0;
	s5 =	sld [smem:$0x3FB3]  }
0x2b: {  	s6 =	sld [smem:$0x3FB4]  }
0x2c: {  	s7 =	sld [smem:$0x3FB5]  }
0x2d: {  	s3 =	simm.s32 $0x108;
	s8 =	sld [smem:$0x3FB6]  }
0x2e: {  	s3 =	simm.s32 @!p0 $0x1082;
	s9 =	sld [smem:$0x3FB7]  }
0x2f: {  	lr =	sadd.s32 s0, s3;
	s0 =	sld [smem:$0x3FAE]  }
0x30: {  	s3 =	sld [smem:$0x3FB1]  }
0x31: {  	[smem:$0x3FBA] =	sst s10  }
0x32: {  	s10 =	sld [smem:$0x3FB8];
	_ =	sdelay $0x3  }
0x33: {  	p0 =	seq.s32 s10, $0x1;
	s10 =	sld [smem:$0x3FBA];
	_ =	sdelay $0x3  }
0x34: {  	[smem:$0x3FBA] =	sst s10  }
0x35: {  	s10 =	sld [smem:$0x3FB9];
	_ =	sdelay $0x3  }
0x36: {  	p1 =	seq.s32 s10, $0x1;
	s10 =	sld [smem:$0x3FBA];
	_ =	sdelay $0x3  }
0x37: {  	[smem:$0x3FBA] =	sst s10  }
0x38: {  	s10 =	sld [smem:$0x3FBB]  }
0x39: {  	_ = 	snop;
	(pc) =	sbr.ind lr, $3  }
0x3a: {  	_ = 	snop  }
0x3b: {  	_ = 	snop  }
0x3c: {  	p2 =	seq.s32 s10, $0x1;
	s10 =	sld [smem:$0x3FBA]  }
0x3d: {  	_ =	shalt  }
0x3e: {  	_ =	shalt  }
0x3f: {  	_ =	shalt  }
0x40: {  	_ =	shalt  }
0x41: {  	_ =	shalt  }
0x42: {  	_ =	shalt  }
0x43: {  	_ =	shalt  }
0x44: {  	_ =	shalt  }
0x45: {  	_ =	shalt  }
0x46: {  	_ =	shalt  }
0x47: {  	_ =	shalt  }
0x48: {  	_ =	shalt  }
0x49: {  	_ =	shalt  }
0x4a: {  	_ =	shalt  }
0x4b: {  	_ =	shalt  }
0x4c: {  	_ =	shalt  }
0x4d: {  	_ =	shalt  }
0x4e: {  	_ =	shalt  }
0x4f: {  	_ =	shalt  }
0x50: {  	_ =	shalt  }
0x51: {  	_ =	shalt  }
0x52: {  	_ =	shalt  }
0x53: {  	_ =	shalt  }
0x54: {  	_ =	shalt  }
0x55: {  	_ =	shalt  }
0x56: {  	_ =	shalt  }
0x57: {  	_ =	shalt  }
0x58: {  	_ =	shalt  }
0x59: {  	_ =	shalt  }
0x5a: {  	_ =	shalt  }
0x5b: {  	_ =	shalt  }
0x5c: {  	_ =	shalt  }
0x5d: {  	_ =	shalt  }
0x5e: {  	_ =	shalt  }
0x5f: {  	_ =	shalt  }
0x60: {  	_ =	shalt  }
0x61: {  	_ =	shalt  }
0x62: {  	_ =	shalt  }
0x63: {  	_ =	shalt  }
0x64: {  	_ =	shalt  }
0x65: {  	_ =	shalt  }
0x66: {  	_ =	shalt  }
0x67: {  	_ =	shalt  }
0x68: {  	_ =	shalt  }
0x69: {  	_ =	shalt  }
0x6a: {  	_ =	shalt  }
0x6b: {  	_ =	shalt  }
0x6c: {  	_ =	shalt  }
0x6d: {  	_ =	shalt  }
0x6e: {  	_ =	shalt  }
0x6f: {  	_ =	shalt  }
0x70: {  	_ =	shalt  }
0x71: {  	_ =	shalt  }
0x72: {  	_ =	shalt  }
0x73: {  	_ =	shalt  }
0x74: {  	_ =	shalt  }
0x75: {  	_ =	shalt  }
0x76: {  	_ =	shalt  }
0x77: {  	_ =	shalt  }
0x78: {  	_ =	shalt  }
0x79: {  	_ =	shalt  }
0x7a: {  	_ =	shalt  }
0x7b: {  	_ =	shalt  }
0x7c: {  	_ =	shalt  }
0x7d: {  	_ =	shalt  }
0x7e: {  	_ =	shalt  }
0x7f: {  	_ =	shalt  }
0x80: {  	_ =	shalt  }
0x81: {  	_ =	shalt  }
0x82: {  	_ =	shalt  }
0x83: {  	_ =	shalt  }
0x84: {  	_ =	shalt  }
0x85: {  	_ =	shalt  }
0x86: {  	_ =	shalt  }
0x87: {  	_ =	shalt  }
.Lfunc_end0:
.L_simem_size_0:
called_computation_lowered:
.L_overlay_start_0:
0x88: {  	s2 =	sld [smem:$0x3FD9]  }
0x89: {  	s3 =	sld [smem:$0x3FFE];
	_ =	sdelay $0x1  }
0x8a: {  	s1 =	srdreg.scid  }
0x8b: {  	s0 =	sand.u32 $0x1, s1  }
0x8c: {  	s17 =	sshll.u32 s0, $0xA;
	s2 =	sadd.s32 s3, s2  }
0x8d: {  	s2 =	sadd.s32 s2, s17  }
0x8e: {  	[smem:$0x3FC6] =	sst s2  }
0x8f: {  	_ = 	snop  }
0x90: {  	s2 =	sld [smem:$0x3FD0];
	(tm) =	ssettm $0x1  }
0x91: {  	s18 =	sld [smem:$0x3FFB];
	_ =	sdelay $0x3  }
0x92: {  	_ =	strace s18  }
0x93: {  	s3 =	sld [smem:$0x3FFC];
	_ =	sdelay $0x3  }
0x94: {  	_ =	strace s3  }
0x95: {  	s3 =	sld [smem:$0x3FFD];
	_ =	sdelay $0x3  }
0x96: {  	_ =	strace s3  }
0x97: {  	_ =	strace $0x8FFFFFFF  }
0x98: {  	s19 =	sld [smem:$0x3FDB];
	_ =	sdelay $0x1  }
0x99: {  	s4 =	simm.s32 $_scs_section_size  }
0x9a: {  	s5 =	simm.s32 $_size__tile_overlayer_lowered;
	s6 =	simm.s32 $_tile_overlayer_lowered  }
0x9b: {  	s22 =	simm.s32 $0x1BFF;
	s21 =	sshll.u32 s6, $0x1;
	s3 =	sadd.s32 s4, s19  }
0x9c: {  	s7 =	simm.s32 $0x0;
	s20 =	sshll.u32 s5, $0x1;
	s5 =	sadd.s32 s21, s3  }
0x9d: {  	[timem:s7], [sflag:s22] =	dma.local [hbm:s5], s20  }
0x9e: {  	_ =	swait.ge [sflag:s22], s20  }
0x9f: {  	s4 =	ssub.s32 $0x0, s20;
	[sflag:s22] =	ssyncset.done $0x0  }
0xa0: {  	[sflag:s22] =	ssyncadd.s32 s4;
	_ =	sdelay $0x1  }
0xa1: {  	s23 =	simm.s32 $0x1B8B  }
0xa2: {  	_ =	swait.ge [sflag:s23], $0x1  }
0xa3: {  	[sflag:s23] =	ssyncset.done $0x0  }
0xa4: {  	s25 =	simm.s32 $0x1B8E;
	s24 =	sld [smem:$0x3FFE];
	[sflag:s23] =	ssyncadd.s32 $0xFFFFFFFF  }
0xa5: {  	s26 =	simm.s32 $execute0_lowered;
	[smem:$0x3FD2] =	sst s25  }
0xa6: {  	s5 =	sshll.u32 s26, $0x1;
	_ =	strace $0x80000046;
	[dreg:$0x1] =	wrdreg $0xFFFFFFFF  }
0xa7: {  	s28 =	simm.s32 $_size_execute0_lowered;
	s3 =	sadd.s32 s3, s5;
	[dreg:$0x0] =	wrdreg $0x0  }
0xa8: {  	s5 =	sshll.u32 s28, $0x1;
	[dreg:$0x2] =	wrdreg s3  }
0xa9: {  	[dreg:$0x3] =	wrdreg s5  }
0xaa: {  	[dreg:$0x4] =	wrdreg $0xC0  }
0xab: {  	_ =	task [dreg:s7], $0x5FFFF  }
0xac: {  	[dreg:$0x1] =	wrdreg $0xFFFFFFFF  }
0xad: {  	[dreg:$0x0] =	wrdreg $0x60  }
0xae: {  	[dreg:$0x2] =	wrdreg s24  }
0xaf: {  	[dreg:$0x3] =	wrdreg s2  }
0xb0: {  	[dreg:$0x4] =	wrdreg $0x9  }
0xb1: {  	_ =	task.clear_ibuf [dreg:s7], $0x5FFFF;
	_ =	strace $0x90000046  }
0xb2: {  	s29 =	simm.s32 $0x9;
	_ =	strace $0x80000048  }
0xb3: {  	_ =	swait.ge [sflag:s29], $0x1  }
0xb4: {  	[sflag:s29] =	ssyncadd.s32 $0xFFFFFFFF  }
0xb5: {  	_ =	strace $0x90000048  }
0xb6: {  	_ =	sfence  }
0xb7: {  	s30 =	sld [smem:$0x0];
	_ =	sdelay $0x2  }
0xb8: {  	s31 =	sshll.u32 s1, $0xD;
	s1 =	sshrl.u32 s1, $0x2  }
0xb9: {  	s3 =	sand.u32 $0x4000, s31;
	s1 =	sadd.s32 s1, s30  }
0xba: {  	s0 =	sor.u32 s3, s0;
	s1 =	sshll.u32 s1, $0x11  }
0xbb: {  	s0 =	sor.u32 s1, s0  }
0xbc: {  	s0 =	sadd.s32 $0x8F2B, s0  }
0xbd: {  	[sflag:s0] =	ssyncadd.remote.s32 $0x1  }
0xbe: {  	_ =	sfence.sel $0xFFFF  }
0xbf: {  	[dreg:$0x0] =	wrdreg $0xFFFFFFFF;
	(pc) =	sbr.abs _section_cstart, $3  }
0xc0: {  	[dreg:$0x1] =	wrdreg $0xFFFFFFFF  }
0xc1: {  	_ =	task.clear_ibuf [dreg:s7], $0x2FFFF;
	_ =	strace $0x9FFFFFFF  }
0xc2: {  	(tm) =	ssettm $0x7FFFFFFF  }
0xc3: {  	_ =	shalt  }
tec
execute0_lowered:
.L_overlay_start_1:
0x0: {  	(tag) =	ssettag $0x1  }
0x1: {  	s0 =	rddreg [dreg:$0x0]  }
0x2: {  	s7 =	rddreg [dreg:$0x1];
	s3 =	simm.s32 $0x0  }
0x3: {  	[smem:$0x7FF] =	sst s3;
	s17 =	sadd.s32 $0x1000, s7  }
0x4: {  	s18 =	sadd.s32 $0x2000, s7;
	_ =	strace $0x80000047;
	[dreg:$0x5] =	wrdreg s17  }
0x5: {  	s19 =	sadd.s32 $0x3000, s7;
	[dreg:$0x6] =	wrdreg s18  }
0x6: {  	s20 =	sadd.s32 $0x4000, s7;
	[dreg:$0x7] =	wrdreg s19  }
0x7: {  	s21 =	sadd.s32 $0x5000, s7;
	[dreg:$0x8] =	wrdreg s20  }
0x8: {  	s22 =	sadd.s32 $0x6000, s7;
	[dreg:$0x9] =	wrdreg s21  }
0x9: {  	s23 =	sadd.s32 $0x7000, s7;
	[dreg:$0xa] =	wrdreg s22  }
0xa: {  	s1 =	srdreg.scid;
	s24 =	sadd.s32 $0x8000, s7;
	[dreg:$0xb] =	wrdreg s23  }
0xb: {  	s2 =	stileid.u32;
	s25 =	sadd.s32 $0x9000, s7;
	[dreg:$0xc] =	wrdreg s24  }
0xc: {  	s28 =	simm.s32 $0x121A0;
	s26 =	sadd.s32 $0xA000, s7;
	[dreg:$0xd] =	wrdreg s25  }
0xd: {  	s29 =	simm.s32 $0x12228;
	s8 =	sadd.s32 $0xE000, s7;
	[dreg:$0xe] =	wrdreg s26  }
0xe: {  	s30 =	simm.s32 $0x122B0;
	s9 =	sadd.s32 $0xF000, s7;
	[dreg:$0x12] =	wrdreg s8  }
0xf: {  	s31 =	simm.s32 $0x12338;
	s10 =	sadd.s32 $0x10000, s7;
	[dreg:$0x13] =	wrdreg s9  }
0x10: {  	s1 =	sand.u32 $0x1, s1;
	s11 =	sadd.s32 $0x11000, s7;
	[dreg:$0x14] =	wrdreg s10  }
0x11: {  	s2 =	sshll.u32 s2, $0x1;
	s12 =	sadd.s32 $0x12000, s7;
	[dreg:$0x15] =	wrdreg s11  }
0x12: {  	s4 =	sadd.s32 $0xF42C00, s0;
	s14 =	sadd.s32 $0x13000, s7;
	[dreg:$0x16] =	wrdreg s12  }
0x13: {  	s15 =	sadd.s32 $0x14000, s7;
	s2 =	sor.u32 s1, s2;
	[dreg:$0x18] =	wrdreg s14  }
0x14: {  	s1 =	ssub.s32 $0x2, s1;
	[dreg:$0x19] =	wrdreg s15;
	s17 =	sadd.s32 $0x16000, s7  }
0x15: {  	s18 =	sadd.s32 $0x17000, s7;
	s19 =	sadd.s32 $0x18000, s7;
	[dreg:$0x1b] =	wrdreg s17  }
0x16: {  	s20 =	sadd.s32 $0x19000, s7;
	s21 =	sadd.s32 $0x1A000, s7;
	[dreg:$0x1c] =	wrdreg s18  }
0x17: {  	s22 =	sadd.s32 $0x1B000, s7;
	s23 =	sadd.s32 $0x1C000, s7;
	[dreg:$0x1d] =	wrdreg s19  }
0x18: {  	s24 =	sadd.s32 $0x1D000, s7;
	s25 =	sadd.s32 $0x1E000, s7;
	[dreg:$0x1e] =	wrdreg s20  }
0x19: {  	s26 =	sadd.s32 $0x1F000, s7;
	s9 =	simm.s32 $0x1;
	[dreg:$0x1f] =	wrdreg s21  }
0x1a: {  	v0 =	vlaneseq.u32;
	s10 =	simm.s32 $0xE400;
	s8 =	simm.s32 $0x12778;
	[smem:$0x7F9] =	sst s22  }
0x1b: {  	v0 =	vmul.u32 $0x88, v0;
	s11 =	simm.s32 $0x3;
	s12 =	simm.s32 $0x5;
	[smem:$0x7FA] =	sst s23  }
0x1c: {  	v1 =	vimm.s32 $0x0;
	vm0 =	vcmask $0x300;
	s15 =	simm.s32 $0x0;
	s5 =	smul.u32 $0xC80, s2;
	[smem:$0x7FB] =	sst s24  }
0x1d: {  	v1 =	vsel vm0, $0x3, v1;
	s6 =	sshrl.u32 s1, $0x1;
	s16 =	sshll.u32 s2, $0x7;
	[smem:$0x7FC] =	sst s25;
	v2 =	vadd.s32 $0x880, v0  }
0x1e: {  	s2 =	sadd.s32 $0xB000, s7;
	[smem:$0x7FD] =	sst s26;
	s24 =	simm.s32 $0xE488;
	v3 =	vadd.s32 $0x1100, v0;
	v4 =	vadd.s32 $0x1980, v0;
	v5 =	vor.u32 $0x1, v0  }
0x1f: {  	s20 =	simm.s32 $0x2;
	s21 =	simm.s32 $0x6;
	s22 =	simm.s32 $0x10600;
	v6 =	vadd.s32 $0x881, v0;
	v7 =	vadd.s32 $0x1101, v0;
	v8 =	vadd.s32 $0x1981, v0  }
0x20: {  	v9 =	vor.u32 $0x2, v0;
	v10 =	vadd.s32 $0x882, v0;
	v11 =	vadd.s32 $0x1102, v0;
	s26 =	simm.s32 $0x12118;
	s25 =	simm.s32 $0x12558;
	[dreg:$0x4] =	wrdreg s16  }
0x21: {  	v12 =	vadd.s32 $0x1982, v0;
	v13 =	vor.u32 $0x3, v0;
	v14 =	vadd.s32 $0x883, v0;
	s1 =	ssub.s32 s1, s6;
	[dreg:$0xf] =	wrdreg s2;
	s6 =	sadd.s32 $0xD000, s7  }
0x22: {  	v15 =	vadd.s32 $0x1103, v0;
	v16 =	vadd.s32 $0x1983, v0;
	v17 =	vor.u32 $0x4, v0;
	s16 =	sadd.s32 $0x15000, s7;
	s2 =	simm.s32 $0x125E0;
	s0 =	sadd.s32 s5, s0  }
.Ltmp0:
0x23: {  	v18 =	vadd.s32 $0x884, v0;
	v19 =	vadd.s32 $0x1104, v0;
	v20 =	vadd.s32 $0x1984, v0;
	s5 =	sadd.s32 $0xC000, s7;
	[dreg:$0x11] =	wrdreg s6;
	(pc) =	sbr.rel .LBB2_1-.Ltmp0, $4  }
0x24: {  	v21 =	vor.u32 $0x5, v0;
	v22 =	vadd.s32 $0x885, v0;
	v23 =	vadd.s32 $0x1105, v0;
	s13 =	smax.u32 s1, $0x1;
	[dreg:$0x1a] =	wrdreg s16;
	s1 =	simm.s32 $0x123C0  }
0x25: {  	v24 =	vadd.s32 $0x1985, v0;
	v25 =	vor.u32 $0x6, v0;
	v26 =	vadd.s32 $0x886, v0;
	s6 =	simm.s32 $0x12668;
	s7 =	simm.s32 $0x126F0;
	[dreg:$0x10] =	wrdreg s5  }
0x26: {  	v27 =	vadd.s32 $0x1106, v0;
	v28 =	vadd.s32 $0x1986, v0;
	v29 =	vor.u32 $0x7, v0;
	s0 =	sadd.s32 $0x600, s0;
	[dreg:$0x17] =	wrdreg s13;
	s5 =	simm.s32 $0x124D0  }
0x27: {  	v30 =	vadd.s32 $0x887, v0;
	v31 =	vadd.s32 $0x1107, v0;
	v32 =	vadd.s32 $0x1987, v0;
	s13 =	simm.s32 $0x4;
	[dreg:$0x3] =	wrdreg s0;
	s0 =	simm.s32 $0x12448  }
.LBB2_16:
0x28: {  	_ =	swait.ge [sflag:s12], $0x400  }
0x29: {  	[sflag:s12] =	ssyncset.done $0x0  }
0x2a: {  	[sflag:s12] =	ssyncadd.s32 $0xFFFFFC00  }
0x2b: {  	_ =	swait.ge [sflag:s12], $0x400  }
0x2c: {  	[sflag:s12] =	ssyncset.done $0x0  }
0x2d: {  	[sflag:s12] =	ssyncadd.s32 $0xFFFFFC00  }
0x2e: {  	_ =	swait.ge [sflag:s12], $0x400  }
0x2f: {  	[sflag:s12] =	ssyncset.done $0x0  }
0x30: {  	[sflag:s12] =	ssyncadd.s32 $0xFFFFFC00  }
0x31: {  	_ =	swait.ge [sflag:s12], $0x400  }
0x32: {  	[sflag:s12] =	ssyncset.done $0x0  }
0x33: {  	[sflag:s12] =	ssyncadd.s32 $0xFFFFFC00  }
0x34: {  	_ =	swait.ge [sflag:s12], $0x400  }
0x35: {  	[sflag:s12] =	ssyncset.done $0x0  }
0x36: {  	[sflag:s12] =	ssyncadd.s32 $0xFFFFFC00  }
0x37: {  	_ =	swait.ge [sflag:s12], $0x400  }
0x38: {  	[sflag:s12] =	ssyncset.done $0x0  }
0x39: {  	[sflag:s12] =	ssyncadd.s32 $0xFFFFFC00  }
0x3a: {  	_ =	swait.ge [sflag:s12], $0x400  }
0x3b: {  	[sflag:s12] =	ssyncset.done $0x0  }
0x3c: {  	[sflag:s12] =	ssyncadd.s32 $0xFFFFFC00  }
0x3d: {  	_ =	swait.ge [sflag:s12], $0x400  }
0x3e: {  	[sflag:s12] =	ssyncset.done $0x0  }
0x3f: {  	[sflag:s12] =	ssyncadd.s32 $0xFFFFFC00  }
0x40: {  	_ =	swait.ge [sflag:s21], $0x400  }
0x41: {  	[sflag:s21] =	ssyncset.done $0x0  }
0x42: {  	[sflag:s21] =	ssyncadd.s32 $0xFFFFFC00  }
0x43: {  	_ =	swait.ge [sflag:s21], $0x400  }
0x44: {  	[sflag:s21] =	ssyncset.done $0x0  }
0x45: {  	[sflag:s21] =	ssyncadd.s32 $0xFFFFFC00  }
0x46: {  	_ =	swait.ge [sflag:s21], $0x400  }
0x47: {  	[sflag:s21] =	ssyncset.done $0x0  }
0x48: {  	[sflag:s21] =	ssyncadd.s32 $0xFFFFFC00  }
0x49: {  	_ =	swait.ge [sflag:s21], $0x400  }
0x4a: {  	[sflag:s21] =	ssyncset.done $0x0  }
0x4b: {  	[sflag:s21] =	ssyncadd.s32 $0xFFFFFC00  }
0x4c: {  	_ =	swait.ge [sflag:s21], $0x400  }
0x4d: {  	[sflag:s21] =	ssyncset.done $0x0  }
0x4e: {  	[sflag:s21] =	ssyncadd.s32 $0xFFFFFC00  }
0x4f: {  	_ =	swait.ge [sflag:s21], $0x400  }
0x50: {  	[sflag:s21] =	ssyncset.done $0x0  }
0x51: {  	[sflag:s21] =	ssyncadd.s32 $0xFFFFFC00  }
0x52: {  	_ =	swait.ge [sflag:s21], $0x400  }
0x53: {  	[sflag:s21] =	ssyncset.done $0x0  }
0x54: {  	[sflag:s21] =	ssyncadd.s32 $0xFFFFFC00  }
0x55: {  	_ =	swait.ge [sflag:s21], $0x400  }
0x56: {  	s15 =	sld [smem:$0x7F8];
	_ =	sdelay $0x2  }
0x57: {  	s14 =	rddreg [dreg:$0x17];
	s15 =	sadd.s32 $0x1, s15  }
0x58: {  	p0 =	sne.s32 s15, s14  }
.Ltmp1:
0x59: {  	_ = 	snop;
	(pc) =	sbr.rel @!p0 .LBB2_17-.Ltmp1, $3  }
0x5a: {  	_ =	sdelay $0x1  }
0x5b: {  	[sflag:s21] =	ssyncset.done $0x0  }
0x5c: {  	[sflag:s21] =	ssyncadd.s32 $0xFFFFFC00  }
.LBB2_1:
0x5d: {  	[smem:$0x7F8] =	sst s15  }
0x5e: {  	s14 =	rddreg [dreg:$0x3];
	s15 =	simm.s32 $0x7  }
0x5f: {  	[tilespmem:s3], [sflag:$0x7] =	stream.linear.gather [hbm4b:s14+s3], $0x6400, $0x38;
	[tilespmem:$0x12800] =	vst v63  }
0x60: {  	_ =	swait.ge [sflag:s15], $0x6400  }
0x61: {  	[sflag:s15] =	ssyncset.done $0x0  }
0x62: {  	s16 =	simm.s32 $0x6400;
	s14 =	simm.s32 $0x80;
	[sflag:s15] =	ssyncadd.s32 $0xFFFF9C00  }
0x63: {  	[tilespmem:s16], [sflag:$0x1] =	stream.indirect.gather [hbm4b:s4+s14], $0x40, s3, s14, $0xb8;
	[tilespmem:$0x12800] =	vst v63  }
0x64: {  	s17 =	simm.s32 $0x8400  }
0x65: {  	[tilespmem:s17], [sflag:$0x2] =	stream.indirect.gather [hbm4b:s4+s14], $0x40, s14, s14, $0xb8;
	[tilespmem:$0x12800] =	vst v63  }
0x66: {  	s18 =	simm.s32 $0x100;
	s16 =	simm.s32 $0xA400  }
0x67: {  	[tilespmem:s16], [sflag:$0x3] =	stream.indirect.gather [hbm4b:s4+s14], $0x40, s18, s14, $0xb8;
	[tilespmem:$0x12800] =	vst v63  }
0x68: {  	s19 =	simm.s32 $0x180;
	s23 =	simm.s32 $0xC400  }
0x69: {  	[tilespmem:s23], [sflag:$0x4] =	stream.indirect.gather [hbm4b:s4+s14], $0x40, s19, s14, $0xb8;
	[tilespmem:$0x12800] =	vst v63  }
0x6a: {  	s14 =	simm.s32 $0x0  }
.LBB2_2:
0x6b: {  	_ =	swait.ge [sflag:s9], $0x2000  }
0x6c: {  	p0 =	seq.s32 s14, $0x0;
	[sflag:s9] =	ssyncset.done $0x0  }
0x6d: {  	s15 =	simm.s32 @!p0 $0x5;
	[sflag:s9] =	ssyncadd.s32 $0xFFFFE000  }
0x6e: {  	_ =	swait.ge @!p0 [sflag:s15], $0x400  }
0x6f: {  	[sflag:s15] =	ssyncset.done @!p0 $0x0  }
0x70: {  	[sflag:s15] =	ssyncadd.s32 @!p0 $0xFFFFFC00  }
0x71: {  	_ =	swait.ge @!p0 [sflag:s15], $0x400  }
0x72: {  	[sflag:s15] =	ssyncset.done @!p0 $0x0  }
0x73: {  	[sflag:s15] =	ssyncadd.s32 @!p0 $0xFFFFFC00  }
0x74: {  	_ =	swait.ge @!p0 [sflag:s15], $0x400  }
0x75: {  	[sflag:s15] =	ssyncset.done @!p0 $0x0  }
0x76: {  	[sflag:s15] =	ssyncadd.s32 @!p0 $0xFFFFFC00  }
0x77: {  	_ =	swait.ge @!p0 [sflag:s15], $0x400  }
0x78: {  	[sflag:s15] =	ssyncset.done @!p0 $0x0  }
0x79: {  	[sflag:s15] =	ssyncadd.s32 @!p0 $0xFFFFFC00  }
0x7a: {  	_ =	swait.ge @!p0 [sflag:s15], $0x400  }
0x7b: {  	[sflag:s15] =	ssyncset.done @!p0 $0x0  }
0x7c: {  	[sflag:s15] =	ssyncadd.s32 @!p0 $0xFFFFFC00  }
0x7d: {  	_ =	swait.ge @!p0 [sflag:s15], $0x400  }
0x7e: {  	[sflag:s15] =	ssyncset.done @!p0 $0x0  }
0x7f: {  	[sflag:s15] =	ssyncadd.s32 @!p0 $0xFFFFFC00  }
0x80: {  	s16 =	simm.s32 $0x0;
	_ =	swait.ge @!p0 [sflag:s15], $0x400  }
0x81: {  	v33 =	vmov s16;
	[sflag:s15] =	ssyncset.done @!p0 $0x0  }
0x82: {  	v33 =	vshrl.u32 v33, $0x3;
	[sflag:s15] =	ssyncadd.s32 @!p0 $0xFFFFFC00  }
0x83: {  	v33 =	vshll.u32 v33, v1;
	_ =	swait.ge @!p0 [sflag:s15], $0x400  }
0x84: {  	v33 =	vbroadcast v33, $0x0;
	[sflag:s15] =	ssyncset.done @!p0 $0x0  }
0x85: {  	s16 =	simm.s32 $0x6500;
	[sflag:s15] =	ssyncadd.s32 @!p0 $0xFFFFFC00  }
0x86: {  	v35 =	vadd.s32 v0, v33;
	v34 =	vld [tilespmem:s16+$0xFFFFFF00];
	_ =	sdelay $0x4  }
0x87: {  	[tilespmem:v35+s10+$0x0] =	vst.idx.msk $0xffff, v34  }
0x88: {  	v56 =	vadd.s32 v2, v33;
	v34 =	vld [tilespmem:s16+$0xFFFFFF10];
	_ =	sdelay $0x4  }
0x89: {  	[tilespmem:v56+s10+$0x0] =	vst.idx.msk $0xffff, v34  }
0x8a: {  	v57 =	vadd.s32 v3, v33;
	v34 =	vld [tilespmem:s16+$0xFFFFFF20];
	_ =	sdelay $0x4  }
0x8b: {  	[tilespmem:v57+s10+$0x0] =	vst.idx.msk $0xffff, v34  }
0x8c: {  	s18 =	simm.s32 $0x1;
	v33 =	vadd.s32 v4, v33;
	v34 =	vld [tilespmem:s16+$0xFFFFFF30]  }
0x8d: {  	v58 =	vmov s18  }
0x8e: {  	v35 =	vshrl.u32 v58, $0x3  }
0x8f: {  	v35 =	vshll.u32 v35, v1  }
0x90: {  	v35 =	vbroadcast v35, $0x0  }
0x91: {  	[tilespmem:v33+s10+$0x0] =	vst.idx.msk $0xffff, v34  }
0x92: {  	v59 =	vadd.s32 v5, v35;
	v33 =	vld [tilespmem:s16+$0xFFFFFF40];
	_ =	sdelay $0x4  }
0x93: {  	[tilespmem:v59+s10+$0x0] =	vst.idx.msk $0xffff, v33  }
0x94: {  	v60 =	vadd.s32 v6, v35;
	v33 =	vld [tilespmem:s16+$0xFFFFFF50];
	_ =	sdelay $0x4  }
0x95: {  	[tilespmem:v60+s10+$0x0] =	vst.idx.msk $0xffff, v33  }
0x96: {  	v61 =	vadd.s32 v7, v35;
	v33 =	vld [tilespmem:s16+$0xFFFFFF60];
	_ =	sdelay $0x4  }
0x97: {  	[tilespmem:v61+s10+$0x0] =	vst.idx.msk $0xffff, v33  }
0x98: {  	s19 =	simm.s32 $0x2;
	v62 =	vadd.s32 v8, v35;
	v33 =	vld [tilespmem:s16+$0xFFFFFF70]  }
0x99: {  	v63 =	vmov s19  }
0x9a: {  	v35 =	vshrl.u32 v63, $0x3  }
0x9b: {  	v35 =	vshll.u32 v35, v1  }
0x9c: {  	v35 =	vbroadcast v35, $0x0  }
0x9d: {  	[tilespmem:v62+s10+$0x0] =	vst.idx.msk $0xffff, v33  }
0x9e: {  	v36 =	vadd.s32 v9, v35;
	v33 =	vld [tilespmem:s16+$0xFFFFFF80];
	_ =	sdelay $0x4  }
0x9f: {  	[tilespmem:v36+s10+$0x0] =	vst.idx.msk $0xffff, v33  }
0xa0: {  	v37 =	vadd.s32 v10, v35;
	v33 =	vld [tilespmem:s16+$0xFFFFFF90];
	_ =	sdelay $0x4  }
0xa1: {  	[tilespmem:v37+s10+$0x0] =	vst.idx.msk $0xffff, v33  }
0xa2: {  	v38 =	vadd.s32 v11, v35;
	v33 =	vld [tilespmem:s16+$0xFFFFFFA0];
	_ =	sdelay $0x4  }
0xa3: {  	[tilespmem:v38+s10+$0x0] =	vst.idx.msk $0xffff, v33  }
0xa4: {  	s23 =	simm.s32 $0x3;
	v39 =	vadd.s32 v12, v35;
	v33 =	vld [tilespmem:s16+$0xFFFFFFB0]  }
0xa5: {  	v40 =	vmov s23  }
0xa6: {  	v35 =	vshrl.u32 v40, $0x3  }
0xa7: {  	v35 =	vshll.u32 v35, v1  }
0xa8: {  	v35 =	vbroadcast v35, $0x0  }
0xa9: {  	[tilespmem:v39+s10+$0x0] =	vst.idx.msk $0xffff, v33  }
0xaa: {  	v41 =	vadd.s32 v13, v35;
	v33 =	vld [tilespmem:s16+$0xFFFFFFC0];
	_ =	sdelay $0x4  }
0xab: {  	[tilespmem:v41+s10+$0x0] =	vst.idx.msk $0xffff, v33  }
0xac: {  	v42 =	vadd.s32 v14, v35;
	v33 =	vld [tilespmem:s16+$0xFFFFFFD0];
	_ =	sdelay $0x4  }
0xad: {  	[tilespmem:v42+s10+$0x0] =	vst.idx.msk $0xffff, v33  }
0xae: {  	v43 =	vadd.s32 v15, v35;
	v33 =	vld [tilespmem:s16+$0xFFFFFFE0];
	_ =	sdelay $0x4  }
0xaf: {  	[tilespmem:v43+s10+$0x0] =	vst.idx.msk $0xffff, v33  }
0xb0: {  	s17 =	simm.s32 $0x4;
	v44 =	vadd.s32 v16, v35;
	v33 =	vld [tilespmem:s16+$0xFFFFFFF0]  }
0xb1: {  	v45 =	vmov s17  }
0xb2: {  	v35 =	vshrl.u32 v45, $0x3  }
0xb3: {  	v35 =	vshll.u32 v35, v1  }
0xb4: {  	v35 =	vbroadcast v35, $0x0  }
0xb5: {  	[tilespmem:v44+s10+$0x0] =	vst.idx.msk $0xffff, v33  }
0xb6: {  	v46 =	vadd.s32 v17, v35;
	v33 =	vld [tilespmem:s16+$0x0];
	_ =	sdelay $0x4  }
0xb7: {  	[tilespmem:v46+s10+$0x0] =	vst.idx.msk $0xffff, v33  }
0xb8: {  	v47 =	vadd.s32 v18, v35;
	v33 =	vld [tilespmem:s16+$0x10];
	_ =	sdelay $0x4  }
0xb9: {  	[tilespmem:v47+s10+$0x0] =	vst.idx.msk $0xffff, v33  }
0xba: {  	v48 =	vadd.s32 v19, v35;
	v33 =	vld [tilespmem:s16+$0x20];
	_ =	sdelay $0x4  }
0xbb: {  	[tilespmem:v48+s10+$0x0] =	vst.idx.msk $0xffff, v33  }
0xbc: {  	s18 =	simm.s32 $0x5;
	v49 =	vadd.s32 v20, v35;
	v33 =	vld [tilespmem:s16+$0x30]  }
0xbd: {  	v50 =	vmov s18  }
0xbe: {  	v35 =	vshrl.u32 v50, $0x3  }
0xbf: {  	v35 =	vshll.u32 v35, v1  }
0xc0: {  	v35 =	vbroadcast v35, $0x0  }
0xc1: {  	[tilespmem:v49+s10+$0x0] =	vst.idx.msk $0xffff, v33  }
0xc2: {  	v51 =	vadd.s32 v21, v35;
	v33 =	vld [tilespmem:s16+$0x40];
	_ =	sdelay $0x4  }
0xc3: {  	[tilespmem:v51+s10+$0x0] =	vst.idx.msk $0xffff, v33  }
0xc4: {  	v52 =	vadd.s32 v22, v35;
	v33 =	vld [tilespmem:s16+$0x50];
	_ =	sdelay $0x4  }
0xc5: {  	[tilespmem:v52+s10+$0x0] =	vst.idx.msk $0xffff, v33  }
0xc6: {  	v53 =	vadd.s32 v23, v35;
	v33 =	vld [tilespmem:s16+$0x60];
	_ =	sdelay $0x4  }
0xc7: {  	[tilespmem:v53+s10+$0x0] =	vst.idx.msk $0xffff, v33  }
0xc8: {  	s19 =	simm.s32 $0x6;
	v54 =	vadd.s32 v24, v35;
	v33 =	vld [tilespmem:s16+$0x70]  }
0xc9: {  	v55 =	vmov s19  }
0xca: {  	v35 =	vshrl.u32 v55, $0x3  }
0xcb: {  	v35 =	vshll.u32 v35, v1  }
0xcc: {  	v35 =	vbroadcast v35, $0x0  }
0xcd: {  	[tilespmem:v54+s10+$0x0] =	vst.idx.msk $0xffff, v33  }
0xce: {  	v56 =	vadd.s32 v25, v35;
	v33 =	vld [tilespmem:s16+$0x80];
	_ =	sdelay $0x4  }
0xcf: {  	[tilespmem:v56+s10+$0x0] =	vst.idx.msk $0xffff, v33  }
0xd0: {  	v57 =	vadd.s32 v26, v35;
	v33 =	vld [tilespmem:s16+$0x90];
	_ =	sdelay $0x4  }
0xd1: {  	[tilespmem:v57+s10+$0x0] =	vst.idx.msk $0xffff, v33  }
0xd2: {  	v58 =	vadd.s32 v27, v35;
	v33 =	vld [tilespmem:s16+$0xA0];
	_ =	sdelay $0x4  }
0xd3: {  	[tilespmem:v58+s10+$0x0] =	vst.idx.msk $0xffff, v33  }
0xd4: {  	s23 =	simm.s32 $0x7;
	v59 =	vadd.s32 v28, v35;
	v33 =	vld [tilespmem:s16+$0xB0]  }
0xd5: {  	v60 =	vmov s23  }
0xd6: {  	v35 =	vshrl.u32 v60, $0x3  }
0xd7: {  	v35 =	vshll.u32 v35, v1  }
0xd8: {  	v35 =	vbroadcast v35, $0x0  }
0xd9: {  	[tilespmem:v59+s10+$0x0] =	vst.idx.msk $0xffff, v33  }
0xda: {  	v61 =	vadd.s32 v29, v35;
	v33 =	vld [tilespmem:s16+$0xC0];
	_ =	sdelay $0x4  }
0xdb: {  	[tilespmem:v61+s10+$0x0] =	vst.idx.msk $0xffff, v33  }
0xdc: {  	v62 =	vadd.s32 v30, v35;
	v33 =	vld [tilespmem:s16+$0xD0];
	_ =	sdelay $0x4  }
0xdd: {  	[tilespmem:v62+s10+$0x0] =	vst.idx.msk $0xffff, v33  }
0xde: {  	v63 =	vadd.s32 v31, v35;
	v33 =	vld [tilespmem:s16+$0xE0];
	_ =	sdelay $0x4  }
0xdf: {  	s17 =	simm.s32 $0xF;
	[tilespmem:v63+s10+$0x0] =	vst.idx.msk $0xffff, v33  }
0xe0: {  	s19 =	simm.s32 $0x8;
	s18 =	simm.s32 $0x17;
	s15 =	sshll.u32 s14, $0xB;
	v34 =	vadd.s32 v32, v35;
	v33 =	vld [tilespmem:s16+$0xF0]  }
.LBB2_3:
0xe1: {  	p1 =	sne.s32 s18, $0x7F;
	v35 =	vmov s19  }
0xe2: {  	v35 =	vshrl.u32 v35, $0x3  }
0xe3: {  	v35 =	vshll.u32 v35, v1  }
0xe4: {  	v35 =	vbroadcast v35, $0x0  }
0xe5: {  	s16 =	sadd.s32 $0x200, s16;
	[tilespmem:v34+s10+$0x0] =	vst.idx.msk $0xffff, v33  }
0xe6: {  	v33 =	vld [tilespmem:s16+$0xFFFFFF00];
	v34 =	vadd.s32 v0, v35;
	_ =	sdelay $0x4  }
0xe7: {  	[tilespmem:v34+s10+$0x0] =	vst.idx.msk $0xffff, v33  }
0xe8: {  	v34 =	vadd.s32 v2, v35;
	v33 =	vld [tilespmem:s16+$0xFFFFFF10];
	_ =	sdelay $0x4  }
0xe9: {  	[tilespmem:v34+s10+$0x0] =	vst.idx.msk $0xffff, v33  }
0xea: {  	v34 =	vadd.s32 v3, v35;
	v33 =	vld [tilespmem:s16+$0xFFFFFF20];
	_ =	sdelay $0x4  }
0xeb: {  	[tilespmem:v34+s10+$0x0] =	vst.idx.msk $0xffff, v33  }
0xec: {  	s19 =	sadd.s32 $0xFFFFFFFA, s17;
	v34 =	vadd.s32 v4, v35;
	v33 =	vld [tilespmem:s16+$0xFFFFFF30]  }
0xed: {  	v35 =	vmov s19  }
0xee: {  	v35 =	vshrl.u32 v35, $0x3  }
0xef: {  	v35 =	vshll.u32 v35, v1  }
0xf0: {  	v35 =	vbroadcast v35, $0x0  }
0xf1: {  	[tilespmem:v34+s10+$0x0] =	vst.idx.msk $0xffff, v33  }
0xf2: {  	v34 =	vadd.s32 v5, v35;
	v33 =	vld [tilespmem:s16+$0xFFFFFF40];
	_ =	sdelay $0x4  }
0xf3: {  	[tilespmem:v34+s10+$0x0] =	vst.idx.msk $0xffff, v33  }
0xf4: {  	v34 =	vadd.s32 v6, v35;
	v33 =	vld [tilespmem:s16+$0xFFFFFF50];
	_ =	sdelay $0x4  }
0xf5: {  	[tilespmem:v34+s10+$0x0] =	vst.idx.msk $0xffff, v33  }
0xf6: {  	v34 =	vadd.s32 v7, v35;
	v33 =	vld [tilespmem:s16+$0xFFFFFF60];
	_ =	sdelay $0x4  }
0xf7: {  	[tilespmem:v34+s10+$0x0] =	vst.idx.msk $0xffff, v33  }
0xf8: {  	s19 =	sadd.s32 $0xFFFFFFFB, s17;
	v34 =	vadd.s32 v8, v35;
	v33 =	vld [tilespmem:s16+$0xFFFFFF70]  }
0xf9: {  	v35 =	vmov s19  }
0xfa: {  	v35 =	vshrl.u32 v35, $0x3  }
0xfb: {  	v35 =	vshll.u32 v35, v1  }
0xfc: {  	v35 =	vbroadcast v35, $0x0  }
0xfd: {  	[tilespmem:v34+s10+$0x0] =	vst.idx.msk $0xffff, v33  }
0xfe: {  	v34 =	vadd.s32 v9, v35;
	v33 =	vld [tilespmem:s16+$0xFFFFFF80];
	_ =	sdelay $0x4  }
0xff: {  	[tilespmem:v34+s10+$0x0] =	vst.idx.msk $0xffff, v33  }
0x100: {  	v34 =	vadd.s32 v10, v35;
	v33 =	vld [tilespmem:s16+$0xFFFFFF90];
	_ =	sdelay $0x4  }
0x101: {  	[tilespmem:v34+s10+$0x0] =	vst.idx.msk $0xffff, v33  }
0x102: {  	v34 =	vadd.s32 v11, v35;
	v33 =	vld [tilespmem:s16+$0xFFFFFFA0];
	_ =	sdelay $0x4  }
0x103: {  	[tilespmem:v34+s10+$0x0] =	vst.idx.msk $0xffff, v33  }
0x104: {  	s19 =	sadd.s32 $0xFFFFFFFC, s17;
	v34 =	vadd.s32 v12, v35;
	v33 =	vld [tilespmem:s16+$0xFFFFFFB0]  }
0x105: {  	v35 =	vmov s19  }
0x106: {  	v35 =	vshrl.u32 v35, $0x3  }
0x107: {  	v35 =	vshll.u32 v35, v1  }
0x108: {  	v35 =	vbroadcast v35, $0x0  }
0x109: {  	[tilespmem:v34+s10+$0x0] =	vst.idx.msk $0xffff, v33  }
0x10a: {  	v34 =	vadd.s32 v13, v35;
	v33 =	vld [tilespmem:s16+$0xFFFFFFC0];
	_ =	sdelay $0x4  }
0x10b: {  	[tilespmem:v34+s10+$0x0] =	vst.idx.msk $0xffff, v33  }
0x10c: {  	v34 =	vadd.s32 v14, v35;
	v33 =	vld [tilespmem:s16+$0xFFFFFFD0];
	_ =	sdelay $0x4  }
0x10d: {  	[tilespmem:v34+s10+$0x0] =	vst.idx.msk $0xffff, v33  }
0x10e: {  	v34 =	vadd.s32 v15, v35;
	v33 =	vld [tilespmem:s16+$0xFFFFFFE0];
	_ =	sdelay $0x4  }
0x10f: {  	[tilespmem:v34+s10+$0x0] =	vst.idx.msk $0xffff, v33  }
0x110: {  	s19 =	sadd.s32 $0xFFFFFFFD, s17;
	v34 =	vadd.s32 v16, v35;
	v33 =	vld [tilespmem:s16+$0xFFFFFFF0]  }
0x111: {  	v35 =	vmov s19  }
0x112: {  	v35 =	vshrl.u32 v35, $0x3  }
0x113: {  	v35 =	vshll.u32 v35, v1  }
0x114: {  	v35 =	vbroadcast v35, $0x0  }
0x115: {  	[tilespmem:v34+s10+$0x0] =	vst.idx.msk $0xffff, v33  }
0x116: {  	v34 =	vadd.s32 v17, v35;
	v33 =	vld [tilespmem:s16+$0x0];
	_ =	sdelay $0x4  }
0x117: {  	[tilespmem:v34+s10+$0x0] =	vst.idx.msk $0xffff, v33  }
0x118: {  	v34 =	vadd.s32 v18, v35;
	v33 =	vld [tilespmem:s16+$0x10];
	_ =	sdelay $0x4  }
0x119: {  	[tilespmem:v34+s10+$0x0] =	vst.idx.msk $0xffff, v33  }
0x11a: {  	v34 =	vadd.s32 v19, v35;
	v33 =	vld [tilespmem:s16+$0x20];
	_ =	sdelay $0x4  }
0x11b: {  	[tilespmem:v34+s10+$0x0] =	vst.idx.msk $0xffff, v33  }
0x11c: {  	s19 =	sadd.s32 $0xFFFFFFFE, s17;
	v34 =	vadd.s32 v20, v35;
	v33 =	vld [tilespmem:s16+$0x30]  }
0x11d: {  	v35 =	vmov s19  }
0x11e: {  	v35 =	vshrl.u32 v35, $0x3  }
0x11f: {  	v35 =	vshll.u32 v35, v1  }
0x120: {  	v35 =	vbroadcast v35, $0x0  }
0x121: {  	[tilespmem:v34+s10+$0x0] =	vst.idx.msk $0xffff, v33  }
0x122: {  	v34 =	vadd.s32 v21, v35;
	v33 =	vld [tilespmem:s16+$0x40];
	_ =	sdelay $0x4  }
0x123: {  	[tilespmem:v34+s10+$0x0] =	vst.idx.msk $0xffff, v33  }
0x124: {  	v34 =	vadd.s32 v22, v35;
	v33 =	vld [tilespmem:s16+$0x50];
	_ =	sdelay $0x4  }
0x125: {  	[tilespmem:v34+s10+$0x0] =	vst.idx.msk $0xffff, v33  }
0x126: {  	v34 =	vadd.s32 v23, v35;
	v33 =	vld [tilespmem:s16+$0x60];
	_ =	sdelay $0x4  }
0x127: {  	[tilespmem:v34+s10+$0x0] =	vst.idx.msk $0xffff, v33  }
0x128: {  	s19 =	sadd.s32 $0xFFFFFFFF, s17;
	v34 =	vadd.s32 v24, v35;
	v33 =	vld [tilespmem:s16+$0x70]  }
0x129: {  	v35 =	vmov s19  }
0x12a: {  	v35 =	vshrl.u32 v35, $0x3  }
0x12b: {  	v35 =	vshll.u32 v35, v1  }
0x12c: {  	v35 =	vbroadcast v35, $0x0  }
0x12d: {  	[tilespmem:v34+s10+$0x0] =	vst.idx.msk $0xffff, v33  }
0x12e: {  	v34 =	vadd.s32 v25, v35;
	v33 =	vld [tilespmem:s16+$0x80];
	_ =	sdelay $0x4  }
0x12f: {  	[tilespmem:v34+s10+$0x0] =	vst.idx.msk $0xffff, v33  }
0x130: {  	v34 =	vadd.s32 v26, v35;
	v33 =	vld [tilespmem:s16+$0x90];
	_ =	sdelay $0x4  }
0x131: {  	[tilespmem:v34+s10+$0x0] =	vst.idx.msk $0xffff, v33  }
0x132: {  	v34 =	vadd.s32 v27, v35;
	v33 =	vld [tilespmem:s16+$0xA0];
	_ =	sdelay $0x4  }
0x133: {  	[tilespmem:v34+s10+$0x0] =	vst.idx.msk $0xffff, v33  }
0x134: {  	v34 =	vadd.s32 v28, v35;
	v33 =	vld [tilespmem:s16+$0xB0]  }
0x135: {  	v35 =	vmov s17;
	s17 =	smov.u32 s18  }
0x136: {  	v35 =	vshrl.u32 v35, $0x3  }
0x137: {  	v35 =	vshll.u32 v35, v1  }
0x138: {  	v35 =	vbroadcast v35, $0x0  }
0x139: {  	[tilespmem:v34+s10+$0x0] =	vst.idx.msk $0xffff, v33  }
0x13a: {  	v34 =	vadd.s32 v29, v35;
	v33 =	vld [tilespmem:s16+$0xC0];
	_ =	sdelay $0x4  }
0x13b: {  	[tilespmem:v34+s10+$0x0] =	vst.idx.msk $0xffff, v33  }
0x13c: {  	v34 =	vadd.s32 v30, v35;
	v33 =	vld [tilespmem:s16+$0xD0];
	_ =	sdelay $0x4  }
0x13d: {  	[tilespmem:v34+s10+$0x0] =	vst.idx.msk $0xffff, v33  }
0x13e: {  	v34 =	vadd.s32 v31, v35;
	v33 =	vld [tilespmem:s16+$0xE0];
	_ =	sdelay $0x1  }
.Ltmp2:
0x13f: {  	(pc) =	sbr.rel @p1 .LBB2_3-.Ltmp2, $3  }
0x140: {  	_ =	sdelay $0x1  }
0x141: {  	[tilespmem:v34+s10+$0x0] =	vst.idx.msk $0xffff, v33  }
0x142: {  	s18 =	sadd.s32 $0x8, s18;
	s19 =	sadd.s32 $0xFFFFFFF9, s17;
	v34 =	vadd.s32 v32, v35;
	v33 =	vld [tilespmem:s16+$0xF0]  }
0x143: {  	v35 =	vmov s19  }
0x144: {  	v35 =	vshrl.u32 v35, $0x3  }
0x145: {  	v35 =	vshll.u32 v35, v1  }
0x146: {  	v35 =	vbroadcast v35, $0x0  }
0x147: {  	s16 =	sadd.s32 $0x200, s16;
	[tilespmem:v34+s10+$0x0] =	vst.idx.msk $0xffff, v33  }
0x148: {  	v33 =	vld [tilespmem:s16+$0xFFFFFF00];
	v53 =	vadd.s32 v0, v35;
	_ =	sdelay $0x4  }
0x149: {  	[tilespmem:v53+s10+$0x0] =	vst.idx.msk $0xffff, v33  }
0x14a: {  	v54 =	vadd.s32 v2, v35;
	v33 =	vld [tilespmem:s16+$0xFFFFFF10];
	_ =	sdelay $0x4  }
0x14b: {  	[tilespmem:v54+s10+$0x0] =	vst.idx.msk $0xffff, v33  }
0x14c: {  	v55 =	vadd.s32 v3, v35;
	v33 =	vld [tilespmem:s16+$0xFFFFFF20];
	_ =	sdelay $0x4  }
0x14d: {  	[tilespmem:v55+s10+$0x0] =	vst.idx.msk $0xffff, v33  }
0x14e: {  	s18 =	sadd.s32 $0xFFFFFFFA, s17;
	v56 =	vadd.s32 v4, v35;
	v33 =	vld [tilespmem:s16+$0xFFFFFF30]  }
0x14f: {  	v57 =	vmov s18  }
0x150: {  	v35 =	vshrl.u32 v57, $0x3  }
0x151: {  	v35 =	vshll.u32 v35, v1  }
0x152: {  	v35 =	vbroadcast v35, $0x0  }
0x153: {  	[tilespmem:v56+s10+$0x0] =	vst.idx.msk $0xffff, v33  }
0x154: {  	v58 =	vadd.s32 v5, v35;
	v33 =	vld [tilespmem:s16+$0xFFFFFF40];
	_ =	sdelay $0x4  }
0x155: {  	[tilespmem:v58+s10+$0x0] =	vst.idx.msk $0xffff, v33  }
0x156: {  	v59 =	vadd.s32 v6, v35;
	v33 =	vld [tilespmem:s16+$0xFFFFFF50];
	_ =	sdelay $0x4  }
0x157: {  	[tilespmem:v59+s10+$0x0] =	vst.idx.msk $0xffff, v33  }
0x158: {  	v60 =	vadd.s32 v7, v35;
	v33 =	vld [tilespmem:s16+$0xFFFFFF60];
	_ =	sdelay $0x4  }
0x159: {  	[tilespmem:v60+s10+$0x0] =	vst.idx.msk $0xffff, v33  }
0x15a: {  	s23 =	sadd.s32 $0xFFFFFFFB, s17;
	v61 =	vadd.s32 v8, v35;
	v33 =	vld [tilespmem:s16+$0xFFFFFF70]  }
0x15b: {  	v62 =	vmov s23  }
0x15c: {  	v35 =	vshrl.u32 v62, $0x3  }
0x15d: {  	v35 =	vshll.u32 v35, v1  }
0x15e: {  	v35 =	vbroadcast v35, $0x0  }
0x15f: {  	[tilespmem:v61+s10+$0x0] =	vst.idx.msk $0xffff, v33  }
0x160: {  	v63 =	vadd.s32 v9, v35;
	v33 =	vld [tilespmem:s16+$0xFFFFFF80];
	_ =	sdelay $0x4  }
0x161: {  	[tilespmem:v63+s10+$0x0] =	vst.idx.msk $0xffff, v33  }
0x162: {  	v36 =	vadd.s32 v10, v35;
	v33 =	vld [tilespmem:s16+$0xFFFFFF90];
	_ =	sdelay $0x4  }
0x163: {  	[tilespmem:v36+s10+$0x0] =	vst.idx.msk $0xffff, v33  }
0x164: {  	v37 =	vadd.s32 v11, v35;
	v33 =	vld [tilespmem:s16+$0xFFFFFFA0];
	_ =	sdelay $0x4  }
0x165: {  	[tilespmem:v37+s10+$0x0] =	vst.idx.msk $0xffff, v33  }
0x166: {  	s19 =	sadd.s32 $0xFFFFFFFC, s17;
	v38 =	vadd.s32 v12, v35;
	v33 =	vld [tilespmem:s16+$0xFFFFFFB0]  }
0x167: {  	v39 =	vmov s19  }
0x168: {  	v35 =	vshrl.u32 v39, $0x3  }
0x169: {  	v35 =	vshll.u32 v35, v1  }
0x16a: {  	v35 =	vbroadcast v35, $0x0  }
0x16b: {  	[tilespmem:v38+s10+$0x0] =	vst.idx.msk $0xffff, v33  }
0x16c: {  	v40 =	vadd.s32 v13, v35;
	v33 =	vld [tilespmem:s16+$0xFFFFFFC0];
	_ =	sdelay $0x4  }
0x16d: {  	[tilespmem:v40+s10+$0x0] =	vst.idx.msk $0xffff, v33  }
0x16e: {  	v41 =	vadd.s32 v14, v35;
	v33 =	vld [tilespmem:s16+$0xFFFFFFD0];
	_ =	sdelay $0x4  }
0x16f: {  	[tilespmem:v41+s10+$0x0] =	vst.idx.msk $0xffff, v33  }
0x170: {  	v42 =	vadd.s32 v15, v35;
	v33 =	vld [tilespmem:s16+$0xFFFFFFE0];
	_ =	sdelay $0x4  }
0x171: {  	[tilespmem:v42+s10+$0x0] =	vst.idx.msk $0xffff, v33  }
0x172: {  	s23 =	sadd.s32 $0xFFFFFFFD, s17;
	v43 =	vadd.s32 v16, v35;
	v33 =	vld [tilespmem:s16+$0xFFFFFFF0]  }
0x173: {  	v44 =	vmov s23  }
0x174: {  	v35 =	vshrl.u32 v44, $0x3  }
0x175: {  	v35 =	vshll.u32 v35, v1  }
0x176: {  	v35 =	vbroadcast v35, $0x0  }
0x177: {  	[tilespmem:v43+s10+$0x0] =	vst.idx.msk $0xffff, v33  }
0x178: {  	v45 =	vadd.s32 v17, v35;
	v33 =	vld [tilespmem:s16+$0x0];
	_ =	sdelay $0x4  }
0x179: {  	[tilespmem:v45+s10+$0x0] =	vst.idx.msk $0xffff, v33  }
0x17a: {  	v46 =	vadd.s32 v18, v35;
	v33 =	vld [tilespmem:s16+$0x10];
	_ =	sdelay $0x4  }
0x17b: {  	[tilespmem:v46+s10+$0x0] =	vst.idx.msk $0xffff, v33  }
0x17c: {  	v47 =	vadd.s32 v19, v35;
	v33 =	vld [tilespmem:s16+$0x20];
	_ =	sdelay $0x4  }
0x17d: {  	[tilespmem:v47+s10+$0x0] =	vst.idx.msk $0xffff, v33  }
0x17e: {  	s19 =	sadd.s32 $0xFFFFFFFE, s17;
	v48 =	vadd.s32 v20, v35;
	v33 =	vld [tilespmem:s16+$0x30]  }
0x17f: {  	v49 =	vmov s19  }
0x180: {  	v35 =	vshrl.u32 v49, $0x3  }
0x181: {  	v35 =	vshll.u32 v35, v1  }
0x182: {  	v35 =	vbroadcast v35, $0x0  }
0x183: {  	[tilespmem:v48+s10+$0x0] =	vst.idx.msk $0xffff, v33  }
0x184: {  	v50 =	vadd.s32 v21, v35;
	v33 =	vld [tilespmem:s16+$0x40];
	_ =	sdelay $0x4  }
0x185: {  	[tilespmem:v50+s10+$0x0] =	vst.idx.msk $0xffff, v33  }
0x186: {  	v51 =	vadd.s32 v22, v35;
	v33 =	vld [tilespmem:s16+$0x50];
	_ =	sdelay $0x4  }
0x187: {  	[tilespmem:v51+s10+$0x0] =	vst.idx.msk $0xffff, v33  }
0x188: {  	v52 =	vadd.s32 v23, v35;
	v33 =	vld [tilespmem:s16+$0x60];
	_ =	sdelay $0x4  }
0x189: {  	[tilespmem:v52+s10+$0x0] =	vst.idx.msk $0xffff, v33  }
0x18a: {  	s23 =	sadd.s32 $0xFFFFFFFF, s17;
	v53 =	vadd.s32 v24, v35;
	v33 =	vld [tilespmem:s16+$0x70]  }
0x18b: {  	v54 =	vmov s23  }
0x18c: {  	v35 =	vshrl.u32 v54, $0x3  }
0x18d: {  	v35 =	vshll.u32 v35, v1  }
0x18e: {  	v35 =	vbroadcast v35, $0x0  }
0x18f: {  	[tilespmem:v53+s10+$0x0] =	vst.idx.msk $0xffff, v33  }
0x190: {  	v55 =	vadd.s32 v25, v35;
	v33 =	vld [tilespmem:s16+$0x80];
	_ =	sdelay $0x4  }
0x191: {  	[tilespmem:v55+s10+$0x0] =	vst.idx.msk $0xffff, v33  }
0x192: {  	v56 =	vadd.s32 v26, v35;
	v33 =	vld [tilespmem:s16+$0x90];
	_ =	sdelay $0x4  }
0x193: {  	[tilespmem:v56+s10+$0x0] =	vst.idx.msk $0xffff, v33  }
0x194: {  	v57 =	vadd.s32 v27, v35;
	v33 =	vld [tilespmem:s16+$0xA0];
	_ =	sdelay $0x4  }
0x195: {  	[tilespmem:v57+s10+$0x0] =	vst.idx.msk $0xffff, v33  }
0x196: {  	v58 =	vadd.s32 v28, v35;
	v33 =	vld [tilespmem:s16+$0xB0]  }
0x197: {  	v59 =	vmov s17  }
0x198: {  	v35 =	vshrl.u32 v59, $0x3  }
0x199: {  	v35 =	vshll.u32 v35, v1  }
0x19a: {  	v35 =	vbroadcast v35, $0x0  }
0x19b: {  	[tilespmem:v58+s10+$0x0] =	vst.idx.msk $0xffff, v33  }
0x19c: {  	v60 =	vadd.s32 v29, v35;
	v33 =	vld [tilespmem:s16+$0xC0];
	_ =	sdelay $0x4  }
0x19d: {  	[tilespmem:v60+s10+$0x0] =	vst.idx.msk $0xffff, v33  }
0x19e: {  	v61 =	vadd.s32 v30, v35;
	v33 =	vld [tilespmem:s16+$0xD0];
	_ =	sdelay $0x4  }
0x19f: {  	[tilespmem:v61+s10+$0x0] =	vst.idx.msk $0xffff, v33  }
0x1a0: {  	v62 =	vadd.s32 v31, v35;
	v33 =	vld [tilespmem:s16+$0xE0];
	_ =	sdelay $0x4  }
0x1a1: {  	[tilespmem:v62+s10+$0x0] =	vst.idx.msk $0xffff, v33  }
0x1a2: {  	v63 =	vadd.s32 v32, v35;
	v33 =	vld [tilespmem:s16+$0xF0];
	_ =	sdelay $0x2  }
0x1a3: {  	s19 =	sshll.u32 s14, $0x11;
	s23 =	rddreg [dreg:$0x4]  }
0x1a4: {  	s18 =	rddreg [dreg:$0x1];
	s16 =	sor.u32 s23, s19  }
0x1a5: {  	s17 =	sadd.s32 s18, s16;
	[tilespmem:v63+s10+$0x0] =	vst.idx.msk $0xffff, v33  }
0x1a6: {  	[hbm4b:s17+s3] =	stream.linear.scatter [tilespmem:s10], [sflag:$0x5], $0x80, $0x38;
	[tilespmem:$0x12800] =	vst v63  }
0x1a7: {  	s19 =	sadd.s32 $0x10, s17  }
0x1a8: {  	[hbm4b:s19+s3] =	stream.linear.scatter [tilespmem:s24], [sflag:$0x5], $0x80, $0x38;
	[tilespmem:$0x12800] =	vst v63  }
0x1a9: {  	s23 =	sadd.s32 $0x20, s17;
	s24 =	simm.s32 $0xE510  }
0x1aa: {  	[hbm4b:s23+s3] =	stream.linear.scatter [tilespmem:s24], [sflag:$0x5], $0x80, $0x38;
	[tilespmem:$0x12800] =	vst v63  }
0x1ab: {  	s23 =	sadd.s32 $0x30, s17;
	s24 =	simm.s32 $0xE598  }
0x1ac: {  	[hbm4b:s23+s3] =	stream.linear.scatter [tilespmem:s24], [sflag:$0x5], $0x80, $0x38;
	[tilespmem:$0x12800] =	vst v63  }
0x1ad: {  	s23 =	sadd.s32 $0x40, s17;
	s24 =	simm.s32 $0xE620  }
0x1ae: {  	[hbm4b:s23+s3] =	stream.linear.scatter [tilespmem:s24], [sflag:$0x5], $0x80, $0x38;
	[tilespmem:$0x12800] =	vst v63  }
0x1af: {  	s23 =	sadd.s32 $0x50, s17;
	s24 =	simm.s32 $0xE6A8  }
0x1b0: {  	[hbm4b:s23+s3] =	stream.linear.scatter [tilespmem:s24], [sflag:$0x5], $0x80, $0x38;
	[tilespmem:$0x12800] =	vst v63  }
0x1b1: {  	s19 =	sadd.s32 $0x60, s17;
	s23 =	simm.s32 $0xE730  }
0x1b2: {  	[hbm4b:s19+s3] =	stream.linear.scatter [tilespmem:s23], [sflag:$0x5], $0x80, $0x38;
	[tilespmem:$0x12800] =	vst v63  }
0x1b3: {  	s18 =	rddreg [dreg:$0x5];
	s17 =	sadd.s32 $0x70, s17;
	s24 =	simm.s32 $0xE7B8  }
0x1b4: {  	[hbm4b:s17+s3] =	stream.linear.scatter [tilespmem:s24], [sflag:$0x5], $0x80, $0x38;
	[tilespmem:$0x12800] =	vst v63  }
0x1b5: {  	s19 =	simm.s32 $0xE840;
	s17 =	sadd.s32 s16, s18  }
0x1b6: {  	[hbm4b:s17+s3] =	stream.linear.scatter [tilespmem:s19], [sflag:$0x5], $0x80, $0x38;
	[tilespmem:$0x12800] =	vst v63  }
0x1b7: {  	s24 =	simm.s32 $0xE8C8;
	s23 =	sadd.s32 $0x10, s17  }
0x1b8: {  	[hbm4b:s23+s3] =	stream.linear.scatter [tilespmem:s24], [sflag:$0x5], $0x80, $0x38;
	[tilespmem:$0x12800] =	vst v63  }
0x1b9: {  	s23 =	sadd.s32 $0x20, s17;
	s24 =	simm.s32 $0xE950  }
0x1ba: {  	[hbm4b:s23+s3] =	stream.linear.scatter [tilespmem:s24], [sflag:$0x5], $0x80, $0x38;
	[tilespmem:$0x12800] =	vst v63  }
0x1bb: {  	s23 =	sadd.s32 $0x30, s17;
	s24 =	simm.s32 $0xE9D8  }
0x1bc: {  	[hbm4b:s23+s3] =	stream.linear.scatter [tilespmem:s24], [sflag:$0x5], $0x80, $0x38;
	[tilespmem:$0x12800] =	vst v63  }
0x1bd: {  	s23 =	sadd.s32 $0x40, s17;
	s24 =	simm.s32 $0xEA60  }
0x1be: {  	[hbm4b:s23+s3] =	stream.linear.scatter [tilespmem:s24], [sflag:$0x5], $0x80, $0x38;
	[tilespmem:$0x12800] =	vst v63  }
0x1bf: {  	s23 =	sadd.s32 $0x50, s17;
	s24 =	simm.s32 $0xEAE8  }
0x1c0: {  	[hbm4b:s23+s3] =	stream.linear.scatter [tilespmem:s24], [sflag:$0x5], $0x80, $0x38;
	[tilespmem:$0x12800] =	vst v63  }
0x1c1: {  	s19 =	sadd.s32 $0x60, s17;
	s23 =	simm.s32 $0xEB70  }
0x1c2: {  	[hbm4b:s19+s3] =	stream.linear.scatter [tilespmem:s23], [sflag:$0x5], $0x80, $0x38;
	[tilespmem:$0x12800] =	vst v63  }
0x1c3: {  	s18 =	rddreg [dreg:$0x6];
	s17 =	sadd.s32 $0x70, s17;
	s24 =	simm.s32 $0xEBF8  }
0x1c4: {  	[hbm4b:s17+s3] =	stream.linear.scatter [tilespmem:s24], [sflag:$0x5], $0x80, $0x38;
	[tilespmem:$0x12800] =	vst v63  }
0x1c5: {  	s19 =	simm.s32 $0xEC80;
	s17 =	sadd.s32 s16, s18  }
0x1c6: {  	[hbm4b:s17+s3] =	stream.linear.scatter [tilespmem:s19], [sflag:$0x5], $0x80, $0x38;
	[tilespmem:$0x12800] =	vst v63  }
0x1c7: {  	s24 =	simm.s32 $0xED08;
	s23 =	sadd.s32 $0x10, s17  }
0x1c8: {  	[hbm4b:s23+s3] =	stream.linear.scatter [tilespmem:s24], [sflag:$0x5], $0x80, $0x38;
	[tilespmem:$0x12800] =	vst v63  }
0x1c9: {  	s23 =	sadd.s32 $0x20, s17;
	s24 =	simm.s32 $0xED90  }
0x1ca: {  	[hbm4b:s23+s3] =	stream.linear.scatter [tilespmem:s24], [sflag:$0x5], $0x80, $0x38;
	[tilespmem:$0x12800] =	vst v63  }
0x1cb: {  	s23 =	sadd.s32 $0x30, s17;
	s24 =	simm.s32 $0xEE18  }
0x1cc: {  	[hbm4b:s23+s3] =	stream.linear.scatter [tilespmem:s24], [sflag:$0x5], $0x80, $0x38;
	[tilespmem:$0x12800] =	vst v63  }
0x1cd: {  	s23 =	sadd.s32 $0x40, s17;
	s24 =	simm.s32 $0xEEA0  }
0x1ce: {  	[hbm4b:s23+s3] =	stream.linear.scatter [tilespmem:s24], [sflag:$0x5], $0x80, $0x38;
	[tilespmem:$0x12800] =	vst v63  }
0x1cf: {  	s23 =	sadd.s32 $0x50, s17;
	s24 =	simm.s32 $0xEF28  }
0x1d0: {  	[hbm4b:s23+s3] =	stream.linear.scatter [tilespmem:s24], [sflag:$0x5], $0x80, $0x38;
	[tilespmem:$0x12800] =	vst v63  }
0x1d1: {  	s19 =	sadd.s32 $0x60, s17;
	s23 =	simm.s32 $0xEFB0  }
0x1d2: {  	[hbm4b:s19+s3] =	stream.linear.scatter [tilespmem:s23], [sflag:$0x5], $0x80, $0x38;
	[tilespmem:$0x12800] =	vst v63  }
0x1d3: {  	s18 =	rddreg [dreg:$0x7];
	s17 =	sadd.s32 $0x70, s17;
	s24 =	simm.s32 $0xF038  }
0x1d4: {  	[hbm4b:s17+s3] =	stream.linear.scatter [tilespmem:s24], [sflag:$0x5], $0x80, $0x38;
	[tilespmem:$0x12800] =	vst v63  }
0x1d5: {  	s19 =	simm.s32 $0xF0C0;
	s17 =	sadd.s32 s16, s18  }
0x1d6: {  	[hbm4b:s17+s3] =	stream.linear.scatter [tilespmem:s19], [sflag:$0x5], $0x80, $0x38;
	[tilespmem:$0x12800] =	vst v63  }
0x1d7: {  	s24 =	simm.s32 $0xF148;
	s23 =	sadd.s32 $0x10, s17  }
0x1d8: {  	[hbm4b:s23+s3] =	stream.linear.scatter [tilespmem:s24], [sflag:$0x5], $0x80, $0x38;
	[tilespmem:$0x12800] =	vst v63  }
0x1d9: {  	s23 =	sadd.s32 $0x20, s17;
	s24 =	simm.s32 $0xF1D0  }
0x1da: {  	[hbm4b:s23+s3] =	stream.linear.scatter [tilespmem:s24], [sflag:$0x5], $0x80, $0x38;
	[tilespmem:$0x12800] =	vst v63  }
0x1db: {  	s23 =	sadd.s32 $0x30, s17;
	s24 =	simm.s32 $0xF258  }
0x1dc: {  	[hbm4b:s23+s3] =	stream.linear.scatter [tilespmem:s24], [sflag:$0x5], $0x80, $0x38;
	[tilespmem:$0x12800] =	vst v63  }
0x1dd: {  	s23 =	sadd.s32 $0x40, s17;
	s24 =	simm.s32 $0xF2E0  }
0x1de: {  	[hbm4b:s23+s3] =	stream.linear.scatter [tilespmem:s24], [sflag:$0x5], $0x80, $0x38;
	[tilespmem:$0x12800] =	vst v63  }
0x1df: {  	s23 =	sadd.s32 $0x50, s17;
	s24 =	simm.s32 $0xF368  }
0x1e0: {  	[hbm4b:s23+s3] =	stream.linear.scatter [tilespmem:s24], [sflag:$0x5], $0x80, $0x38;
	[tilespmem:$0x12800] =	vst v63  }
0x1e1: {  	s19 =	sadd.s32 $0x60, s17;
	s23 =	simm.s32 $0xF3F0  }
0x1e2: {  	[hbm4b:s19+s3] =	stream.linear.scatter [tilespmem:s23], [sflag:$0x5], $0x80, $0x38;
	[tilespmem:$0x12800] =	vst v63  }
0x1e3: {  	s18 =	rddreg [dreg:$0x8];
	s17 =	sadd.s32 $0x70, s17;
	s24 =	simm.s32 $0xF478  }
0x1e4: {  	[hbm4b:s17+s3] =	stream.linear.scatter [tilespmem:s24], [sflag:$0x5], $0x80, $0x38;
	[tilespmem:$0x12800] =	vst v63  }
0x1e5: {  	s19 =	simm.s32 $0xF500;
	s17 =	sadd.s32 s16, s18  }
0x1e6: {  	[hbm4b:s17+s3] =	stream.linear.scatter [tilespmem:s19], [sflag:$0x5], $0x80, $0x38;
	[tilespmem:$0x12800] =	vst v63  }
0x1e7: {  	s24 =	simm.s32 $0xF588;
	s23 =	sadd.s32 $0x10, s17  }
0x1e8: {  	[hbm4b:s23+s3] =	stream.linear.scatter [tilespmem:s24], [sflag:$0x5], $0x80, $0x38;
	[tilespmem:$0x12800] =	vst v63  }
0x1e9: {  	s23 =	sadd.s32 $0x20, s17;
	s24 =	simm.s32 $0xF610  }
0x1ea: {  	[hbm4b:s23+s3] =	stream.linear.scatter [tilespmem:s24], [sflag:$0x5], $0x80, $0x38;
	[tilespmem:$0x12800] =	vst v63  }
0x1eb: {  	s23 =	sadd.s32 $0x30, s17;
	s24 =	simm.s32 $0xF698  }
0x1ec: {  	[hbm4b:s23+s3] =	stream.linear.scatter [tilespmem:s24], [sflag:$0x5], $0x80, $0x38;
	[tilespmem:$0x12800] =	vst v63  }
0x1ed: {  	s23 =	sadd.s32 $0x40, s17;
	s24 =	simm.s32 $0xF720  }
0x1ee: {  	[hbm4b:s23+s3] =	stream.linear.scatter [tilespmem:s24], [sflag:$0x5], $0x80, $0x38;
	[tilespmem:$0x12800] =	vst v63  }
0x1ef: {  	s23 =	sadd.s32 $0x50, s17;
	s24 =	simm.s32 $0xF7A8  }
0x1f0: {  	[hbm4b:s23+s3] =	stream.linear.scatter [tilespmem:s24], [sflag:$0x5], $0x80, $0x38;
	[tilespmem:$0x12800] =	vst v63  }
0x1f1: {  	s19 =	sadd.s32 $0x60, s17;
	s23 =	simm.s32 $0xF830  }
0x1f2: {  	[hbm4b:s19+s3] =	stream.linear.scatter [tilespmem:s23], [sflag:$0x5], $0x80, $0x38;
	[tilespmem:$0x12800] =	vst v63  }
0x1f3: {  	s18 =	rddreg [dreg:$0x9];
	s17 =	sadd.s32 $0x70, s17;
	s24 =	simm.s32 $0xF8B8  }
0x1f4: {  	[hbm4b:s17+s3] =	stream.linear.scatter [tilespmem:s24], [sflag:$0x5], $0x80, $0x38;
	[tilespmem:$0x12800] =	vst v63  }
0x1f5: {  	s19 =	simm.s32 $0xF940;
	s17 =	sadd.s32 s16, s18  }
0x1f6: {  	[hbm4b:s17+s3] =	stream.linear.scatter [tilespmem:s19], [sflag:$0x5], $0x80, $0x38;
	[tilespmem:$0x12800] =	vst v63  }
0x1f7: {  	s24 =	simm.s32 $0xF9C8;
	s23 =	sadd.s32 $0x10, s17  }
0x1f8: {  	[hbm4b:s23+s3] =	stream.linear.scatter [tilespmem:s24], [sflag:$0x5], $0x80, $0x38;
	[tilespmem:$0x12800] =	vst v63  }
0x1f9: {  	s23 =	sadd.s32 $0x20, s17;
	s24 =	simm.s32 $0xFA50  }
0x1fa: {  	[hbm4b:s23+s3] =	stream.linear.scatter [tilespmem:s24], [sflag:$0x5], $0x80, $0x38;
	[tilespmem:$0x12800] =	vst v63  }
0x1fb: {  	s23 =	sadd.s32 $0x30, s17;
	s24 =	simm.s32 $0xFAD8  }
0x1fc: {  	[hbm4b:s23+s3] =	stream.linear.scatter [tilespmem:s24], [sflag:$0x5], $0x80, $0x38;
	[tilespmem:$0x12800] =	vst v63  }
0x1fd: {  	s23 =	sadd.s32 $0x40, s17;
	s24 =	simm.s32 $0xFB60  }
0x1fe: {  	[hbm4b:s23+s3] =	stream.linear.scatter [tilespmem:s24], [sflag:$0x5], $0x80, $0x38;
	[tilespmem:$0x12800] =	vst v63  }
0x1ff: {  	s23 =	sadd.s32 $0x50, s17;
	s24 =	simm.s32 $0xFBE8  }
0x200: {  	[hbm4b:s23+s3] =	stream.linear.scatter [tilespmem:s24], [sflag:$0x5], $0x80, $0x38;
	[tilespmem:$0x12800] =	vst v63  }
0x201: {  	s19 =	sadd.s32 $0x60, s17;
	s23 =	simm.s32 $0xFC70  }
0x202: {  	[hbm4b:s19+s3] =	stream.linear.scatter [tilespmem:s23], [sflag:$0x5], $0x80, $0x38;
	[tilespmem:$0x12800] =	vst v63  }
0x203: {  	s18 =	rddreg [dreg:$0xa];
	s17 =	sadd.s32 $0x70, s17;
	s24 =	simm.s32 $0xFCF8  }
0x204: {  	[hbm4b:s17+s3] =	stream.linear.scatter [tilespmem:s24], [sflag:$0x5], $0x80, $0x38;
	[tilespmem:$0x12800] =	vst v63  }
0x205: {  	s19 =	simm.s32 $0xFD80;
	s17 =	sadd.s32 s16, s18  }
0x206: {  	[hbm4b:s17+s3] =	stream.linear.scatter [tilespmem:s19], [sflag:$0x5], $0x80, $0x38;
	[tilespmem:$0x12800] =	vst v63  }
0x207: {  	s24 =	simm.s32 $0xFE08;
	s23 =	sadd.s32 $0x10, s17  }
0x208: {  	[hbm4b:s23+s3] =	stream.linear.scatter [tilespmem:s24], [sflag:$0x5], $0x80, $0x38;
	[tilespmem:$0x12800] =	vst v63  }
0x209: {  	s23 =	sadd.s32 $0x20, s17;
	s24 =	simm.s32 $0xFE90  }
0x20a: {  	[hbm4b:s23+s3] =	stream.linear.scatter [tilespmem:s24], [sflag:$0x5], $0x80, $0x38;
	[tilespmem:$0x12800] =	vst v63  }
0x20b: {  	s23 =	sadd.s32 $0x30, s17;
	s24 =	simm.s32 $0xFF18  }
0x20c: {  	[hbm4b:s23+s3] =	stream.linear.scatter [tilespmem:s24], [sflag:$0x5], $0x80, $0x38;
	[tilespmem:$0x12800] =	vst v63  }
0x20d: {  	s23 =	sadd.s32 $0x40, s17;
	s24 =	simm.s32 $0xFFA0  }
0x20e: {  	[hbm4b:s23+s3] =	stream.linear.scatter [tilespmem:s24], [sflag:$0x5], $0x80, $0x38;
	[tilespmem:$0x12800] =	vst v63  }
0x20f: {  	s23 =	sadd.s32 $0x50, s17;
	s24 =	simm.s32 $0x10028  }
0x210: {  	[hbm4b:s23+s3] =	stream.linear.scatter [tilespmem:s24], [sflag:$0x5], $0x80, $0x38;
	[tilespmem:$0x12800] =	vst v63  }
0x211: {  	s19 =	sadd.s32 $0x60, s17;
	s23 =	simm.s32 $0x100B0  }
0x212: {  	[hbm4b:s19+s3] =	stream.linear.scatter [tilespmem:s23], [sflag:$0x5], $0x80, $0x38;
	[tilespmem:$0x12800] =	vst v63  }
0x213: {  	s18 =	rddreg [dreg:$0xb];
	s17 =	sadd.s32 $0x70, s17;
	s24 =	simm.s32 $0x10138  }
0x214: {  	[hbm4b:s17+s3] =	stream.linear.scatter [tilespmem:s24], [sflag:$0x5], $0x80, $0x38;
	[tilespmem:$0x12800] =	vst v63  }
0x215: {  	s19 =	simm.s32 $0x101C0;
	s17 =	sadd.s32 s16, s18  }
0x216: {  	[hbm4b:s17+s3] =	stream.linear.scatter [tilespmem:s19], [sflag:$0x5], $0x80, $0x38;
	[tilespmem:$0x12800] =	vst v63  }
0x217: {  	s24 =	simm.s32 $0x10248;
	s23 =	sadd.s32 $0x10, s17  }
0x218: {  	[hbm4b:s23+s3] =	stream.linear.scatter [tilespmem:s24], [sflag:$0x5], $0x80, $0x38;
	[tilespmem:$0x12800] =	vst v63  }
0x219: {  	s23 =	sadd.s32 $0x20, s17;
	s24 =	simm.s32 $0x102D0  }
0x21a: {  	[hbm4b:s23+s3] =	stream.linear.scatter [tilespmem:s24], [sflag:$0x5], $0x80, $0x38;
	[tilespmem:$0x12800] =	vst v63  }
0x21b: {  	s23 =	sadd.s32 $0x30, s17;
	s24 =	simm.s32 $0x10358  }
0x21c: {  	[hbm4b:s23+s3] =	stream.linear.scatter [tilespmem:s24], [sflag:$0x5], $0x80, $0x38;
	[tilespmem:$0x12800] =	vst v63  }
0x21d: {  	s23 =	sadd.s32 $0x40, s17;
	s24 =	simm.s32 $0x103E0  }
0x21e: {  	[hbm4b:s23+s3] =	stream.linear.scatter [tilespmem:s24], [sflag:$0x5], $0x80, $0x38;
	[tilespmem:$0x12800] =	vst v63  }
0x21f: {  	p1 =	sne.s32 s14, $0x31;
	s23 =	sadd.s32 $0x50, s17;
	s24 =	simm.s32 $0x10468  }
0x220: {  	[hbm4b:s23+s3] =	stream.linear.scatter [tilespmem:s24], [sflag:$0x5], $0x80, $0x38;
	[tilespmem:$0x12800] =	vst v63  }
.Ltmp3:
0x221: {  	_ = 	snop;
	(pc) =	sbr.rel @p1 .LBB2_6-.Ltmp3, $4  }
0x222: {  	s19 =	sadd.s32 $0x60, s17;
	s23 =	simm.s32 $0x104F0  }
0x223: {  	[hbm4b:s19+s3] =	stream.linear.scatter [tilespmem:s23], [sflag:$0x5], $0x80, $0x38;
	[tilespmem:$0x12800] =	vst v63  }
0x224: {  	s17 =	sadd.s32 $0x70, s17;
	s24 =	simm.s32 $0x10578  }
0x225: {  	[hbm4b:s17+s3] =	stream.linear.scatter [tilespmem:s24], [sflag:$0x5], $0x80, $0x38;
	[tilespmem:$0x12800] =	vst v63  }
.Ltmp4:
0x226: {  	(pc) =	sbr.rel .LBB2_7-.Ltmp4, $4  }
0x227: {  	_ = 	snop  }
0x228: {  	_ =	swait.ge [sflag:s20], $0x2000  }
0x229: {  	[sflag:s20] =	ssyncset.done $0x0  }
0x22a: {  	[sflag:s20] =	ssyncadd.s32 $0xFFFFE000  }
.LBB2_6:
0x22b: {  	s17 =	sshrl.u32 s15, $0x2;
	s18 =	simm.s32 $0x80  }
.Ltmp5:
0x22c: {  	s19 =	simm.s32 $0x6400;
	s17 =	sadd.s32 $0x200, s17;
	(pc) =	sbr.rel @p0 .LBB2_8-.Ltmp5, $4  }
0x22d: {  	[tilespmem:s19], [sflag:$0x1] =	stream.indirect.gather [hbm4b:s4+s18], $0x40, s17, s18, $0xb8;
	[tilespmem:$0x12800] =	vst v63  }
0x22e: {  	_ =	swait.ge [sflag:s20], $0x2000  }
0x22f: {  	[sflag:s20] =	ssyncset.done $0x0  }
0x230: {  	[sflag:s20] =	ssyncadd.s32 $0xFFFFE000  }
.LBB2_7:
0x231: {  	_ =	swait.ge [sflag:s21], $0x400  }
0x232: {  	[sflag:s21] =	ssyncset.done $0x0  }
0x233: {  	[sflag:s21] =	ssyncadd.s32 $0xFFFFFC00  }
0x234: {  	_ =	swait.ge [sflag:s21], $0x400  }
0x235: {  	[sflag:s21] =	ssyncset.done $0x0  }
0x236: {  	[sflag:s21] =	ssyncadd.s32 $0xFFFFFC00  }
0x237: {  	_ =	swait.ge [sflag:s21], $0x400  }
0x238: {  	[sflag:s21] =	ssyncset.done $0x0  }
0x239: {  	[sflag:s21] =	ssyncadd.s32 $0xFFFFFC00  }
0x23a: {  	_ =	swait.ge [sflag:s21], $0x400  }
0x23b: {  	[sflag:s21] =	ssyncset.done $0x0  }
0x23c: {  	[sflag:s21] =	ssyncadd.s32 $0xFFFFFC00  }
0x23d: {  	_ =	swait.ge [sflag:s21], $0x400  }
0x23e: {  	[sflag:s21] =	ssyncset.done $0x0  }
0x23f: {  	[sflag:s21] =	ssyncadd.s32 $0xFFFFFC00  }
0x240: {  	_ =	swait.ge [sflag:s21], $0x400  }
0x241: {  	[sflag:s21] =	ssyncset.done $0x0  }
0x242: {  	[sflag:s21] =	ssyncadd.s32 $0xFFFFFC00  }
0x243: {  	_ =	swait.ge [sflag:s21], $0x400  }
0x244: {  	[sflag:s21] =	ssyncset.done $0x0  }
0x245: {  	[sflag:s21] =	ssyncadd.s32 $0xFFFFFC00  }
0x246: {  	_ =	swait.ge [sflag:s21], $0x400  }
0x247: {  	[sflag:s21] =	ssyncset.done $0x0  }
0x248: {  	[sflag:s21] =	ssyncadd.s32 $0xFFFFFC00  }
.LBB2_8:
0x249: {  	s17 =	simm.s32 $0x0  }
0x24a: {  	v33 =	vmov s17  }
0x24b: {  	v33 =	vshrl.u32 v33, $0x3  }
0x24c: {  	v33 =	vshll.u32 v33, v1  }
0x24d: {  	v33 =	vbroadcast v33, $0x0  }
0x24e: {  	s17 =	simm.s32 $0x8500  }
0x24f: {  	v34 =	vld [tilespmem:s17+$0xFFFFFF00];
	v35 =	vadd.s32 v0, v33;
	_ =	sdelay $0x4  }
0x250: {  	[tilespmem:v35+s22+$0x0] =	vst.idx.msk $0xffff, v34  }
0x251: {  	v56 =	vadd.s32 v2, v33;
	v34 =	vld [tilespmem:s17+$0xFFFFFF10];
	_ =	sdelay $0x4  }
0x252: {  	[tilespmem:v56+s22+$0x0] =	vst.idx.msk $0xffff, v34  }
0x253: {  	v57 =	vadd.s32 v3, v33;
	v34 =	vld [tilespmem:s17+$0xFFFFFF20];
	_ =	sdelay $0x4  }
0x254: {  	[tilespmem:v57+s22+$0x0] =	vst.idx.msk $0xffff, v34  }
0x255: {  	s18 =	simm.s32 $0x1;
	v33 =	vadd.s32 v4, v33;
	v34 =	vld [tilespmem:s17+$0xFFFFFF30]  }
0x256: {  	v58 =	vmov s18  }
0x257: {  	v35 =	vshrl.u32 v58, $0x3  }
0x258: {  	v35 =	vshll.u32 v35, v1  }
0x259: {  	v35 =	vbroadcast v35, $0x0  }
0x25a: {  	[tilespmem:v33+s22+$0x0] =	vst.idx.msk $0xffff, v34  }
0x25b: {  	v59 =	vadd.s32 v5, v35;
	v33 =	vld [tilespmem:s17+$0xFFFFFF40];
	_ =	sdelay $0x4  }
0x25c: {  	[tilespmem:v59+s22+$0x0] =	vst.idx.msk $0xffff, v33  }
0x25d: {  	v60 =	vadd.s32 v6, v35;
	v33 =	vld [tilespmem:s17+$0xFFFFFF50];
	_ =	sdelay $0x4  }
0x25e: {  	[tilespmem:v60+s22+$0x0] =	vst.idx.msk $0xffff, v33  }
0x25f: {  	v61 =	vadd.s32 v7, v35;
	v33 =	vld [tilespmem:s17+$0xFFFFFF60];
	_ =	sdelay $0x4  }
0x260: {  	[tilespmem:v61+s22+$0x0] =	vst.idx.msk $0xffff, v33  }
0x261: {  	s19 =	simm.s32 $0x2;
	v62 =	vadd.s32 v8, v35;
	v33 =	vld [tilespmem:s17+$0xFFFFFF70]  }
0x262: {  	v63 =	vmov s19  }
0x263: {  	v35 =	vshrl.u32 v63, $0x3  }
0x264: {  	v35 =	vshll.u32 v35, v1  }
0x265: {  	v35 =	vbroadcast v35, $0x0  }
0x266: {  	[tilespmem:v62+s22+$0x0] =	vst.idx.msk $0xffff, v33  }
0x267: {  	v36 =	vadd.s32 v9, v35;
	v33 =	vld [tilespmem:s17+$0xFFFFFF80];
	_ =	sdelay $0x4  }
0x268: {  	[tilespmem:v36+s22+$0x0] =	vst.idx.msk $0xffff, v33  }
0x269: {  	v37 =	vadd.s32 v10, v35;
	v33 =	vld [tilespmem:s17+$0xFFFFFF90];
	_ =	sdelay $0x4  }
0x26a: {  	[tilespmem:v37+s22+$0x0] =	vst.idx.msk $0xffff, v33  }
0x26b: {  	v38 =	vadd.s32 v11, v35;
	v33 =	vld [tilespmem:s17+$0xFFFFFFA0];
	_ =	sdelay $0x4  }
0x26c: {  	[tilespmem:v38+s22+$0x0] =	vst.idx.msk $0xffff, v33  }
0x26d: {  	s23 =	simm.s32 $0x3;
	v39 =	vadd.s32 v12, v35;
	v33 =	vld [tilespmem:s17+$0xFFFFFFB0]  }
0x26e: {  	v40 =	vmov s23  }
0x26f: {  	v35 =	vshrl.u32 v40, $0x3  }
0x270: {  	v35 =	vshll.u32 v35, v1  }
0x271: {  	v35 =	vbroadcast v35, $0x0  }
0x272: {  	[tilespmem:v39+s22+$0x0] =	vst.idx.msk $0xffff, v33  }
0x273: {  	v41 =	vadd.s32 v13, v35;
	v33 =	vld [tilespmem:s17+$0xFFFFFFC0];
	_ =	sdelay $0x4  }
0x274: {  	[tilespmem:v41+s22+$0x0] =	vst.idx.msk $0xffff, v33  }
0x275: {  	v42 =	vadd.s32 v14, v35;
	v33 =	vld [tilespmem:s17+$0xFFFFFFD0];
	_ =	sdelay $0x4  }
0x276: {  	[tilespmem:v42+s22+$0x0] =	vst.idx.msk $0xffff, v33  }
0x277: {  	v43 =	vadd.s32 v15, v35;
	v33 =	vld [tilespmem:s17+$0xFFFFFFE0];
	_ =	sdelay $0x4  }
0x278: {  	[tilespmem:v43+s22+$0x0] =	vst.idx.msk $0xffff, v33  }
0x279: {  	s24 =	simm.s32 $0x4;
	v44 =	vadd.s32 v16, v35;
	v33 =	vld [tilespmem:s17+$0xFFFFFFF0]  }
0x27a: {  	v45 =	vmov s24  }
0x27b: {  	v35 =	vshrl.u32 v45, $0x3  }
0x27c: {  	v35 =	vshll.u32 v35, v1  }
0x27d: {  	v35 =	vbroadcast v35, $0x0  }
0x27e: {  	[tilespmem:v44+s22+$0x0] =	vst.idx.msk $0xffff, v33  }
0x27f: {  	v46 =	vadd.s32 v17, v35;
	v33 =	vld [tilespmem:s17+$0x0];
	_ =	sdelay $0x4  }
0x280: {  	[tilespmem:v46+s22+$0x0] =	vst.idx.msk $0xffff, v33  }
0x281: {  	v47 =	vadd.s32 v18, v35;
	v33 =	vld [tilespmem:s17+$0x10];
	_ =	sdelay $0x4  }
0x282: {  	[tilespmem:v47+s22+$0x0] =	vst.idx.msk $0xffff, v33  }
0x283: {  	v48 =	vadd.s32 v19, v35;
	v33 =	vld [tilespmem:s17+$0x20];
	_ =	sdelay $0x4  }
0x284: {  	[tilespmem:v48+s22+$0x0] =	vst.idx.msk $0xffff, v33  }
0x285: {  	s19 =	simm.s32 $0x5;
	v49 =	vadd.s32 v20, v35;
	v33 =	vld [tilespmem:s17+$0x30]  }
0x286: {  	v50 =	vmov s19  }
0x287: {  	v35 =	vshrl.u32 v50, $0x3  }
0x288: {  	v35 =	vshll.u32 v35, v1  }
0x289: {  	v35 =	vbroadcast v35, $0x0  }
0x28a: {  	[tilespmem:v49+s22+$0x0] =	vst.idx.msk $0xffff, v33  }
0x28b: {  	v51 =	vadd.s32 v21, v35;
	v33 =	vld [tilespmem:s17+$0x40];
	_ =	sdelay $0x4  }
0x28c: {  	[tilespmem:v51+s22+$0x0] =	vst.idx.msk $0xffff, v33  }
0x28d: {  	v52 =	vadd.s32 v22, v35;
	v33 =	vld [tilespmem:s17+$0x50];
	_ =	sdelay $0x4  }
0x28e: {  	[tilespmem:v52+s22+$0x0] =	vst.idx.msk $0xffff, v33  }
0x28f: {  	v53 =	vadd.s32 v23, v35;
	v33 =	vld [tilespmem:s17+$0x60];
	_ =	sdelay $0x4  }
0x290: {  	[tilespmem:v53+s22+$0x0] =	vst.idx.msk $0xffff, v33  }
0x291: {  	s23 =	simm.s32 $0x6;
	v54 =	vadd.s32 v24, v35;
	v33 =	vld [tilespmem:s17+$0x70]  }
0x292: {  	v55 =	vmov s23  }
0x293: {  	v35 =	vshrl.u32 v55, $0x3  }
0x294: {  	v35 =	vshll.u32 v35, v1  }
0x295: {  	v35 =	vbroadcast v35, $0x0  }
0x296: {  	[tilespmem:v54+s22+$0x0] =	vst.idx.msk $0xffff, v33  }
0x297: {  	v56 =	vadd.s32 v25, v35;
	v33 =	vld [tilespmem:s17+$0x80];
	_ =	sdelay $0x4  }
0x298: {  	[tilespmem:v56+s22+$0x0] =	vst.idx.msk $0xffff, v33  }
0x299: {  	v57 =	vadd.s32 v26, v35;
	v33 =	vld [tilespmem:s17+$0x90];
	_ =	sdelay $0x4  }
0x29a: {  	[tilespmem:v57+s22+$0x0] =	vst.idx.msk $0xffff, v33  }
0x29b: {  	v58 =	vadd.s32 v27, v35;
	v33 =	vld [tilespmem:s17+$0xA0];
	_ =	sdelay $0x4  }
0x29c: {  	[tilespmem:v58+s22+$0x0] =	vst.idx.msk $0xffff, v33  }
0x29d: {  	s24 =	simm.s32 $0x7;
	v59 =	vadd.s32 v28, v35;
	v33 =	vld [tilespmem:s17+$0xB0]  }
0x29e: {  	v60 =	vmov s24  }
0x29f: {  	v35 =	vshrl.u32 v60, $0x3  }
0x2a0: {  	v35 =	vshll.u32 v35, v1  }
0x2a1: {  	v35 =	vbroadcast v35, $0x0  }
0x2a2: {  	[tilespmem:v59+s22+$0x0] =	vst.idx.msk $0xffff, v33  }
0x2a3: {  	v61 =	vadd.s32 v29, v35;
	v33 =	vld [tilespmem:s17+$0xC0];
	_ =	sdelay $0x4  }
0x2a4: {  	[tilespmem:v61+s22+$0x0] =	vst.idx.msk $0xffff, v33  }
0x2a5: {  	v62 =	vadd.s32 v30, v35;
	v33 =	vld [tilespmem:s17+$0xD0];
	_ =	sdelay $0x4  }
0x2a6: {  	[tilespmem:v62+s22+$0x0] =	vst.idx.msk $0xffff, v33  }
0x2a7: {  	v63 =	vadd.s32 v31, v35;
	v33 =	vld [tilespmem:s17+$0xE0];
	_ =	sdelay $0x4  }
0x2a8: {  	[tilespmem:v63+s22+$0x0] =	vst.idx.msk $0xffff, v33  }
0x2a9: {  	s18 =	simm.s32 $0xF;
	s23 =	simm.s32 $0x8;
	s19 =	simm.s32 $0x17;
	v34 =	vadd.s32 v32, v35;
	v33 =	vld [tilespmem:s17+$0xF0]  }
.LBB2_9:
0x2aa: {  	p0 =	sne.s32 s19, $0x7F;
	v35 =	vmov s23  }
0x2ab: {  	v35 =	vshrl.u32 v35, $0x3  }
0x2ac: {  	v35 =	vshll.u32 v35, v1  }
0x2ad: {  	v35 =	vbroadcast v35, $0x0  }
0x2ae: {  	s17 =	sadd.s32 $0x200, s17;
	[tilespmem:v34+s22+$0x0] =	vst.idx.msk $0xffff, v33  }
0x2af: {  	v33 =	vld [tilespmem:s17+$0xFFFFFF00];
	v34 =	vadd.s32 v0, v35;
	_ =	sdelay $0x4  }
0x2b0: {  	[tilespmem:v34+s22+$0x0] =	vst.idx.msk $0xffff, v33  }
0x2b1: {  	v34 =	vadd.s32 v2, v35;
	v33 =	vld [tilespmem:s17+$0xFFFFFF10];
	_ =	sdelay $0x4  }
0x2b2: {  	[tilespmem:v34+s22+$0x0] =	vst.idx.msk $0xffff, v33  }
0x2b3: {  	v34 =	vadd.s32 v3, v35;
	v33 =	vld [tilespmem:s17+$0xFFFFFF20];
	_ =	sdelay $0x4  }
0x2b4: {  	[tilespmem:v34+s22+$0x0] =	vst.idx.msk $0xffff, v33  }
0x2b5: {  	s23 =	sadd.s32 $0xFFFFFFFA, s18;
	v34 =	vadd.s32 v4, v35;
	v33 =	vld [tilespmem:s17+$0xFFFFFF30]  }
0x2b6: {  	v35 =	vmov s23  }
0x2b7: {  	v35 =	vshrl.u32 v35, $0x3  }
0x2b8: {  	v35 =	vshll.u32 v35, v1  }
0x2b9: {  	v35 =	vbroadcast v35, $0x0  }
0x2ba: {  	[tilespmem:v34+s22+$0x0] =	vst.idx.msk $0xffff, v33  }
0x2bb: {  	v34 =	vadd.s32 v5, v35;
	v33 =	vld [tilespmem:s17+$0xFFFFFF40];
	_ =	sdelay $0x4  }
0x2bc: {  	[tilespmem:v34+s22+$0x0] =	vst.idx.msk $0xffff, v33  }
0x2bd: {  	v34 =	vadd.s32 v6, v35;
	v33 =	vld [tilespmem:s17+$0xFFFFFF50];
	_ =	sdelay $0x4  }
0x2be: {  	[tilespmem:v34+s22+$0x0] =	vst.idx.msk $0xffff, v33  }
0x2bf: {  	v34 =	vadd.s32 v7, v35;
	v33 =	vld [tilespmem:s17+$0xFFFFFF60];
	_ =	sdelay $0x4  }
0x2c0: {  	[tilespmem:v34+s22+$0x0] =	vst.idx.msk $0xffff, v33  }
0x2c1: {  	s23 =	sadd.s32 $0xFFFFFFFB, s18;
	v34 =	vadd.s32 v8, v35;
	v33 =	vld [tilespmem:s17+$0xFFFFFF70]  }
0x2c2: {  	v35 =	vmov s23  }
0x2c3: {  	v35 =	vshrl.u32 v35, $0x3  }
0x2c4: {  	v35 =	vshll.u32 v35, v1  }
0x2c5: {  	v35 =	vbroadcast v35, $0x0  }
0x2c6: {  	[tilespmem:v34+s22+$0x0] =	vst.idx.msk $0xffff, v33  }
0x2c7: {  	v34 =	vadd.s32 v9, v35;
	v33 =	vld [tilespmem:s17+$0xFFFFFF80];
	_ =	sdelay $0x4  }
0x2c8: {  	[tilespmem:v34+s22+$0x0] =	vst.idx.msk $0xffff, v33  }
0x2c9: {  	v34 =	vadd.s32 v10, v35;
	v33 =	vld [tilespmem:s17+$0xFFFFFF90];
	_ =	sdelay $0x4  }
0x2ca: {  	[tilespmem:v34+s22+$0x0] =	vst.idx.msk $0xffff, v33  }
0x2cb: {  	v34 =	vadd.s32 v11, v35;
	v33 =	vld [tilespmem:s17+$0xFFFFFFA0];
	_ =	sdelay $0x4  }
0x2cc: {  	[tilespmem:v34+s22+$0x0] =	vst.idx.msk $0xffff, v33  }
0x2cd: {  	s23 =	sadd.s32 $0xFFFFFFFC, s18;
	v34 =	vadd.s32 v12, v35;
	v33 =	vld [tilespmem:s17+$0xFFFFFFB0]  }
0x2ce: {  	v35 =	vmov s23  }
0x2cf: {  	v35 =	vshrl.u32 v35, $0x3  }
0x2d0: {  	v35 =	vshll.u32 v35, v1  }
0x2d1: {  	v35 =	vbroadcast v35, $0x0  }
0x2d2: {  	[tilespmem:v34+s22+$0x0] =	vst.idx.msk $0xffff, v33  }
0x2d3: {  	v34 =	vadd.s32 v13, v35;
	v33 =	vld [tilespmem:s17+$0xFFFFFFC0];
	_ =	sdelay $0x4  }
0x2d4: {  	[tilespmem:v34+s22+$0x0] =	vst.idx.msk $0xffff, v33  }
0x2d5: {  	v34 =	vadd.s32 v14, v35;
	v33 =	vld [tilespmem:s17+$0xFFFFFFD0];
	_ =	sdelay $0x4  }
0x2d6: {  	[tilespmem:v34+s22+$0x0] =	vst.idx.msk $0xffff, v33  }
0x2d7: {  	v34 =	vadd.s32 v15, v35;
	v33 =	vld [tilespmem:s17+$0xFFFFFFE0];
	_ =	sdelay $0x4  }
0x2d8: {  	[tilespmem:v34+s22+$0x0] =	vst.idx.msk $0xffff, v33  }
0x2d9: {  	s23 =	sadd.s32 $0xFFFFFFFD, s18;
	v34 =	vadd.s32 v16, v35;
	v33 =	vld [tilespmem:s17+$0xFFFFFFF0]  }
0x2da: {  	v35 =	vmov s23  }
0x2db: {  	v35 =	vshrl.u32 v35, $0x3  }
0x2dc: {  	v35 =	vshll.u32 v35, v1  }
0x2dd: {  	v35 =	vbroadcast v35, $0x0  }
0x2de: {  	[tilespmem:v34+s22+$0x0] =	vst.idx.msk $0xffff, v33  }
0x2df: {  	v34 =	vadd.s32 v17, v35;
	v33 =	vld [tilespmem:s17+$0x0];
	_ =	sdelay $0x4  }
0x2e0: {  	[tilespmem:v34+s22+$0x0] =	vst.idx.msk $0xffff, v33  }
0x2e1: {  	v34 =	vadd.s32 v18, v35;
	v33 =	vld [tilespmem:s17+$0x10];
	_ =	sdelay $0x4  }
0x2e2: {  	[tilespmem:v34+s22+$0x0] =	vst.idx.msk $0xffff, v33  }
0x2e3: {  	v34 =	vadd.s32 v19, v35;
	v33 =	vld [tilespmem:s17+$0x20];
	_ =	sdelay $0x4  }
0x2e4: {  	[tilespmem:v34+s22+$0x0] =	vst.idx.msk $0xffff, v33  }
0x2e5: {  	s23 =	sadd.s32 $0xFFFFFFFE, s18;
	v34 =	vadd.s32 v20, v35;
	v33 =	vld [tilespmem:s17+$0x30]  }
0x2e6: {  	v35 =	vmov s23  }
0x2e7: {  	v35 =	vshrl.u32 v35, $0x3  }
0x2e8: {  	v35 =	vshll.u32 v35, v1  }
0x2e9: {  	v35 =	vbroadcast v35, $0x0  }
0x2ea: {  	[tilespmem:v34+s22+$0x0] =	vst.idx.msk $0xffff, v33  }
0x2eb: {  	v34 =	vadd.s32 v21, v35;
	v33 =	vld [tilespmem:s17+$0x40];
	_ =	sdelay $0x4  }
0x2ec: {  	[tilespmem:v34+s22+$0x0] =	vst.idx.msk $0xffff, v33  }
0x2ed: {  	v34 =	vadd.s32 v22, v35;
	v33 =	vld [tilespmem:s17+$0x50];
	_ =	sdelay $0x4  }
0x2ee: {  	[tilespmem:v34+s22+$0x0] =	vst.idx.msk $0xffff, v33  }
0x2ef: {  	v34 =	vadd.s32 v23, v35;
	v33 =	vld [tilespmem:s17+$0x60];
	_ =	sdelay $0x4  }
0x2f0: {  	[tilespmem:v34+s22+$0x0] =	vst.idx.msk $0xffff, v33  }
0x2f1: {  	s23 =	sadd.s32 $0xFFFFFFFF, s18;
	v34 =	vadd.s32 v24, v35;
	v33 =	vld [tilespmem:s17+$0x70]  }
0x2f2: {  	v35 =	vmov s23  }
0x2f3: {  	v35 =	vshrl.u32 v35, $0x3  }
0x2f4: {  	v35 =	vshll.u32 v35, v1  }
0x2f5: {  	v35 =	vbroadcast v35, $0x0  }
0x2f6: {  	[tilespmem:v34+s22+$0x0] =	vst.idx.msk $0xffff, v33  }
0x2f7: {  	v34 =	vadd.s32 v25, v35;
	v33 =	vld [tilespmem:s17+$0x80];
	_ =	sdelay $0x4  }
0x2f8: {  	[tilespmem:v34+s22+$0x0] =	vst.idx.msk $0xffff, v33  }
0x2f9: {  	v34 =	vadd.s32 v26, v35;
	v33 =	vld [tilespmem:s17+$0x90];
	_ =	sdelay $0x4  }
0x2fa: {  	[tilespmem:v34+s22+$0x0] =	vst.idx.msk $0xffff, v33  }
0x2fb: {  	v34 =	vadd.s32 v27, v35;
	v33 =	vld [tilespmem:s17+$0xA0];
	_ =	sdelay $0x4  }
0x2fc: {  	[tilespmem:v34+s22+$0x0] =	vst.idx.msk $0xffff, v33  }
0x2fd: {  	v34 =	vadd.s32 v28, v35;
	v33 =	vld [tilespmem:s17+$0xB0]  }
0x2fe: {  	v35 =	vmov s18;
	s18 =	smov.u32 s19  }
0x2ff: {  	v35 =	vshrl.u32 v35, $0x3  }
0x300: {  	v35 =	vshll.u32 v35, v1  }
0x301: {  	v35 =	vbroadcast v35, $0x0  }
0x302: {  	[tilespmem:v34+s22+$0x0] =	vst.idx.msk $0xffff, v33  }
0x303: {  	v34 =	vadd.s32 v29, v35;
	v33 =	vld [tilespmem:s17+$0xC0];
	_ =	sdelay $0x4  }
0x304: {  	[tilespmem:v34+s22+$0x0] =	vst.idx.msk $0xffff, v33  }
0x305: {  	v34 =	vadd.s32 v30, v35;
	v33 =	vld [tilespmem:s17+$0xD0];
	_ =	sdelay $0x4  }
0x306: {  	[tilespmem:v34+s22+$0x0] =	vst.idx.msk $0xffff, v33  }
0x307: {  	v34 =	vadd.s32 v31, v35;
	v33 =	vld [tilespmem:s17+$0xE0];
	_ =	sdelay $0x1  }
.Ltmp6:
0x308: {  	(pc) =	sbr.rel @p0 .LBB2_9-.Ltmp6, $3  }
0x309: {  	_ =	sdelay $0x1  }
0x30a: {  	[tilespmem:v34+s22+$0x0] =	vst.idx.msk $0xffff, v33  }
0x30b: {  	s19 =	sadd.s32 $0x8, s19;
	s23 =	sadd.s32 $0xFFFFFFF9, s18;
	v34 =	vadd.s32 v32, v35;
	v33 =	vld [tilespmem:s17+$0xF0]  }
0x30c: {  	v35 =	vmov s23  }
0x30d: {  	v35 =	vshrl.u32 v35, $0x3  }
0x30e: {  	v35 =	vshll.u32 v35, v1  }
0x30f: {  	v35 =	vbroadcast v35, $0x0  }
0x310: {  	s17 =	sadd.s32 $0x200, s17;
	[tilespmem:v34+s22+$0x0] =	vst.idx.msk $0xffff, v33  }
0x311: {  	v33 =	vld [tilespmem:s17+$0xFFFFFF00];
	v42 =	vadd.s32 v0, v35;
	_ =	sdelay $0x4  }
0x312: {  	[tilespmem:v42+s22+$0x0] =	vst.idx.msk $0xffff, v33  }
0x313: {  	v43 =	vadd.s32 v2, v35;
	v33 =	vld [tilespmem:s17+$0xFFFFFF10];
	_ =	sdelay $0x4  }
0x314: {  	[tilespmem:v43+s22+$0x0] =	vst.idx.msk $0xffff, v33  }
0x315: {  	v44 =	vadd.s32 v3, v35;
	v33 =	vld [tilespmem:s17+$0xFFFFFF20];
	_ =	sdelay $0x4  }
0x316: {  	[tilespmem:v44+s22+$0x0] =	vst.idx.msk $0xffff, v33  }
0x317: {  	s19 =	sadd.s32 $0xFFFFFFFA, s18;
	v45 =	vadd.s32 v4, v35;
	v33 =	vld [tilespmem:s17+$0xFFFFFF30]  }
0x318: {  	v46 =	vmov s19  }
0x319: {  	v35 =	vshrl.u32 v46, $0x3  }
0x31a: {  	v35 =	vshll.u32 v35, v1  }
0x31b: {  	v35 =	vbroadcast v35, $0x0  }
0x31c: {  	[tilespmem:v45+s22+$0x0] =	vst.idx.msk $0xffff, v33  }
0x31d: {  	v47 =	vadd.s32 v5, v35;
	v33 =	vld [tilespmem:s17+$0xFFFFFF40];
	_ =	sdelay $0x4  }
0x31e: {  	[tilespmem:v47+s22+$0x0] =	vst.idx.msk $0xffff, v33  }
0x31f: {  	v48 =	vadd.s32 v6, v35;
	v33 =	vld [tilespmem:s17+$0xFFFFFF50];
	_ =	sdelay $0x4  }
0x320: {  	[tilespmem:v48+s22+$0x0] =	vst.idx.msk $0xffff, v33  }
0x321: {  	v49 =	vadd.s32 v7, v35;
	v33 =	vld [tilespmem:s17+$0xFFFFFF60];
	_ =	sdelay $0x4  }
0x322: {  	[tilespmem:v49+s22+$0x0] =	vst.idx.msk $0xffff, v33  }
0x323: {  	s24 =	sadd.s32 $0xFFFFFFFB, s18;
	v50 =	vadd.s32 v8, v35;
	v33 =	vld [tilespmem:s17+$0xFFFFFF70]  }
0x324: {  	v51 =	vmov s24  }
0x325: {  	v35 =	vshrl.u32 v51, $0x3  }
0x326: {  	v35 =	vshll.u32 v35, v1  }
0x327: {  	v35 =	vbroadcast v35, $0x0  }
0x328: {  	[tilespmem:v50+s22+$0x0] =	vst.idx.msk $0xffff, v33  }
0x329: {  	v52 =	vadd.s32 v9, v35;
	v33 =	vld [tilespmem:s17+$0xFFFFFF80];
	_ =	sdelay $0x4  }
0x32a: {  	[tilespmem:v52+s22+$0x0] =	vst.idx.msk $0xffff, v33  }
0x32b: {  	v53 =	vadd.s32 v10, v35;
	v33 =	vld [tilespmem:s17+$0xFFFFFF90];
	_ =	sdelay $0x4  }
0x32c: {  	[tilespmem:v53+s22+$0x0] =	vst.idx.msk $0xffff, v33  }
0x32d: {  	v54 =	vadd.s32 v11, v35;
	v33 =	vld [tilespmem:s17+$0xFFFFFFA0];
	_ =	sdelay $0x4  }
0x32e: {  	[tilespmem:v54+s22+$0x0] =	vst.idx.msk $0xffff, v33  }
0x32f: {  	s23 =	sadd.s32 $0xFFFFFFFC, s18;
	v55 =	vadd.s32 v12, v35;
	v33 =	vld [tilespmem:s17+$0xFFFFFFB0]  }
0x330: {  	v56 =	vmov s23  }
0x331: {  	v35 =	vshrl.u32 v56, $0x3  }
0x332: {  	v35 =	vshll.u32 v35, v1  }
0x333: {  	v35 =	vbroadcast v35, $0x0  }
0x334: {  	[tilespmem:v55+s22+$0x0] =	vst.idx.msk $0xffff, v33  }
0x335: {  	v57 =	vadd.s32 v13, v35;
	v33 =	vld [tilespmem:s17+$0xFFFFFFC0];
	_ =	sdelay $0x4  }
0x336: {  	[tilespmem:v57+s22+$0x0] =	vst.idx.msk $0xffff, v33  }
0x337: {  	v58 =	vadd.s32 v14, v35;
	v33 =	vld [tilespmem:s17+$0xFFFFFFD0];
	_ =	sdelay $0x4  }
0x338: {  	[tilespmem:v58+s22+$0x0] =	vst.idx.msk $0xffff, v33  }
0x339: {  	v59 =	vadd.s32 v15, v35;
	v33 =	vld [tilespmem:s17+$0xFFFFFFE0];
	_ =	sdelay $0x4  }
0x33a: {  	[tilespmem:v59+s22+$0x0] =	vst.idx.msk $0xffff, v33  }
0x33b: {  	s24 =	sadd.s32 $0xFFFFFFFD, s18;
	v60 =	vadd.s32 v16, v35;
	v33 =	vld [tilespmem:s17+$0xFFFFFFF0]  }
0x33c: {  	v61 =	vmov s24  }
0x33d: {  	v35 =	vshrl.u32 v61, $0x3  }
0x33e: {  	v35 =	vshll.u32 v35, v1  }
0x33f: {  	v35 =	vbroadcast v35, $0x0  }
0x340: {  	[tilespmem:v60+s22+$0x0] =	vst.idx.msk $0xffff, v33  }
0x341: {  	v62 =	vadd.s32 v17, v35;
	v33 =	vld [tilespmem:s17+$0x0];
	_ =	sdelay $0x4  }
0x342: {  	[tilespmem:v62+s22+$0x0] =	vst.idx.msk $0xffff, v33  }
0x343: {  	v63 =	vadd.s32 v18, v35;
	v33 =	vld [tilespmem:s17+$0x10];
	_ =	sdelay $0x4  }
0x344: {  	[tilespmem:v63+s22+$0x0] =	vst.idx.msk $0xffff, v33  }
0x345: {  	v36 =	vadd.s32 v19, v35;
	v33 =	vld [tilespmem:s17+$0x20];
	_ =	sdelay $0x4  }
0x346: {  	[tilespmem:v36+s22+$0x0] =	vst.idx.msk $0xffff, v33  }
0x347: {  	s23 =	sadd.s32 $0xFFFFFFFE, s18;
	v37 =	vadd.s32 v20, v35;
	v33 =	vld [tilespmem:s17+$0x30]  }
0x348: {  	v38 =	vmov s23  }
0x349: {  	v35 =	vshrl.u32 v38, $0x3  }
0x34a: {  	v35 =	vshll.u32 v35, v1  }
0x34b: {  	v35 =	vbroadcast v35, $0x0  }
0x34c: {  	[tilespmem:v37+s22+$0x0] =	vst.idx.msk $0xffff, v33  }
0x34d: {  	v39 =	vadd.s32 v21, v35;
	v33 =	vld [tilespmem:s17+$0x40];
	_ =	sdelay $0x4  }
0x34e: {  	[tilespmem:v39+s22+$0x0] =	vst.idx.msk $0xffff, v33  }
0x34f: {  	v40 =	vadd.s32 v22, v35;
	v33 =	vld [tilespmem:s17+$0x50];
	_ =	sdelay $0x4  }
0x350: {  	[tilespmem:v40+s22+$0x0] =	vst.idx.msk $0xffff, v33  }
0x351: {  	v41 =	vadd.s32 v23, v35;
	v33 =	vld [tilespmem:s17+$0x60];
	_ =	sdelay $0x4  }
0x352: {  	[tilespmem:v41+s22+$0x0] =	vst.idx.msk $0xffff, v33  }
0x353: {  	s24 =	sadd.s32 $0xFFFFFFFF, s18;
	v42 =	vadd.s32 v24, v35;
	v33 =	vld [tilespmem:s17+$0x70]  }
0x354: {  	v43 =	vmov s24  }
0x355: {  	v35 =	vshrl.u32 v43, $0x3  }
0x356: {  	v35 =	vshll.u32 v35, v1  }
0x357: {  	v35 =	vbroadcast v35, $0x0  }
0x358: {  	[tilespmem:v42+s22+$0x0] =	vst.idx.msk $0xffff, v33  }
0x359: {  	v44 =	vadd.s32 v25, v35;
	v33 =	vld [tilespmem:s17+$0x80];
	_ =	sdelay $0x4  }
0x35a: {  	[tilespmem:v44+s22+$0x0] =	vst.idx.msk $0xffff, v33  }
0x35b: {  	v45 =	vadd.s32 v26, v35;
	v33 =	vld [tilespmem:s17+$0x90];
	_ =	sdelay $0x4  }
0x35c: {  	[tilespmem:v45+s22+$0x0] =	vst.idx.msk $0xffff, v33  }
0x35d: {  	v46 =	vadd.s32 v27, v35;
	v33 =	vld [tilespmem:s17+$0xA0];
	_ =	sdelay $0x4  }
0x35e: {  	[tilespmem:v46+s22+$0x0] =	vst.idx.msk $0xffff, v33  }
0x35f: {  	v47 =	vadd.s32 v28, v35;
	v33 =	vld [tilespmem:s17+$0xB0]  }
0x360: {  	v48 =	vmov s18  }
0x361: {  	v35 =	vshrl.u32 v48, $0x3  }
0x362: {  	v35 =	vshll.u32 v35, v1  }
0x363: {  	v35 =	vbroadcast v35, $0x0  }
0x364: {  	[tilespmem:v47+s22+$0x0] =	vst.idx.msk $0xffff, v33  }
0x365: {  	v49 =	vadd.s32 v29, v35;
	v33 =	vld [tilespmem:s17+$0xC0];
	_ =	sdelay $0x4  }
0x366: {  	[tilespmem:v49+s22+$0x0] =	vst.idx.msk $0xffff, v33  }
0x367: {  	v50 =	vadd.s32 v30, v35;
	v33 =	vld [tilespmem:s17+$0xD0];
	_ =	sdelay $0x4  }
0x368: {  	[tilespmem:v50+s22+$0x0] =	vst.idx.msk $0xffff, v33  }
0x369: {  	v51 =	vadd.s32 v31, v35;
	v33 =	vld [tilespmem:s17+$0xE0];
	_ =	sdelay $0x4  }
0x36a: {  	[tilespmem:v51+s22+$0x0] =	vst.idx.msk $0xffff, v33  }
0x36b: {  	v52 =	vadd.s32 v32, v35;
	v33 =	vld [tilespmem:s17+$0xF0];
	_ =	sdelay $0x3  }
0x36c: {  	s19 =	rddreg [dreg:$0xc]  }
0x36d: {  	s17 =	sadd.s32 s16, s19;
	[tilespmem:v52+s22+$0x0] =	vst.idx.msk $0xffff, v33  }
0x36e: {  	[hbm4b:s17+s3] =	stream.linear.scatter [tilespmem:s22], [sflag:$0x6], $0x80, $0x38;
	[tilespmem:$0x12800] =	vst v63  }
0x36f: {  	s24 =	simm.s32 $0x10688;
	s23 =	sadd.s32 $0x10, s17  }
0x370: {  	[hbm4b:s23+s3] =	stream.linear.scatter [tilespmem:s24], [sflag:$0x6], $0x80, $0x38;
	[tilespmem:$0x12800] =	vst v63  }
0x371: {  	s23 =	sadd.s32 $0x20, s17;
	s24 =	simm.s32 $0x10710  }
0x372: {  	[hbm4b:s23+s3] =	stream.linear.scatter [tilespmem:s24], [sflag:$0x6], $0x80, $0x38;
	[tilespmem:$0x12800] =	vst v63  }
0x373: {  	s23 =	sadd.s32 $0x30, s17;
	s24 =	simm.s32 $0x10798  }
0x374: {  	[hbm4b:s23+s3] =	stream.linear.scatter [tilespmem:s24], [sflag:$0x6], $0x80, $0x38;
	[tilespmem:$0x12800] =	vst v63  }
0x375: {  	s23 =	sadd.s32 $0x40, s17;
	s24 =	simm.s32 $0x10820  }
0x376: {  	[hbm4b:s23+s3] =	stream.linear.scatter [tilespmem:s24], [sflag:$0x6], $0x80, $0x38;
	[tilespmem:$0x12800] =	vst v63  }
0x377: {  	s23 =	sadd.s32 $0x50, s17;
	s24 =	simm.s32 $0x108A8  }
0x378: {  	[hbm4b:s23+s3] =	stream.linear.scatter [tilespmem:s24], [sflag:$0x6], $0x80, $0x38;
	[tilespmem:$0x12800] =	vst v63  }
0x379: {  	s19 =	sadd.s32 $0x60, s17;
	s23 =	simm.s32 $0x10930  }
0x37a: {  	[hbm4b:s19+s3] =	stream.linear.scatter [tilespmem:s23], [sflag:$0x6], $0x80, $0x38;
	[tilespmem:$0x12800] =	vst v63  }
0x37b: {  	s18 =	rddreg [dreg:$0xd];
	s17 =	sadd.s32 $0x70, s17;
	s24 =	simm.s32 $0x109B8  }
0x37c: {  	[hbm4b:s17+s3] =	stream.linear.scatter [tilespmem:s24], [sflag:$0x6], $0x80, $0x38;
	[tilespmem:$0x12800] =	vst v63  }
0x37d: {  	s19 =	simm.s32 $0x10A40;
	s17 =	sadd.s32 s16, s18  }
0x37e: {  	[hbm4b:s17+s3] =	stream.linear.scatter [tilespmem:s19], [sflag:$0x6], $0x80, $0x38;
	[tilespmem:$0x12800] =	vst v63  }
0x37f: {  	s24 =	simm.s32 $0x10AC8;
	s23 =	sadd.s32 $0x10, s17  }
0x380: {  	[hbm4b:s23+s3] =	stream.linear.scatter [tilespmem:s24], [sflag:$0x6], $0x80, $0x38;
	[tilespmem:$0x12800] =	vst v63  }
0x381: {  	s23 =	sadd.s32 $0x20, s17;
	s24 =	simm.s32 $0x10B50  }
0x382: {  	[hbm4b:s23+s3] =	stream.linear.scatter [tilespmem:s24], [sflag:$0x6], $0x80, $0x38;
	[tilespmem:$0x12800] =	vst v63  }
0x383: {  	s23 =	sadd.s32 $0x30, s17;
	s24 =	simm.s32 $0x10BD8  }
0x384: {  	[hbm4b:s23+s3] =	stream.linear.scatter [tilespmem:s24], [sflag:$0x6], $0x80, $0x38;
	[tilespmem:$0x12800] =	vst v63  }
0x385: {  	s23 =	sadd.s32 $0x40, s17;
	s24 =	simm.s32 $0x10C60  }
0x386: {  	[hbm4b:s23+s3] =	stream.linear.scatter [tilespmem:s24], [sflag:$0x6], $0x80, $0x38;
	[tilespmem:$0x12800] =	vst v63  }
0x387: {  	s23 =	sadd.s32 $0x50, s17;
	s24 =	simm.s32 $0x10CE8  }
0x388: {  	[hbm4b:s23+s3] =	stream.linear.scatter [tilespmem:s24], [sflag:$0x6], $0x80, $0x38;
	[tilespmem:$0x12800] =	vst v63  }
0x389: {  	s19 =	sadd.s32 $0x60, s17;
	s23 =	simm.s32 $0x10D70  }
0x38a: {  	[hbm4b:s19+s3] =	stream.linear.scatter [tilespmem:s23], [sflag:$0x6], $0x80, $0x38;
	[tilespmem:$0x12800] =	vst v63  }
0x38b: {  	s18 =	rddreg [dreg:$0xe];
	s17 =	sadd.s32 $0x70, s17;
	s24 =	simm.s32 $0x10DF8  }
0x38c: {  	[hbm4b:s17+s3] =	stream.linear.scatter [tilespmem:s24], [sflag:$0x6], $0x80, $0x38;
	[tilespmem:$0x12800] =	vst v63  }
0x38d: {  	s19 =	simm.s32 $0x10E80;
	s17 =	sadd.s32 s16, s18  }
0x38e: {  	[hbm4b:s17+s3] =	stream.linear.scatter [tilespmem:s19], [sflag:$0x6], $0x80, $0x38;
	[tilespmem:$0x12800] =	vst v63  }
0x38f: {  	s24 =	simm.s32 $0x10F08;
	s23 =	sadd.s32 $0x10, s17  }
0x390: {  	[hbm4b:s23+s3] =	stream.linear.scatter [tilespmem:s24], [sflag:$0x6], $0x80, $0x38;
	[tilespmem:$0x12800] =	vst v63  }
0x391: {  	s23 =	sadd.s32 $0x20, s17;
	s24 =	simm.s32 $0x10F90  }
0x392: {  	[hbm4b:s23+s3] =	stream.linear.scatter [tilespmem:s24], [sflag:$0x6], $0x80, $0x38;
	[tilespmem:$0x12800] =	vst v63  }
0x393: {  	s23 =	sadd.s32 $0x30, s17;
	s24 =	simm.s32 $0x11018  }
0x394: {  	[hbm4b:s23+s3] =	stream.linear.scatter [tilespmem:s24], [sflag:$0x6], $0x80, $0x38;
	[tilespmem:$0x12800] =	vst v63  }
0x395: {  	s23 =	sadd.s32 $0x40, s17;
	s24 =	simm.s32 $0x110A0  }
0x396: {  	[hbm4b:s23+s3] =	stream.linear.scatter [tilespmem:s24], [sflag:$0x6], $0x80, $0x38;
	[tilespmem:$0x12800] =	vst v63  }
0x397: {  	s23 =	sadd.s32 $0x50, s17;
	s24 =	simm.s32 $0x11128  }
0x398: {  	[hbm4b:s23+s3] =	stream.linear.scatter [tilespmem:s24], [sflag:$0x6], $0x80, $0x38;
	[tilespmem:$0x12800] =	vst v63  }
0x399: {  	s19 =	sadd.s32 $0x60, s17;
	s23 =	simm.s32 $0x111B0  }
0x39a: {  	[hbm4b:s19+s3] =	stream.linear.scatter [tilespmem:s23], [sflag:$0x6], $0x80, $0x38;
	[tilespmem:$0x12800] =	vst v63  }
0x39b: {  	s18 =	rddreg [dreg:$0xf];
	s17 =	sadd.s32 $0x70, s17;
	s24 =	simm.s32 $0x11238  }
0x39c: {  	[hbm4b:s17+s3] =	stream.linear.scatter [tilespmem:s24], [sflag:$0x6], $0x80, $0x38;
	[tilespmem:$0x12800] =	vst v63  }
0x39d: {  	s19 =	simm.s32 $0x112C0;
	s17 =	sadd.s32 s16, s18  }
0x39e: {  	[hbm4b:s17+s3] =	stream.linear.scatter [tilespmem:s19], [sflag:$0x6], $0x80, $0x38;
	[tilespmem:$0x12800] =	vst v63  }
0x39f: {  	s24 =	simm.s32 $0x11348;
	s23 =	sadd.s32 $0x10, s17  }
0x3a0: {  	[hbm4b:s23+s3] =	stream.linear.scatter [tilespmem:s24], [sflag:$0x6], $0x80, $0x38;
	[tilespmem:$0x12800] =	vst v63  }
0x3a1: {  	s23 =	sadd.s32 $0x20, s17;
	s24 =	simm.s32 $0x113D0  }
0x3a2: {  	[hbm4b:s23+s3] =	stream.linear.scatter [tilespmem:s24], [sflag:$0x6], $0x80, $0x38;
	[tilespmem:$0x12800] =	vst v63  }
0x3a3: {  	s23 =	sadd.s32 $0x30, s17;
	s24 =	simm.s32 $0x11458  }
0x3a4: {  	[hbm4b:s23+s3] =	stream.linear.scatter [tilespmem:s24], [sflag:$0x6], $0x80, $0x38;
	[tilespmem:$0x12800] =	vst v63  }
0x3a5: {  	s23 =	sadd.s32 $0x40, s17;
	s24 =	simm.s32 $0x114E0  }
0x3a6: {  	[hbm4b:s23+s3] =	stream.linear.scatter [tilespmem:s24], [sflag:$0x6], $0x80, $0x38;
	[tilespmem:$0x12800] =	vst v63  }
0x3a7: {  	s23 =	sadd.s32 $0x50, s17;
	s24 =	simm.s32 $0x11568  }
0x3a8: {  	[hbm4b:s23+s3] =	stream.linear.scatter [tilespmem:s24], [sflag:$0x6], $0x80, $0x38;
	[tilespmem:$0x12800] =	vst v63  }
0x3a9: {  	s19 =	sadd.s32 $0x60, s17;
	s23 =	simm.s32 $0x115F0  }
0x3aa: {  	[hbm4b:s19+s3] =	stream.linear.scatter [tilespmem:s23], [sflag:$0x6], $0x80, $0x38;
	[tilespmem:$0x12800] =	vst v63  }
0x3ab: {  	s18 =	rddreg [dreg:$0x10];
	s17 =	sadd.s32 $0x70, s17;
	s24 =	simm.s32 $0x11678  }
0x3ac: {  	[hbm4b:s17+s3] =	stream.linear.scatter [tilespmem:s24], [sflag:$0x6], $0x80, $0x38;
	[tilespmem:$0x12800] =	vst v63  }
0x3ad: {  	s19 =	simm.s32 $0x11700;
	s17 =	sadd.s32 s16, s18  }
0x3ae: {  	[hbm4b:s17+s3] =	stream.linear.scatter [tilespmem:s19], [sflag:$0x6], $0x80, $0x38;
	[tilespmem:$0x12800] =	vst v63  }
0x3af: {  	s24 =	simm.s32 $0x11788;
	s23 =	sadd.s32 $0x10, s17  }
0x3b0: {  	[hbm4b:s23+s3] =	stream.linear.scatter [tilespmem:s24], [sflag:$0x6], $0x80, $0x38;
	[tilespmem:$0x12800] =	vst v63  }
0x3b1: {  	s23 =	sadd.s32 $0x20, s17;
	s24 =	simm.s32 $0x11810  }
0x3b2: {  	[hbm4b:s23+s3] =	stream.linear.scatter [tilespmem:s24], [sflag:$0x6], $0x80, $0x38;
	[tilespmem:$0x12800] =	vst v63  }
0x3b3: {  	s23 =	sadd.s32 $0x30, s17;
	s24 =	simm.s32 $0x11898  }
0x3b4: {  	[hbm4b:s23+s3] =	stream.linear.scatter [tilespmem:s24], [sflag:$0x6], $0x80, $0x38;
	[tilespmem:$0x12800] =	vst v63  }
0x3b5: {  	s23 =	sadd.s32 $0x40, s17;
	s24 =	simm.s32 $0x11920  }
0x3b6: {  	[hbm4b:s23+s3] =	stream.linear.scatter [tilespmem:s24], [sflag:$0x6], $0x80, $0x38;
	[tilespmem:$0x12800] =	vst v63  }
0x3b7: {  	s23 =	sadd.s32 $0x50, s17;
	s24 =	simm.s32 $0x119A8  }
0x3b8: {  	[hbm4b:s23+s3] =	stream.linear.scatter [tilespmem:s24], [sflag:$0x6], $0x80, $0x38;
	[tilespmem:$0x12800] =	vst v63  }
0x3b9: {  	s19 =	sadd.s32 $0x60, s17;
	s23 =	simm.s32 $0x11A30  }
0x3ba: {  	[hbm4b:s19+s3] =	stream.linear.scatter [tilespmem:s23], [sflag:$0x6], $0x80, $0x38;
	[tilespmem:$0x12800] =	vst v63  }
0x3bb: {  	s18 =	rddreg [dreg:$0x11];
	s17 =	sadd.s32 $0x70, s17;
	s24 =	simm.s32 $0x11AB8  }
0x3bc: {  	[hbm4b:s17+s3] =	stream.linear.scatter [tilespmem:s24], [sflag:$0x6], $0x80, $0x38;
	[tilespmem:$0x12800] =	vst v63  }
0x3bd: {  	s19 =	simm.s32 $0x11B40;
	s17 =	sadd.s32 s16, s18  }
0x3be: {  	[hbm4b:s17+s3] =	stream.linear.scatter [tilespmem:s19], [sflag:$0x6], $0x80, $0x38;
	[tilespmem:$0x12800] =	vst v63  }
0x3bf: {  	s24 =	simm.s32 $0x11BC8;
	s23 =	sadd.s32 $0x10, s17  }
0x3c0: {  	[hbm4b:s23+s3] =	stream.linear.scatter [tilespmem:s24], [sflag:$0x6], $0x80, $0x38;
	[tilespmem:$0x12800] =	vst v63  }
0x3c1: {  	s23 =	sadd.s32 $0x20, s17;
	s24 =	simm.s32 $0x11C50  }
0x3c2: {  	[hbm4b:s23+s3] =	stream.linear.scatter [tilespmem:s24], [sflag:$0x6], $0x80, $0x38;
	[tilespmem:$0x12800] =	vst v63  }
0x3c3: {  	s23 =	sadd.s32 $0x30, s17;
	s24 =	simm.s32 $0x11CD8  }
0x3c4: {  	[hbm4b:s23+s3] =	stream.linear.scatter [tilespmem:s24], [sflag:$0x6], $0x80, $0x38;
	[tilespmem:$0x12800] =	vst v63  }
0x3c5: {  	s23 =	sadd.s32 $0x40, s17;
	s24 =	simm.s32 $0x11D60  }
0x3c6: {  	[hbm4b:s23+s3] =	stream.linear.scatter [tilespmem:s24], [sflag:$0x6], $0x80, $0x38;
	[tilespmem:$0x12800] =	vst v63  }
0x3c7: {  	s23 =	sadd.s32 $0x50, s17;
	s24 =	simm.s32 $0x11DE8  }
0x3c8: {  	[hbm4b:s23+s3] =	stream.linear.scatter [tilespmem:s24], [sflag:$0x6], $0x80, $0x38;
	[tilespmem:$0x12800] =	vst v63  }
0x3c9: {  	s19 =	sadd.s32 $0x60, s17;
	s23 =	simm.s32 $0x11E70  }
0x3ca: {  	[hbm4b:s19+s3] =	stream.linear.scatter [tilespmem:s23], [sflag:$0x6], $0x80, $0x38;
	[tilespmem:$0x12800] =	vst v63  }
0x3cb: {  	s18 =	rddreg [dreg:$0x12];
	s17 =	sadd.s32 $0x70, s17;
	s24 =	simm.s32 $0x11EF8  }
0x3cc: {  	[hbm4b:s17+s3] =	stream.linear.scatter [tilespmem:s24], [sflag:$0x6], $0x80, $0x38;
	[tilespmem:$0x12800] =	vst v63  }
0x3cd: {  	s19 =	simm.s32 $0x11F80;
	s17 =	sadd.s32 s16, s18  }
0x3ce: {  	[hbm4b:s17+s3] =	stream.linear.scatter [tilespmem:s19], [sflag:$0x6], $0x80, $0x38;
	[tilespmem:$0x12800] =	vst v63  }
0x3cf: {  	s24 =	simm.s32 $0x12008;
	s23 =	sadd.s32 $0x10, s17  }
0x3d0: {  	[hbm4b:s23+s3] =	stream.linear.scatter [tilespmem:s24], [sflag:$0x6], $0x80, $0x38;
	[tilespmem:$0x12800] =	vst v63  }
0x3d1: {  	s19 =	sadd.s32 $0x20, s17;
	s23 =	simm.s32 $0x12090  }
0x3d2: {  	[hbm4b:s19+s3] =	stream.linear.scatter [tilespmem:s23], [sflag:$0x6], $0x80, $0x38;
	[tilespmem:$0x12800] =	vst v63  }
0x3d3: {  	s24 =	sadd.s32 $0x30, s17  }
0x3d4: {  	[hbm4b:s24+s3] =	stream.linear.scatter [tilespmem:s26], [sflag:$0x6], $0x80, $0x38;
	[tilespmem:$0x12800] =	vst v63  }
0x3d5: {  	s19 =	sadd.s32 $0x40, s17  }
0x3d6: {  	[hbm4b:s19+s3] =	stream.linear.scatter [tilespmem:s28], [sflag:$0x6], $0x80, $0x38;
	[tilespmem:$0x12800] =	vst v63  }
0x3d7: {  	s23 =	sadd.s32 $0x50, s17  }
0x3d8: {  	[hbm4b:s23+s3] =	stream.linear.scatter [tilespmem:s29], [sflag:$0x6], $0x80, $0x38;
	[tilespmem:$0x12800] =	vst v63  }
0x3d9: {  	s24 =	sadd.s32 $0x60, s17  }
0x3da: {  	[hbm4b:s24+s3] =	stream.linear.scatter [tilespmem:s30], [sflag:$0x6], $0x80, $0x38;
	[tilespmem:$0x12800] =	vst v63  }
0x3db: {  	s17 =	sadd.s32 $0x70, s17;
	s19 =	rddreg [dreg:$0x13]  }
0x3dc: {  	[hbm4b:s17+s3] =	stream.linear.scatter [tilespmem:s31], [sflag:$0x6], $0x80, $0x38;
	[tilespmem:$0x12800] =	vst v63  }
0x3dd: {  	s17 =	sadd.s32 s16, s19  }
0x3de: {  	[hbm4b:s17+s3] =	stream.linear.scatter [tilespmem:s1], [sflag:$0x6], $0x80, $0x38;
	[tilespmem:$0x12800] =	vst v63  }
0x3df: {  	s23 =	sadd.s32 $0x10, s17  }
0x3e0: {  	[hbm4b:s23+s3] =	stream.linear.scatter [tilespmem:s0], [sflag:$0x6], $0x80, $0x38;
	[tilespmem:$0x12800] =	vst v63  }
0x3e1: {  	s24 =	sadd.s32 $0x20, s17  }
0x3e2: {  	[hbm4b:s24+s3] =	stream.linear.scatter [tilespmem:s5], [sflag:$0x6], $0x80, $0x38;
	[tilespmem:$0x12800] =	vst v63  }
0x3e3: {  	s19 =	sadd.s32 $0x30, s17  }
0x3e4: {  	[hbm4b:s19+s3] =	stream.linear.scatter [tilespmem:s25], [sflag:$0x6], $0x80, $0x38;
	[tilespmem:$0x12800] =	vst v63  }
0x3e5: {  	s23 =	sadd.s32 $0x40, s17  }
0x3e6: {  	[hbm4b:s23+s3] =	stream.linear.scatter [tilespmem:s2], [sflag:$0x6], $0x80, $0x38;
	[tilespmem:$0x12800] =	vst v63  }
0x3e7: {  	s24 =	sadd.s32 $0x50, s17  }
0x3e8: {  	[hbm4b:s24+s3] =	stream.linear.scatter [tilespmem:s6], [sflag:$0x6], $0x80, $0x38;
	[tilespmem:$0x12800] =	vst v63  }
0x3e9: {  	s19 =	sadd.s32 $0x60, s17  }
0x3ea: {  	[hbm4b:s19+s3] =	stream.linear.scatter [tilespmem:s7], [sflag:$0x6], $0x80, $0x38;
	[tilespmem:$0x12800] =	vst v63  }
0x3eb: {  	p0 =	seq.s32 s14, $0x31;
	s17 =	sadd.s32 $0x70, s17  }
0x3ec: {  	[hbm4b:s17+s3] =	stream.linear.scatter [tilespmem:s8], [sflag:$0x6], $0x80, $0x38;
	[tilespmem:$0x12800] =	vst v63  }
0x3ed: {  	s17 =	sshrl.u32 @!p0 s15, $0x2  }
0x3ee: {  	s23 =	simm.s32 @!p0 $0x8400;
	s19 =	simm.s32 @!p0 $0x80;
	s18 =	sadd.s32 @!p0 $0x280, s17  }
0x3ef: {  	[tilespmem:s23], [sflag:$0x2] =	stream.indirect.gather @!p0 [hbm4b:s4+s19], $0x40, s18, s19, $0xb8;
	[tilespmem:$0x12800] =	vst v63  }
0x3f0: {  	_ =	swait.ge [sflag:s11], $0x2000  }
0x3f1: {  	[sflag:s11] =	ssyncset.done $0x0  }
0x3f2: {  	[sflag:s11] =	ssyncadd.s32 $0xFFFFE000  }
0x3f3: {  	_ =	swait.ge [sflag:s12], $0x400  }
0x3f4: {  	[sflag:s12] =	ssyncset.done $0x0  }
0x3f5: {  	[sflag:s12] =	ssyncadd.s32 $0xFFFFFC00  }
0x3f6: {  	_ =	swait.ge [sflag:s12], $0x400  }
0x3f7: {  	[sflag:s12] =	ssyncset.done $0x0  }
0x3f8: {  	[sflag:s12] =	ssyncadd.s32 $0xFFFFFC00  }
0x3f9: {  	_ =	swait.ge [sflag:s12], $0x400  }
0x3fa: {  	[sflag:s12] =	ssyncset.done $0x0  }
0x3fb: {  	[sflag:s12] =	ssyncadd.s32 $0xFFFFFC00  }
0x3fc: {  	_ =	swait.ge [sflag:s12], $0x400  }
0x3fd: {  	[sflag:s12] =	ssyncset.done $0x0  }
0x3fe: {  	[sflag:s12] =	ssyncadd.s32 $0xFFFFFC00  }
0x3ff: {  	_ =	swait.ge [sflag:s12], $0x400  }
0x400: {  	[sflag:s12] =	ssyncset.done $0x0  }
0x401: {  	[sflag:s12] =	ssyncadd.s32 $0xFFFFFC00  }
0x402: {  	_ =	swait.ge [sflag:s12], $0x400  }
0x403: {  	[sflag:s12] =	ssyncset.done $0x0  }
0x404: {  	[sflag:s12] =	ssyncadd.s32 $0xFFFFFC00  }
0x405: {  	s23 =	simm.s32 $0x0;
	_ =	swait.ge [sflag:s12], $0x400  }
0x406: {  	v53 =	vmov s23;
	[sflag:s12] =	ssyncset.done $0x0  }
0x407: {  	v33 =	vshrl.u32 v53, $0x3;
	[sflag:s12] =	ssyncadd.s32 $0xFFFFFC00  }
0x408: {  	v33 =	vshll.u32 v33, v1;
	_ =	swait.ge [sflag:s12], $0x400  }
0x409: {  	v33 =	vbroadcast v33, $0x0;
	[sflag:s12] =	ssyncset.done $0x0  }
0x40a: {  	s18 =	simm.s32 $0xA500;
	[sflag:s12] =	ssyncadd.s32 $0xFFFFFC00  }
0x40b: {  	v55 =	vadd.s32 v0, v33;
	v54 =	vld [tilespmem:s18+$0xFFFFFF00];
	_ =	sdelay $0x4  }
0x40c: {  	[tilespmem:v55+s10+$0x0] =	vst.idx.msk $0xffff, v54  }
0x40d: {  	v56 =	vadd.s32 v2, v33;
	v34 =	vld [tilespmem:s18+$0xFFFFFF10];
	_ =	sdelay $0x4  }
0x40e: {  	[tilespmem:v56+s10+$0x0] =	vst.idx.msk $0xffff, v34  }
0x40f: {  	v57 =	vadd.s32 v3, v33;
	v34 =	vld [tilespmem:s18+$0xFFFFFF20];
	_ =	sdelay $0x4  }
0x410: {  	[tilespmem:v57+s10+$0x0] =	vst.idx.msk $0xffff, v34  }
0x411: {  	s24 =	simm.s32 $0x1;
	v33 =	vadd.s32 v4, v33;
	v34 =	vld [tilespmem:s18+$0xFFFFFF30]  }
0x412: {  	v58 =	vmov s24  }
0x413: {  	v35 =	vshrl.u32 v58, $0x3  }
0x414: {  	v35 =	vshll.u32 v35, v1  }
0x415: {  	v35 =	vbroadcast v35, $0x0  }
0x416: {  	[tilespmem:v33+s10+$0x0] =	vst.idx.msk $0xffff, v34  }
0x417: {  	v59 =	vadd.s32 v5, v35;
	v33 =	vld [tilespmem:s18+$0xFFFFFF40];
	_ =	sdelay $0x4  }
0x418: {  	[tilespmem:v59+s10+$0x0] =	vst.idx.msk $0xffff, v33  }
0x419: {  	v60 =	vadd.s32 v6, v35;
	v33 =	vld [tilespmem:s18+$0xFFFFFF50];
	_ =	sdelay $0x4  }
0x41a: {  	[tilespmem:v60+s10+$0x0] =	vst.idx.msk $0xffff, v33  }
0x41b: {  	v61 =	vadd.s32 v7, v35;
	v33 =	vld [tilespmem:s18+$0xFFFFFF60];
	_ =	sdelay $0x4  }
0x41c: {  	[tilespmem:v61+s10+$0x0] =	vst.idx.msk $0xffff, v33  }
0x41d: {  	v62 =	vadd.s32 v8, v35;
	s23 =	simm.s32 $0x2;
	v33 =	vld [tilespmem:s18+$0xFFFFFF70]  }
0x41e: {  	v63 =	vmov s23  }
0x41f: {  	v35 =	vshrl.u32 v63, $0x3  }
0x420: {  	v35 =	vshll.u32 v35, v1  }
0x421: {  	v35 =	vbroadcast v35, $0x0  }
0x422: {  	[tilespmem:v62+s10+$0x0] =	vst.idx.msk $0xffff, v33  }
0x423: {  	v36 =	vadd.s32 v9, v35;
	v33 =	vld [tilespmem:s18+$0xFFFFFF80];
	_ =	sdelay $0x4  }
0x424: {  	[tilespmem:v36+s10+$0x0] =	vst.idx.msk $0xffff, v33  }
0x425: {  	v37 =	vadd.s32 v10, v35;
	v33 =	vld [tilespmem:s18+$0xFFFFFF90];
	_ =	sdelay $0x4  }
0x426: {  	[tilespmem:v37+s10+$0x0] =	vst.idx.msk $0xffff, v33  }
0x427: {  	v38 =	vadd.s32 v11, v35;
	v33 =	vld [tilespmem:s18+$0xFFFFFFA0];
	_ =	sdelay $0x4  }
0x428: {  	[tilespmem:v38+s10+$0x0] =	vst.idx.msk $0xffff, v33  }
0x429: {  	s24 =	simm.s32 $0x3;
	v39 =	vadd.s32 v12, v35;
	v33 =	vld [tilespmem:s18+$0xFFFFFFB0]  }
0x42a: {  	v40 =	vmov s24  }
0x42b: {  	v35 =	vshrl.u32 v40, $0x3  }
0x42c: {  	v35 =	vshll.u32 v35, v1  }
0x42d: {  	v35 =	vbroadcast v35, $0x0  }
0x42e: {  	[tilespmem:v39+s10+$0x0] =	vst.idx.msk $0xffff, v33  }
0x42f: {  	v41 =	vadd.s32 v13, v35;
	v33 =	vld [tilespmem:s18+$0xFFFFFFC0];
	_ =	sdelay $0x4  }
0x430: {  	[tilespmem:v41+s10+$0x0] =	vst.idx.msk $0xffff, v33  }
0x431: {  	v42 =	vadd.s32 v14, v35;
	v33 =	vld [tilespmem:s18+$0xFFFFFFD0];
	_ =	sdelay $0x4  }
0x432: {  	[tilespmem:v42+s10+$0x0] =	vst.idx.msk $0xffff, v33  }
0x433: {  	v43 =	vadd.s32 v15, v35;
	v33 =	vld [tilespmem:s18+$0xFFFFFFE0];
	_ =	sdelay $0x4  }
0x434: {  	[tilespmem:v43+s10+$0x0] =	vst.idx.msk $0xffff, v33  }
0x435: {  	s23 =	simm.s32 $0x4;
	v44 =	vadd.s32 v16, v35;
	v33 =	vld [tilespmem:s18+$0xFFFFFFF0]  }
0x436: {  	v45 =	vmov s23  }
0x437: {  	v35 =	vshrl.u32 v45, $0x3  }
0x438: {  	v35 =	vshll.u32 v35, v1  }
0x439: {  	v35 =	vbroadcast v35, $0x0  }
0x43a: {  	[tilespmem:v44+s10+$0x0] =	vst.idx.msk $0xffff, v33  }
0x43b: {  	v46 =	vadd.s32 v17, v35;
	v33 =	vld [tilespmem:s18+$0x0];
	_ =	sdelay $0x4  }
0x43c: {  	[tilespmem:v46+s10+$0x0] =	vst.idx.msk $0xffff, v33  }
0x43d: {  	v47 =	vadd.s32 v18, v35;
	v33 =	vld [tilespmem:s18+$0x10];
	_ =	sdelay $0x4  }
0x43e: {  	[tilespmem:v47+s10+$0x0] =	vst.idx.msk $0xffff, v33  }
0x43f: {  	v48 =	vadd.s32 v19, v35;
	v33 =	vld [tilespmem:s18+$0x20];
	_ =	sdelay $0x4  }
0x440: {  	[tilespmem:v48+s10+$0x0] =	vst.idx.msk $0xffff, v33  }
0x441: {  	s24 =	simm.s32 $0x5;
	v49 =	vadd.s32 v20, v35;
	v33 =	vld [tilespmem:s18+$0x30]  }
0x442: {  	v50 =	vmov s24  }
0x443: {  	v35 =	vshrl.u32 v50, $0x3  }
0x444: {  	v35 =	vshll.u32 v35, v1  }
0x445: {  	v35 =	vbroadcast v35, $0x0  }
0x446: {  	[tilespmem:v49+s10+$0x0] =	vst.idx.msk $0xffff, v33  }
0x447: {  	v51 =	vadd.s32 v21, v35;
	v33 =	vld [tilespmem:s18+$0x40];
	_ =	sdelay $0x4  }
0x448: {  	[tilespmem:v51+s10+$0x0] =	vst.idx.msk $0xffff, v33  }
0x449: {  	v52 =	vadd.s32 v22, v35;
	v33 =	vld [tilespmem:s18+$0x50];
	_ =	sdelay $0x4  }
0x44a: {  	[tilespmem:v52+s10+$0x0] =	vst.idx.msk $0xffff, v33  }
0x44b: {  	v53 =	vadd.s32 v23, v35;
	v33 =	vld [tilespmem:s18+$0x60];
	_ =	sdelay $0x4  }
0x44c: {  	[tilespmem:v53+s10+$0x0] =	vst.idx.msk $0xffff, v33  }
0x44d: {  	s23 =	simm.s32 $0x6;
	v54 =	vadd.s32 v24, v35;
	v33 =	vld [tilespmem:s18+$0x70]  }
0x44e: {  	v55 =	vmov s23  }
0x44f: {  	v35 =	vshrl.u32 v55, $0x3  }
0x450: {  	v35 =	vshll.u32 v35, v1  }
0x451: {  	v35 =	vbroadcast v35, $0x0  }
0x452: {  	[tilespmem:v54+s10+$0x0] =	vst.idx.msk $0xffff, v33  }
0x453: {  	v56 =	vadd.s32 v25, v35;
	v33 =	vld [tilespmem:s18+$0x80];
	_ =	sdelay $0x4  }
0x454: {  	[tilespmem:v56+s10+$0x0] =	vst.idx.msk $0xffff, v33  }
0x455: {  	v57 =	vadd.s32 v26, v35;
	v33 =	vld [tilespmem:s18+$0x90];
	_ =	sdelay $0x4  }
0x456: {  	[tilespmem:v57+s10+$0x0] =	vst.idx.msk $0xffff, v33  }
0x457: {  	v58 =	vadd.s32 v27, v35;
	v33 =	vld [tilespmem:s18+$0xA0];
	_ =	sdelay $0x4  }
0x458: {  	[tilespmem:v58+s10+$0x0] =	vst.idx.msk $0xffff, v33  }
0x459: {  	s24 =	simm.s32 $0x7;
	v59 =	vadd.s32 v28, v35;
	v33 =	vld [tilespmem:s18+$0xB0]  }
0x45a: {  	v60 =	vmov s24  }
0x45b: {  	v35 =	vshrl.u32 v60, $0x3  }
0x45c: {  	v35 =	vshll.u32 v35, v1  }
0x45d: {  	v35 =	vbroadcast v35, $0x0  }
0x45e: {  	[tilespmem:v59+s10+$0x0] =	vst.idx.msk $0xffff, v33  }
0x45f: {  	v61 =	vadd.s32 v29, v35;
	v33 =	vld [tilespmem:s18+$0xC0];
	_ =	sdelay $0x4  }
0x460: {  	[tilespmem:v61+s10+$0x0] =	vst.idx.msk $0xffff, v33  }
0x461: {  	v62 =	vadd.s32 v30, v35;
	v33 =	vld [tilespmem:s18+$0xD0];
	_ =	sdelay $0x4  }
0x462: {  	[tilespmem:v62+s10+$0x0] =	vst.idx.msk $0xffff, v33  }
0x463: {  	v63 =	vadd.s32 v31, v35;
	v33 =	vld [tilespmem:s18+$0xE0];
	_ =	sdelay $0x4  }
0x464: {  	[tilespmem:v63+s10+$0x0] =	vst.idx.msk $0xffff, v33  }
0x465: {  	s19 =	simm.s32 $0xF;
	s23 =	simm.s32 $0x17;
	s24 =	simm.s32 $0x8;
	v34 =	vadd.s32 v32, v35;
	v33 =	vld [tilespmem:s18+$0xF0]  }
.LBB2_11:
0x466: {  	p1 =	sne.s32 s23, $0x7F;
	v35 =	vmov s24  }
0x467: {  	v35 =	vshrl.u32 v35, $0x3  }
0x468: {  	v35 =	vshll.u32 v35, v1  }
0x469: {  	v35 =	vbroadcast v35, $0x0  }
0x46a: {  	s18 =	sadd.s32 $0x200, s18;
	[tilespmem:v34+s10+$0x0] =	vst.idx.msk $0xffff, v33  }
0x46b: {  	v33 =	vld [tilespmem:s18+$0xFFFFFF00];
	v34 =	vadd.s32 v0, v35;
	_ =	sdelay $0x4  }
0x46c: {  	[tilespmem:v34+s10+$0x0] =	vst.idx.msk $0xffff, v33  }
0x46d: {  	v34 =	vadd.s32 v2, v35;
	v33 =	vld [tilespmem:s18+$0xFFFFFF10];
	_ =	sdelay $0x4  }
0x46e: {  	[tilespmem:v34+s10+$0x0] =	vst.idx.msk $0xffff, v33  }
0x46f: {  	v34 =	vadd.s32 v3, v35;
	v33 =	vld [tilespmem:s18+$0xFFFFFF20];
	_ =	sdelay $0x4  }
0x470: {  	[tilespmem:v34+s10+$0x0] =	vst.idx.msk $0xffff, v33  }
0x471: {  	s24 =	sadd.s32 $0xFFFFFFFA, s19;
	v34 =	vadd.s32 v4, v35;
	v33 =	vld [tilespmem:s18+$0xFFFFFF30]  }
0x472: {  	v35 =	vmov s24  }
0x473: {  	v35 =	vshrl.u32 v35, $0x3  }
0x474: {  	v35 =	vshll.u32 v35, v1  }
0x475: {  	v35 =	vbroadcast v35, $0x0  }
0x476: {  	[tilespmem:v34+s10+$0x0] =	vst.idx.msk $0xffff, v33  }
0x477: {  	v34 =	vadd.s32 v5, v35;
	v33 =	vld [tilespmem:s18+$0xFFFFFF40];
	_ =	sdelay $0x4  }
0x478: {  	[tilespmem:v34+s10+$0x0] =	vst.idx.msk $0xffff, v33  }
0x479: {  	v34 =	vadd.s32 v6, v35;
	v33 =	vld [tilespmem:s18+$0xFFFFFF50];
	_ =	sdelay $0x4  }
0x47a: {  	[tilespmem:v34+s10+$0x0] =	vst.idx.msk $0xffff, v33  }
0x47b: {  	v34 =	vadd.s32 v7, v35;
	v33 =	vld [tilespmem:s18+$0xFFFFFF60];
	_ =	sdelay $0x4  }
0x47c: {  	[tilespmem:v34+s10+$0x0] =	vst.idx.msk $0xffff, v33  }
0x47d: {  	s24 =	sadd.s32 $0xFFFFFFFB, s19;
	v34 =	vadd.s32 v8, v35;
	v33 =	vld [tilespmem:s18+$0xFFFFFF70]  }
0x47e: {  	v35 =	vmov s24  }
0x47f: {  	v35 =	vshrl.u32 v35, $0x3  }
0x480: {  	v35 =	vshll.u32 v35, v1  }
0x481: {  	v35 =	vbroadcast v35, $0x0  }
0x482: {  	[tilespmem:v34+s10+$0x0] =	vst.idx.msk $0xffff, v33  }
0x483: {  	v34 =	vadd.s32 v9, v35;
	v33 =	vld [tilespmem:s18+$0xFFFFFF80];
	_ =	sdelay $0x4  }
0x484: {  	[tilespmem:v34+s10+$0x0] =	vst.idx.msk $0xffff, v33  }
0x485: {  	v34 =	vadd.s32 v10, v35;
	v33 =	vld [tilespmem:s18+$0xFFFFFF90];
	_ =	sdelay $0x4  }
0x486: {  	[tilespmem:v34+s10+$0x0] =	vst.idx.msk $0xffff, v33  }
0x487: {  	v34 =	vadd.s32 v11, v35;
	v33 =	vld [tilespmem:s18+$0xFFFFFFA0];
	_ =	sdelay $0x4  }
0x488: {  	[tilespmem:v34+s10+$0x0] =	vst.idx.msk $0xffff, v33  }
0x489: {  	s24 =	sadd.s32 $0xFFFFFFFC, s19;
	v34 =	vadd.s32 v12, v35;
	v33 =	vld [tilespmem:s18+$0xFFFFFFB0]  }
0x48a: {  	v35 =	vmov s24  }
0x48b: {  	v35 =	vshrl.u32 v35, $0x3  }
0x48c: {  	v35 =	vshll.u32 v35, v1  }
0x48d: {  	v35 =	vbroadcast v35, $0x0  }
0x48e: {  	[tilespmem:v34+s10+$0x0] =	vst.idx.msk $0xffff, v33  }
0x48f: {  	v34 =	vadd.s32 v13, v35;
	v33 =	vld [tilespmem:s18+$0xFFFFFFC0];
	_ =	sdelay $0x4  }
0x490: {  	[tilespmem:v34+s10+$0x0] =	vst.idx.msk $0xffff, v33  }
0x491: {  	v34 =	vadd.s32 v14, v35;
	v33 =	vld [tilespmem:s18+$0xFFFFFFD0];
	_ =	sdelay $0x4  }
0x492: {  	[tilespmem:v34+s10+$0x0] =	vst.idx.msk $0xffff, v33  }
0x493: {  	v34 =	vadd.s32 v15, v35;
	v33 =	vld [tilespmem:s18+$0xFFFFFFE0];
	_ =	sdelay $0x4  }
0x494: {  	[tilespmem:v34+s10+$0x0] =	vst.idx.msk $0xffff, v33  }
0x495: {  	s24 =	sadd.s32 $0xFFFFFFFD, s19;
	v34 =	vadd.s32 v16, v35;
	v33 =	vld [tilespmem:s18+$0xFFFFFFF0]  }
0x496: {  	v35 =	vmov s24  }
0x497: {  	v35 =	vshrl.u32 v35, $0x3  }
0x498: {  	v35 =	vshll.u32 v35, v1  }
0x499: {  	v35 =	vbroadcast v35, $0x0  }
0x49a: {  	[tilespmem:v34+s10+$0x0] =	vst.idx.msk $0xffff, v33  }
0x49b: {  	v34 =	vadd.s32 v17, v35;
	v33 =	vld [tilespmem:s18+$0x0];
	_ =	sdelay $0x4  }
0x49c: {  	[tilespmem:v34+s10+$0x0] =	vst.idx.msk $0xffff, v33  }
0x49d: {  	v34 =	vadd.s32 v18, v35;
	v33 =	vld [tilespmem:s18+$0x10];
	_ =	sdelay $0x4  }
0x49e: {  	[tilespmem:v34+s10+$0x0] =	vst.idx.msk $0xffff, v33  }
0x49f: {  	v34 =	vadd.s32 v19, v35;
	v33 =	vld [tilespmem:s18+$0x20];
	_ =	sdelay $0x4  }
0x4a0: {  	[tilespmem:v34+s10+$0x0] =	vst.idx.msk $0xffff, v33  }
0x4a1: {  	s24 =	sadd.s32 $0xFFFFFFFE, s19;
	v34 =	vadd.s32 v20, v35;
	v33 =	vld [tilespmem:s18+$0x30]  }
0x4a2: {  	v35 =	vmov s24  }
0x4a3: {  	v35 =	vshrl.u32 v35, $0x3  }
0x4a4: {  	v35 =	vshll.u32 v35, v1  }
0x4a5: {  	v35 =	vbroadcast v35, $0x0  }
0x4a6: {  	[tilespmem:v34+s10+$0x0] =	vst.idx.msk $0xffff, v33  }
0x4a7: {  	v34 =	vadd.s32 v21, v35;
	v33 =	vld [tilespmem:s18+$0x40];
	_ =	sdelay $0x4  }
0x4a8: {  	[tilespmem:v34+s10+$0x0] =	vst.idx.msk $0xffff, v33  }
0x4a9: {  	v34 =	vadd.s32 v22, v35;
	v33 =	vld [tilespmem:s18+$0x50];
	_ =	sdelay $0x4  }
0x4aa: {  	[tilespmem:v34+s10+$0x0] =	vst.idx.msk $0xffff, v33  }
0x4ab: {  	v34 =	vadd.s32 v23, v35;
	v33 =	vld [tilespmem:s18+$0x60];
	_ =	sdelay $0x4  }
0x4ac: {  	[tilespmem:v34+s10+$0x0] =	vst.idx.msk $0xffff, v33  }
0x4ad: {  	s24 =	sadd.s32 $0xFFFFFFFF, s19;
	v34 =	vadd.s32 v24, v35;
	v33 =	vld [tilespmem:s18+$0x70]  }
0x4ae: {  	v35 =	vmov s24  }
0x4af: {  	v35 =	vshrl.u32 v35, $0x3  }
0x4b0: {  	v35 =	vshll.u32 v35, v1  }
0x4b1: {  	v35 =	vbroadcast v35, $0x0  }
0x4b2: {  	[tilespmem:v34+s10+$0x0] =	vst.idx.msk $0xffff, v33  }
0x4b3: {  	v34 =	vadd.s32 v25, v35;
	v33 =	vld [tilespmem:s18+$0x80];
	_ =	sdelay $0x4  }
0x4b4: {  	[tilespmem:v34+s10+$0x0] =	vst.idx.msk $0xffff, v33  }
0x4b5: {  	v34 =	vadd.s32 v26, v35;
	v33 =	vld [tilespmem:s18+$0x90];
	_ =	sdelay $0x4  }
0x4b6: {  	[tilespmem:v34+s10+$0x0] =	vst.idx.msk $0xffff, v33  }
0x4b7: {  	v34 =	vadd.s32 v27, v35;
	v33 =	vld [tilespmem:s18+$0xA0];
	_ =	sdelay $0x4  }
0x4b8: {  	[tilespmem:v34+s10+$0x0] =	vst.idx.msk $0xffff, v33  }
0x4b9: {  	v34 =	vadd.s32 v28, v35;
	v33 =	vld [tilespmem:s18+$0xB0]  }
0x4ba: {  	v35 =	vmov s19;
	s19 =	smov.u32 s23  }
0x4bb: {  	v35 =	vshrl.u32 v35, $0x3  }
0x4bc: {  	v35 =	vshll.u32 v35, v1  }
0x4bd: {  	v35 =	vbroadcast v35, $0x0  }
0x4be: {  	[tilespmem:v34+s10+$0x0] =	vst.idx.msk $0xffff, v33  }
0x4bf: {  	v34 =	vadd.s32 v29, v35;
	v33 =	vld [tilespmem:s18+$0xC0];
	_ =	sdelay $0x4  }
0x4c0: {  	[tilespmem:v34+s10+$0x0] =	vst.idx.msk $0xffff, v33  }
0x4c1: {  	v34 =	vadd.s32 v30, v35;
	v33 =	vld [tilespmem:s18+$0xD0];
	_ =	sdelay $0x4  }
0x4c2: {  	[tilespmem:v34+s10+$0x0] =	vst.idx.msk $0xffff, v33  }
0x4c3: {  	v34 =	vadd.s32 v31, v35;
	v33 =	vld [tilespmem:s18+$0xE0];
	_ =	sdelay $0x1  }
.Ltmp7:
0x4c4: {  	(pc) =	sbr.rel @p1 .LBB2_11-.Ltmp7, $3  }
0x4c5: {  	_ =	sdelay $0x1  }
0x4c6: {  	[tilespmem:v34+s10+$0x0] =	vst.idx.msk $0xffff, v33  }
0x4c7: {  	s23 =	sadd.s32 $0x8, s23;
	s24 =	sadd.s32 $0xFFFFFFF9, s19;
	v34 =	vadd.s32 v32, v35;
	v33 =	vld [tilespmem:s18+$0xF0]  }
0x4c8: {  	v35 =	vmov s24  }
0x4c9: {  	v35 =	vshrl.u32 v35, $0x3  }
0x4ca: {  	v35 =	vshll.u32 v35, v1  }
0x4cb: {  	v35 =	vbroadcast v35, $0x0  }
0x4cc: {  	s18 =	sadd.s32 $0x200, s18;
	[tilespmem:v34+s10+$0x0] =	vst.idx.msk $0xffff, v33  }
0x4cd: {  	v33 =	vld [tilespmem:s18+$0xFFFFFF00];
	v42 =	vadd.s32 v0, v35;
	_ =	sdelay $0x4  }
0x4ce: {  	[tilespmem:v42+s10+$0x0] =	vst.idx.msk $0xffff, v33  }
0x4cf: {  	v43 =	vadd.s32 v2, v35;
	v33 =	vld [tilespmem:s18+$0xFFFFFF10];
	_ =	sdelay $0x4  }
0x4d0: {  	[tilespmem:v43+s10+$0x0] =	vst.idx.msk $0xffff, v33  }
0x4d1: {  	v44 =	vadd.s32 v3, v35;
	v33 =	vld [tilespmem:s18+$0xFFFFFF20];
	_ =	sdelay $0x4  }
0x4d2: {  	[tilespmem:v44+s10+$0x0] =	vst.idx.msk $0xffff, v33  }
0x4d3: {  	s23 =	sadd.s32 $0xFFFFFFFA, s19;
	v45 =	vadd.s32 v4, v35;
	v33 =	vld [tilespmem:s18+$0xFFFFFF30]  }
0x4d4: {  	v46 =	vmov s23  }
0x4d5: {  	v35 =	vshrl.u32 v46, $0x3  }
0x4d6: {  	v35 =	vshll.u32 v35, v1  }
0x4d7: {  	v35 =	vbroadcast v35, $0x0  }
0x4d8: {  	[tilespmem:v45+s10+$0x0] =	vst.idx.msk $0xffff, v33  }
0x4d9: {  	v47 =	vadd.s32 v5, v35;
	v33 =	vld [tilespmem:s18+$0xFFFFFF40];
	_ =	sdelay $0x4  }
0x4da: {  	[tilespmem:v47+s10+$0x0] =	vst.idx.msk $0xffff, v33  }
0x4db: {  	v48 =	vadd.s32 v6, v35;
	v33 =	vld [tilespmem:s18+$0xFFFFFF50];
	_ =	sdelay $0x4  }
0x4dc: {  	[tilespmem:v48+s10+$0x0] =	vst.idx.msk $0xffff, v33  }
0x4dd: {  	v49 =	vadd.s32 v7, v35;
	v33 =	vld [tilespmem:s18+$0xFFFFFF60];
	_ =	sdelay $0x4  }
0x4de: {  	[tilespmem:v49+s10+$0x0] =	vst.idx.msk $0xffff, v33  }
0x4df: {  	s24 =	sadd.s32 $0xFFFFFFFB, s19;
	v50 =	vadd.s32 v8, v35;
	v33 =	vld [tilespmem:s18+$0xFFFFFF70]  }
0x4e0: {  	v51 =	vmov s24  }
0x4e1: {  	v35 =	vshrl.u32 v51, $0x3  }
0x4e2: {  	v35 =	vshll.u32 v35, v1  }
0x4e3: {  	v35 =	vbroadcast v35, $0x0  }
0x4e4: {  	[tilespmem:v50+s10+$0x0] =	vst.idx.msk $0xffff, v33  }
0x4e5: {  	v52 =	vadd.s32 v9, v35;
	v33 =	vld [tilespmem:s18+$0xFFFFFF80];
	_ =	sdelay $0x4  }
0x4e6: {  	[tilespmem:v52+s10+$0x0] =	vst.idx.msk $0xffff, v33  }
0x4e7: {  	v53 =	vadd.s32 v10, v35;
	v33 =	vld [tilespmem:s18+$0xFFFFFF90];
	_ =	sdelay $0x4  }
0x4e8: {  	[tilespmem:v53+s10+$0x0] =	vst.idx.msk $0xffff, v33  }
0x4e9: {  	v54 =	vadd.s32 v11, v35;
	v33 =	vld [tilespmem:s18+$0xFFFFFFA0];
	_ =	sdelay $0x4  }
0x4ea: {  	[tilespmem:v54+s10+$0x0] =	vst.idx.msk $0xffff, v33  }
0x4eb: {  	s24 =	sadd.s32 $0xFFFFFFFC, s19;
	v55 =	vadd.s32 v12, v35;
	v33 =	vld [tilespmem:s18+$0xFFFFFFB0]  }
0x4ec: {  	v56 =	vmov s24  }
0x4ed: {  	v35 =	vshrl.u32 v56, $0x3  }
0x4ee: {  	v35 =	vshll.u32 v35, v1  }
0x4ef: {  	v35 =	vbroadcast v35, $0x0  }
0x4f0: {  	[tilespmem:v55+s10+$0x0] =	vst.idx.msk $0xffff, v33  }
0x4f1: {  	v57 =	vadd.s32 v13, v35;
	v33 =	vld [tilespmem:s18+$0xFFFFFFC0];
	_ =	sdelay $0x4  }
0x4f2: {  	[tilespmem:v57+s10+$0x0] =	vst.idx.msk $0xffff, v33  }
0x4f3: {  	v58 =	vadd.s32 v14, v35;
	v33 =	vld [tilespmem:s18+$0xFFFFFFD0];
	_ =	sdelay $0x4  }
0x4f4: {  	[tilespmem:v58+s10+$0x0] =	vst.idx.msk $0xffff, v33  }
0x4f5: {  	v59 =	vadd.s32 v15, v35;
	v33 =	vld [tilespmem:s18+$0xFFFFFFE0];
	_ =	sdelay $0x4  }
0x4f6: {  	[tilespmem:v59+s10+$0x0] =	vst.idx.msk $0xffff, v33  }
0x4f7: {  	s24 =	sadd.s32 $0xFFFFFFFD, s19;
	v60 =	vadd.s32 v16, v35;
	v33 =	vld [tilespmem:s18+$0xFFFFFFF0]  }
0x4f8: {  	v61 =	vmov s24  }
0x4f9: {  	v35 =	vshrl.u32 v61, $0x3  }
0x4fa: {  	v35 =	vshll.u32 v35, v1  }
0x4fb: {  	v35 =	vbroadcast v35, $0x0  }
0x4fc: {  	[tilespmem:v60+s10+$0x0] =	vst.idx.msk $0xffff, v33  }
0x4fd: {  	v62 =	vadd.s32 v17, v35;
	v33 =	vld [tilespmem:s18+$0x0];
	_ =	sdelay $0x4  }
0x4fe: {  	[tilespmem:v62+s10+$0x0] =	vst.idx.msk $0xffff, v33  }
0x4ff: {  	v63 =	vadd.s32 v18, v35;
	v33 =	vld [tilespmem:s18+$0x10];
	_ =	sdelay $0x4  }
0x500: {  	[tilespmem:v63+s10+$0x0] =	vst.idx.msk $0xffff, v33  }
0x501: {  	v36 =	vadd.s32 v19, v35;
	v33 =	vld [tilespmem:s18+$0x20];
	_ =	sdelay $0x4  }
0x502: {  	[tilespmem:v36+s10+$0x0] =	vst.idx.msk $0xffff, v33  }
0x503: {  	s24 =	sadd.s32 $0xFFFFFFFE, s19;
	v37 =	vadd.s32 v20, v35;
	v33 =	vld [tilespmem:s18+$0x30]  }
0x504: {  	v38 =	vmov s24  }
0x505: {  	v35 =	vshrl.u32 v38, $0x3  }
0x506: {  	v35 =	vshll.u32 v35, v1  }
0x507: {  	v35 =	vbroadcast v35, $0x0  }
0x508: {  	[tilespmem:v37+s10+$0x0] =	vst.idx.msk $0xffff, v33  }
0x509: {  	v39 =	vadd.s32 v21, v35;
	v33 =	vld [tilespmem:s18+$0x40];
	_ =	sdelay $0x4  }
0x50a: {  	[tilespmem:v39+s10+$0x0] =	vst.idx.msk $0xffff, v33  }
0x50b: {  	v40 =	vadd.s32 v22, v35;
	v33 =	vld [tilespmem:s18+$0x50];
	_ =	sdelay $0x4  }
0x50c: {  	[tilespmem:v40+s10+$0x0] =	vst.idx.msk $0xffff, v33  }
0x50d: {  	v41 =	vadd.s32 v23, v35;
	v33 =	vld [tilespmem:s18+$0x60];
	_ =	sdelay $0x4  }
0x50e: {  	[tilespmem:v41+s10+$0x0] =	vst.idx.msk $0xffff, v33  }
0x50f: {  	s24 =	sadd.s32 $0xFFFFFFFF, s19;
	v42 =	vadd.s32 v24, v35;
	v33 =	vld [tilespmem:s18+$0x70]  }
0x510: {  	v43 =	vmov s24  }
0x511: {  	v35 =	vshrl.u32 v43, $0x3  }
0x512: {  	v35 =	vshll.u32 v35, v1  }
0x513: {  	v35 =	vbroadcast v35, $0x0  }
0x514: {  	[tilespmem:v42+s10+$0x0] =	vst.idx.msk $0xffff, v33  }
0x515: {  	v44 =	vadd.s32 v25, v35;
	v33 =	vld [tilespmem:s18+$0x80];
	_ =	sdelay $0x4  }
0x516: {  	[tilespmem:v44+s10+$0x0] =	vst.idx.msk $0xffff, v33  }
0x517: {  	v45 =	vadd.s32 v26, v35;
	v33 =	vld [tilespmem:s18+$0x90];
	_ =	sdelay $0x4  }
0x518: {  	[tilespmem:v45+s10+$0x0] =	vst.idx.msk $0xffff, v33  }
0x519: {  	v46 =	vadd.s32 v27, v35;
	v33 =	vld [tilespmem:s18+$0xA0];
	_ =	sdelay $0x4  }
0x51a: {  	[tilespmem:v46+s10+$0x0] =	vst.idx.msk $0xffff, v33  }
0x51b: {  	v47 =	vadd.s32 v28, v35;
	v33 =	vld [tilespmem:s18+$0xB0]  }
0x51c: {  	v48 =	vmov s19  }
0x51d: {  	v35 =	vshrl.u32 v48, $0x3  }
0x51e: {  	v35 =	vshll.u32 v35, v1  }
0x51f: {  	v35 =	vbroadcast v35, $0x0  }
0x520: {  	[tilespmem:v47+s10+$0x0] =	vst.idx.msk $0xffff, v33  }
0x521: {  	v49 =	vadd.s32 v29, v35;
	v33 =	vld [tilespmem:s18+$0xC0];
	_ =	sdelay $0x4  }
0x522: {  	[tilespmem:v49+s10+$0x0] =	vst.idx.msk $0xffff, v33  }
0x523: {  	v50 =	vadd.s32 v30, v35;
	v33 =	vld [tilespmem:s18+$0xD0];
	_ =	sdelay $0x4  }
0x524: {  	[tilespmem:v50+s10+$0x0] =	vst.idx.msk $0xffff, v33  }
0x525: {  	v51 =	vadd.s32 v31, v35;
	v33 =	vld [tilespmem:s18+$0xE0];
	_ =	sdelay $0x4  }
0x526: {  	[tilespmem:v51+s10+$0x0] =	vst.idx.msk $0xffff, v33  }
0x527: {  	v52 =	vadd.s32 v32, v35;
	v33 =	vld [tilespmem:s18+$0xF0];
	_ =	sdelay $0x3  }
0x528: {  	s19 =	rddreg [dreg:$0x14]  }
0x529: {  	s18 =	sadd.s32 s16, s19;
	[tilespmem:v52+s10+$0x0] =	vst.idx.msk $0xffff, v33  }
0x52a: {  	[hbm4b:s18+s3] =	stream.linear.scatter [tilespmem:s10], [sflag:$0x5], $0x80, $0x38;
	[tilespmem:$0x12800] =	vst v63  }
0x52b: {  	s24 =	simm.s32 $0xE488;
	s23 =	sadd.s32 $0x10, s18  }
0x52c: {  	[hbm4b:s23+s3] =	stream.linear.scatter [tilespmem:s24], [sflag:$0x5], $0x80, $0x38;
	[tilespmem:$0x12800] =	vst v63  }
0x52d: {  	s19 =	sadd.s32 $0x20, s18;
	s23 =	simm.s32 $0xE510  }
0x52e: {  	[hbm4b:s19+s3] =	stream.linear.scatter [tilespmem:s23], [sflag:$0x5], $0x80, $0x38;
	[tilespmem:$0x12800] =	vst v63  }
0x52f: {  	s19 =	sadd.s32 $0x30, s18;
	s23 =	simm.s32 $0xE598  }
0x530: {  	[hbm4b:s19+s3] =	stream.linear.scatter [tilespmem:s23], [sflag:$0x5], $0x80, $0x38;
	[tilespmem:$0x12800] =	vst v63  }
0x531: {  	s19 =	sadd.s32 $0x40, s18;
	s23 =	simm.s32 $0xE620  }
0x532: {  	[hbm4b:s19+s3] =	stream.linear.scatter [tilespmem:s23], [sflag:$0x5], $0x80, $0x38;
	[tilespmem:$0x12800] =	vst v63  }
0x533: {  	s19 =	sadd.s32 $0x50, s18;
	s23 =	simm.s32 $0xE6A8  }
0x534: {  	[hbm4b:s19+s3] =	stream.linear.scatter [tilespmem:s23], [sflag:$0x5], $0x80, $0x38;
	[tilespmem:$0x12800] =	vst v63  }
0x535: {  	s19 =	sadd.s32 $0x60, s18;
	s23 =	simm.s32 $0xE730  }
0x536: {  	[hbm4b:s19+s3] =	stream.linear.scatter [tilespmem:s23], [sflag:$0x5], $0x80, $0x38;
	[tilespmem:$0x12800] =	vst v63  }
0x537: {  	s18 =	sadd.s32 $0x70, s18;
	s23 =	simm.s32 $0xE7B8;
	s19 =	rddreg [dreg:$0x15]  }
0x538: {  	[hbm4b:s18+s3] =	stream.linear.scatter [tilespmem:s23], [sflag:$0x5], $0x80, $0x38;
	[tilespmem:$0x12800] =	vst v63  }
0x539: {  	s18 =	sadd.s32 s16, s19;
	s23 =	simm.s32 $0xE840  }
0x53a: {  	[hbm4b:s18+s3] =	stream.linear.scatter [tilespmem:s23], [sflag:$0x5], $0x80, $0x38;
	[tilespmem:$0x12800] =	vst v63  }
0x53b: {  	s19 =	sadd.s32 $0x10, s18;
	s23 =	simm.s32 $0xE8C8  }
0x53c: {  	[hbm4b:s19+s3] =	stream.linear.scatter [tilespmem:s23], [sflag:$0x5], $0x80, $0x38;
	[tilespmem:$0x12800] =	vst v63  }
0x53d: {  	s19 =	sadd.s32 $0x20, s18;
	s23 =	simm.s32 $0xE950  }
0x53e: {  	[hbm4b:s19+s3] =	stream.linear.scatter [tilespmem:s23], [sflag:$0x5], $0x80, $0x38;
	[tilespmem:$0x12800] =	vst v63  }
0x53f: {  	s19 =	sadd.s32 $0x30, s18;
	s23 =	simm.s32 $0xE9D8  }
0x540: {  	[hbm4b:s19+s3] =	stream.linear.scatter [tilespmem:s23], [sflag:$0x5], $0x80, $0x38;
	[tilespmem:$0x12800] =	vst v63  }
0x541: {  	s19 =	sadd.s32 $0x40, s18;
	s23 =	simm.s32 $0xEA60  }
0x542: {  	[hbm4b:s19+s3] =	stream.linear.scatter [tilespmem:s23], [sflag:$0x5], $0x80, $0x38;
	[tilespmem:$0x12800] =	vst v63  }
0x543: {  	s19 =	sadd.s32 $0x50, s18;
	s23 =	simm.s32 $0xEAE8  }
0x544: {  	[hbm4b:s19+s3] =	stream.linear.scatter [tilespmem:s23], [sflag:$0x5], $0x80, $0x38;
	[tilespmem:$0x12800] =	vst v63  }
0x545: {  	s19 =	sadd.s32 $0x60, s18;
	s23 =	simm.s32 $0xEB70  }
0x546: {  	[hbm4b:s19+s3] =	stream.linear.scatter [tilespmem:s23], [sflag:$0x5], $0x80, $0x38;
	[tilespmem:$0x12800] =	vst v63  }
0x547: {  	s18 =	sadd.s32 $0x70, s18;
	s23 =	simm.s32 $0xEBF8;
	s19 =	rddreg [dreg:$0x16]  }
0x548: {  	[hbm4b:s18+s3] =	stream.linear.scatter [tilespmem:s23], [sflag:$0x5], $0x80, $0x38;
	[tilespmem:$0x12800] =	vst v63  }
0x549: {  	s18 =	sadd.s32 s16, s19;
	s23 =	simm.s32 $0xEC80  }
0x54a: {  	[hbm4b:s18+s3] =	stream.linear.scatter [tilespmem:s23], [sflag:$0x5], $0x80, $0x38;
	[tilespmem:$0x12800] =	vst v63  }
0x54b: {  	s19 =	sadd.s32 $0x10, s18;
	s23 =	simm.s32 $0xED08  }
0x54c: {  	[hbm4b:s19+s3] =	stream.linear.scatter [tilespmem:s23], [sflag:$0x5], $0x80, $0x38;
	[tilespmem:$0x12800] =	vst v63  }
0x54d: {  	s19 =	sadd.s32 $0x20, s18;
	s23 =	simm.s32 $0xED90  }
0x54e: {  	[hbm4b:s19+s3] =	stream.linear.scatter [tilespmem:s23], [sflag:$0x5], $0x80, $0x38;
	[tilespmem:$0x12800] =	vst v63  }
0x54f: {  	s19 =	sadd.s32 $0x30, s18;
	s23 =	simm.s32 $0xEE18  }
0x550: {  	[hbm4b:s19+s3] =	stream.linear.scatter [tilespmem:s23], [sflag:$0x5], $0x80, $0x38;
	[tilespmem:$0x12800] =	vst v63  }
0x551: {  	s19 =	sadd.s32 $0x40, s18;
	s23 =	simm.s32 $0xEEA0  }
0x552: {  	[hbm4b:s19+s3] =	stream.linear.scatter [tilespmem:s23], [sflag:$0x5], $0x80, $0x38;
	[tilespmem:$0x12800] =	vst v63  }
0x553: {  	s19 =	sadd.s32 $0x50, s18;
	s23 =	simm.s32 $0xEF28  }
0x554: {  	[hbm4b:s19+s3] =	stream.linear.scatter [tilespmem:s23], [sflag:$0x5], $0x80, $0x38;
	[tilespmem:$0x12800] =	vst v63  }
0x555: {  	s19 =	sadd.s32 $0x60, s18;
	s23 =	simm.s32 $0xEFB0  }
0x556: {  	[hbm4b:s19+s3] =	stream.linear.scatter [tilespmem:s23], [sflag:$0x5], $0x80, $0x38;
	[tilespmem:$0x12800] =	vst v63  }
0x557: {  	s18 =	sadd.s32 $0x70, s18;
	s23 =	simm.s32 $0xF038;
	s19 =	rddreg [dreg:$0x18]  }
0x558: {  	[hbm4b:s18+s3] =	stream.linear.scatter [tilespmem:s23], [sflag:$0x5], $0x80, $0x38;
	[tilespmem:$0x12800] =	vst v63  }
0x559: {  	s18 =	sadd.s32 s16, s19;
	s23 =	simm.s32 $0xF0C0  }
0x55a: {  	[hbm4b:s18+s3] =	stream.linear.scatter [tilespmem:s23], [sflag:$0x5], $0x80, $0x38;
	[tilespmem:$0x12800] =	vst v63  }
0x55b: {  	s19 =	sadd.s32 $0x10, s18;
	s23 =	simm.s32 $0xF148  }
0x55c: {  	[hbm4b:s19+s3] =	stream.linear.scatter [tilespmem:s23], [sflag:$0x5], $0x80, $0x38;
	[tilespmem:$0x12800] =	vst v63  }
0x55d: {  	s19 =	sadd.s32 $0x20, s18;
	s23 =	simm.s32 $0xF1D0  }
0x55e: {  	[hbm4b:s19+s3] =	stream.linear.scatter [tilespmem:s23], [sflag:$0x5], $0x80, $0x38;
	[tilespmem:$0x12800] =	vst v63  }
0x55f: {  	s19 =	sadd.s32 $0x30, s18;
	s23 =	simm.s32 $0xF258  }
0x560: {  	[hbm4b:s19+s3] =	stream.linear.scatter [tilespmem:s23], [sflag:$0x5], $0x80, $0x38;
	[tilespmem:$0x12800] =	vst v63  }
0x561: {  	s19 =	sadd.s32 $0x40, s18;
	s23 =	simm.s32 $0xF2E0  }
0x562: {  	[hbm4b:s19+s3] =	stream.linear.scatter [tilespmem:s23], [sflag:$0x5], $0x80, $0x38;
	[tilespmem:$0x12800] =	vst v63  }
0x563: {  	s19 =	sadd.s32 $0x50, s18;
	s23 =	simm.s32 $0xF368  }
0x564: {  	[hbm4b:s19+s3] =	stream.linear.scatter [tilespmem:s23], [sflag:$0x5], $0x80, $0x38;
	[tilespmem:$0x12800] =	vst v63  }
0x565: {  	s19 =	sadd.s32 $0x60, s18;
	s23 =	simm.s32 $0xF3F0  }
0x566: {  	[hbm4b:s19+s3] =	stream.linear.scatter [tilespmem:s23], [sflag:$0x5], $0x80, $0x38;
	[tilespmem:$0x12800] =	vst v63  }
0x567: {  	s18 =	sadd.s32 $0x70, s18;
	s23 =	simm.s32 $0xF478;
	s19 =	rddreg [dreg:$0x19]  }
0x568: {  	[hbm4b:s18+s3] =	stream.linear.scatter [tilespmem:s23], [sflag:$0x5], $0x80, $0x38;
	[tilespmem:$0x12800] =	vst v63  }
0x569: {  	s18 =	sadd.s32 s16, s19;
	s23 =	simm.s32 $0xF500  }
0x56a: {  	[hbm4b:s18+s3] =	stream.linear.scatter [tilespmem:s23], [sflag:$0x5], $0x80, $0x38;
	[tilespmem:$0x12800] =	vst v63  }
0x56b: {  	s19 =	sadd.s32 $0x10, s18;
	s23 =	simm.s32 $0xF588  }
0x56c: {  	[hbm4b:s19+s3] =	stream.linear.scatter [tilespmem:s23], [sflag:$0x5], $0x80, $0x38;
	[tilespmem:$0x12800] =	vst v63  }
0x56d: {  	s19 =	sadd.s32 $0x20, s18;
	s23 =	simm.s32 $0xF610  }
0x56e: {  	[hbm4b:s19+s3] =	stream.linear.scatter [tilespmem:s23], [sflag:$0x5], $0x80, $0x38;
	[tilespmem:$0x12800] =	vst v63  }
0x56f: {  	s19 =	sadd.s32 $0x30, s18;
	s23 =	simm.s32 $0xF698  }
0x570: {  	[hbm4b:s19+s3] =	stream.linear.scatter [tilespmem:s23], [sflag:$0x5], $0x80, $0x38;
	[tilespmem:$0x12800] =	vst v63  }
0x571: {  	s19 =	sadd.s32 $0x40, s18;
	s23 =	simm.s32 $0xF720  }
0x572: {  	[hbm4b:s19+s3] =	stream.linear.scatter [tilespmem:s23], [sflag:$0x5], $0x80, $0x38;
	[tilespmem:$0x12800] =	vst v63  }
0x573: {  	s19 =	sadd.s32 $0x50, s18;
	s23 =	simm.s32 $0xF7A8  }
0x574: {  	[hbm4b:s19+s3] =	stream.linear.scatter [tilespmem:s23], [sflag:$0x5], $0x80, $0x38;
	[tilespmem:$0x12800] =	vst v63  }
0x575: {  	s19 =	sadd.s32 $0x60, s18;
	s23 =	simm.s32 $0xF830  }
0x576: {  	[hbm4b:s19+s3] =	stream.linear.scatter [tilespmem:s23], [sflag:$0x5], $0x80, $0x38;
	[tilespmem:$0x12800] =	vst v63  }
0x577: {  	s18 =	sadd.s32 $0x70, s18;
	s23 =	simm.s32 $0xF8B8;
	s19 =	rddreg [dreg:$0x1a]  }
0x578: {  	[hbm4b:s18+s3] =	stream.linear.scatter [tilespmem:s23], [sflag:$0x5], $0x80, $0x38;
	[tilespmem:$0x12800] =	vst v63  }
0x579: {  	s18 =	sadd.s32 s16, s19;
	s23 =	simm.s32 $0xF940  }
0x57a: {  	[hbm4b:s18+s3] =	stream.linear.scatter [tilespmem:s23], [sflag:$0x5], $0x80, $0x38;
	[tilespmem:$0x12800] =	vst v63  }
0x57b: {  	s19 =	sadd.s32 $0x10, s18;
	s23 =	simm.s32 $0xF9C8  }
0x57c: {  	[hbm4b:s19+s3] =	stream.linear.scatter [tilespmem:s23], [sflag:$0x5], $0x80, $0x38;
	[tilespmem:$0x12800] =	vst v63  }
0x57d: {  	s19 =	sadd.s32 $0x20, s18;
	s23 =	simm.s32 $0xFA50  }
0x57e: {  	[hbm4b:s19+s3] =	stream.linear.scatter [tilespmem:s23], [sflag:$0x5], $0x80, $0x38;
	[tilespmem:$0x12800] =	vst v63  }
0x57f: {  	s19 =	sadd.s32 $0x30, s18;
	s23 =	simm.s32 $0xFAD8  }
0x580: {  	[hbm4b:s19+s3] =	stream.linear.scatter [tilespmem:s23], [sflag:$0x5], $0x80, $0x38;
	[tilespmem:$0x12800] =	vst v63  }
0x581: {  	s19 =	sadd.s32 $0x40, s18;
	s23 =	simm.s32 $0xFB60  }
0x582: {  	[hbm4b:s19+s3] =	stream.linear.scatter [tilespmem:s23], [sflag:$0x5], $0x80, $0x38;
	[tilespmem:$0x12800] =	vst v63  }
0x583: {  	s19 =	sadd.s32 $0x50, s18;
	s23 =	simm.s32 $0xFBE8  }
0x584: {  	[hbm4b:s19+s3] =	stream.linear.scatter [tilespmem:s23], [sflag:$0x5], $0x80, $0x38;
	[tilespmem:$0x12800] =	vst v63  }
0x585: {  	s19 =	sadd.s32 $0x60, s18;
	s23 =	simm.s32 $0xFC70  }
0x586: {  	[hbm4b:s19+s3] =	stream.linear.scatter [tilespmem:s23], [sflag:$0x5], $0x80, $0x38;
	[tilespmem:$0x12800] =	vst v63  }
0x587: {  	s18 =	sadd.s32 $0x70, s18;
	s23 =	simm.s32 $0xFCF8;
	s19 =	rddreg [dreg:$0x1b]  }
0x588: {  	[hbm4b:s18+s3] =	stream.linear.scatter [tilespmem:s23], [sflag:$0x5], $0x80, $0x38;
	[tilespmem:$0x12800] =	vst v63  }
0x589: {  	s18 =	sadd.s32 s16, s19;
	s23 =	simm.s32 $0xFD80  }
0x58a: {  	[hbm4b:s18+s3] =	stream.linear.scatter [tilespmem:s23], [sflag:$0x5], $0x80, $0x38;
	[tilespmem:$0x12800] =	vst v63  }
0x58b: {  	s19 =	sadd.s32 $0x10, s18;
	s23 =	simm.s32 $0xFE08  }
0x58c: {  	[hbm4b:s19+s3] =	stream.linear.scatter [tilespmem:s23], [sflag:$0x5], $0x80, $0x38;
	[tilespmem:$0x12800] =	vst v63  }
0x58d: {  	s19 =	sadd.s32 $0x20, s18;
	s23 =	simm.s32 $0xFE90  }
0x58e: {  	[hbm4b:s19+s3] =	stream.linear.scatter [tilespmem:s23], [sflag:$0x5], $0x80, $0x38;
	[tilespmem:$0x12800] =	vst v63  }
0x58f: {  	s19 =	sadd.s32 $0x30, s18;
	s23 =	simm.s32 $0xFF18  }
0x590: {  	[hbm4b:s19+s3] =	stream.linear.scatter [tilespmem:s23], [sflag:$0x5], $0x80, $0x38;
	[tilespmem:$0x12800] =	vst v63  }
0x591: {  	s19 =	sadd.s32 $0x40, s18;
	s23 =	simm.s32 $0xFFA0  }
0x592: {  	[hbm4b:s19+s3] =	stream.linear.scatter [tilespmem:s23], [sflag:$0x5], $0x80, $0x38;
	[tilespmem:$0x12800] =	vst v63  }
0x593: {  	s19 =	sadd.s32 $0x50, s18;
	s23 =	simm.s32 $0x10028  }
0x594: {  	[hbm4b:s19+s3] =	stream.linear.scatter [tilespmem:s23], [sflag:$0x5], $0x80, $0x38;
	[tilespmem:$0x12800] =	vst v63  }
0x595: {  	s19 =	sadd.s32 $0x60, s18;
	s23 =	simm.s32 $0x100B0  }
0x596: {  	[hbm4b:s19+s3] =	stream.linear.scatter [tilespmem:s23], [sflag:$0x5], $0x80, $0x38;
	[tilespmem:$0x12800] =	vst v63  }
0x597: {  	s18 =	sadd.s32 $0x70, s18;
	s23 =	simm.s32 $0x10138;
	s19 =	rddreg [dreg:$0x1c]  }
0x598: {  	[hbm4b:s18+s3] =	stream.linear.scatter [tilespmem:s23], [sflag:$0x5], $0x80, $0x38;
	[tilespmem:$0x12800] =	vst v63  }
0x599: {  	s18 =	sadd.s32 s16, s19;
	s23 =	simm.s32 $0x101C0  }
0x59a: {  	[hbm4b:s18+s3] =	stream.linear.scatter [tilespmem:s23], [sflag:$0x5], $0x80, $0x38;
	[tilespmem:$0x12800] =	vst v63  }
0x59b: {  	s19 =	sadd.s32 $0x10, s18;
	s23 =	simm.s32 $0x10248  }
0x59c: {  	[hbm4b:s19+s3] =	stream.linear.scatter [tilespmem:s23], [sflag:$0x5], $0x80, $0x38;
	[tilespmem:$0x12800] =	vst v63  }
0x59d: {  	s19 =	sadd.s32 $0x20, s18;
	s23 =	simm.s32 $0x102D0  }
0x59e: {  	[hbm4b:s19+s3] =	stream.linear.scatter [tilespmem:s23], [sflag:$0x5], $0x80, $0x38;
	[tilespmem:$0x12800] =	vst v63  }
0x59f: {  	s19 =	sadd.s32 $0x30, s18;
	s23 =	simm.s32 $0x10358  }
0x5a0: {  	[hbm4b:s19+s3] =	stream.linear.scatter [tilespmem:s23], [sflag:$0x5], $0x80, $0x38;
	[tilespmem:$0x12800] =	vst v63  }
0x5a1: {  	s19 =	sadd.s32 $0x40, s18;
	s23 =	simm.s32 $0x103E0  }
0x5a2: {  	[hbm4b:s19+s3] =	stream.linear.scatter [tilespmem:s23], [sflag:$0x5], $0x80, $0x38;
	[tilespmem:$0x12800] =	vst v63  }
0x5a3: {  	s19 =	sadd.s32 $0x50, s18;
	s23 =	simm.s32 $0x10468  }
0x5a4: {  	[hbm4b:s19+s3] =	stream.linear.scatter [tilespmem:s23], [sflag:$0x5], $0x80, $0x38;
	[tilespmem:$0x12800] =	vst v63  }
0x5a5: {  	s19 =	sadd.s32 $0x60, s18;
	s23 =	simm.s32 $0x104F0  }
0x5a6: {  	[hbm4b:s19+s3] =	stream.linear.scatter [tilespmem:s23], [sflag:$0x5], $0x80, $0x38;
	[tilespmem:$0x12800] =	vst v63  }
0x5a7: {  	s18 =	sadd.s32 $0x70, s18;
	s23 =	simm.s32 $0x10578  }
0x5a8: {  	[hbm4b:s18+s3] =	stream.linear.scatter [tilespmem:s23], [sflag:$0x5], $0x80, $0x38;
	[tilespmem:$0x12800] =	vst v63  }
0x5a9: {  	s17 =	sadd.s32 @!p0 $0x300, s17;
	s19 =	simm.s32 @!p0 $0xA400;
	s18 =	simm.s32 @!p0 $0x80  }
0x5aa: {  	[tilespmem:s19], [sflag:$0x3] =	stream.indirect.gather @!p0 [hbm4b:s4+s18], $0x40, s17, s18, $0xb8;
	[tilespmem:$0x12800] =	vst v63  }
0x5ab: {  	_ =	swait.ge [sflag:s13], $0x2000  }
0x5ac: {  	[sflag:s13] =	ssyncset.done $0x0  }
0x5ad: {  	[sflag:s13] =	ssyncadd.s32 $0xFFFFE000  }
0x5ae: {  	_ =	swait.ge [sflag:s21], $0x400  }
0x5af: {  	[sflag:s21] =	ssyncset.done $0x0  }
0x5b0: {  	[sflag:s21] =	ssyncadd.s32 $0xFFFFFC00  }
0x5b1: {  	_ =	swait.ge [sflag:s21], $0x400  }
0x5b2: {  	[sflag:s21] =	ssyncset.done $0x0  }
0x5b3: {  	[sflag:s21] =	ssyncadd.s32 $0xFFFFFC00  }
0x5b4: {  	_ =	swait.ge [sflag:s21], $0x400  }
0x5b5: {  	[sflag:s21] =	ssyncset.done $0x0  }
0x5b6: {  	[sflag:s21] =	ssyncadd.s32 $0xFFFFFC00  }
0x5b7: {  	_ =	swait.ge [sflag:s21], $0x400  }
0x5b8: {  	[sflag:s21] =	ssyncset.done $0x0  }
0x5b9: {  	[sflag:s21] =	ssyncadd.s32 $0xFFFFFC00  }
0x5ba: {  	_ =	swait.ge [sflag:s21], $0x400  }
0x5bb: {  	[sflag:s21] =	ssyncset.done $0x0  }
0x5bc: {  	[sflag:s21] =	ssyncadd.s32 $0xFFFFFC00  }
0x5bd: {  	_ =	swait.ge [sflag:s21], $0x400  }
0x5be: {  	[sflag:s21] =	ssyncset.done $0x0  }
0x5bf: {  	[sflag:s21] =	ssyncadd.s32 $0xFFFFFC00  }
0x5c0: {  	s19 =	simm.s32 $0x0;
	_ =	swait.ge [sflag:s21], $0x400  }
0x5c1: {  	v53 =	vmov s19;
	[sflag:s21] =	ssyncset.done $0x0  }
0x5c2: {  	v33 =	vshrl.u32 v53, $0x3;
	[sflag:s21] =	ssyncadd.s32 $0xFFFFFC00  }
0x5c3: {  	v33 =	vshll.u32 v33, v1;
	_ =	swait.ge [sflag:s21], $0x400  }
0x5c4: {  	v33 =	vbroadcast v33, $0x0;
	[sflag:s21] =	ssyncset.done $0x0  }
0x5c5: {  	s17 =	simm.s32 $0xC500;
	[sflag:s21] =	ssyncadd.s32 $0xFFFFFC00  }
0x5c6: {  	v55 =	vadd.s32 v0, v33;
	v54 =	vld [tilespmem:s17+$0xFFFFFF00];
	_ =	sdelay $0x4  }
0x5c7: {  	[tilespmem:v55+s22+$0x0] =	vst.idx.msk $0xffff, v54  }
0x5c8: {  	v56 =	vadd.s32 v2, v33;
	v34 =	vld [tilespmem:s17+$0xFFFFFF10];
	_ =	sdelay $0x4  }
0x5c9: {  	[tilespmem:v56+s22+$0x0] =	vst.idx.msk $0xffff, v34  }
0x5ca: {  	v57 =	vadd.s32 v3, v33;
	v34 =	vld [tilespmem:s17+$0xFFFFFF20];
	_ =	sdelay $0x4  }
0x5cb: {  	[tilespmem:v57+s22+$0x0] =	vst.idx.msk $0xffff, v34  }
0x5cc: {  	s23 =	simm.s32 $0x1;
	v33 =	vadd.s32 v4, v33;
	v34 =	vld [tilespmem:s17+$0xFFFFFF30]  }
0x5cd: {  	v58 =	vmov s23  }
0x5ce: {  	v35 =	vshrl.u32 v58, $0x3  }
0x5cf: {  	v35 =	vshll.u32 v35, v1  }
0x5d0: {  	v35 =	vbroadcast v35, $0x0  }
0x5d1: {  	[tilespmem:v33+s22+$0x0] =	vst.idx.msk $0xffff, v34  }
0x5d2: {  	v59 =	vadd.s32 v5, v35;
	v33 =	vld [tilespmem:s17+$0xFFFFFF40];
	_ =	sdelay $0x4  }
0x5d3: {  	[tilespmem:v59+s22+$0x0] =	vst.idx.msk $0xffff, v33  }
0x5d4: {  	v60 =	vadd.s32 v6, v35;
	v33 =	vld [tilespmem:s17+$0xFFFFFF50];
	_ =	sdelay $0x4  }
0x5d5: {  	[tilespmem:v60+s22+$0x0] =	vst.idx.msk $0xffff, v33  }
0x5d6: {  	v61 =	vadd.s32 v7, v35;
	v33 =	vld [tilespmem:s17+$0xFFFFFF60];
	_ =	sdelay $0x4  }
0x5d7: {  	[tilespmem:v61+s22+$0x0] =	vst.idx.msk $0xffff, v33  }
0x5d8: {  	s19 =	simm.s32 $0x2;
	v62 =	vadd.s32 v8, v35;
	v33 =	vld [tilespmem:s17+$0xFFFFFF70]  }
0x5d9: {  	v63 =	vmov s19  }
0x5da: {  	v35 =	vshrl.u32 v63, $0x3  }
0x5db: {  	v35 =	vshll.u32 v35, v1  }
0x5dc: {  	v35 =	vbroadcast v35, $0x0  }
0x5dd: {  	[tilespmem:v62+s22+$0x0] =	vst.idx.msk $0xffff, v33  }
0x5de: {  	v36 =	vadd.s32 v9, v35;
	v33 =	vld [tilespmem:s17+$0xFFFFFF80];
	_ =	sdelay $0x4  }
0x5df: {  	[tilespmem:v36+s22+$0x0] =	vst.idx.msk $0xffff, v33  }
0x5e0: {  	v37 =	vadd.s32 v10, v35;
	v33 =	vld [tilespmem:s17+$0xFFFFFF90];
	_ =	sdelay $0x4  }
0x5e1: {  	[tilespmem:v37+s22+$0x0] =	vst.idx.msk $0xffff, v33  }
0x5e2: {  	v38 =	vadd.s32 v11, v35;
	v33 =	vld [tilespmem:s17+$0xFFFFFFA0];
	_ =	sdelay $0x4  }
0x5e3: {  	[tilespmem:v38+s22+$0x0] =	vst.idx.msk $0xffff, v33  }
0x5e4: {  	s23 =	simm.s32 $0x3;
	v39 =	vadd.s32 v12, v35;
	v33 =	vld [tilespmem:s17+$0xFFFFFFB0]  }
0x5e5: {  	v40 =	vmov s23  }
0x5e6: {  	v35 =	vshrl.u32 v40, $0x3  }
0x5e7: {  	v35 =	vshll.u32 v35, v1  }
0x5e8: {  	v35 =	vbroadcast v35, $0x0  }
0x5e9: {  	[tilespmem:v39+s22+$0x0] =	vst.idx.msk $0xffff, v33  }
0x5ea: {  	v41 =	vadd.s32 v13, v35;
	v33 =	vld [tilespmem:s17+$0xFFFFFFC0];
	_ =	sdelay $0x4  }
0x5eb: {  	[tilespmem:v41+s22+$0x0] =	vst.idx.msk $0xffff, v33  }
0x5ec: {  	v42 =	vadd.s32 v14, v35;
	v33 =	vld [tilespmem:s17+$0xFFFFFFD0];
	_ =	sdelay $0x4  }
0x5ed: {  	[tilespmem:v42+s22+$0x0] =	vst.idx.msk $0xffff, v33  }
0x5ee: {  	v43 =	vadd.s32 v15, v35;
	v33 =	vld [tilespmem:s17+$0xFFFFFFE0];
	_ =	sdelay $0x4  }
0x5ef: {  	[tilespmem:v43+s22+$0x0] =	vst.idx.msk $0xffff, v33  }
0x5f0: {  	s19 =	simm.s32 $0x4;
	v44 =	vadd.s32 v16, v35;
	v33 =	vld [tilespmem:s17+$0xFFFFFFF0]  }
0x5f1: {  	v45 =	vmov s19  }
0x5f2: {  	v35 =	vshrl.u32 v45, $0x3  }
0x5f3: {  	v35 =	vshll.u32 v35, v1  }
0x5f4: {  	v35 =	vbroadcast v35, $0x0  }
0x5f5: {  	[tilespmem:v44+s22+$0x0] =	vst.idx.msk $0xffff, v33  }
0x5f6: {  	v46 =	vadd.s32 v17, v35;
	v33 =	vld [tilespmem:s17+$0x0];
	_ =	sdelay $0x4  }
0x5f7: {  	[tilespmem:v46+s22+$0x0] =	vst.idx.msk $0xffff, v33  }
0x5f8: {  	v47 =	vadd.s32 v18, v35;
	v33 =	vld [tilespmem:s17+$0x10];
	_ =	sdelay $0x4  }
0x5f9: {  	[tilespmem:v47+s22+$0x0] =	vst.idx.msk $0xffff, v33  }
0x5fa: {  	v48 =	vadd.s32 v19, v35;
	v33 =	vld [tilespmem:s17+$0x20];
	_ =	sdelay $0x4  }
0x5fb: {  	[tilespmem:v48+s22+$0x0] =	vst.idx.msk $0xffff, v33  }
0x5fc: {  	s23 =	simm.s32 $0x5;
	v49 =	vadd.s32 v20, v35;
	v33 =	vld [tilespmem:s17+$0x30]  }
0x5fd: {  	v50 =	vmov s23  }
0x5fe: {  	v35 =	vshrl.u32 v50, $0x3  }
0x5ff: {  	v35 =	vshll.u32 v35, v1  }
0x600: {  	v35 =	vbroadcast v35, $0x0  }
0x601: {  	[tilespmem:v49+s22+$0x0] =	vst.idx.msk $0xffff, v33  }
0x602: {  	v51 =	vadd.s32 v21, v35;
	v33 =	vld [tilespmem:s17+$0x40];
	_ =	sdelay $0x4  }
0x603: {  	[tilespmem:v51+s22+$0x0] =	vst.idx.msk $0xffff, v33  }
0x604: {  	v52 =	vadd.s32 v22, v35;
	v33 =	vld [tilespmem:s17+$0x50];
	_ =	sdelay $0x4  }
0x605: {  	[tilespmem:v52+s22+$0x0] =	vst.idx.msk $0xffff, v33  }
0x606: {  	v53 =	vadd.s32 v23, v35;
	v33 =	vld [tilespmem:s17+$0x60];
	_ =	sdelay $0x4  }
0x607: {  	[tilespmem:v53+s22+$0x0] =	vst.idx.msk $0xffff, v33  }
0x608: {  	s19 =	simm.s32 $0x6;
	v54 =	vadd.s32 v24, v35;
	v33 =	vld [tilespmem:s17+$0x70]  }
0x609: {  	v55 =	vmov s19  }
0x60a: {  	v35 =	vshrl.u32 v55, $0x3  }
0x60b: {  	v35 =	vshll.u32 v35, v1  }
0x60c: {  	v35 =	vbroadcast v35, $0x0  }
0x60d: {  	[tilespmem:v54+s22+$0x0] =	vst.idx.msk $0xffff, v33  }
0x60e: {  	v56 =	vadd.s32 v25, v35;
	v33 =	vld [tilespmem:s17+$0x80];
	_ =	sdelay $0x4  }
0x60f: {  	[tilespmem:v56+s22+$0x0] =	vst.idx.msk $0xffff, v33  }
0x610: {  	v57 =	vadd.s32 v26, v35;
	v33 =	vld [tilespmem:s17+$0x90];
	_ =	sdelay $0x4  }
0x611: {  	[tilespmem:v57+s22+$0x0] =	vst.idx.msk $0xffff, v33  }
0x612: {  	v58 =	vadd.s32 v27, v35;
	v33 =	vld [tilespmem:s17+$0xA0];
	_ =	sdelay $0x4  }
0x613: {  	[tilespmem:v58+s22+$0x0] =	vst.idx.msk $0xffff, v33  }
0x614: {  	s23 =	simm.s32 $0x7;
	v59 =	vadd.s32 v28, v35;
	v33 =	vld [tilespmem:s17+$0xB0]  }
0x615: {  	v60 =	vmov s23  }
0x616: {  	v35 =	vshrl.u32 v60, $0x3  }
0x617: {  	v35 =	vshll.u32 v35, v1  }
0x618: {  	v35 =	vbroadcast v35, $0x0  }
0x619: {  	[tilespmem:v59+s22+$0x0] =	vst.idx.msk $0xffff, v33  }
0x61a: {  	v61 =	vadd.s32 v29, v35;
	v33 =	vld [tilespmem:s17+$0xC0];
	_ =	sdelay $0x4  }
0x61b: {  	[tilespmem:v61+s22+$0x0] =	vst.idx.msk $0xffff, v33  }
0x61c: {  	v62 =	vadd.s32 v30, v35;
	v33 =	vld [tilespmem:s17+$0xD0];
	_ =	sdelay $0x4  }
0x61d: {  	[tilespmem:v62+s22+$0x0] =	vst.idx.msk $0xffff, v33  }
0x61e: {  	v63 =	vadd.s32 v31, v35;
	v33 =	vld [tilespmem:s17+$0xE0];
	_ =	sdelay $0x4  }
0x61f: {  	[tilespmem:v63+s22+$0x0] =	vst.idx.msk $0xffff, v33  }
0x620: {  	s18 =	simm.s32 $0xF;
	s19 =	simm.s32 $0x17;
	s23 =	simm.s32 $0x8;
	v34 =	vadd.s32 v32, v35;
	v33 =	vld [tilespmem:s17+$0xF0]  }
.LBB2_13:
0x621: {  	p1 =	sne.s32 s19, $0x7F;
	v35 =	vmov s23  }
0x622: {  	v35 =	vshrl.u32 v35, $0x3  }
0x623: {  	v35 =	vshll.u32 v35, v1  }
0x624: {  	v35 =	vbroadcast v35, $0x0  }
0x625: {  	s17 =	sadd.s32 $0x200, s17;
	[tilespmem:v34+s22+$0x0] =	vst.idx.msk $0xffff, v33  }
0x626: {  	v33 =	vld [tilespmem:s17+$0xFFFFFF00];
	v34 =	vadd.s32 v0, v35;
	_ =	sdelay $0x4  }
0x627: {  	[tilespmem:v34+s22+$0x0] =	vst.idx.msk $0xffff, v33  }
0x628: {  	v34 =	vadd.s32 v2, v35;
	v33 =	vld [tilespmem:s17+$0xFFFFFF10];
	_ =	sdelay $0x4  }
0x629: {  	[tilespmem:v34+s22+$0x0] =	vst.idx.msk $0xffff, v33  }
0x62a: {  	v34 =	vadd.s32 v3, v35;
	v33 =	vld [tilespmem:s17+$0xFFFFFF20];
	_ =	sdelay $0x4  }
0x62b: {  	[tilespmem:v34+s22+$0x0] =	vst.idx.msk $0xffff, v33  }
0x62c: {  	s23 =	sadd.s32 $0xFFFFFFFA, s18;
	v34 =	vadd.s32 v4, v35;
	v33 =	vld [tilespmem:s17+$0xFFFFFF30]  }
0x62d: {  	v35 =	vmov s23  }
0x62e: {  	v35 =	vshrl.u32 v35, $0x3  }
0x62f: {  	v35 =	vshll.u32 v35, v1  }
0x630: {  	v35 =	vbroadcast v35, $0x0  }
0x631: {  	[tilespmem:v34+s22+$0x0] =	vst.idx.msk $0xffff, v33  }
0x632: {  	v34 =	vadd.s32 v5, v35;
	v33 =	vld [tilespmem:s17+$0xFFFFFF40];
	_ =	sdelay $0x4  }
0x633: {  	[tilespmem:v34+s22+$0x0] =	vst.idx.msk $0xffff, v33  }
0x634: {  	v34 =	vadd.s32 v6, v35;
	v33 =	vld [tilespmem:s17+$0xFFFFFF50];
	_ =	sdelay $0x4  }
0x635: {  	[tilespmem:v34+s22+$0x0] =	vst.idx.msk $0xffff, v33  }
0x636: {  	v34 =	vadd.s32 v7, v35;
	v33 =	vld [tilespmem:s17+$0xFFFFFF60];
	_ =	sdelay $0x4  }
0x637: {  	[tilespmem:v34+s22+$0x0] =	vst.idx.msk $0xffff, v33  }
0x638: {  	s23 =	sadd.s32 $0xFFFFFFFB, s18;
	v34 =	vadd.s32 v8, v35;
	v33 =	vld [tilespmem:s17+$0xFFFFFF70]  }
0x639: {  	v35 =	vmov s23  }
0x63a: {  	v35 =	vshrl.u32 v35, $0x3  }
0x63b: {  	v35 =	vshll.u32 v35, v1  }
0x63c: {  	v35 =	vbroadcast v35, $0x0  }
0x63d: {  	[tilespmem:v34+s22+$0x0] =	vst.idx.msk $0xffff, v33  }
0x63e: {  	v34 =	vadd.s32 v9, v35;
	v33 =	vld [tilespmem:s17+$0xFFFFFF80];
	_ =	sdelay $0x4  }
0x63f: {  	[tilespmem:v34+s22+$0x0] =	vst.idx.msk $0xffff, v33  }
0x640: {  	v34 =	vadd.s32 v10, v35;
	v33 =	vld [tilespmem:s17+$0xFFFFFF90];
	_ =	sdelay $0x4  }
0x641: {  	[tilespmem:v34+s22+$0x0] =	vst.idx.msk $0xffff, v33  }
0x642: {  	v34 =	vadd.s32 v11, v35;
	v33 =	vld [tilespmem:s17+$0xFFFFFFA0];
	_ =	sdelay $0x4  }
0x643: {  	[tilespmem:v34+s22+$0x0] =	vst.idx.msk $0xffff, v33  }
0x644: {  	s23 =	sadd.s32 $0xFFFFFFFC, s18;
	v34 =	vadd.s32 v12, v35;
	v33 =	vld [tilespmem:s17+$0xFFFFFFB0]  }
0x645: {  	v35 =	vmov s23  }
0x646: {  	v35 =	vshrl.u32 v35, $0x3  }
0x647: {  	v35 =	vshll.u32 v35, v1  }
0x648: {  	v35 =	vbroadcast v35, $0x0  }
0x649: {  	[tilespmem:v34+s22+$0x0] =	vst.idx.msk $0xffff, v33  }
0x64a: {  	v34 =	vadd.s32 v13, v35;
	v33 =	vld [tilespmem:s17+$0xFFFFFFC0];
	_ =	sdelay $0x4  }
0x64b: {  	[tilespmem:v34+s22+$0x0] =	vst.idx.msk $0xffff, v33  }
0x64c: {  	v34 =	vadd.s32 v14, v35;
	v33 =	vld [tilespmem:s17+$0xFFFFFFD0];
	_ =	sdelay $0x4  }
0x64d: {  	[tilespmem:v34+s22+$0x0] =	vst.idx.msk $0xffff, v33  }
0x64e: {  	v34 =	vadd.s32 v15, v35;
	v33 =	vld [tilespmem:s17+$0xFFFFFFE0];
	_ =	sdelay $0x4  }
0x64f: {  	[tilespmem:v34+s22+$0x0] =	vst.idx.msk $0xffff, v33  }
0x650: {  	s23 =	sadd.s32 $0xFFFFFFFD, s18;
	v34 =	vadd.s32 v16, v35;
	v33 =	vld [tilespmem:s17+$0xFFFFFFF0]  }
0x651: {  	v35 =	vmov s23  }
0x652: {  	v35 =	vshrl.u32 v35, $0x3  }
0x653: {  	v35 =	vshll.u32 v35, v1  }
0x654: {  	v35 =	vbroadcast v35, $0x0  }
0x655: {  	[tilespmem:v34+s22+$0x0] =	vst.idx.msk $0xffff, v33  }
0x656: {  	v34 =	vadd.s32 v17, v35;
	v33 =	vld [tilespmem:s17+$0x0];
	_ =	sdelay $0x4  }
0x657: {  	[tilespmem:v34+s22+$0x0] =	vst.idx.msk $0xffff, v33  }
0x658: {  	v34 =	vadd.s32 v18, v35;
	v33 =	vld [tilespmem:s17+$0x10];
	_ =	sdelay $0x4  }
0x659: {  	[tilespmem:v34+s22+$0x0] =	vst.idx.msk $0xffff, v33  }
0x65a: {  	v34 =	vadd.s32 v19, v35;
	v33 =	vld [tilespmem:s17+$0x20];
	_ =	sdelay $0x4  }
0x65b: {  	[tilespmem:v34+s22+$0x0] =	vst.idx.msk $0xffff, v33  }
0x65c: {  	s23 =	sadd.s32 $0xFFFFFFFE, s18;
	v34 =	vadd.s32 v20, v35;
	v33 =	vld [tilespmem:s17+$0x30]  }
0x65d: {  	v35 =	vmov s23  }
0x65e: {  	v35 =	vshrl.u32 v35, $0x3  }
0x65f: {  	v35 =	vshll.u32 v35, v1  }
0x660: {  	v35 =	vbroadcast v35, $0x0  }
0x661: {  	[tilespmem:v34+s22+$0x0] =	vst.idx.msk $0xffff, v33  }
0x662: {  	v34 =	vadd.s32 v21, v35;
	v33 =	vld [tilespmem:s17+$0x40];
	_ =	sdelay $0x4  }
0x663: {  	[tilespmem:v34+s22+$0x0] =	vst.idx.msk $0xffff, v33  }
0x664: {  	v34 =	vadd.s32 v22, v35;
	v33 =	vld [tilespmem:s17+$0x50];
	_ =	sdelay $0x4  }
0x665: {  	[tilespmem:v34+s22+$0x0] =	vst.idx.msk $0xffff, v33  }
0x666: {  	v34 =	vadd.s32 v23, v35;
	v33 =	vld [tilespmem:s17+$0x60];
	_ =	sdelay $0x4  }
0x667: {  	[tilespmem:v34+s22+$0x0] =	vst.idx.msk $0xffff, v33  }
0x668: {  	s23 =	sadd.s32 $0xFFFFFFFF, s18;
	v34 =	vadd.s32 v24, v35;
	v33 =	vld [tilespmem:s17+$0x70]  }
0x669: {  	v35 =	vmov s23  }
0x66a: {  	v35 =	vshrl.u32 v35, $0x3  }
0x66b: {  	v35 =	vshll.u32 v35, v1  }
0x66c: {  	v35 =	vbroadcast v35, $0x0  }
0x66d: {  	[tilespmem:v34+s22+$0x0] =	vst.idx.msk $0xffff, v33  }
0x66e: {  	v34 =	vadd.s32 v25, v35;
	v33 =	vld [tilespmem:s17+$0x80];
	_ =	sdelay $0x4  }
0x66f: {  	[tilespmem:v34+s22+$0x0] =	vst.idx.msk $0xffff, v33  }
0x670: {  	v34 =	vadd.s32 v26, v35;
	v33 =	vld [tilespmem:s17+$0x90];
	_ =	sdelay $0x4  }
0x671: {  	[tilespmem:v34+s22+$0x0] =	vst.idx.msk $0xffff, v33  }
0x672: {  	v34 =	vadd.s32 v27, v35;
	v33 =	vld [tilespmem:s17+$0xA0];
	_ =	sdelay $0x4  }
0x673: {  	[tilespmem:v34+s22+$0x0] =	vst.idx.msk $0xffff, v33  }
0x674: {  	v34 =	vadd.s32 v28, v35;
	v33 =	vld [tilespmem:s17+$0xB0]  }
0x675: {  	v35 =	vmov s18;
	s18 =	smov.u32 s19  }
0x676: {  	v35 =	vshrl.u32 v35, $0x3  }
0x677: {  	v35 =	vshll.u32 v35, v1  }
0x678: {  	v35 =	vbroadcast v35, $0x0  }
0x679: {  	[tilespmem:v34+s22+$0x0] =	vst.idx.msk $0xffff, v33  }
0x67a: {  	v34 =	vadd.s32 v29, v35;
	v33 =	vld [tilespmem:s17+$0xC0];
	_ =	sdelay $0x4  }
0x67b: {  	[tilespmem:v34+s22+$0x0] =	vst.idx.msk $0xffff, v33  }
0x67c: {  	v34 =	vadd.s32 v30, v35;
	v33 =	vld [tilespmem:s17+$0xD0];
	_ =	sdelay $0x4  }
0x67d: {  	[tilespmem:v34+s22+$0x0] =	vst.idx.msk $0xffff, v33  }
0x67e: {  	v34 =	vadd.s32 v31, v35;
	v33 =	vld [tilespmem:s17+$0xE0];
	_ =	sdelay $0x1  }
.Ltmp8:
0x67f: {  	(pc) =	sbr.rel @p1 .LBB2_13-.Ltmp8, $3  }
0x680: {  	_ =	sdelay $0x1  }
0x681: {  	[tilespmem:v34+s22+$0x0] =	vst.idx.msk $0xffff, v33  }
0x682: {  	s19 =	sadd.s32 $0x8, s19;
	s23 =	sadd.s32 $0xFFFFFFF9, s18;
	v34 =	vadd.s32 v32, v35;
	v33 =	vld [tilespmem:s17+$0xF0]  }
0x683: {  	v35 =	vmov s23  }
0x684: {  	v35 =	vshrl.u32 v35, $0x3  }
0x685: {  	v35 =	vshll.u32 v35, v1  }
0x686: {  	v35 =	vbroadcast v35, $0x0  }
0x687: {  	s17 =	sadd.s32 $0x200, s17;
	[tilespmem:v34+s22+$0x0] =	vst.idx.msk $0xffff, v33  }
0x688: {  	v33 =	vld [tilespmem:s17+$0xFFFFFF00];
	v53 =	vadd.s32 v0, v35;
	_ =	sdelay $0x4  }
0x689: {  	[tilespmem:v53+s22+$0x0] =	vst.idx.msk $0xffff, v33  }
0x68a: {  	v54 =	vadd.s32 v2, v35;
	v33 =	vld [tilespmem:s17+$0xFFFFFF10];
	_ =	sdelay $0x4  }
0x68b: {  	[tilespmem:v54+s22+$0x0] =	vst.idx.msk $0xffff, v33  }
0x68c: {  	v55 =	vadd.s32 v3, v35;
	v33 =	vld [tilespmem:s17+$0xFFFFFF20];
	_ =	sdelay $0x4  }
0x68d: {  	[tilespmem:v55+s22+$0x0] =	vst.idx.msk $0xffff, v33  }
0x68e: {  	s19 =	sadd.s32 $0xFFFFFFFA, s18;
	v56 =	vadd.s32 v4, v35;
	v33 =	vld [tilespmem:s17+$0xFFFFFF30]  }
0x68f: {  	v57 =	vmov s19  }
0x690: {  	v35 =	vshrl.u32 v57, $0x3  }
0x691: {  	v35 =	vshll.u32 v35, v1  }
0x692: {  	v35 =	vbroadcast v35, $0x0  }
0x693: {  	[tilespmem:v56+s22+$0x0] =	vst.idx.msk $0xffff, v33  }
0x694: {  	v58 =	vadd.s32 v5, v35;
	v33 =	vld [tilespmem:s17+$0xFFFFFF40];
	_ =	sdelay $0x4  }
0x695: {  	[tilespmem:v58+s22+$0x0] =	vst.idx.msk $0xffff, v33  }
0x696: {  	v59 =	vadd.s32 v6, v35;
	v33 =	vld [tilespmem:s17+$0xFFFFFF50];
	_ =	sdelay $0x4  }
0x697: {  	[tilespmem:v59+s22+$0x0] =	vst.idx.msk $0xffff, v33  }
0x698: {  	v60 =	vadd.s32 v7, v35;
	v33 =	vld [tilespmem:s17+$0xFFFFFF60];
	_ =	sdelay $0x4  }
0x699: {  	[tilespmem:v60+s22+$0x0] =	vst.idx.msk $0xffff, v33  }
0x69a: {  	s23 =	sadd.s32 $0xFFFFFFFB, s18;
	v61 =	vadd.s32 v8, v35;
	v33 =	vld [tilespmem:s17+$0xFFFFFF70]  }
0x69b: {  	v62 =	vmov s23  }
0x69c: {  	v35 =	vshrl.u32 v62, $0x3  }
0x69d: {  	v35 =	vshll.u32 v35, v1  }
0x69e: {  	v35 =	vbroadcast v35, $0x0  }
0x69f: {  	[tilespmem:v61+s22+$0x0] =	vst.idx.msk $0xffff, v33  }
0x6a0: {  	v63 =	vadd.s32 v9, v35;
	v33 =	vld [tilespmem:s17+$0xFFFFFF80];
	_ =	sdelay $0x4  }
0x6a1: {  	[tilespmem:v63+s22+$0x0] =	vst.idx.msk $0xffff, v33  }
0x6a2: {  	v36 =	vadd.s32 v10, v35;
	v33 =	vld [tilespmem:s17+$0xFFFFFF90];
	_ =	sdelay $0x4  }
0x6a3: {  	[tilespmem:v36+s22+$0x0] =	vst.idx.msk $0xffff, v33  }
0x6a4: {  	v37 =	vadd.s32 v11, v35;
	v33 =	vld [tilespmem:s17+$0xFFFFFFA0];
	_ =	sdelay $0x4  }
0x6a5: {  	[tilespmem:v37+s22+$0x0] =	vst.idx.msk $0xffff, v33  }
0x6a6: {  	s23 =	sadd.s32 $0xFFFFFFFC, s18;
	v38 =	vadd.s32 v12, v35;
	v33 =	vld [tilespmem:s17+$0xFFFFFFB0]  }
0x6a7: {  	v39 =	vmov s23  }
0x6a8: {  	v35 =	vshrl.u32 v39, $0x3  }
0x6a9: {  	v35 =	vshll.u32 v35, v1  }
0x6aa: {  	v35 =	vbroadcast v35, $0x0  }
0x6ab: {  	[tilespmem:v38+s22+$0x0] =	vst.idx.msk $0xffff, v33  }
0x6ac: {  	v40 =	vadd.s32 v13, v35;
	v33 =	vld [tilespmem:s17+$0xFFFFFFC0];
	_ =	sdelay $0x4  }
0x6ad: {  	[tilespmem:v40+s22+$0x0] =	vst.idx.msk $0xffff, v33  }
0x6ae: {  	v41 =	vadd.s32 v14, v35;
	v33 =	vld [tilespmem:s17+$0xFFFFFFD0];
	_ =	sdelay $0x4  }
0x6af: {  	[tilespmem:v41+s22+$0x0] =	vst.idx.msk $0xffff, v33  }
0x6b0: {  	v42 =	vadd.s32 v15, v35;
	v33 =	vld [tilespmem:s17+$0xFFFFFFE0];
	_ =	sdelay $0x4  }
0x6b1: {  	[tilespmem:v42+s22+$0x0] =	vst.idx.msk $0xffff, v33  }
0x6b2: {  	s23 =	sadd.s32 $0xFFFFFFFD, s18;
	v43 =	vadd.s32 v16, v35;
	v33 =	vld [tilespmem:s17+$0xFFFFFFF0]  }
0x6b3: {  	v44 =	vmov s23  }
0x6b4: {  	v35 =	vshrl.u32 v44, $0x3  }
0x6b5: {  	v35 =	vshll.u32 v35, v1  }
0x6b6: {  	v35 =	vbroadcast v35, $0x0  }
0x6b7: {  	[tilespmem:v43+s22+$0x0] =	vst.idx.msk $0xffff, v33  }
0x6b8: {  	v45 =	vadd.s32 v17, v35;
	v33 =	vld [tilespmem:s17+$0x0];
	_ =	sdelay $0x4  }
0x6b9: {  	[tilespmem:v45+s22+$0x0] =	vst.idx.msk $0xffff, v33  }
0x6ba: {  	v46 =	vadd.s32 v18, v35;
	v33 =	vld [tilespmem:s17+$0x10];
	_ =	sdelay $0x4  }
0x6bb: {  	[tilespmem:v46+s22+$0x0] =	vst.idx.msk $0xffff, v33  }
0x6bc: {  	v47 =	vadd.s32 v19, v35;
	v33 =	vld [tilespmem:s17+$0x20];
	_ =	sdelay $0x4  }
0x6bd: {  	[tilespmem:v47+s22+$0x0] =	vst.idx.msk $0xffff, v33  }
0x6be: {  	s23 =	sadd.s32 $0xFFFFFFFE, s18;
	v48 =	vadd.s32 v20, v35;
	v33 =	vld [tilespmem:s17+$0x30]  }
0x6bf: {  	v49 =	vmov s23  }
0x6c0: {  	v35 =	vshrl.u32 v49, $0x3  }
0x6c1: {  	v35 =	vshll.u32 v35, v1  }
0x6c2: {  	v35 =	vbroadcast v35, $0x0  }
0x6c3: {  	[tilespmem:v48+s22+$0x0] =	vst.idx.msk $0xffff, v33  }
0x6c4: {  	v50 =	vadd.s32 v21, v35;
	v33 =	vld [tilespmem:s17+$0x40];
	_ =	sdelay $0x4  }
0x6c5: {  	[tilespmem:v50+s22+$0x0] =	vst.idx.msk $0xffff, v33  }
0x6c6: {  	v51 =	vadd.s32 v22, v35;
	v33 =	vld [tilespmem:s17+$0x50];
	_ =	sdelay $0x4  }
0x6c7: {  	[tilespmem:v51+s22+$0x0] =	vst.idx.msk $0xffff, v33  }
0x6c8: {  	v52 =	vadd.s32 v23, v35;
	v33 =	vld [tilespmem:s17+$0x60];
	_ =	sdelay $0x4  }
0x6c9: {  	[tilespmem:v52+s22+$0x0] =	vst.idx.msk $0xffff, v33  }
0x6ca: {  	s23 =	sadd.s32 $0xFFFFFFFF, s18;
	v53 =	vadd.s32 v24, v35;
	v33 =	vld [tilespmem:s17+$0x70]  }
0x6cb: {  	v54 =	vmov s23  }
0x6cc: {  	v35 =	vshrl.u32 v54, $0x3  }
0x6cd: {  	v35 =	vshll.u32 v35, v1  }
0x6ce: {  	v35 =	vbroadcast v35, $0x0  }
0x6cf: {  	[tilespmem:v53+s22+$0x0] =	vst.idx.msk $0xffff, v33  }
0x6d0: {  	v55 =	vadd.s32 v25, v35;
	v33 =	vld [tilespmem:s17+$0x80];
	_ =	sdelay $0x4  }
0x6d1: {  	[tilespmem:v55+s22+$0x0] =	vst.idx.msk $0xffff, v33  }
0x6d2: {  	v56 =	vadd.s32 v26, v35;
	v33 =	vld [tilespmem:s17+$0x90];
	_ =	sdelay $0x4  }
0x6d3: {  	[tilespmem:v56+s22+$0x0] =	vst.idx.msk $0xffff, v33  }
0x6d4: {  	v57 =	vadd.s32 v27, v35;
	v33 =	vld [tilespmem:s17+$0xA0];
	_ =	sdelay $0x4  }
0x6d5: {  	[tilespmem:v57+s22+$0x0] =	vst.idx.msk $0xffff, v33  }
0x6d6: {  	v58 =	vadd.s32 v28, v35;
	v33 =	vld [tilespmem:s17+$0xB0]  }
0x6d7: {  	v59 =	vmov s18  }
0x6d8: {  	v35 =	vshrl.u32 v59, $0x3  }
0x6d9: {  	v35 =	vshll.u32 v35, v1  }
0x6da: {  	v35 =	vbroadcast v35, $0x0  }
0x6db: {  	[tilespmem:v58+s22+$0x0] =	vst.idx.msk $0xffff, v33  }
0x6dc: {  	v60 =	vadd.s32 v29, v35;
	v33 =	vld [tilespmem:s17+$0xC0];
	_ =	sdelay $0x4  }
0x6dd: {  	[tilespmem:v60+s22+$0x0] =	vst.idx.msk $0xffff, v33  }
0x6de: {  	v61 =	vadd.s32 v30, v35;
	v33 =	vld [tilespmem:s17+$0xD0];
	_ =	sdelay $0x4  }
0x6df: {  	[tilespmem:v61+s22+$0x0] =	vst.idx.msk $0xffff, v33  }
0x6e0: {  	v62 =	vadd.s32 v31, v35;
	v33 =	vld [tilespmem:s17+$0xE0];
	_ =	sdelay $0x4  }
0x6e1: {  	[tilespmem:v62+s22+$0x0] =	vst.idx.msk $0xffff, v33  }
0x6e2: {  	v63 =	vadd.s32 v32, v35;
	v33 =	vld [tilespmem:s17+$0xF0];
	_ =	sdelay $0x3  }
0x6e3: {  	s18 =	rddreg [dreg:$0x1d]  }
0x6e4: {  	s17 =	sadd.s32 s16, s18;
	[tilespmem:v63+s22+$0x0] =	vst.idx.msk $0xffff, v33  }
0x6e5: {  	[hbm4b:s17+s3] =	stream.linear.scatter [tilespmem:s22], [sflag:$0x6], $0x80, $0x38;
	[tilespmem:$0x12800] =	vst v63  }
0x6e6: {  	s23 =	simm.s32 $0x10688;
	s19 =	sadd.s32 $0x10, s17  }
0x6e7: {  	[hbm4b:s19+s3] =	stream.linear.scatter [tilespmem:s23], [sflag:$0x6], $0x80, $0x38;
	[tilespmem:$0x12800] =	vst v63  }
0x6e8: {  	s19 =	sadd.s32 $0x20, s17;
	s23 =	simm.s32 $0x10710  }
0x6e9: {  	[hbm4b:s19+s3] =	stream.linear.scatter [tilespmem:s23], [sflag:$0x6], $0x80, $0x38;
	[tilespmem:$0x12800] =	vst v63  }
0x6ea: {  	s19 =	sadd.s32 $0x30, s17;
	s23 =	simm.s32 $0x10798  }
0x6eb: {  	[hbm4b:s19+s3] =	stream.linear.scatter [tilespmem:s23], [sflag:$0x6], $0x80, $0x38;
	[tilespmem:$0x12800] =	vst v63  }
0x6ec: {  	s19 =	sadd.s32 $0x40, s17;
	s23 =	simm.s32 $0x10820  }
0x6ed: {  	[hbm4b:s19+s3] =	stream.linear.scatter [tilespmem:s23], [sflag:$0x6], $0x80, $0x38;
	[tilespmem:$0x12800] =	vst v63  }
0x6ee: {  	s19 =	sadd.s32 $0x50, s17;
	s23 =	simm.s32 $0x108A8  }
0x6ef: {  	[hbm4b:s19+s3] =	stream.linear.scatter [tilespmem:s23], [sflag:$0x6], $0x80, $0x38;
	[tilespmem:$0x12800] =	vst v63  }
0x6f0: {  	s19 =	sadd.s32 $0x60, s17;
	s23 =	simm.s32 $0x10930  }
0x6f1: {  	[hbm4b:s19+s3] =	stream.linear.scatter [tilespmem:s23], [sflag:$0x6], $0x80, $0x38;
	[tilespmem:$0x12800] =	vst v63  }
0x6f2: {  	s17 =	sadd.s32 $0x70, s17;
	s23 =	simm.s32 $0x109B8;
	s19 =	rddreg [dreg:$0x1e]  }
0x6f3: {  	[hbm4b:s17+s3] =	stream.linear.scatter [tilespmem:s23], [sflag:$0x6], $0x80, $0x38;
	[tilespmem:$0x12800] =	vst v63  }
0x6f4: {  	s17 =	sadd.s32 s16, s19;
	s23 =	simm.s32 $0x10A40  }
0x6f5: {  	[hbm4b:s17+s3] =	stream.linear.scatter [tilespmem:s23], [sflag:$0x6], $0x80, $0x38;
	[tilespmem:$0x12800] =	vst v63  }
0x6f6: {  	s19 =	sadd.s32 $0x10, s17;
	s23 =	simm.s32 $0x10AC8  }
0x6f7: {  	[hbm4b:s19+s3] =	stream.linear.scatter [tilespmem:s23], [sflag:$0x6], $0x80, $0x38;
	[tilespmem:$0x12800] =	vst v63  }
0x6f8: {  	s19 =	sadd.s32 $0x20, s17;
	s23 =	simm.s32 $0x10B50  }
0x6f9: {  	[hbm4b:s19+s3] =	stream.linear.scatter [tilespmem:s23], [sflag:$0x6], $0x80, $0x38;
	[tilespmem:$0x12800] =	vst v63  }
0x6fa: {  	s19 =	sadd.s32 $0x30, s17;
	s23 =	simm.s32 $0x10BD8  }
0x6fb: {  	[hbm4b:s19+s3] =	stream.linear.scatter [tilespmem:s23], [sflag:$0x6], $0x80, $0x38;
	[tilespmem:$0x12800] =	vst v63  }
0x6fc: {  	s19 =	sadd.s32 $0x40, s17;
	s23 =	simm.s32 $0x10C60  }
0x6fd: {  	[hbm4b:s19+s3] =	stream.linear.scatter [tilespmem:s23], [sflag:$0x6], $0x80, $0x38;
	[tilespmem:$0x12800] =	vst v63  }
0x6fe: {  	s19 =	sadd.s32 $0x50, s17;
	s23 =	simm.s32 $0x10CE8  }
0x6ff: {  	[hbm4b:s19+s3] =	stream.linear.scatter [tilespmem:s23], [sflag:$0x6], $0x80, $0x38;
	[tilespmem:$0x12800] =	vst v63  }
0x700: {  	s19 =	sadd.s32 $0x60, s17;
	s23 =	simm.s32 $0x10D70  }
0x701: {  	[hbm4b:s19+s3] =	stream.linear.scatter [tilespmem:s23], [sflag:$0x6], $0x80, $0x38;
	[tilespmem:$0x12800] =	vst v63  }
0x702: {  	s17 =	sadd.s32 $0x70, s17;
	s23 =	simm.s32 $0x10DF8;
	s19 =	rddreg [dreg:$0x1f]  }
0x703: {  	[hbm4b:s17+s3] =	stream.linear.scatter [tilespmem:s23], [sflag:$0x6], $0x80, $0x38;
	[tilespmem:$0x12800] =	vst v63  }
0x704: {  	s17 =	sadd.s32 s16, s19;
	s23 =	simm.s32 $0x10E80  }
0x705: {  	[hbm4b:s17+s3] =	stream.linear.scatter [tilespmem:s23], [sflag:$0x6], $0x80, $0x38;
	[tilespmem:$0x12800] =	vst v63  }
0x706: {  	s19 =	sadd.s32 $0x10, s17;
	s23 =	simm.s32 $0x10F08  }
0x707: {  	[hbm4b:s19+s3] =	stream.linear.scatter [tilespmem:s23], [sflag:$0x6], $0x80, $0x38;
	[tilespmem:$0x12800] =	vst v63  }
0x708: {  	s19 =	sadd.s32 $0x20, s17;
	s23 =	simm.s32 $0x10F90  }
0x709: {  	[hbm4b:s19+s3] =	stream.linear.scatter [tilespmem:s23], [sflag:$0x6], $0x80, $0x38;
	[tilespmem:$0x12800] =	vst v63  }
0x70a: {  	s19 =	sadd.s32 $0x30, s17;
	s23 =	simm.s32 $0x11018  }
0x70b: {  	[hbm4b:s19+s3] =	stream.linear.scatter [tilespmem:s23], [sflag:$0x6], $0x80, $0x38;
	[tilespmem:$0x12800] =	vst v63  }
0x70c: {  	s19 =	sadd.s32 $0x40, s17;
	s23 =	simm.s32 $0x110A0  }
0x70d: {  	[hbm4b:s19+s3] =	stream.linear.scatter [tilespmem:s23], [sflag:$0x6], $0x80, $0x38;
	[tilespmem:$0x12800] =	vst v63  }
0x70e: {  	s19 =	sadd.s32 $0x50, s17;
	s23 =	simm.s32 $0x11128  }
0x70f: {  	[hbm4b:s19+s3] =	stream.linear.scatter [tilespmem:s23], [sflag:$0x6], $0x80, $0x38;
	[tilespmem:$0x12800] =	vst v63  }
0x710: {  	s19 =	sadd.s32 $0x60, s17;
	s23 =	simm.s32 $0x111B0  }
0x711: {  	[hbm4b:s19+s3] =	stream.linear.scatter [tilespmem:s23], [sflag:$0x6], $0x80, $0x38;
	[tilespmem:$0x12800] =	vst v63  }
0x712: {  	s19 =	sld [smem:$0x7F9]  }
0x713: {  	s17 =	sadd.s32 $0x70, s17;
	s23 =	simm.s32 $0x11238  }
0x714: {  	[hbm4b:s17+s3] =	stream.linear.scatter [tilespmem:s23], [sflag:$0x6], $0x80, $0x38;
	[tilespmem:$0x12800] =	vst v63  }
0x715: {  	s23 =	simm.s32 $0x112C0;
	s17 =	sadd.s32 s16, s19  }
0x716: {  	[hbm4b:s17+s3] =	stream.linear.scatter [tilespmem:s23], [sflag:$0x6], $0x80, $0x38;
	[tilespmem:$0x12800] =	vst v63  }
0x717: {  	s19 =	sadd.s32 $0x10, s17;
	s23 =	simm.s32 $0x11348  }
0x718: {  	[hbm4b:s19+s3] =	stream.linear.scatter [tilespmem:s23], [sflag:$0x6], $0x80, $0x38;
	[tilespmem:$0x12800] =	vst v63  }
0x719: {  	s19 =	sadd.s32 $0x20, s17;
	s23 =	simm.s32 $0x113D0  }
0x71a: {  	[hbm4b:s19+s3] =	stream.linear.scatter [tilespmem:s23], [sflag:$0x6], $0x80, $0x38;
	[tilespmem:$0x12800] =	vst v63  }
0x71b: {  	s19 =	sadd.s32 $0x30, s17;
	s23 =	simm.s32 $0x11458  }
0x71c: {  	[hbm4b:s19+s3] =	stream.linear.scatter [tilespmem:s23], [sflag:$0x6], $0x80, $0x38;
	[tilespmem:$0x12800] =	vst v63  }
0x71d: {  	s19 =	sadd.s32 $0x40, s17;
	s23 =	simm.s32 $0x114E0  }
0x71e: {  	[hbm4b:s19+s3] =	stream.linear.scatter [tilespmem:s23], [sflag:$0x6], $0x80, $0x38;
	[tilespmem:$0x12800] =	vst v63  }
0x71f: {  	s19 =	sadd.s32 $0x50, s17;
	s23 =	simm.s32 $0x11568  }
0x720: {  	[hbm4b:s19+s3] =	stream.linear.scatter [tilespmem:s23], [sflag:$0x6], $0x80, $0x38;
	[tilespmem:$0x12800] =	vst v63  }
0x721: {  	s19 =	sadd.s32 $0x60, s17;
	s23 =	simm.s32 $0x115F0  }
0x722: {  	[hbm4b:s19+s3] =	stream.linear.scatter [tilespmem:s23], [sflag:$0x6], $0x80, $0x38;
	[tilespmem:$0x12800] =	vst v63  }
0x723: {  	s19 =	sld [smem:$0x7FA]  }
0x724: {  	s17 =	sadd.s32 $0x70, s17;
	s23 =	simm.s32 $0x11678  }
0x725: {  	[hbm4b:s17+s3] =	stream.linear.scatter [tilespmem:s23], [sflag:$0x6], $0x80, $0x38;
	[tilespmem:$0x12800] =	vst v63  }
0x726: {  	s23 =	simm.s32 $0x11700;
	s17 =	sadd.s32 s16, s19  }
0x727: {  	[hbm4b:s17+s3] =	stream.linear.scatter [tilespmem:s23], [sflag:$0x6], $0x80, $0x38;
	[tilespmem:$0x12800] =	vst v63  }
0x728: {  	s19 =	sadd.s32 $0x10, s17;
	s23 =	simm.s32 $0x11788  }
0x729: {  	[hbm4b:s19+s3] =	stream.linear.scatter [tilespmem:s23], [sflag:$0x6], $0x80, $0x38;
	[tilespmem:$0x12800] =	vst v63  }
0x72a: {  	s19 =	sadd.s32 $0x20, s17;
	s23 =	simm.s32 $0x11810  }
0x72b: {  	[hbm4b:s19+s3] =	stream.linear.scatter [tilespmem:s23], [sflag:$0x6], $0x80, $0x38;
	[tilespmem:$0x12800] =	vst v63  }
0x72c: {  	s19 =	sadd.s32 $0x30, s17;
	s23 =	simm.s32 $0x11898  }
0x72d: {  	[hbm4b:s19+s3] =	stream.linear.scatter [tilespmem:s23], [sflag:$0x6], $0x80, $0x38;
	[tilespmem:$0x12800] =	vst v63  }
0x72e: {  	s19 =	sadd.s32 $0x40, s17;
	s23 =	simm.s32 $0x11920  }
0x72f: {  	[hbm4b:s19+s3] =	stream.linear.scatter [tilespmem:s23], [sflag:$0x6], $0x80, $0x38;
	[tilespmem:$0x12800] =	vst v63  }
0x730: {  	s19 =	sadd.s32 $0x50, s17;
	s23 =	simm.s32 $0x119A8  }
0x731: {  	[hbm4b:s19+s3] =	stream.linear.scatter [tilespmem:s23], [sflag:$0x6], $0x80, $0x38;
	[tilespmem:$0x12800] =	vst v63  }
0x732: {  	s19 =	sadd.s32 $0x60, s17;
	s23 =	simm.s32 $0x11A30  }
0x733: {  	[hbm4b:s19+s3] =	stream.linear.scatter [tilespmem:s23], [sflag:$0x6], $0x80, $0x38;
	[tilespmem:$0x12800] =	vst v63  }
0x734: {  	s19 =	sld [smem:$0x7FB]  }
0x735: {  	s17 =	sadd.s32 $0x70, s17;
	s23 =	simm.s32 $0x11AB8  }
0x736: {  	[hbm4b:s17+s3] =	stream.linear.scatter [tilespmem:s23], [sflag:$0x6], $0x80, $0x38;
	[tilespmem:$0x12800] =	vst v63  }
0x737: {  	s23 =	simm.s32 $0x11B40;
	s17 =	sadd.s32 s16, s19  }
0x738: {  	[hbm4b:s17+s3] =	stream.linear.scatter [tilespmem:s23], [sflag:$0x6], $0x80, $0x38;
	[tilespmem:$0x12800] =	vst v63  }
0x739: {  	s19 =	sadd.s32 $0x10, s17;
	s23 =	simm.s32 $0x11BC8  }
0x73a: {  	[hbm4b:s19+s3] =	stream.linear.scatter [tilespmem:s23], [sflag:$0x6], $0x80, $0x38;
	[tilespmem:$0x12800] =	vst v63  }
0x73b: {  	s19 =	sadd.s32 $0x20, s17;
	s23 =	simm.s32 $0x11C50  }
0x73c: {  	[hbm4b:s19+s3] =	stream.linear.scatter [tilespmem:s23], [sflag:$0x6], $0x80, $0x38;
	[tilespmem:$0x12800] =	vst v63  }
0x73d: {  	s19 =	sadd.s32 $0x30, s17;
	s23 =	simm.s32 $0x11CD8  }
0x73e: {  	[hbm4b:s19+s3] =	stream.linear.scatter [tilespmem:s23], [sflag:$0x6], $0x80, $0x38;
	[tilespmem:$0x12800] =	vst v63  }
0x73f: {  	s19 =	sadd.s32 $0x40, s17;
	s23 =	simm.s32 $0x11D60  }
0x740: {  	[hbm4b:s19+s3] =	stream.linear.scatter [tilespmem:s23], [sflag:$0x6], $0x80, $0x38;
	[tilespmem:$0x12800] =	vst v63  }
0x741: {  	s19 =	sadd.s32 $0x50, s17;
	s23 =	simm.s32 $0x11DE8  }
0x742: {  	[hbm4b:s19+s3] =	stream.linear.scatter [tilespmem:s23], [sflag:$0x6], $0x80, $0x38;
	[tilespmem:$0x12800] =	vst v63  }
0x743: {  	s19 =	sadd.s32 $0x60, s17;
	s23 =	simm.s32 $0x11E70  }
0x744: {  	[hbm4b:s19+s3] =	stream.linear.scatter [tilespmem:s23], [sflag:$0x6], $0x80, $0x38;
	[tilespmem:$0x12800] =	vst v63  }
0x745: {  	s19 =	sld [smem:$0x7FC]  }
0x746: {  	s17 =	sadd.s32 $0x70, s17;
	s23 =	simm.s32 $0x11EF8  }
0x747: {  	[hbm4b:s17+s3] =	stream.linear.scatter [tilespmem:s23], [sflag:$0x6], $0x80, $0x38;
	[tilespmem:$0x12800] =	vst v63  }
0x748: {  	s23 =	simm.s32 $0x11F80;
	s17 =	sadd.s32 s16, s19  }
0x749: {  	[hbm4b:s17+s3] =	stream.linear.scatter [tilespmem:s23], [sflag:$0x6], $0x80, $0x38;
	[tilespmem:$0x12800] =	vst v63  }
0x74a: {  	s19 =	sadd.s32 $0x10, s17;
	s23 =	simm.s32 $0x12008  }
0x74b: {  	[hbm4b:s19+s3] =	stream.linear.scatter [tilespmem:s23], [sflag:$0x6], $0x80, $0x38;
	[tilespmem:$0x12800] =	vst v63  }
0x74c: {  	s19 =	sadd.s32 $0x20, s17;
	s23 =	simm.s32 $0x12090  }
0x74d: {  	[hbm4b:s19+s3] =	stream.linear.scatter [tilespmem:s23], [sflag:$0x6], $0x80, $0x38;
	[tilespmem:$0x12800] =	vst v63  }
0x74e: {  	s19 =	sadd.s32 $0x30, s17  }
0x74f: {  	[hbm4b:s19+s3] =	stream.linear.scatter [tilespmem:s26], [sflag:$0x6], $0x80, $0x38;
	[tilespmem:$0x12800] =	vst v63  }
0x750: {  	s23 =	sadd.s32 $0x40, s17  }
0x751: {  	[hbm4b:s23+s3] =	stream.linear.scatter [tilespmem:s28], [sflag:$0x6], $0x80, $0x38;
	[tilespmem:$0x12800] =	vst v63  }
0x752: {  	s19 =	sadd.s32 $0x50, s17  }
0x753: {  	[hbm4b:s19+s3] =	stream.linear.scatter [tilespmem:s29], [sflag:$0x6], $0x80, $0x38;
	[tilespmem:$0x12800] =	vst v63  }
0x754: {  	s18 =	sld [smem:$0x7FD];
	s23 =	sadd.s32 $0x60, s17  }
0x755: {  	[hbm4b:s23+s3] =	stream.linear.scatter [tilespmem:s30], [sflag:$0x6], $0x80, $0x38;
	[tilespmem:$0x12800] =	vst v63  }
0x756: {  	s17 =	sadd.s32 $0x70, s17  }
0x757: {  	[hbm4b:s17+s3] =	stream.linear.scatter [tilespmem:s31], [sflag:$0x6], $0x80, $0x38;
	[tilespmem:$0x12800] =	vst v63  }
0x758: {  	s16 =	sadd.s32 s16, s18  }
0x759: {  	[hbm4b:s16+s3] =	stream.linear.scatter [tilespmem:s1], [sflag:$0x6], $0x80, $0x38;
	[tilespmem:$0x12800] =	vst v63  }
0x75a: {  	s17 =	sadd.s32 $0x10, s16  }
0x75b: {  	[hbm4b:s17+s3] =	stream.linear.scatter [tilespmem:s0], [sflag:$0x6], $0x80, $0x38;
	[tilespmem:$0x12800] =	vst v63  }
0x75c: {  	s19 =	sadd.s32 $0x20, s16  }
0x75d: {  	[hbm4b:s19+s3] =	stream.linear.scatter [tilespmem:s5], [sflag:$0x6], $0x80, $0x38;
	[tilespmem:$0x12800] =	vst v63  }
0x75e: {  	s23 =	sadd.s32 $0x30, s16  }
0x75f: {  	[hbm4b:s23+s3] =	stream.linear.scatter [tilespmem:s25], [sflag:$0x6], $0x80, $0x38;
	[tilespmem:$0x12800] =	vst v63  }
0x760: {  	s18 =	sadd.s32 $0x40, s16  }
0x761: {  	[hbm4b:s18+s3] =	stream.linear.scatter [tilespmem:s2], [sflag:$0x6], $0x80, $0x38;
	[tilespmem:$0x12800] =	vst v63  }
0x762: {  	s19 =	sadd.s32 $0x50, s16  }
0x763: {  	[hbm4b:s19+s3] =	stream.linear.scatter [tilespmem:s6], [sflag:$0x6], $0x80, $0x38;
	[tilespmem:$0x12800] =	vst v63  }
.Ltmp9:
0x764: {  	_ = 	snop;
	(pc) =	sbr.rel @p0 .LBB2_16-.Ltmp9, $4  }
0x765: {  	s23 =	sadd.s32 $0x60, s16  }
0x766: {  	[hbm4b:s23+s3] =	stream.linear.scatter [tilespmem:s7], [sflag:$0x6], $0x80, $0x38;
	[tilespmem:$0x12800] =	vst v63  }
0x767: {  	s16 =	sadd.s32 $0x70, s16  }
0x768: {  	[hbm4b:s16+s3] =	stream.linear.scatter [tilespmem:s8], [sflag:$0x6], $0x80, $0x38;
	[tilespmem:$0x12800] =	vst v63  }
.Ltmp10:
0x769: {  	(pc) =	sbr.rel .LBB2_2-.Ltmp10, $4  }
0x76a: {  	_ = 	snop  }
0x76b: {  	s15 =	sshrl.u32 s15, $0x2;
	s16 =	simm.s32 $0x80  }
0x76c: {  	s17 =	simm.s32 $0xC400;
	s14 =	sadd.s32 $0x1, s14;
	s15 =	sadd.s32 $0x380, s15  }
0x76d: {  	[tilespmem:s17], [sflag:$0x4] =	stream.indirect.gather [hbm4b:s4+s16], $0x40, s15, s16, $0xb8;
	[tilespmem:$0x12800] =	vst v63  }
.LBB2_17:
0x76e: {  	_ =	sfence.sel $0x180000  }
0x76f: {  	[bflag:$0x0] =	sbarrier.arrive $0xFFFF  }
0x770: {  	_ =	strace $0x90000047  }
0x771: {  	s0 =	stileid.u32;
	[bflag:$0x2] =	sbarrier.arrive $0xFFFF  }
0x772: {  	p0 =	sne.s32 s0, $0x0;
	s0 =	rddreg [dreg:$0x2]  }
0x773: {  	s0 =	sadd.s32 @!p0 $0x100000, s0  }
0x774: {  	[sflag:s0] =	ssyncadd.tile.s32 @!p0 $0x1;
	_ =	shalt  }
.Lfunc_end2:
_tile_overlayer_lowered:
.L_overlay_start_2:
0x775: {  	(tag) =	ssettag $0x2  }
0x776: {  	s0 =	rddreg [dreg:$0x0];
	s2 =	stileid.u32  }
0x777: {  	s1 =	rddreg [dreg:$0x1];
	p0 =	sne.s32 s2, $0x0  }
0x778: {  	s3 =	rddreg [dreg:$0x2];
	[bflag:$0x3] =	sbarrier.arrive $0xFFFF;
	s2 =	simm.s32 @!p0 $0x1C07  }
0x779: {  	[timem:s3], [sflag:s2] =	dma.local @!p0 [hbm:s0], s1  }
0x77a: {  	s0 =	simm.s32 @!p0 $0x7  }
0x77b: {  	_ =	swait.ge @!p0 [sflag:s0], s1  }
0x77c: {  	s1 =	ssub.s32 @!p0 $0x0, s1;
	[sflag:s0] =	ssyncset.done @!p0 $0x0  }
0x77d: {  	[sflag:s0] =	ssyncadd.s32 @!p0 s1  }
0x77e: {  	[bflag:$0x3] =	sbarrier.arrive $0xFFFF  }
0x77f: {  	_ =	shalt  }

</sc_bundles>
